<compile_context>
chip_gen: v7x
topology: tpu7x:2x2x1
jax: 0.10.2.dev20260603
libtpu: 0.0.44.dev20260713+nightly
codegen_flags: <defaults>
</compile_context>

<pallas_src>
import functools
import math

import jax
import jax.numpy as jnp
from jax import lax
from jax.experimental import pallas as pl
from jax.experimental.pallas import tpu as pltpu
from jax.experimental.pallas import tpu_sc as plsc

D_MODEL = 768
LANES = 16
NUM_CORES = 2
NUM_SUBCORES = 16
NUM_WORKERS = NUM_CORES * NUM_SUBCORES
SCALE = math.sqrt(D_MODEL)


def _make_sc_gather(batch: int, seq_len: int):
    n_rows = batch * seq_len
    rows_per_worker = n_rows // NUM_WORKERS
    workers_per_batch_row = seq_len // rows_per_worker
    chunk = 32
    nbuf = 4
    n_chunks = rows_per_worker // chunk
    n_groups = n_chunks // nbuf
    vecs_per_row = D_MODEL // LANES

    mesh = plsc.VectorSubcoreMesh(core_axis_name="c", subcore_axis_name="s")

    @functools.partial(
        pl.kernel,
        out_type=jax.ShapeDtypeStruct((n_rows, D_MODEL), jnp.float32),
        mesh=mesh,
        scratch_types=[
            pltpu.VMEM((rows_per_worker,), jnp.int32),
            pltpu.VMEM((nbuf, chunk, D_MODEL), jnp.float32),
            [pltpu.SemaphoreType.DMA] * nbuf,
            [pltpu.SemaphoreType.DMA] * nbuf,
        ],
    )
    def sc_gather(table_hbm, idx_hbm, out_hbm, idx_v, buf, sems_in, sems_out):
        wid = lax.axis_index("s") * NUM_CORES + lax.axis_index("c")
        base = wid * rows_per_worker
        brow = wid // workers_per_batch_row
        bcol = (wid % workers_per_batch_row) * rows_per_worker
        pltpu.sync_copy(idx_hbm.at[brow, pl.ds(bcol, rows_per_worker)], idx_v)

        def gather_desc(b, ch):
            return pltpu.make_async_copy(
                table_hbm.at[idx_v.at[pl.ds(ch * chunk, chunk)]],
                buf.at[b],
                sems_in[b],
            )

        def store_desc(b, ch):
            return pltpu.make_async_copy(
                buf.at[b],
                out_hbm.at[pl.ds(base + ch * chunk, chunk)],
                sems_out[b],
            )

        for ch in range(nbuf - 2):
            gather_desc(ch, ch).start()

        def group_body(g, _):
            for u in range(nbuf):
                b = u
                ch = g * nbuf + u

                gather_desc(b, ch).wait()

                pb = (u - 2) % nbuf
                if u >= 2:
                    store_desc(pb, ch - 2).wait()

                    @pl.when(g < n_groups - 1)
                    def _refill():
                        gather_desc(pb, ch + nbuf - 2).start()
                else:
                    @pl.when(g > 0)
                    def _drain():
                        store_desc(pb, ch - 2).wait()

                    gather_desc(pb, ch + nbuf - 2).start()

                def scale_row(r, b=b):
                    for k in range(vecs_per_row):
                        sl = pl.ds(k * LANES, LANES)
                        buf[b, r, sl] = buf[b, r, sl] * SCALE

                plsc.parallel_loop(0, chunk)(scale_row)

                store_desc(b, ch).start()
            return _

        lax.fori_loop(0, n_groups, group_body, None)
        store_desc((n_chunks - 2) % nbuf, n_chunks - 2).wait()
        store_desc((n_chunks - 1) % nbuf, n_chunks - 1).wait()

    return sc_gather


def kernel(inputs, table):
    batch, seq_len = inputs.shape
    gathered = _make_sc_gather(batch, seq_len)(table, inputs)
    return gathered.reshape(batch, seq_len, D_MODEL)

# --- scband reference (transcript-rebuilt; emitter-appended) ---
"""Pipeline reference for scband-transformer-embedding-21268678050254 (READ-ONLY COPY).

The authoritative reference and input builder live on the scoring server;
editing this copy changes nothing except your own understanding.
"""

import math
import jax, jax.numpy as jnp
import numpy as np

NUM_EMBEDDINGS = 100000
D_MODEL = 768
PAD_ID = 0
BATCH = 4
SEQ_LEN = 4096


def setup_inputs(seed: int = 0) -> dict:
    key = jax.random.key(seed)
    k_idx, k_tab = jax.random.split(key)
    inputs = jax.random.randint(k_idx, (BATCH, SEQ_LEN), 0, NUM_EMBEDDINGS, dtype=jnp.int32)
    table = jax.random.normal(k_tab, (NUM_EMBEDDINGS, D_MODEL), dtype=jnp.float32)
    # nn.Embedding with padding_idx initializes that row to zeros
    table = table.at[PAD_ID].set(0.0)
    return {"inputs": inputs, "table": table}


def reference(inputs, table):
    # embedding lookup followed by sqrt(d_model) scaling (Attention Is All You Need, sec 3.4)
    emb = jnp.take(table, inputs, axis=0)
    return emb * math.sqrt(D_MODEL)

if __name__ == "__main__":
    import jax
    _d = setup_inputs()
    print(jax.jit(kernel)(*tuple(_d.values())))

</pallas_src>

<mosaic_0001>
#map = affine_map<(d0, d1) -> (0, 0)>
module attributes {stable_mosaic.version = 14 : i64} {
  func.func @sc_gather(%arg0: i32, %arg1: i32, %arg2: memref<100000x768xf32, #tpu.memory_space<hbm>>, %arg3: memref<4x4096xi32, #tpu.memory_space<hbm>>, %arg4: memref<16384x768xf32, #tpu.memory_space<hbm>>, %arg5: memref<512xi32, #tpu.memory_space<vmem>>, %arg6: memref<4x32x768xf32, #tpu.memory_space<vmem>>, %arg7: memref<!tpu.dma_semaphore, #tpu.memory_space<semaphore_mem>>, %arg8: memref<!tpu.dma_semaphore, #tpu.memory_space<semaphore_mem>>, %arg9: memref<!tpu.dma_semaphore, #tpu.memory_space<semaphore_mem>>, %arg10: memref<!tpu.dma_semaphore, #tpu.memory_space<semaphore_mem>>, %arg11: memref<!tpu.dma_semaphore, #tpu.memory_space<semaphore_mem>>, %arg12: memref<!tpu.dma_semaphore, #tpu.memory_space<semaphore_mem>>, %arg13: memref<!tpu.dma_semaphore, #tpu.memory_space<semaphore_mem>>, %arg14: memref<!tpu.dma_semaphore, #tpu.memory_space<semaphore_mem>>) attributes {dimension_semantics = [#tpu.dimension_semantics<core_parallel>, #tpu.dimension_semantics<subcore_parallel>], iteration_bounds = array<i64: 2, 16>, scalar_prefetch = 0 : i64, scratch_operands = 10 : i64, tpu.core_type = #tpu.core_type<sc_vector_subcore>, window_params = [{transform_indices = #map}, {transform_indices = #map}, {transform_indices = #map}]} {
    %mul3A = arith.constant 2 : i32
    %mul3A_0 = arith.muli %arg1, %mul3A : i32
    %add3A = arith.addi %mul3A_0, %arg0 : i32
    %mul3A_1 = arith.constant 512 : i32
    %mul3A_2 = arith.muli %add3A, %mul3A_1 : i32
    %jit3A = arith.constant 8 : i32
    %div3A = arith.divsi %add3A, %jit3A : i32
    %sign3A = arith.constant 0 : i32
    %sign3A_3 = arith.cmpi sgt, %add3A, %sign3A : i32
    %sign3A_4 = arith.extui %sign3A_3 : i1 to i32
    %sign3A_5 = arith.constant 0 : i32
    %sign3A_6 = arith.cmpi slt, %add3A, %sign3A_5 : i32
    %sign3A_7 = arith.extui %sign3A_6 : i1 to i32
    %sign3A_8 = arith.subi %sign3A_4, %sign3A_7 : i32
    %sign3A_9 = arith.constant 0 : i32
    %sign3A_10 = arith.cmpi sgt, %jit3A, %sign3A_9 : i32
    %sign3A_11 = arith.extui %sign3A_10 : i1 to i32
    %sign3A_12 = arith.constant 0 : i32
    %sign3A_13 = arith.cmpi slt, %jit3A, %sign3A_12 : i32
    %sign3A_14 = arith.extui %sign3A_13 : i1 to i32
    %sign3A_15 = arith.subi %sign3A_11, %sign3A_14 : i32
    %ne3A = arith.cmpi ne, %sign3A_8, %sign3A_15 : i32
    %rem3A = arith.remsi %add3A, %jit3A : i32
    %ne3A_16 = arith.constant 0 : i32
    %ne3A_17 = arith.cmpi ne, %rem3A, %ne3A_16 : i32
    %and3A = arith.andi %ne3A, %ne3A_17 : i1
    %sub3A = arith.constant 1 : i32
    %sub3A_18 = arith.subi %div3A, %sub3A : i32
    %select_n3A = arith.select %and3A, %sub3A_18, %div3A : i32
    %jit3A_19 = arith.constant 8 : i32
    %eq3A = arith.constant 0 : i32
    %eq3A_20 = arith.cmpi eq, %jit3A_19, %eq3A : i32
    %jit3A_21 = arith.constant 1 : i32
    %select_n3A_22 = arith.select %eq3A_20, %jit3A_21, %jit3A_19 : i32
    %rem3A_23 = arith.remsi %add3A, %select_n3A_22 : i32
    %ne3A_24 = arith.constant 0 : i32
    %ne3A_25 = arith.cmpi ne, %rem3A_23, %ne3A_24 : i32
    %lt3A = arith.constant 0 : i32
    %lt3A_26 = arith.cmpi slt, %rem3A_23, %lt3A : i32
    %lt3A_27 = arith.constant 0 : i32
    %lt3A_28 = arith.cmpi slt, %select_n3A_22, %lt3A_27 : i32
    %ne3A_29 = arith.xori %lt3A_26, %lt3A_28 : i1
    %and3A_30 = arith.andi %ne3A_29, %ne3A_25 : i1
    %add3A_31 = arith.addi %rem3A_23, %select_n3A_22 : i32
    %select_n3A_32 = arith.select %and3A_30, %add3A_31, %rem3A_23 : i32
    %mul3A_33 = arith.constant 512 : i32
    %mul3A_34 = arith.muli %select_n3A_32, %mul3A_33 : i32
    "tpu.region"() ({
      %run_scoped3A = tpu.sem_alloc : memref<!tpu.dma_semaphore, #tpu.memory_space<semaphore_mem>>
      %dma_start3A_87 = tpu.memref_slice %arg3[%select_n3A, %mul3A_34] : memref<4x4096xi32, #tpu.memory_space<hbm>> -> memref<1x512xi32, #tpu.memory_space<hbm>>
      %dma_start3A_88 = tpu.memref_squeeze %dma_start3A_87 : memref<1x512xi32, #tpu.memory_space<hbm>> -> memref<512xi32, #tpu.memory_space<hbm>>
      %dma_start3A_89 = tpu.memref_slice %arg3[%select_n3A, %mul3A_34] : memref<4x4096xi32, #tpu.memory_space<hbm>> -> memref<1x512xi32, #tpu.memory_space<hbm>>
      %dma_start3A_90 = tpu.memref_squeeze %dma_start3A_89 : memref<1x512xi32, #tpu.memory_space<hbm>> -> memref<512xi32, #tpu.memory_space<hbm>>
      tpu.enqueue_dma source(%dma_start3A_90 : memref<512xi32, #tpu.memory_space<hbm>>) target(%arg5 : memref<512xi32, #tpu.memory_space<vmem>>) target_semaphore(%run_scoped3A : memref<!tpu.dma_semaphore, #tpu.memory_space<semaphore_mem>>)
      %dma_wait3A_91 = tpu.memref_slice %arg3[%select_n3A, %mul3A_34] : memref<4x4096xi32, #tpu.memory_space<hbm>> -> memref<1x512xi32, #tpu.memory_space<hbm>>
      %dma_wait3A_92 = tpu.memref_squeeze %dma_wait3A_91 : memref<1x512xi32, #tpu.memory_space<hbm>> -> memref<512xi32, #tpu.memory_space<hbm>>
      %dma_wait3A_93 = tpu.memref_slice %arg3[%select_n3A, %mul3A_34] : memref<4x4096xi32, #tpu.memory_space<hbm>> -> memref<1x512xi32, #tpu.memory_space<hbm>>
      %dma_wait3A_94 = tpu.memref_squeeze %dma_wait3A_93 : memref<1x512xi32, #tpu.memory_space<hbm>> -> memref<512xi32, #tpu.memory_space<hbm>>
      tpu.wait_dma2 semaphore(%run_scoped3A : memref<!tpu.dma_semaphore, #tpu.memory_space<semaphore_mem>>) src(%dma_wait3A_94 : memref<512xi32, #tpu.memory_space<hbm>>) dst(%arg5 : memref<512xi32, #tpu.memory_space<vmem>>)
      tpu.yield
    }) : () -> ()
    %dma_start3A = arith.constant 0 : i32
    %dma_start3A_35 = arith.constant 0 : i32
    %dma_start3A_36 = arith.constant 0 : i32
    %dma_start3A_37 = tpu.memref_slice %arg6[%dma_start3A, %dma_start3A_35, %dma_start3A_36] : memref<4x32x768xf32, #tpu.memory_space<vmem>> -> memref<1x32x768xf32, #tpu.memory_space<vmem>>
    %dma_start3A_38 = tpu.memref_squeeze %dma_start3A_37 : memref<1x32x768xf32, #tpu.memory_space<vmem>> -> memref<32x768xf32, #tpu.memory_space<vmem>>
    %dma_start3A_39 = arith.constant 0 : i32
    %dma_start3A_40 = tpu.memref_slice %arg5[%dma_start3A_39] : memref<512xi32, #tpu.memory_space<vmem>> -> memref<32xi32, #tpu.memory_space<vmem>>
    %dma_start3A_41 = arith.constant 0 : i32
    %dma_start3A_42 = arith.constant 0 : i32
    %dma_start3A_43 = tpu.memref_slice %arg2[%dma_start3A_41, %dma_start3A_42] : memref<100000x768xf32, #tpu.memory_space<hbm>> -> memref<100000x768xf32, #tpu.memory_space<hbm>>
    tpu.enqueue_indirect_dma source(%dma_start3A_43 : memref<100000x768xf32, #tpu.memory_space<hbm>>) target(%dma_start3A_38 : memref<32x768xf32, #tpu.memory_space<vmem>>) offsets(%dma_start3A_40 : memref<32xi32, #tpu.memory_space<vmem>>) semaphore(%arg7 : memref<!tpu.dma_semaphore, #tpu.memory_space<semaphore_mem>>)
    %dma_start3A_44 = arith.constant 1 : i32
    %dma_start3A_45 = arith.constant 0 : i32
    %dma_start3A_46 = arith.constant 0 : i32
    %dma_start3A_47 = tpu.memref_slice %arg6[%dma_start3A_44, %dma_start3A_45, %dma_start3A_46] : memref<4x32x768xf32, #tpu.memory_space<vmem>> -> memref<1x32x768xf32, #tpu.memory_space<vmem>>
    %dma_start3A_48 = tpu.memref_squeeze %dma_start3A_47 : memref<1x32x768xf32, #tpu.memory_space<vmem>> -> memref<32x768xf32, #tpu.memory_space<vmem>>
    %dma_start3A_49 = arith.constant 32 : i32
    %dma_start3A_50 = tpu.memref_slice %arg5[%dma_start3A_49] : memref<512xi32, #tpu.memory_space<vmem>> -> memref<32xi32, #tpu.memory_space<vmem>>
    %dma_start3A_51 = arith.constant 0 : i32
    %dma_start3A_52 = arith.constant 0 : i32
    %dma_start3A_53 = tpu.memref_slice %arg2[%dma_start3A_51, %dma_start3A_52] : memref<100000x768xf32, #tpu.memory_space<hbm>> -> memref<100000x768xf32, #tpu.memory_space<hbm>>
    tpu.enqueue_indirect_dma source(%dma_start3A_53 : memref<100000x768xf32, #tpu.memory_space<hbm>>) target(%dma_start3A_48 : memref<32x768xf32, #tpu.memory_space<vmem>>) offsets(%dma_start3A_50 : memref<32xi32, #tpu.memory_space<vmem>>) semaphore(%arg8 : memref<!tpu.dma_semaphore, #tpu.memory_space<semaphore_mem>>)
    %scan3A = arith.constant 0 : i32
    %scan3A_54 = arith.constant 4 : i32
    %scan3A_55 = arith.addi %scan3A, %scan3A_54 : i32
    %scan3A_56 = arith.constant 1 : i32
    scf.for %scan3A_87 = %scan3A to %scan3A_55 step %scan3A_56  : i32 {
      %mul3A_88 = arith.constant 4 : i32
      %mul3A_89 = arith.muli %scan3A_87, %mul3A_88 : i32
      %add3A_90 = arith.constant 0 : i32
      %add3A_91 = arith.addi %mul3A_89, %add3A_90 : i32
      %mul3A_92 = arith.constant 32 : i32
      %mul3A_93 = arith.muli %add3A_91, %mul3A_92 : i32
      %dma_wait3A_94 = arith.constant 0 : i32
      %dma_wait3A_95 = arith.constant 0 : i32
      %dma_wait3A_96 = arith.constant 0 : i32
      %dma_wait3A_97 = tpu.memref_slice %arg6[%dma_wait3A_94, %dma_wait3A_95, %dma_wait3A_96] : memref<4x32x768xf32, #tpu.memory_space<vmem>> -> memref<1x32x768xf32, #tpu.memory_space<vmem>>
      %dma_wait3A_98 = tpu.memref_squeeze %dma_wait3A_97 : memref<1x32x768xf32, #tpu.memory_space<vmem>> -> memref<32x768xf32, #tpu.memory_space<vmem>>
      %dma_wait3A_99 = tpu.memref_slice %arg5[%mul3A_93] : memref<512xi32, #tpu.memory_space<vmem>> -> memref<32xi32, #tpu.memory_space<vmem>>
      %dma_wait3A_100 = arith.constant 0 : i32
      %dma_wait3A_101 = arith.constant 0 : i32
      %dma_wait3A_102 = tpu.memref_slice %arg2[%dma_wait3A_100, %dma_wait3A_101] : memref<100000x768xf32, #tpu.memory_space<hbm>> -> memref<100000x768xf32, #tpu.memory_space<hbm>>
      tpu.wait_indirect_dma semaphore(%arg7 : memref<!tpu.dma_semaphore, #tpu.memory_space<semaphore_mem>>) src(%dma_wait3A_102 : memref<100000x768xf32, #tpu.memory_space<hbm>>) dst(%dma_wait3A_98 : memref<32x768xf32, #tpu.memory_space<vmem>>)
      %gt3A = arith.constant 0 : i32
      %gt3A_103 = arith.cmpi sgt, %scan3A_87, %gt3A : i32
      %convert_element_type3A = arith.extui %gt3A_103 : i1 to i32
      %cond3A = arith.constant 0 : i32
      %cond3A_104 = arith.cmpi ne, %convert_element_type3A, %cond3A : i32
      scf.if %cond3A_104 {
        %sub3A_306 = arith.constant 2 : i32
        %sub3A_307 = arith.subi %add3A_91, %sub3A_306 : i32
        %mul3A_308 = arith.constant 32 : i32
        %mul3A_309 = arith.muli %sub3A_307, %mul3A_308 : i32
        %add3A_310 = arith.addi %mul3A_2, %mul3A_309 : i32
        %dma_wait3A_311 = arith.constant 2 : i32
        %dma_wait3A_312 = arith.constant 0 : i32
        %dma_wait3A_313 = arith.constant 0 : i32
        %dma_wait3A_314 = tpu.memref_slice %arg6[%dma_wait3A_311, %dma_wait3A_312, %dma_wait3A_313] : memref<4x32x768xf32, #tpu.memory_space<vmem>> -> memref<1x32x768xf32, #tpu.memory_space<vmem>>
        %dma_wait3A_315 = tpu.memref_squeeze %dma_wait3A_314 : memref<1x32x768xf32, #tpu.memory_space<vmem>> -> memref<32x768xf32, #tpu.memory_space<vmem>>
        %dma_wait3A_316 = arith.constant 0 : i32
        %dma_wait3A_317 = tpu.memref_slice %arg4[%add3A_310, %dma_wait3A_316] : memref<16384x768xf32, #tpu.memory_space<hbm>> -> memref<32x768xf32, #tpu.memory_space<hbm>>
        %dma_wait3A_318 = arith.constant 0 : i32
        %dma_wait3A_319 = tpu.memref_slice %arg4[%add3A_310, %dma_wait3A_318] : memref<16384x768xf32, #tpu.memory_space<hbm>> -> memref<32x768xf32, #tpu.memory_space<hbm>>
        %dma_wait3A_320 = arith.constant 0 : i32
        %dma_wait3A_321 = arith.constant 0 : i32
        %dma_wait3A_322 = tpu.memref_slice %arg6[%dma_wait3A_311, %dma_wait3A_320, %dma_wait3A_321] : memref<4x32x768xf32, #tpu.memory_space<vmem>> -> memref<1x32x768xf32, #tpu.memory_space<vmem>>
        %dma_wait3A_323 = tpu.memref_squeeze %dma_wait3A_322 : memref<1x32x768xf32, #tpu.memory_space<vmem>> -> memref<32x768xf32, #tpu.memory_space<vmem>>
        tpu.wait_dma2 semaphore(%arg13 : memref<!tpu.dma_semaphore, #tpu.memory_space<semaphore_mem>>) src(%dma_wait3A_323 : memref<32x768xf32, #tpu.memory_space<vmem>>) dst(%dma_wait3A_319 : memref<32x768xf32, #tpu.memory_space<hbm>>)
      } else {
      }
      %add3A_105 = arith.constant 4 : i32
      %add3A_106 = arith.addi %add3A_91, %add3A_105 : i32
      %sub3A_107 = arith.constant 2 : i32
      %sub3A_108 = arith.subi %add3A_106, %sub3A_107 : i32
      %mul3A_109 = arith.constant 32 : i32
      %mul3A_110 = arith.muli %sub3A_108, %mul3A_109 : i32
      %dma_start3A_111 = arith.constant 2 : i32
      %dma_start3A_112 = arith.constant 0 : i32
      %dma_start3A_113 = arith.constant 0 : i32
      %dma_start3A_114 = tpu.memref_slice %arg6[%dma_start3A_111, %dma_start3A_112, %dma_start3A_113] : memref<4x32x768xf32, #tpu.memory_space<vmem>> -> memref<1x32x768xf32, #tpu.memory_space<vmem>>
      %dma_start3A_115 = tpu.memref_squeeze %dma_start3A_114 : memref<1x32x768xf32, #tpu.memory_space<vmem>> -> memref<32x768xf32, #tpu.memory_space<vmem>>
      %dma_start3A_116 = tpu.memref_slice %arg5[%mul3A_110] : memref<512xi32, #tpu.memory_space<vmem>> -> memref<32xi32, #tpu.memory_space<vmem>>
      %dma_start3A_117 = arith.constant 0 : i32
      %dma_start3A_118 = arith.constant 0 : i32
      %dma_start3A_119 = tpu.memref_slice %arg2[%dma_start3A_117, %dma_start3A_118] : memref<100000x768xf32, #tpu.memory_space<hbm>> -> memref<100000x768xf32, #tpu.memory_space<hbm>>
      tpu.enqueue_indirect_dma source(%dma_start3A_119 : memref<100000x768xf32, #tpu.memory_space<hbm>>) target(%dma_start3A_115 : memref<32x768xf32, #tpu.memory_space<vmem>>) offsets(%dma_start3A_116 : memref<32xi32, #tpu.memory_space<vmem>>) semaphore(%arg9 : memref<!tpu.dma_semaphore, #tpu.memory_space<semaphore_mem>>)
      %parallel_loop3A = arith.constant 0 : i32
      %parallel_loop3A_120 = arith.constant 32 : i32
      %parallel_loop3A_121 = arith.constant 1 : i32
      scf.for %parallel_loop3A_306 = %parallel_loop3A to %parallel_loop3A_120 step %parallel_loop3A_121  : i32 {
        %parallel_loop3A_307 = arith.constant 0 : i32
        %parallel_loop3A_308 = arith.index_cast %parallel_loop3A_307 : i32 to index
        %parallel_loop3A_309 = arith.index_cast %parallel_loop3A_306 : i32 to index
        %parallel_loop3A_310 = arith.constant 0 : index
        %parallel_loop3A_311 = tpu.vector_load %arg6[%parallel_loop3A_308, %parallel_loop3A_309, %parallel_loop3A_310] {strides = array<i32>} : memref<4x32x768xf32, #tpu.memory_space<vmem>>, vector<1x1x16xf32>,
        %parallel_loop3A_312 = vector.shape_cast %parallel_loop3A_311 : vector<1x1x16xf32> to vector<16xf32>
        %parallel_loop3A_313 = arith.constant 27.7128124 : f32
        %parallel_loop3A_314 = vector.broadcast %parallel_loop3A_313 : f32 to vector<16xf32>
        %parallel_loop3A_315 = arith.mulf %parallel_loop3A_312, %parallel_loop3A_314 : vector<16xf32>
        %parallel_loop3A_316 = arith.constant 0 : i32
        %parallel_loop3A_317 = arith.index_cast %parallel_loop3A_316 : i32 to index
        %parallel_loop3A_318 = arith.index_cast %parallel_loop3A_306 : i32 to index
        %parallel_loop3A_319 = arith.constant 0 : index
        %parallel_loop3A_320 = tpu.vector_load %arg6[%parallel_loop3A_317, %parallel_loop3A_318, %parallel_loop3A_319] {strides = array<i32>} : memref<4x32x768xf32, #tpu.memory_space<vmem>>, vector<1x1x16xf32>,
        %parallel_loop3A_321 = vector.shape_cast %parallel_loop3A_320 : vector<1x1x16xf32> to vector<16xf32>
        %parallel_loop3A_322 = vector.shape_cast %parallel_loop3A_315 : vector<16xf32> to vector<1x1x16xf32>
        tpu.vector_store %arg6[%parallel_loop3A_317, %parallel_loop3A_318, %parallel_loop3A_319], %parallel_loop3A_322 {strides = array<i32>} : memref<4x32x768xf32, #tpu.memory_space<vmem>>, vector<1x1x16xf32>,
        %parallel_loop3A_323 = arith.constant 0 : i32
        %parallel_loop3A_324 = arith.index_cast %parallel_loop3A_323 : i32 to index
        %parallel_loop3A_325 = arith.index_cast %parallel_loop3A_306 : i32 to index
        %parallel_loop3A_326 = arith.constant 16 : index
        %parallel_loop3A_327 = tpu.vector_load %arg6[%parallel_loop3A_324, %parallel_loop3A_325, %parallel_loop3A_326] {strides = array<i32>} : memref<4x32x768xf32, #tpu.memory_space<vmem>>, vector<1x1x16xf32>,
        %parallel_loop3A_328 = vector.shape_cast %parallel_loop3A_327 : vector<1x1x16xf32> to vector<16xf32>
        %parallel_loop3A_329 = arith.constant 27.7128124 : f32
        %parallel_loop3A_330 = vector.broadcast %parallel_loop3A_329 : f32 to vector<16xf32>
        %parallel_loop3A_331 = arith.mulf %parallel_loop3A_328, %parallel_loop3A_330 : vector<16xf32>
        %parallel_loop3A_332 = arith.constant 0 : i32
        %parallel_loop3A_333 = arith.index_cast %parallel_loop3A_332 : i32 to index
        %parallel_loop3A_334 = arith.index_cast %parallel_loop3A_306 : i32 to index
        %parallel_loop3A_335 = arith.constant 16 : index
        %parallel_loop3A_336 = tpu.vector_load %arg6[%parallel_loop3A_333, %parallel_loop3A_334, %parallel_loop3A_335] {strides = array<i32>} : memref<4x32x768xf32, #tpu.memory_space<vmem>>, vector<1x1x16xf32>,
        %parallel_loop3A_337 = vector.shape_cast %parallel_loop3A_336 : vector<1x1x16xf32> to vector<16xf32>
        %parallel_loop3A_338 = vector.shape_cast %parallel_loop3A_331 : vector<16xf32> to vector<1x1x16xf32>
        tpu.vector_store %arg6[%parallel_loop3A_333, %parallel_loop3A_334, %parallel_loop3A_335], %parallel_loop3A_338 {strides = array<i32>} : memref<4x32x768xf32, #tpu.memory_space<vmem>>, vector<1x1x16xf32>,
        %parallel_loop3A_339 = arith.constant 0 : i32
        %parallel_loop3A_340 = arith.index_cast %parallel_loop3A_339 : i32 to index
        %parallel_loop3A_341 = arith.index_cast %parallel_loop3A_306 : i32 to index
        %parallel_loop3A_342 = arith.constant 32 : index
        %parallel_loop3A_343 = tpu.vector_load %arg6[%parallel_loop3A_340, %parallel_loop3A_341, %parallel_loop3A_342] {strides = array<i32>} : memref<4x32x768xf32, #tpu.memory_space<vmem>>, vector<1x1x16xf32>,
        %parallel_loop3A_344 = vector.shape_cast %parallel_loop3A_343 : vector<1x1x16xf32> to vector<16xf32>
        %parallel_loop3A_345 = arith.constant 27.7128124 : f32
        %parallel_loop3A_346 = vector.broadcast %parallel_loop3A_345 : f32 to vector<16xf32>
        %parallel_loop3A_347 = arith.mulf %parallel_loop3A_344, %parallel_loop3A_346 : vector<16xf32>
        %parallel_loop3A_348 = arith.constant 0 : i32
        %parallel_loop3A_349 = arith.index_cast %parallel_loop3A_348 : i32 to index
        %parallel_loop3A_350 = arith.index_cast %parallel_loop3A_306 : i32 to index
        %parallel_loop3A_351 = arith.constant 32 : index
        %parallel_loop3A_352 = tpu.vector_load %arg6[%parallel_loop3A_349, %parallel_loop3A_350, %parallel_loop3A_351] {strides = array<i32>} : memref<4x32x768xf32, #tpu.memory_space<vmem>>, vector<1x1x16xf32>,
        %parallel_loop3A_353 = vector.shape_cast %parallel_loop3A_352 : vector<1x1x16xf32> to vector<16xf32>
        %parallel_loop3A_354 = vector.shape_cast %parallel_loop3A_347 : vector<16xf32> to vector<1x1x16xf32>
        tpu.vector_store %arg6[%parallel_loop3A_349, %parallel_loop3A_350, %parallel_loop3A_351], %parallel_loop3A_354 {strides = array<i32>} : memref<4x32x768xf32, #tpu.memory_space<vmem>>, vector<1x1x16xf32>,
        %parallel_loop3A_355 = arith.constant 0 : i32
        %parallel_loop3A_356 = arith.index_cast %parallel_loop3A_355 : i32 to index
        %parallel_loop3A_357 = arith.index_cast %parallel_loop3A_306 : i32 to index
        %parallel_loop3A_358 = arith.constant 48 : index
        %parallel_loop3A_359 = tpu.vector_load %arg6[%parallel_loop3A_356, %parallel_loop3A_357, %parallel_loop3A_358] {strides = array<i32>} : memref<4x32x768xf32, #tpu.memory_space<vmem>>, vector<1x1x16xf32>,
        %parallel_loop3A_360 = vector.shape_cast %parallel_loop3A_359 : vector<1x1x16xf32> to vector<16xf32>
        %parallel_loop3A_361 = arith.constant 27.7128124 : f32
        %parallel_loop3A_362 = vector.broadcast %parallel_loop3A_361 : f32 to vector<16xf32>
        %parallel_loop3A_363 = arith.mulf %parallel_loop3A_360, %parallel_loop3A_362 : vector<16xf32>
        %parallel_loop3A_364 = arith.constant 0 : i32
        %parallel_loop3A_365 = arith.index_cast %parallel_loop3A_364 : i32 to index
        %parallel_loop3A_366 = arith.index_cast %parallel_loop3A_306 : i32 to index
        %parallel_loop3A_367 = arith.constant 48 : index
        %parallel_loop3A_368 = tpu.vector_load %arg6[%parallel_loop3A_365, %parallel_loop3A_366, %parallel_loop3A_367] {strides = array<i32>} : memref<4x32x768xf32, #tpu.memory_space<vmem>>, vector<1x1x16xf32>,
        %parallel_loop3A_369 = vector.shape_cast %parallel_loop3A_368 : vector<1x1x16xf32> to vector<16xf32>
        %parallel_loop3A_370 = vector.shape_cast %parallel_loop3A_363 : vector<16xf32> to vector<1x1x16xf32>
        tpu.vector_store %arg6[%parallel_loop3A_365, %parallel_loop3A_366, %parallel_loop3A_367], %parallel_loop3A_370 {strides = array<i32>} : memref<4x32x768xf32, #tpu.memory_space<vmem>>, vector<1x1x16xf32>,
        %parallel_loop3A_371 = arith.constant 0 : i32
        %parallel_loop3A_372 = arith.index_cast %parallel_loop3A_371 : i32 to index
        %parallel_loop3A_373 = arith.index_cast %parallel_loop3A_306 : i32 to index
        %parallel_loop3A_374 = arith.constant 64 : index
        %parallel_loop3A_375 = tpu.vector_load %arg6[%parallel_loop3A_372, %parallel_loop3A_373, %parallel_loop3A_374] {strides = array<i32>} : memref<4x32x768xf32, #tpu.memory_space<vmem>>, vector<1x1x16xf32>,
        %parallel_loop3A_376 = vector.shape_cast %parallel_loop3A_375 : vector<1x1x16xf32> to vector<16xf32>
        %parallel_loop3A_377 = arith.constant 27.7128124 : f32
        %parallel_loop3A_378 = vector.broadcast %parallel_loop3A_377 : f32 to vector<16xf32>
        %parallel_loop3A_379 = arith.mulf %parallel_loop3A_376, %parallel_loop3A_378 : vector<16xf32>
        %parallel_loop3A_380 = arith.constant 0 : i32
        %parallel_loop3A_381 = arith.index_cast %parallel_loop3A_380 : i32 to index
        %parallel_loop3A_382 = arith.index_cast %parallel_loop3A_306 : i32 to index
        %parallel_loop3A_383 = arith.constant 64 : index
        %parallel_loop3A_384 = tpu.vector_load %arg6[%parallel_loop3A_381, %parallel_loop3A_382, %parallel_loop3A_383] {strides = array<i32>} : memref<4x32x768xf32, #tpu.memory_space<vmem>>, vector<1x1x16xf32>,
        %parallel_loop3A_385 = vector.shape_cast %parallel_loop3A_384 : vector<1x1x16xf32> to vector<16xf32>
        %parallel_loop3A_386 = vector.shape_cast %parallel_loop3A_379 : vector<16xf32> to vector<1x1x16xf32>
        tpu.vector_store %arg6[%parallel_loop3A_381, %parallel_loop3A_382, %parallel_loop3A_383], %parallel_loop3A_386 {strides = array<i32>} : memref<4x32x768xf32, #tpu.memory_space<vmem>>, vector<1x1x16xf32>,
        %parallel_loop3A_387 = arith.constant 0 : i32
        %parallel_loop3A_388 = arith.index_cast %parallel_loop3A_387 : i32 to index
        %parallel_loop3A_389 = arith.index_cast %parallel_loop3A_306 : i32 to index
        %parallel_loop3A_390 = arith.constant 80 : index
        %parallel_loop3A_391 = tpu.vector_load %arg6[%parallel_loop3A_388, %parallel_loop3A_389, %parallel_loop3A_390] {strides = array<i32>} : memref<4x32x768xf32, #tpu.memory_space<vmem>>, vector<1x1x16xf32>,
        %parallel_loop3A_392 = vector.shape_cast %parallel_loop3A_391 : vector<1x1x16xf32> to vector<16xf32>
        %parallel_loop3A_393 = arith.constant 27.7128124 : f32
        %parallel_loop3A_394 = vector.broadcast %parallel_loop3A_393 : f32 to vector<16xf32>
        %parallel_loop3A_395 = arith.mulf %parallel_loop3A_392, %parallel_loop3A_394 : vector<16xf32>
        %parallel_loop3A_396 = arith.constant 0 : i32
        %parallel_loop3A_397 = arith.index_cast %parallel_loop3A_396 : i32 to index
        %parallel_loop3A_398 = arith.index_cast %parallel_loop3A_306 : i32 to index
        %parallel_loop3A_399 = arith.constant 80 : index
        %parallel_loop3A_400 = tpu.vector_load %arg6[%parallel_loop3A_397, %parallel_loop3A_398, %parallel_loop3A_399] {strides = array<i32>} : memref<4x32x768xf32, #tpu.memory_space<vmem>>, vector<1x1x16xf32>,
        %parallel_loop3A_401 = vector.shape_cast %parallel_loop3A_400 : vector<1x1x16xf32> to vector<16xf32>
        %parallel_loop3A_402 = vector.shape_cast %parallel_loop3A_395 : vector<16xf32> to vector<1x1x16xf32>
        tpu.vector_store %arg6[%parallel_loop3A_397, %parallel_loop3A_398, %parallel_loop3A_399], %parallel_loop3A_402 {strides = array<i32>} : memref<4x32x768xf32, #tpu.memory_space<vmem>>, vector<1x1x16xf32>,
        %parallel_loop3A_403 = arith.constant 0 : i32
        %parallel_loop3A_404 = arith.index_cast %parallel_loop3A_403 : i32 to index
        %parallel_loop3A_405 = arith.index_cast %parallel_loop3A_306 : i32 to index
        %parallel_loop3A_406 = arith.constant 96 : index
        %parallel_loop3A_407 = tpu.vector_load %arg6[%parallel_loop3A_404, %parallel_loop3A_405, %parallel_loop3A_406] {strides = array<i32>} : memref<4x32x768xf32, #tpu.memory_space<vmem>>, vector<1x1x16xf32>,
        %parallel_loop3A_408 = vector.shape_cast %parallel_loop3A_407 : vector<1x1x16xf32> to vector<16xf32>
        %parallel_loop3A_409 = arith.constant 27.7128124 : f32
        %parallel_loop3A_410 = vector.broadcast %parallel_loop3A_409 : f32 to vector<16xf32>
        %parallel_loop3A_411 = arith.mulf %parallel_loop3A_408, %parallel_loop3A_410 : vector<16xf32>
        %parallel_loop3A_412 = arith.constant 0 : i32
        %parallel_loop3A_413 = arith.index_cast %parallel_loop3A_412 : i32 to index
        %parallel_loop3A_414 = arith.index_cast %parallel_loop3A_306 : i32 to index
        %parallel_loop3A_415 = arith.constant 96 : index
        %parallel_loop3A_416 = tpu.vector_load %arg6[%parallel_loop3A_413, %parallel_loop3A_414, %parallel_loop3A_415] {strides = array<i32>} : memref<4x32x768xf32, #tpu.memory_space<vmem>>, vector<1x1x16xf32>,
        %parallel_loop3A_417 = vector.shape_cast %parallel_loop3A_416 : vector<1x1x16xf32> to vector<16xf32>
        %parallel_loop3A_418 = vector.shape_cast %parallel_loop3A_411 : vector<16xf32> to vector<1x1x16xf32>
        tpu.vector_store %arg6[%parallel_loop3A_413, %parallel_loop3A_414, %parallel_loop3A_415], %parallel_loop3A_418 {strides = array<i32>} : memref<4x32x768xf32, #tpu.memory_space<vmem>>, vector<1x1x16xf32>,
        %parallel_loop3A_419 = arith.constant 0 : i32
        %parallel_loop3A_420 = arith.index_cast %parallel_loop3A_419 : i32 to index
        %parallel_loop3A_421 = arith.index_cast %parallel_loop3A_306 : i32 to index
        %parallel_loop3A_422 = arith.constant 112 : index
        %parallel_loop3A_423 = tpu.vector_load %arg6[%parallel_loop3A_420, %parallel_loop3A_421, %parallel_loop3A_422] {strides = array<i32>} : memref<4x32x768xf32, #tpu.memory_space<vmem>>, vector<1x1x16xf32>,
        %parallel_loop3A_424 = vector.shape_cast %parallel_loop3A_423 : vector<1x1x16xf32> to vector<16xf32>
        %parallel_loop3A_425 = arith.constant 27.7128124 : f32
        %parallel_loop3A_426 = vector.broadcast %parallel_loop3A_425 : f32 to vector<16xf32>
        %parallel_loop3A_427 = arith.mulf %parallel_loop3A_424, %parallel_loop3A_426 : vector<16xf32>
        %parallel_loop3A_428 = arith.constant 0 : i32
        %parallel_loop3A_429 = arith.index_cast %parallel_loop3A_428 : i32 to index
        %parallel_loop3A_430 = arith.index_cast %parallel_loop3A_306 : i32 to index
        %parallel_loop3A_431 = arith.constant 112 : index
        %parallel_loop3A_432 = tpu.vector_load %arg6[%parallel_loop3A_429, %parallel_loop3A_430, %parallel_loop3A_431] {strides = array<i32>} : memref<4x32x768xf32, #tpu.memory_space<vmem>>, vector<1x1x16xf32>,
        %parallel_loop3A_433 = vector.shape_cast %parallel_loop3A_432 : vector<1x1x16xf32> to vector<16xf32>
        %parallel_loop3A_434 = vector.shape_cast %parallel_loop3A_427 : vector<16xf32> to vector<1x1x16xf32>
        tpu.vector_store %arg6[%parallel_loop3A_429, %parallel_loop3A_430, %parallel_loop3A_431], %parallel_loop3A_434 {strides = array<i32>} : memref<4x32x768xf32, #tpu.memory_space<vmem>>, vector<1x1x16xf32>,
        %parallel_loop3A_435 = arith.constant 0 : i32
        %parallel_loop3A_436 = arith.index_cast %parallel_loop3A_435 : i32 to index
        %parallel_loop3A_437 = arith.index_cast %parallel_loop3A_306 : i32 to index
        %parallel_loop3A_438 = arith.constant 128 : index
        %parallel_loop3A_439 = tpu.vector_load %arg6[%parallel_loop3A_436, %parallel_loop3A_437, %parallel_loop3A_438] {strides = array<i32>} : memref<4x32x768xf32, #tpu.memory_space<vmem>>, vector<1x1x16xf32>,
        %parallel_loop3A_440 = vector.shape_cast %parallel_loop3A_439 : vector<1x1x16xf32> to vector<16xf32>
        %parallel_loop3A_441 = arith.constant 27.7128124 : f32
        %parallel_loop3A_442 = vector.broadcast %parallel_loop3A_441 : f32 to vector<16xf32>
        %parallel_loop3A_443 = arith.mulf %parallel_loop3A_440, %parallel_loop3A_442 : vector<16xf32>
        %parallel_loop3A_444 = arith.constant 0 : i32
        %parallel_loop3A_445 = arith.index_cast %parallel_loop3A_444 : i32 to index
        %parallel_loop3A_446 = arith.index_cast %parallel_loop3A_306 : i32 to index
        %parallel_loop3A_447 = arith.constant 128 : index
        %parallel_loop3A_448 = tpu.vector_load %arg6[%parallel_loop3A_445, %parallel_loop3A_446, %parallel_loop3A_447] {strides = array<i32>} : memref<4x32x768xf32, #tpu.memory_space<vmem>>, vector<1x1x16xf32>,
        %parallel_loop3A_449 = vector.shape_cast %parallel_loop3A_448 : vector<1x1x16xf32> to vector<16xf32>
        %parallel_loop3A_450 = vector.shape_cast %parallel_loop3A_443 : vector<16xf32> to vector<1x1x16xf32>
        tpu.vector_store %arg6[%parallel_loop3A_445, %parallel_loop3A_446, %parallel_loop3A_447], %parallel_loop3A_450 {strides = array<i32>} : memref<4x32x768xf32, #tpu.memory_space<vmem>>, vector<1x1x16xf32>,
        %parallel_loop3A_451 = arith.constant 0 : i32
        %parallel_loop3A_452 = arith.index_cast %parallel_loop3A_451 : i32 to index
        %parallel_loop3A_453 = arith.index_cast %parallel_loop3A_306 : i32 to index
        %parallel_loop3A_454 = arith.constant 144 : index
        %parallel_loop3A_455 = tpu.vector_load %arg6[%parallel_loop3A_452, %parallel_loop3A_453, %parallel_loop3A_454] {strides = array<i32>} : memref<4x32x768xf32, #tpu.memory_space<vmem>>, vector<1x1x16xf32>,
        %parallel_loop3A_456 = vector.shape_cast %parallel_loop3A_455 : vector<1x1x16xf32> to vector<16xf32>
        %parallel_loop3A_457 = arith.constant 27.7128124 : f32
        %parallel_loop3A_458 = vector.broadcast %parallel_loop3A_457 : f32 to vector<16xf32>
        %parallel_loop3A_459 = arith.mulf %parallel_loop3A_456, %parallel_loop3A_458 : vector<16xf32>
        %parallel_loop3A_460 = arith.constant 0 : i32
        %parallel_loop3A_461 = arith.index_cast %parallel_loop3A_460 : i32 to index
        %parallel_loop3A_462 = arith.index_cast %parallel_loop3A_306 : i32 to index
        %parallel_loop3A_463 = arith.constant 144 : index
        %parallel_loop3A_464 = tpu.vector_load %arg6[%parallel_loop3A_461, %parallel_loop3A_462, %parallel_loop3A_463] {strides = array<i32>} : memref<4x32x768xf32, #tpu.memory_space<vmem>>, vector<1x1x16xf32>,
        %parallel_loop3A_465 = vector.shape_cast %parallel_loop3A_464 : vector<1x1x16xf32> to vector<16xf32>
        %parallel_loop3A_466 = vector.shape_cast %parallel_loop3A_459 : vector<16xf32> to vector<1x1x16xf32>
        tpu.vector_store %arg6[%parallel_loop3A_461, %parallel_loop3A_462, %parallel_loop3A_463], %parallel_loop3A_466 {strides = array<i32>} : memref<4x32x768xf32, #tpu.memory_space<vmem>>, vector<1x1x16xf32>,
        %parallel_loop3A_467 = arith.constant 0 : i32
        %parallel_loop3A_468 = arith.index_cast %parallel_loop3A_467 : i32 to index
        %parallel_loop3A_469 = arith.index_cast %parallel_loop3A_306 : i32 to index
        %parallel_loop3A_470 = arith.constant 160 : index
        %parallel_loop3A_471 = tpu.vector_load %arg6[%parallel_loop3A_468, %parallel_loop3A_469, %parallel_loop3A_470] {strides = array<i32>} : memref<4x32x768xf32, #tpu.memory_space<vmem>>, vector<1x1x16xf32>,
        %parallel_loop3A_472 = vector.shape_cast %parallel_loop3A_471 : vector<1x1x16xf32> to vector<16xf32>
        %parallel_loop3A_473 = arith.constant 27.7128124 : f32
        %parallel_loop3A_474 = vector.broadcast %parallel_loop3A_473 : f32 to vector<16xf32>
        %parallel_loop3A_475 = arith.mulf %parallel_loop3A_472, %parallel_loop3A_474 : vector<16xf32>
        %parallel_loop3A_476 = arith.constant 0 : i32
        %parallel_loop3A_477 = arith.index_cast %parallel_loop3A_476 : i32 to index
        %parallel_loop3A_478 = arith.index_cast %parallel_loop3A_306 : i32 to index
        %parallel_loop3A_479 = arith.constant 160 : index
        %parallel_loop3A_480 = tpu.vector_load %arg6[%parallel_loop3A_477, %parallel_loop3A_478, %parallel_loop3A_479] {strides = array<i32>} : memref<4x32x768xf32, #tpu.memory_space<vmem>>, vector<1x1x16xf32>,
        %parallel_loop3A_481 = vector.shape_cast %parallel_loop3A_480 : vector<1x1x16xf32> to vector<16xf32>
        %parallel_loop3A_482 = vector.shape_cast %parallel_loop3A_475 : vector<16xf32> to vector<1x1x16xf32>
        tpu.vector_store %arg6[%parallel_loop3A_477, %parallel_loop3A_478, %parallel_loop3A_479], %parallel_loop3A_482 {strides = array<i32>} : memref<4x32x768xf32, #tpu.memory_space<vmem>>, vector<1x1x16xf32>,
        %parallel_loop3A_483 = arith.constant 0 : i32
        %parallel_loop3A_484 = arith.index_cast %parallel_loop3A_483 : i32 to index
        %parallel_loop3A_485 = arith.index_cast %parallel_loop3A_306 : i32 to index
        %parallel_loop3A_486 = arith.constant 176 : index
        %parallel_loop3A_487 = tpu.vector_load %arg6[%parallel_loop3A_484, %parallel_loop3A_485, %parallel_loop3A_486] {strides = array<i32>} : memref<4x32x768xf32, #tpu.memory_space<vmem>>, vector<1x1x16xf32>,
        %parallel_loop3A_488 = vector.shape_cast %parallel_loop3A_487 : vector<1x1x16xf32> to vector<16xf32>
        %parallel_loop3A_489 = arith.constant 27.7128124 : f32
        %parallel_loop3A_490 = vector.broadcast %parallel_loop3A_489 : f32 to vector<16xf32>
        %parallel_loop3A_491 = arith.mulf %parallel_loop3A_488, %parallel_loop3A_490 : vector<16xf32>
        %parallel_loop3A_492 = arith.constant 0 : i32
        %parallel_loop3A_493 = arith.index_cast %parallel_loop3A_492 : i32 to index
        %parallel_loop3A_494 = arith.index_cast %parallel_loop3A_306 : i32 to index
        %parallel_loop3A_495 = arith.constant 176 : index
        %parallel_loop3A_496 = tpu.vector_load %arg6[%parallel_loop3A_493, %parallel_loop3A_494, %parallel_loop3A_495] {strides = array<i32>} : memref<4x32x768xf32, #tpu.memory_space<vmem>>, vector<1x1x16xf32>,
        %parallel_loop3A_497 = vector.shape_cast %parallel_loop3A_496 : vector<1x1x16xf32> to vector<16xf32>
        %parallel_loop3A_498 = vector.shape_cast %parallel_loop3A_491 : vector<16xf32> to vector<1x1x16xf32>
        tpu.vector_store %arg6[%parallel_loop3A_493, %parallel_loop3A_494, %parallel_loop3A_495], %parallel_loop3A_498 {strides = array<i32>} : memref<4x32x768xf32, #tpu.memory_space<vmem>>, vector<1x1x16xf32>,
        %parallel_loop3A_499 = arith.constant 0 : i32
        %parallel_loop3A_500 = arith.index_cast %parallel_loop3A_499 : i32 to index
        %parallel_loop3A_501 = arith.index_cast %parallel_loop3A_306 : i32 to index
        %parallel_loop3A_502 = arith.constant 192 : index
        %parallel_loop3A_503 = tpu.vector_load %arg6[%parallel_loop3A_500, %parallel_loop3A_501, %parallel_loop3A_502] {strides = array<i32>} : memref<4x32x768xf32, #tpu.memory_space<vmem>>, vector<1x1x16xf32>,
        %parallel_loop3A_504 = vector.shape_cast %parallel_loop3A_503 : vector<1x1x16xf32> to vector<16xf32>
        %parallel_loop3A_505 = arith.constant 27.7128124 : f32
        %parallel_loop3A_506 = vector.broadcast %parallel_loop3A_505 : f32 to vector<16xf32>
        %parallel_loop3A_507 = arith.mulf %parallel_loop3A_504, %parallel_loop3A_506 : vector<16xf32>
        %parallel_loop3A_508 = arith.constant 0 : i32
        %parallel_loop3A_509 = arith.index_cast %parallel_loop3A_508 : i32 to index
        %parallel_loop3A_510 = arith.index_cast %parallel_loop3A_306 : i32 to index
        %parallel_loop3A_511 = arith.constant 192 : index
        %parallel_loop3A_512 = tpu.vector_load %arg6[%parallel_loop3A_509, %parallel_loop3A_510, %parallel_loop3A_511] {strides = array<i32>} : memref<4x32x768xf32, #tpu.memory_space<vmem>>, vector<1x1x16xf32>,
        %parallel_loop3A_513 = vector.shape_cast %parallel_loop3A_512 : vector<1x1x16xf32> to vector<16xf32>
        %parallel_loop3A_514 = vector.shape_cast %parallel_loop3A_507 : vector<16xf32> to vector<1x1x16xf32>
        tpu.vector_store %arg6[%parallel_loop3A_509, %parallel_loop3A_510, %parallel_loop3A_511], %parallel_loop3A_514 {strides = array<i32>} : memref<4x32x768xf32, #tpu.memory_space<vmem>>, vector<1x1x16xf32>,
        %parallel_loop3A_515 = arith.constant 0 : i32
        %parallel_loop3A_516 = arith.index_cast %parallel_loop3A_515 : i32 to index
        %parallel_loop3A_517 = arith.index_cast %parallel_loop3A_306 : i32 to index
        %parallel_loop3A_518 = arith.constant 208 : index
        %parallel_loop3A_519 = tpu.vector_load %arg6[%parallel_loop3A_516, %parallel_loop3A_517, %parallel_loop3A_518] {strides = array<i32>} : memref<4x32x768xf32, #tpu.memory_space<vmem>>, vector<1x1x16xf32>,
        %parallel_loop3A_520 = vector.shape_cast %parallel_loop3A_519 : vector<1x1x16xf32> to vector<16xf32>
        %parallel_loop3A_521 = arith.constant 27.7128124 : f32
        %parallel_loop3A_522 = vector.broadcast %parallel_loop3A_521 : f32 to vector<16xf32>
        %parallel_loop3A_523 = arith.mulf %parallel_loop3A_520, %parallel_loop3A_522 : vector<16xf32>
        %parallel_loop3A_524 = arith.constant 0 : i32
        %parallel_loop3A_525 = arith.index_cast %parallel_loop3A_524 : i32 to index
        %parallel_loop3A_526 = arith.index_cast %parallel_loop3A_306 : i32 to index
        %parallel_loop3A_527 = arith.constant 208 : index
        %parallel_loop3A_528 = tpu.vector_load %arg6[%parallel_loop3A_525, %parallel_loop3A_526, %parallel_loop3A_527] {strides = array<i32>} : memref<4x32x768xf32, #tpu.memory_space<vmem>>, vector<1x1x16xf32>,
        %parallel_loop3A_529 = vector.shape_cast %parallel_loop3A_528 : vector<1x1x16xf32> to vector<16xf32>
        %parallel_loop3A_530 = vector.shape_cast %parallel_loop3A_523 : vector<16xf32> to vector<1x1x16xf32>
        tpu.vector_store %arg6[%parallel_loop3A_525, %parallel_loop3A_526, %parallel_loop3A_527], %parallel_loop3A_530 {strides = array<i32>} : memref<4x32x768xf32, #tpu.memory_space<vmem>>, vector<1x1x16xf32>,
        %parallel_loop3A_531 = arith.constant 0 : i32
        %parallel_loop3A_532 = arith.index_cast %parallel_loop3A_531 : i32 to index
        %parallel_loop3A_533 = arith.index_cast %parallel_loop3A_306 : i32 to index
        %parallel_loop3A_534 = arith.constant 224 : index
        %parallel_loop3A_535 = tpu.vector_load %arg6[%parallel_loop3A_532, %parallel_loop3A_533, %parallel_loop3A_534] {strides = array<i32>} : memref<4x32x768xf32, #tpu.memory_space<vmem>>, vector<1x1x16xf32>,
        %parallel_loop3A_536 = vector.shape_cast %parallel_loop3A_535 : vector<1x1x16xf32> to vector<16xf32>
        %parallel_loop3A_537 = arith.constant 27.7128124 : f32
        %parallel_loop3A_538 = vector.broadcast %parallel_loop3A_537 : f32 to vector<16xf32>
        %parallel_loop3A_539 = arith.mulf %parallel_loop3A_536, %parallel_loop3A_538 : vector<16xf32>
        %parallel_loop3A_540 = arith.constant 0 : i32
        %parallel_loop3A_541 = arith.index_cast %parallel_loop3A_540 : i32 to index
        %parallel_loop3A_542 = arith.index_cast %parallel_loop3A_306 : i32 to index
        %parallel_loop3A_543 = arith.constant 224 : index
        %parallel_loop3A_544 = tpu.vector_load %arg6[%parallel_loop3A_541, %parallel_loop3A_542, %parallel_loop3A_543] {strides = array<i32>} : memref<4x32x768xf32, #tpu.memory_space<vmem>>, vector<1x1x16xf32>,
        %parallel_loop3A_545 = vector.shape_cast %parallel_loop3A_544 : vector<1x1x16xf32> to vector<16xf32>
        %parallel_loop3A_546 = vector.shape_cast %parallel_loop3A_539 : vector<16xf32> to vector<1x1x16xf32>
        tpu.vector_store %arg6[%parallel_loop3A_541, %parallel_loop3A_542, %parallel_loop3A_543], %parallel_loop3A_546 {strides = array<i32>} : memref<4x32x768xf32, #tpu.memory_space<vmem>>, vector<1x1x16xf32>,
        %parallel_loop3A_547 = arith.constant 0 : i32
        %parallel_loop3A_548 = arith.index_cast %parallel_loop3A_547 : i32 to index
        %parallel_loop3A_549 = arith.index_cast %parallel_loop3A_306 : i32 to index
        %parallel_loop3A_550 = arith.constant 240 : index
        %parallel_loop3A_551 = tpu.vector_load %arg6[%parallel_loop3A_548, %parallel_loop3A_549, %parallel_loop3A_550] {strides = array<i32>} : memref<4x32x768xf32, #tpu.memory_space<vmem>>, vector<1x1x16xf32>,
        %parallel_loop3A_552 = vector.shape_cast %parallel_loop3A_551 : vector<1x1x16xf32> to vector<16xf32>
        %parallel_loop3A_553 = arith.constant 27.7128124 : f32
        %parallel_loop3A_554 = vector.broadcast %parallel_loop3A_553 : f32 to vector<16xf32>
        %parallel_loop3A_555 = arith.mulf %parallel_loop3A_552, %parallel_loop3A_554 : vector<16xf32>
        %parallel_loop3A_556 = arith.constant 0 : i32
        %parallel_loop3A_557 = arith.index_cast %parallel_loop3A_556 : i32 to index
        %parallel_loop3A_558 = arith.index_cast %parallel_loop3A_306 : i32 to index
        %parallel_loop3A_559 = arith.constant 240 : index
        %parallel_loop3A_560 = tpu.vector_load %arg6[%parallel_loop3A_557, %parallel_loop3A_558, %parallel_loop3A_559] {strides = array<i32>} : memref<4x32x768xf32, #tpu.memory_space<vmem>>, vector<1x1x16xf32>,
        %parallel_loop3A_561 = vector.shape_cast %parallel_loop3A_560 : vector<1x1x16xf32> to vector<16xf32>
        %parallel_loop3A_562 = vector.shape_cast %parallel_loop3A_555 : vector<16xf32> to vector<1x1x16xf32>
        tpu.vector_store %arg6[%parallel_loop3A_557, %parallel_loop3A_558, %parallel_loop3A_559], %parallel_loop3A_562 {strides = array<i32>} : memref<4x32x768xf32, #tpu.memory_space<vmem>>, vector<1x1x16xf32>,
        %parallel_loop3A_563 = arith.constant 0 : i32
        %parallel_loop3A_564 = arith.index_cast %parallel_loop3A_563 : i32 to index
        %parallel_loop3A_565 = arith.index_cast %parallel_loop3A_306 : i32 to index
        %parallel_loop3A_566 = arith.constant 256 : index
        %parallel_loop3A_567 = tpu.vector_load %arg6[%parallel_loop3A_564, %parallel_loop3A_565, %parallel_loop3A_566] {strides = array<i32>} : memref<4x32x768xf32, #tpu.memory_space<vmem>>, vector<1x1x16xf32>,
        %parallel_loop3A_568 = vector.shape_cast %parallel_loop3A_567 : vector<1x1x16xf32> to vector<16xf32>
        %parallel_loop3A_569 = arith.constant 27.7128124 : f32
        %parallel_loop3A_570 = vector.broadcast %parallel_loop3A_569 : f32 to vector<16xf32>
        %parallel_loop3A_571 = arith.mulf %parallel_loop3A_568, %parallel_loop3A_570 : vector<16xf32>
        %parallel_loop3A_572 = arith.constant 0 : i32
        %parallel_loop3A_573 = arith.index_cast %parallel_loop3A_572 : i32 to index
        %parallel_loop3A_574 = arith.index_cast %parallel_loop3A_306 : i32 to index
        %parallel_loop3A_575 = arith.constant 256 : index
        %parallel_loop3A_576 = tpu.vector_load %arg6[%parallel_loop3A_573, %parallel_loop3A_574, %parallel_loop3A_575] {strides = array<i32>} : memref<4x32x768xf32, #tpu.memory_space<vmem>>, vector<1x1x16xf32>,
        %parallel_loop3A_577 = vector.shape_cast %parallel_loop3A_576 : vector<1x1x16xf32> to vector<16xf32>
        %parallel_loop3A_578 = vector.shape_cast %parallel_loop3A_571 : vector<16xf32> to vector<1x1x16xf32>
        tpu.vector_store %arg6[%parallel_loop3A_573, %parallel_loop3A_574, %parallel_loop3A_575], %parallel_loop3A_578 {strides = array<i32>} : memref<4x32x768xf32, #tpu.memory_space<vmem>>, vector<1x1x16xf32>,
        %parallel_loop3A_579 = arith.constant 0 : i32
        %parallel_loop3A_580 = arith.index_cast %parallel_loop3A_579 : i32 to index
        %parallel_loop3A_581 = arith.index_cast %parallel_loop3A_306 : i32 to index
        %parallel_loop3A_582 = arith.constant 272 : index
        %parallel_loop3A_583 = tpu.vector_load %arg6[%parallel_loop3A_580, %parallel_loop3A_581, %parallel_loop3A_582] {strides = array<i32>} : memref<4x32x768xf32, #tpu.memory_space<vmem>>, vector<1x1x16xf32>,
        %parallel_loop3A_584 = vector.shape_cast %parallel_loop3A_583 : vector<1x1x16xf32> to vector<16xf32>
        %parallel_loop3A_585 = arith.constant 27.7128124 : f32
        %parallel_loop3A_586 = vector.broadcast %parallel_loop3A_585 : f32 to vector<16xf32>
        %parallel_loop3A_587 = arith.mulf %parallel_loop3A_584, %parallel_loop3A_586 : vector<16xf32>
        %parallel_loop3A_588 = arith.constant 0 : i32
        %parallel_loop3A_589 = arith.index_cast %parallel_loop3A_588 : i32 to index
        %parallel_loop3A_590 = arith.index_cast %parallel_loop3A_306 : i32 to index
        %parallel_loop3A_591 = arith.constant 272 : index
        %parallel_loop3A_592 = tpu.vector_load %arg6[%parallel_loop3A_589, %parallel_loop3A_590, %parallel_loop3A_591] {strides = array<i32>} : memref<4x32x768xf32, #tpu.memory_space<vmem>>, vector<1x1x16xf32>,
        %parallel_loop3A_593 = vector.shape_cast %parallel_loop3A_592 : vector<1x1x16xf32> to vector<16xf32>
        %parallel_loop3A_594 = vector.shape_cast %parallel_loop3A_587 : vector<16xf32> to vector<1x1x16xf32>
        tpu.vector_store %arg6[%parallel_loop3A_589, %parallel_loop3A_590, %parallel_loop3A_591], %parallel_loop3A_594 {strides = array<i32>} : memref<4x32x768xf32, #tpu.memory_space<vmem>>, vector<1x1x16xf32>,
        %parallel_loop3A_595 = arith.constant 0 : i32
        %parallel_loop3A_596 = arith.index_cast %parallel_loop3A_595 : i32 to index
        %parallel_loop3A_597 = arith.index_cast %parallel_loop3A_306 : i32 to index
        %parallel_loop3A_598 = arith.constant 288 : index
        %parallel_loop3A_599 = tpu.vector_load %arg6[%parallel_loop3A_596, %parallel_loop3A_597, %parallel_loop3A_598] {strides = array<i32>} : memref<4x32x768xf32, #tpu.memory_space<vmem>>, vector<1x1x16xf32>,
        %parallel_loop3A_600 = vector.shape_cast %parallel_loop3A_599 : vector<1x1x16xf32> to vector<16xf32>
        %parallel_loop3A_601 = arith.constant 27.7128124 : f32
        %parallel_loop3A_602 = vector.broadcast %parallel_loop3A_601 : f32 to vector<16xf32>
        %parallel_loop3A_603 = arith.mulf %parallel_loop3A_600, %parallel_loop3A_602 : vector<16xf32>
        %parallel_loop3A_604 = arith.constant 0 : i32
        %parallel_loop3A_605 = arith.index_cast %parallel_loop3A_604 : i32 to index
        %parallel_loop3A_606 = arith.index_cast %parallel_loop3A_306 : i32 to index
        %parallel_loop3A_607 = arith.constant 288 : index
        %parallel_loop3A_608 = tpu.vector_load %arg6[%parallel_loop3A_605, %parallel_loop3A_606, %parallel_loop3A_607] {strides = array<i32>} : memref<4x32x768xf32, #tpu.memory_space<vmem>>, vector<1x1x16xf32>,
        %parallel_loop3A_609 = vector.shape_cast %parallel_loop3A_608 : vector<1x1x16xf32> to vector<16xf32>
        %parallel_loop3A_610 = vector.shape_cast %parallel_loop3A_603 : vector<16xf32> to vector<1x1x16xf32>
        tpu.vector_store %arg6[%parallel_loop3A_605, %parallel_loop3A_606, %parallel_loop3A_607], %parallel_loop3A_610 {strides = array<i32>} : memref<4x32x768xf32, #tpu.memory_space<vmem>>, vector<1x1x16xf32>,
        %parallel_loop3A_611 = arith.constant 0 : i32
        %parallel_loop3A_612 = arith.index_cast %parallel_loop3A_611 : i32 to index
        %parallel_loop3A_613 = arith.index_cast %parallel_loop3A_306 : i32 to index
        %parallel_loop3A_614 = arith.constant 304 : index
        %parallel_loop3A_615 = tpu.vector_load %arg6[%parallel_loop3A_612, %parallel_loop3A_613, %parallel_loop3A_614] {strides = array<i32>} : memref<4x32x768xf32, #tpu.memory_space<vmem>>, vector<1x1x16xf32>,
        %parallel_loop3A_616 = vector.shape_cast %parallel_loop3A_615 : vector<1x1x16xf32> to vector<16xf32>
        %parallel_loop3A_617 = arith.constant 27.7128124 : f32
        %parallel_loop3A_618 = vector.broadcast %parallel_loop3A_617 : f32 to vector<16xf32>
        %parallel_loop3A_619 = arith.mulf %parallel_loop3A_616, %parallel_loop3A_618 : vector<16xf32>
        %parallel_loop3A_620 = arith.constant 0 : i32
        %parallel_loop3A_621 = arith.index_cast %parallel_loop3A_620 : i32 to index
        %parallel_loop3A_622 = arith.index_cast %parallel_loop3A_306 : i32 to index
        %parallel_loop3A_623 = arith.constant 304 : index
        %parallel_loop3A_624 = tpu.vector_load %arg6[%parallel_loop3A_621, %parallel_loop3A_622, %parallel_loop3A_623] {strides = array<i32>} : memref<4x32x768xf32, #tpu.memory_space<vmem>>, vector<1x1x16xf32>,
        %parallel_loop3A_625 = vector.shape_cast %parallel_loop3A_624 : vector<1x1x16xf32> to vector<16xf32>
        %parallel_loop3A_626 = vector.shape_cast %parallel_loop3A_619 : vector<16xf32> to vector<1x1x16xf32>
        tpu.vector_store %arg6[%parallel_loop3A_621, %parallel_loop3A_622, %parallel_loop3A_623], %parallel_loop3A_626 {strides = array<i32>} : memref<4x32x768xf32, #tpu.memory_space<vmem>>, vector<1x1x16xf32>,
        %parallel_loop3A_627 = arith.constant 0 : i32
        %parallel_loop3A_628 = arith.index_cast %parallel_loop3A_627 : i32 to index
        %parallel_loop3A_629 = arith.index_cast %parallel_loop3A_306 : i32 to index
        %parallel_loop3A_630 = arith.constant 320 : index
        %parallel_loop3A_631 = tpu.vector_load %arg6[%parallel_loop3A_628, %parallel_loop3A_629, %parallel_loop3A_630] {strides = array<i32>} : memref<4x32x768xf32, #tpu.memory_space<vmem>>, vector<1x1x16xf32>,
        %parallel_loop3A_632 = vector.shape_cast %parallel_loop3A_631 : vector<1x1x16xf32> to vector<16xf32>
        %parallel_loop3A_633 = arith.constant 27.7128124 : f32
        %parallel_loop3A_634 = vector.broadcast %parallel_loop3A_633 : f32 to vector<16xf32>
        %parallel_loop3A_635 = arith.mulf %parallel_loop3A_632, %parallel_loop3A_634 : vector<16xf32>
        %parallel_loop3A_636 = arith.constant 0 : i32
        %parallel_loop3A_637 = arith.index_cast %parallel_loop3A_636 : i32 to index
        %parallel_loop3A_638 = arith.index_cast %parallel_loop3A_306 : i32 to index
        %parallel_loop3A_639 = arith.constant 320 : index
        %parallel_loop3A_640 = tpu.vector_load %arg6[%parallel_loop3A_637, %parallel_loop3A_638, %parallel_loop3A_639] {strides = array<i32>} : memref<4x32x768xf32, #tpu.memory_space<vmem>>, vector<1x1x16xf32>,
        %parallel_loop3A_641 = vector.shape_cast %parallel_loop3A_640 : vector<1x1x16xf32> to vector<16xf32>
        %parallel_loop3A_642 = vector.shape_cast %parallel_loop3A_635 : vector<16xf32> to vector<1x1x16xf32>
        tpu.vector_store %arg6[%parallel_loop3A_637, %parallel_loop3A_638, %parallel_loop3A_639], %parallel_loop3A_642 {strides = array<i32>} : memref<4x32x768xf32, #tpu.memory_space<vmem>>, vector<1x1x16xf32>,
        %parallel_loop3A_643 = arith.constant 0 : i32
        %parallel_loop3A_644 = arith.index_cast %parallel_loop3A_643 : i32 to index
        %parallel_loop3A_645 = arith.index_cast %parallel_loop3A_306 : i32 to index
        %parallel_loop3A_646 = arith.constant 336 : index
        %parallel_loop3A_647 = tpu.vector_load %arg6[%parallel_loop3A_644, %parallel_loop3A_645, %parallel_loop3A_646] {strides = array<i32>} : memref<4x32x768xf32, #tpu.memory_space<vmem>>, vector<1x1x16xf32>,
        %parallel_loop3A_648 = vector.shape_cast %parallel_loop3A_647 : vector<1x1x16xf32> to vector<16xf32>
        %parallel_loop3A_649 = arith.constant 27.7128124 : f32
        %parallel_loop3A_650 = vector.broadcast %parallel_loop3A_649 : f32 to vector<16xf32>
        %parallel_loop3A_651 = arith.mulf %parallel_loop3A_648, %parallel_loop3A_650 : vector<16xf32>
        %parallel_loop3A_652 = arith.constant 0 : i32
        %parallel_loop3A_653 = arith.index_cast %parallel_loop3A_652 : i32 to index
        %parallel_loop3A_654 = arith.index_cast %parallel_loop3A_306 : i32 to index
        %parallel_loop3A_655 = arith.constant 336 : index
        %parallel_loop3A_656 = tpu.vector_load %arg6[%parallel_loop3A_653, %parallel_loop3A_654, %parallel_loop3A_655] {strides = array<i32>} : memref<4x32x768xf32, #tpu.memory_space<vmem>>, vector<1x1x16xf32>,
        %parallel_loop3A_657 = vector.shape_cast %parallel_loop3A_656 : vector<1x1x16xf32> to vector<16xf32>
        %parallel_loop3A_658 = vector.shape_cast %parallel_loop3A_651 : vector<16xf32> to vector<1x1x16xf32>
        tpu.vector_store %arg6[%parallel_loop3A_653, %parallel_loop3A_654, %parallel_loop3A_655], %parallel_loop3A_658 {strides = array<i32>} : memref<4x32x768xf32, #tpu.memory_space<vmem>>, vector<1x1x16xf32>,
        %parallel_loop3A_659 = arith.constant 0 : i32
        %parallel_loop3A_660 = arith.index_cast %parallel_loop3A_659 : i32 to index
        %parallel_loop3A_661 = arith.index_cast %parallel_loop3A_306 : i32 to index
        %parallel_loop3A_662 = arith.constant 352 : index
        %parallel_loop3A_663 = tpu.vector_load %arg6[%parallel_loop3A_660, %parallel_loop3A_661, %parallel_loop3A_662] {strides = array<i32>} : memref<4x32x768xf32, #tpu.memory_space<vmem>>, vector<1x1x16xf32>,
        %parallel_loop3A_664 = vector.shape_cast %parallel_loop3A_663 : vector<1x1x16xf32> to vector<16xf32>
        %parallel_loop3A_665 = arith.constant 27.7128124 : f32
        %parallel_loop3A_666 = vector.broadcast %parallel_loop3A_665 : f32 to vector<16xf32>
        %parallel_loop3A_667 = arith.mulf %parallel_loop3A_664, %parallel_loop3A_666 : vector<16xf32>
        %parallel_loop3A_668 = arith.constant 0 : i32
        %parallel_loop3A_669 = arith.index_cast %parallel_loop3A_668 : i32 to index
        %parallel_loop3A_670 = arith.index_cast %parallel_loop3A_306 : i32 to index
        %parallel_loop3A_671 = arith.constant 352 : index
        %parallel_loop3A_672 = tpu.vector_load %arg6[%parallel_loop3A_669, %parallel_loop3A_670, %parallel_loop3A_671] {strides = array<i32>} : memref<4x32x768xf32, #tpu.memory_space<vmem>>, vector<1x1x16xf32>,
        %parallel_loop3A_673 = vector.shape_cast %parallel_loop3A_672 : vector<1x1x16xf32> to vector<16xf32>
        %parallel_loop3A_674 = vector.shape_cast %parallel_loop3A_667 : vector<16xf32> to vector<1x1x16xf32>
        tpu.vector_store %arg6[%parallel_loop3A_669, %parallel_loop3A_670, %parallel_loop3A_671], %parallel_loop3A_674 {strides = array<i32>} : memref<4x32x768xf32, #tpu.memory_space<vmem>>, vector<1x1x16xf32>,
        %parallel_loop3A_675 = arith.constant 0 : i32
        %parallel_loop3A_676 = arith.index_cast %parallel_loop3A_675 : i32 to index
        %parallel_loop3A_677 = arith.index_cast %parallel_loop3A_306 : i32 to index
        %parallel_loop3A_678 = arith.constant 368 : index
        %parallel_loop3A_679 = tpu.vector_load %arg6[%parallel_loop3A_676, %parallel_loop3A_677, %parallel_loop3A_678] {strides = array<i32>} : memref<4x32x768xf32, #tpu.memory_space<vmem>>, vector<1x1x16xf32>,
        %parallel_loop3A_680 = vector.shape_cast %parallel_loop3A_679 : vector<1x1x16xf32> to vector<16xf32>
        %parallel_loop3A_681 = arith.constant 27.7128124 : f32
        %parallel_loop3A_682 = vector.broadcast %parallel_loop3A_681 : f32 to vector<16xf32>
        %parallel_loop3A_683 = arith.mulf %parallel_loop3A_680, %parallel_loop3A_682 : vector<16xf32>
        %parallel_loop3A_684 = arith.constant 0 : i32
        %parallel_loop3A_685 = arith.index_cast %parallel_loop3A_684 : i32 to index
        %parallel_loop3A_686 = arith.index_cast %parallel_loop3A_306 : i32 to index
        %parallel_loop3A_687 = arith.constant 368 : index
        %parallel_loop3A_688 = tpu.vector_load %arg6[%parallel_loop3A_685, %parallel_loop3A_686, %parallel_loop3A_687] {strides = array<i32>} : memref<4x32x768xf32, #tpu.memory_space<vmem>>, vector<1x1x16xf32>,
        %parallel_loop3A_689 = vector.shape_cast %parallel_loop3A_688 : vector<1x1x16xf32> to vector<16xf32>
        %parallel_loop3A_690 = vector.shape_cast %parallel_loop3A_683 : vector<16xf32> to vector<1x1x16xf32>
        tpu.vector_store %arg6[%parallel_loop3A_685, %parallel_loop3A_686, %parallel_loop3A_687], %parallel_loop3A_690 {strides = array<i32>} : memref<4x32x768xf32, #tpu.memory_space<vmem>>, vector<1x1x16xf32>,
        %parallel_loop3A_691 = arith.constant 0 : i32
        %parallel_loop3A_692 = arith.index_cast %parallel_loop3A_691 : i32 to index
        %parallel_loop3A_693 = arith.index_cast %parallel_loop3A_306 : i32 to index
        %parallel_loop3A_694 = arith.constant 384 : index
        %parallel_loop3A_695 = tpu.vector_load %arg6[%parallel_loop3A_692, %parallel_loop3A_693, %parallel_loop3A_694] {strides = array<i32>} : memref<4x32x768xf32, #tpu.memory_space<vmem>>, vector<1x1x16xf32>,
        %parallel_loop3A_696 = vector.shape_cast %parallel_loop3A_695 : vector<1x1x16xf32> to vector<16xf32>
        %parallel_loop3A_697 = arith.constant 27.7128124 : f32
        %parallel_loop3A_698 = vector.broadcast %parallel_loop3A_697 : f32 to vector<16xf32>
        %parallel_loop3A_699 = arith.mulf %parallel_loop3A_696, %parallel_loop3A_698 : vector<16xf32>
        %parallel_loop3A_700 = arith.constant 0 : i32
        %parallel_loop3A_701 = arith.index_cast %parallel_loop3A_700 : i32 to index
        %parallel_loop3A_702 = arith.index_cast %parallel_loop3A_306 : i32 to index
        %parallel_loop3A_703 = arith.constant 384 : index
        %parallel_loop3A_704 = tpu.vector_load %arg6[%parallel_loop3A_701, %parallel_loop3A_702, %parallel_loop3A_703] {strides = array<i32>} : memref<4x32x768xf32, #tpu.memory_space<vmem>>, vector<1x1x16xf32>,
        %parallel_loop3A_705 = vector.shape_cast %parallel_loop3A_704 : vector<1x1x16xf32> to vector<16xf32>
        %parallel_loop3A_706 = vector.shape_cast %parallel_loop3A_699 : vector<16xf32> to vector<1x1x16xf32>
        tpu.vector_store %arg6[%parallel_loop3A_701, %parallel_loop3A_702, %parallel_loop3A_703], %parallel_loop3A_706 {strides = array<i32>} : memref<4x32x768xf32, #tpu.memory_space<vmem>>, vector<1x1x16xf32>,
        %parallel_loop3A_707 = arith.constant 0 : i32
        %parallel_loop3A_708 = arith.index_cast %parallel_loop3A_707 : i32 to index
        %parallel_loop3A_709 = arith.index_cast %parallel_loop3A_306 : i32 to index
        %parallel_loop3A_710 = arith.constant 400 : index
        %parallel_loop3A_711 = tpu.vector_load %arg6[%parallel_loop3A_708, %parallel_loop3A_709, %parallel_loop3A_710] {strides = array<i32>} : memref<4x32x768xf32, #tpu.memory_space<vmem>>, vector<1x1x16xf32>,
        %parallel_loop3A_712 = vector.shape_cast %parallel_loop3A_711 : vector<1x1x16xf32> to vector<16xf32>
        %parallel_loop3A_713 = arith.constant 27.7128124 : f32
        %parallel_loop3A_714 = vector.broadcast %parallel_loop3A_713 : f32 to vector<16xf32>
        %parallel_loop3A_715 = arith.mulf %parallel_loop3A_712, %parallel_loop3A_714 : vector<16xf32>
        %parallel_loop3A_716 = arith.constant 0 : i32
        %parallel_loop3A_717 = arith.index_cast %parallel_loop3A_716 : i32 to index
        %parallel_loop3A_718 = arith.index_cast %parallel_loop3A_306 : i32 to index
        %parallel_loop3A_719 = arith.constant 400 : index
        %parallel_loop3A_720 = tpu.vector_load %arg6[%parallel_loop3A_717, %parallel_loop3A_718, %parallel_loop3A_719] {strides = array<i32>} : memref<4x32x768xf32, #tpu.memory_space<vmem>>, vector<1x1x16xf32>,
        %parallel_loop3A_721 = vector.shape_cast %parallel_loop3A_720 : vector<1x1x16xf32> to vector<16xf32>
        %parallel_loop3A_722 = vector.shape_cast %parallel_loop3A_715 : vector<16xf32> to vector<1x1x16xf32>
        tpu.vector_store %arg6[%parallel_loop3A_717, %parallel_loop3A_718, %parallel_loop3A_719], %parallel_loop3A_722 {strides = array<i32>} : memref<4x32x768xf32, #tpu.memory_space<vmem>>, vector<1x1x16xf32>,
        %parallel_loop3A_723 = arith.constant 0 : i32
        %parallel_loop3A_724 = arith.index_cast %parallel_loop3A_723 : i32 to index
        %parallel_loop3A_725 = arith.index_cast %parallel_loop3A_306 : i32 to index
        %parallel_loop3A_726 = arith.constant 416 : index
        %parallel_loop3A_727 = tpu.vector_load %arg6[%parallel_loop3A_724, %parallel_loop3A_725, %parallel_loop3A_726] {strides = array<i32>} : memref<4x32x768xf32, #tpu.memory_space<vmem>>, vector<1x1x16xf32>,
        %parallel_loop3A_728 = vector.shape_cast %parallel_loop3A_727 : vector<1x1x16xf32> to vector<16xf32>
        %parallel_loop3A_729 = arith.constant 27.7128124 : f32
        %parallel_loop3A_730 = vector.broadcast %parallel_loop3A_729 : f32 to vector<16xf32>
        %parallel_loop3A_731 = arith.mulf %parallel_loop3A_728, %parallel_loop3A_730 : vector<16xf32>
        %parallel_loop3A_732 = arith.constant 0 : i32
        %parallel_loop3A_733 = arith.index_cast %parallel_loop3A_732 : i32 to index
        %parallel_loop3A_734 = arith.index_cast %parallel_loop3A_306 : i32 to index
        %parallel_loop3A_735 = arith.constant 416 : index
        %parallel_loop3A_736 = tpu.vector_load %arg6[%parallel_loop3A_733, %parallel_loop3A_734, %parallel_loop3A_735] {strides = array<i32>} : memref<4x32x768xf32, #tpu.memory_space<vmem>>, vector<1x1x16xf32>,
        %parallel_loop3A_737 = vector.shape_cast %parallel_loop3A_736 : vector<1x1x16xf32> to vector<16xf32>
        %parallel_loop3A_738 = vector.shape_cast %parallel_loop3A_731 : vector<16xf32> to vector<1x1x16xf32>
        tpu.vector_store %arg6[%parallel_loop3A_733, %parallel_loop3A_734, %parallel_loop3A_735], %parallel_loop3A_738 {strides = array<i32>} : memref<4x32x768xf32, #tpu.memory_space<vmem>>, vector<1x1x16xf32>,
        %parallel_loop3A_739 = arith.constant 0 : i32
        %parallel_loop3A_740 = arith.index_cast %parallel_loop3A_739 : i32 to index
        %parallel_loop3A_741 = arith.index_cast %parallel_loop3A_306 : i32 to index
        %parallel_loop3A_742 = arith.constant 432 : index
        %parallel_loop3A_743 = tpu.vector_load %arg6[%parallel_loop3A_740, %parallel_loop3A_741, %parallel_loop3A_742] {strides = array<i32>} : memref<4x32x768xf32, #tpu.memory_space<vmem>>, vector<1x1x16xf32>,
        %parallel_loop3A_744 = vector.shape_cast %parallel_loop3A_743 : vector<1x1x16xf32> to vector<16xf32>
        %parallel_loop3A_745 = arith.constant 27.7128124 : f32
        %parallel_loop3A_746 = vector.broadcast %parallel_loop3A_745 : f32 to vector<16xf32>
        %parallel_loop3A_747 = arith.mulf %parallel_loop3A_744, %parallel_loop3A_746 : vector<16xf32>
        %parallel_loop3A_748 = arith.constant 0 : i32
        %parallel_loop3A_749 = arith.index_cast %parallel_loop3A_748 : i32 to index
        %parallel_loop3A_750 = arith.index_cast %parallel_loop3A_306 : i32 to index
        %parallel_loop3A_751 = arith.constant 432 : index
        %parallel_loop3A_752 = tpu.vector_load %arg6[%parallel_loop3A_749, %parallel_loop3A_750, %parallel_loop3A_751] {strides = array<i32>} : memref<4x32x768xf32, #tpu.memory_space<vmem>>, vector<1x1x16xf32>,
        %parallel_loop3A_753 = vector.shape_cast %parallel_loop3A_752 : vector<1x1x16xf32> to vector<16xf32>
        %parallel_loop3A_754 = vector.shape_cast %parallel_loop3A_747 : vector<16xf32> to vector<1x1x16xf32>
        tpu.vector_store %arg6[%parallel_loop3A_749, %parallel_loop3A_750, %parallel_loop3A_751], %parallel_loop3A_754 {strides = array<i32>} : memref<4x32x768xf32, #tpu.memory_space<vmem>>, vector<1x1x16xf32>,
        %parallel_loop3A_755 = arith.constant 0 : i32
        %parallel_loop3A_756 = arith.index_cast %parallel_loop3A_755 : i32 to index
        %parallel_loop3A_757 = arith.index_cast %parallel_loop3A_306 : i32 to index
        %parallel_loop3A_758 = arith.constant 448 : index
        %parallel_loop3A_759 = tpu.vector_load %arg6[%parallel_loop3A_756, %parallel_loop3A_757, %parallel_loop3A_758] {strides = array<i32>} : memref<4x32x768xf32, #tpu.memory_space<vmem>>, vector<1x1x16xf32>,
        %parallel_loop3A_760 = vector.shape_cast %parallel_loop3A_759 : vector<1x1x16xf32> to vector<16xf32>
        %parallel_loop3A_761 = arith.constant 27.7128124 : f32
        %parallel_loop3A_762 = vector.broadcast %parallel_loop3A_761 : f32 to vector<16xf32>
        %parallel_loop3A_763 = arith.mulf %parallel_loop3A_760, %parallel_loop3A_762 : vector<16xf32>
        %parallel_loop3A_764 = arith.constant 0 : i32
        %parallel_loop3A_765 = arith.index_cast %parallel_loop3A_764 : i32 to index
        %parallel_loop3A_766 = arith.index_cast %parallel_loop3A_306 : i32 to index
        %parallel_loop3A_767 = arith.constant 448 : index
        %parallel_loop3A_768 = tpu.vector_load %arg6[%parallel_loop3A_765, %parallel_loop3A_766, %parallel_loop3A_767] {strides = array<i32>} : memref<4x32x768xf32, #tpu.memory_space<vmem>>, vector<1x1x16xf32>,
        %parallel_loop3A_769 = vector.shape_cast %parallel_loop3A_768 : vector<1x1x16xf32> to vector<16xf32>
        %parallel_loop3A_770 = vector.shape_cast %parallel_loop3A_763 : vector<16xf32> to vector<1x1x16xf32>
        tpu.vector_store %arg6[%parallel_loop3A_765, %parallel_loop3A_766, %parallel_loop3A_767], %parallel_loop3A_770 {strides = array<i32>} : memref<4x32x768xf32, #tpu.memory_space<vmem>>, vector<1x1x16xf32>,
        %parallel_loop3A_771 = arith.constant 0 : i32
        %parallel_loop3A_772 = arith.index_cast %parallel_loop3A_771 : i32 to index
        %parallel_loop3A_773 = arith.index_cast %parallel_loop3A_306 : i32 to index
        %parallel_loop3A_774 = arith.constant 464 : index
        %parallel_loop3A_775 = tpu.vector_load %arg6[%parallel_loop3A_772, %parallel_loop3A_773, %parallel_loop3A_774] {strides = array<i32>} : memref<4x32x768xf32, #tpu.memory_space<vmem>>, vector<1x1x16xf32>,
        %parallel_loop3A_776 = vector.shape_cast %parallel_loop3A_775 : vector<1x1x16xf32> to vector<16xf32>
        %parallel_loop3A_777 = arith.constant 27.7128124 : f32
        %parallel_loop3A_778 = vector.broadcast %parallel_loop3A_777 : f32 to vector<16xf32>
        %parallel_loop3A_779 = arith.mulf %parallel_loop3A_776, %parallel_loop3A_778 : vector<16xf32>
        %parallel_loop3A_780 = arith.constant 0 : i32
        %parallel_loop3A_781 = arith.index_cast %parallel_loop3A_780 : i32 to index
        %parallel_loop3A_782 = arith.index_cast %parallel_loop3A_306 : i32 to index
        %parallel_loop3A_783 = arith.constant 464 : index
        %parallel_loop3A_784 = tpu.vector_load %arg6[%parallel_loop3A_781, %parallel_loop3A_782, %parallel_loop3A_783] {strides = array<i32>} : memref<4x32x768xf32, #tpu.memory_space<vmem>>, vector<1x1x16xf32>,
        %parallel_loop3A_785 = vector.shape_cast %parallel_loop3A_784 : vector<1x1x16xf32> to vector<16xf32>
        %parallel_loop3A_786 = vector.shape_cast %parallel_loop3A_779 : vector<16xf32> to vector<1x1x16xf32>
        tpu.vector_store %arg6[%parallel_loop3A_781, %parallel_loop3A_782, %parallel_loop3A_783], %parallel_loop3A_786 {strides = array<i32>} : memref<4x32x768xf32, #tpu.memory_space<vmem>>, vector<1x1x16xf32>,
        %parallel_loop3A_787 = arith.constant 0 : i32
        %parallel_loop3A_788 = arith.index_cast %parallel_loop3A_787 : i32 to index
        %parallel_loop3A_789 = arith.index_cast %parallel_loop3A_306 : i32 to index
        %parallel_loop3A_790 = arith.constant 480 : index
        %parallel_loop3A_791 = tpu.vector_load %arg6[%parallel_loop3A_788, %parallel_loop3A_789, %parallel_loop3A_790] {strides = array<i32>} : memref<4x32x768xf32, #tpu.memory_space<vmem>>, vector<1x1x16xf32>,
        %parallel_loop3A_792 = vector.shape_cast %parallel_loop3A_791 : vector<1x1x16xf32> to vector<16xf32>
        %parallel_loop3A_793 = arith.constant 27.7128124 : f32
        %parallel_loop3A_794 = vector.broadcast %parallel_loop3A_793 : f32 to vector<16xf32>
        %parallel_loop3A_795 = arith.mulf %parallel_loop3A_792, %parallel_loop3A_794 : vector<16xf32>
        %parallel_loop3A_796 = arith.constant 0 : i32
        %parallel_loop3A_797 = arith.index_cast %parallel_loop3A_796 : i32 to index
        %parallel_loop3A_798 = arith.index_cast %parallel_loop3A_306 : i32 to index
        %parallel_loop3A_799 = arith.constant 480 : index
        %parallel_loop3A_800 = tpu.vector_load %arg6[%parallel_loop3A_797, %parallel_loop3A_798, %parallel_loop3A_799] {strides = array<i32>} : memref<4x32x768xf32, #tpu.memory_space<vmem>>, vector<1x1x16xf32>,
        %parallel_loop3A_801 = vector.shape_cast %parallel_loop3A_800 : vector<1x1x16xf32> to vector<16xf32>
        %parallel_loop3A_802 = vector.shape_cast %parallel_loop3A_795 : vector<16xf32> to vector<1x1x16xf32>
        tpu.vector_store %arg6[%parallel_loop3A_797, %parallel_loop3A_798, %parallel_loop3A_799], %parallel_loop3A_802 {strides = array<i32>} : memref<4x32x768xf32, #tpu.memory_space<vmem>>, vector<1x1x16xf32>,
        %parallel_loop3A_803 = arith.constant 0 : i32
        %parallel_loop3A_804 = arith.index_cast %parallel_loop3A_803 : i32 to index
        %parallel_loop3A_805 = arith.index_cast %parallel_loop3A_306 : i32 to index
        %parallel_loop3A_806 = arith.constant 496 : index
        %parallel_loop3A_807 = tpu.vector_load %arg6[%parallel_loop3A_804, %parallel_loop3A_805, %parallel_loop3A_806] {strides = array<i32>} : memref<4x32x768xf32, #tpu.memory_space<vmem>>, vector<1x1x16xf32>,
        %parallel_loop3A_808 = vector.shape_cast %parallel_loop3A_807 : vector<1x1x16xf32> to vector<16xf32>
        %parallel_loop3A_809 = arith.constant 27.7128124 : f32
        %parallel_loop3A_810 = vector.broadcast %parallel_loop3A_809 : f32 to vector<16xf32>
        %parallel_loop3A_811 = arith.mulf %parallel_loop3A_808, %parallel_loop3A_810 : vector<16xf32>
        %parallel_loop3A_812 = arith.constant 0 : i32
        %parallel_loop3A_813 = arith.index_cast %parallel_loop3A_812 : i32 to index
        %parallel_loop3A_814 = arith.index_cast %parallel_loop3A_306 : i32 to index
        %parallel_loop3A_815 = arith.constant 496 : index
        %parallel_loop3A_816 = tpu.vector_load %arg6[%parallel_loop3A_813, %parallel_loop3A_814, %parallel_loop3A_815] {strides = array<i32>} : memref<4x32x768xf32, #tpu.memory_space<vmem>>, vector<1x1x16xf32>,
        %parallel_loop3A_817 = vector.shape_cast %parallel_loop3A_816 : vector<1x1x16xf32> to vector<16xf32>
        %parallel_loop3A_818 = vector.shape_cast %parallel_loop3A_811 : vector<16xf32> to vector<1x1x16xf32>
        tpu.vector_store %arg6[%parallel_loop3A_813, %parallel_loop3A_814, %parallel_loop3A_815], %parallel_loop3A_818 {strides = array<i32>} : memref<4x32x768xf32, #tpu.memory_space<vmem>>, vector<1x1x16xf32>,
        %parallel_loop3A_819 = arith.constant 0 : i32
        %parallel_loop3A_820 = arith.index_cast %parallel_loop3A_819 : i32 to index
        %parallel_loop3A_821 = arith.index_cast %parallel_loop3A_306 : i32 to index
        %parallel_loop3A_822 = arith.constant 512 : index
        %parallel_loop3A_823 = tpu.vector_load %arg6[%parallel_loop3A_820, %parallel_loop3A_821, %parallel_loop3A_822] {strides = array<i32>} : memref<4x32x768xf32, #tpu.memory_space<vmem>>, vector<1x1x16xf32>,
        %parallel_loop3A_824 = vector.shape_cast %parallel_loop3A_823 : vector<1x1x16xf32> to vector<16xf32>
        %parallel_loop3A_825 = arith.constant 27.7128124 : f32
        %parallel_loop3A_826 = vector.broadcast %parallel_loop3A_825 : f32 to vector<16xf32>
        %parallel_loop3A_827 = arith.mulf %parallel_loop3A_824, %parallel_loop3A_826 : vector<16xf32>
        %parallel_loop3A_828 = arith.constant 0 : i32
        %parallel_loop3A_829 = arith.index_cast %parallel_loop3A_828 : i32 to index
        %parallel_loop3A_830 = arith.index_cast %parallel_loop3A_306 : i32 to index
        %parallel_loop3A_831 = arith.constant 512 : index
        %parallel_loop3A_832 = tpu.vector_load %arg6[%parallel_loop3A_829, %parallel_loop3A_830, %parallel_loop3A_831] {strides = array<i32>} : memref<4x32x768xf32, #tpu.memory_space<vmem>>, vector<1x1x16xf32>,
        %parallel_loop3A_833 = vector.shape_cast %parallel_loop3A_832 : vector<1x1x16xf32> to vector<16xf32>
        %parallel_loop3A_834 = vector.shape_cast %parallel_loop3A_827 : vector<16xf32> to vector<1x1x16xf32>
        tpu.vector_store %arg6[%parallel_loop3A_829, %parallel_loop3A_830, %parallel_loop3A_831], %parallel_loop3A_834 {strides = array<i32>} : memref<4x32x768xf32, #tpu.memory_space<vmem>>, vector<1x1x16xf32>,
        %parallel_loop3A_835 = arith.constant 0 : i32
        %parallel_loop3A_836 = arith.index_cast %parallel_loop3A_835 : i32 to index
        %parallel_loop3A_837 = arith.index_cast %parallel_loop3A_306 : i32 to index
        %parallel_loop3A_838 = arith.constant 528 : index
        %parallel_loop3A_839 = tpu.vector_load %arg6[%parallel_loop3A_836, %parallel_loop3A_837, %parallel_loop3A_838] {strides = array<i32>} : memref<4x32x768xf32, #tpu.memory_space<vmem>>, vector<1x1x16xf32>,
        %parallel_loop3A_840 = vector.shape_cast %parallel_loop3A_839 : vector<1x1x16xf32> to vector<16xf32>
        %parallel_loop3A_841 = arith.constant 27.7128124 : f32
        %parallel_loop3A_842 = vector.broadcast %parallel_loop3A_841 : f32 to vector<16xf32>
        %parallel_loop3A_843 = arith.mulf %parallel_loop3A_840, %parallel_loop3A_842 : vector<16xf32>
        %parallel_loop3A_844 = arith.constant 0 : i32
        %parallel_loop3A_845 = arith.index_cast %parallel_loop3A_844 : i32 to index
        %parallel_loop3A_846 = arith.index_cast %parallel_loop3A_306 : i32 to index
        %parallel_loop3A_847 = arith.constant 528 : index
        %parallel_loop3A_848 = tpu.vector_load %arg6[%parallel_loop3A_845, %parallel_loop3A_846, %parallel_loop3A_847] {strides = array<i32>} : memref<4x32x768xf32, #tpu.memory_space<vmem>>, vector<1x1x16xf32>,
        %parallel_loop3A_849 = vector.shape_cast %parallel_loop3A_848 : vector<1x1x16xf32> to vector<16xf32>
        %parallel_loop3A_850 = vector.shape_cast %parallel_loop3A_843 : vector<16xf32> to vector<1x1x16xf32>
        tpu.vector_store %arg6[%parallel_loop3A_845, %parallel_loop3A_846, %parallel_loop3A_847], %parallel_loop3A_850 {strides = array<i32>} : memref<4x32x768xf32, #tpu.memory_space<vmem>>, vector<1x1x16xf32>,
        %parallel_loop3A_851 = arith.constant 0 : i32
        %parallel_loop3A_852 = arith.index_cast %parallel_loop3A_851 : i32 to index
        %parallel_loop3A_853 = arith.index_cast %parallel_loop3A_306 : i32 to index
        %parallel_loop3A_854 = arith.constant 544 : index
        %parallel_loop3A_855 = tpu.vector_load %arg6[%parallel_loop3A_852, %parallel_loop3A_853, %parallel_loop3A_854] {strides = array<i32>} : memref<4x32x768xf32, #tpu.memory_space<vmem>>, vector<1x1x16xf32>,
        %parallel_loop3A_856 = vector.shape_cast %parallel_loop3A_855 : vector<1x1x16xf32> to vector<16xf32>
        %parallel_loop3A_857 = arith.constant 27.7128124 : f32
        %parallel_loop3A_858 = vector.broadcast %parallel_loop3A_857 : f32 to vector<16xf32>
        %parallel_loop3A_859 = arith.mulf %parallel_loop3A_856, %parallel_loop3A_858 : vector<16xf32>
        %parallel_loop3A_860 = arith.constant 0 : i32
        %parallel_loop3A_861 = arith.index_cast %parallel_loop3A_860 : i32 to index
        %parallel_loop3A_862 = arith.index_cast %parallel_loop3A_306 : i32 to index
        %parallel_loop3A_863 = arith.constant 544 : index
        %parallel_loop3A_864 = tpu.vector_load %arg6[%parallel_loop3A_861, %parallel_loop3A_862, %parallel_loop3A_863] {strides = array<i32>} : memref<4x32x768xf32, #tpu.memory_space<vmem>>, vector<1x1x16xf32>,
        %parallel_loop3A_865 = vector.shape_cast %parallel_loop3A_864 : vector<1x1x16xf32> to vector<16xf32>
        %parallel_loop3A_866 = vector.shape_cast %parallel_loop3A_859 : vector<16xf32> to vector<1x1x16xf32>
        tpu.vector_store %arg6[%parallel_loop3A_861, %parallel_loop3A_862, %parallel_loop3A_863], %parallel_loop3A_866 {strides = array<i32>} : memref<4x32x768xf32, #tpu.memory_space<vmem>>, vector<1x1x16xf32>,
        %parallel_loop3A_867 = arith.constant 0 : i32
        %parallel_loop3A_868 = arith.index_cast %parallel_loop3A_867 : i32 to index
        %parallel_loop3A_869 = arith.index_cast %parallel_loop3A_306 : i32 to index
        %parallel_loop3A_870 = arith.constant 560 : index
        %parallel_loop3A_871 = tpu.vector_load %arg6[%parallel_loop3A_868, %parallel_loop3A_869, %parallel_loop3A_870] {strides = array<i32>} : memref<4x32x768xf32, #tpu.memory_space<vmem>>, vector<1x1x16xf32>,
        %parallel_loop3A_872 = vector.shape_cast %parallel_loop3A_871 : vector<1x1x16xf32> to vector<16xf32>
        %parallel_loop3A_873 = arith.constant 27.7128124 : f32
        %parallel_loop3A_874 = vector.broadcast %parallel_loop3A_873 : f32 to vector<16xf32>
        %parallel_loop3A_875 = arith.mulf %parallel_loop3A_872, %parallel_loop3A_874 : vector<16xf32>
        %parallel_loop3A_876 = arith.constant 0 : i32
        %parallel_loop3A_877 = arith.index_cast %parallel_loop3A_876 : i32 to index
        %parallel_loop3A_878 = arith.index_cast %parallel_loop3A_306 : i32 to index
        %parallel_loop3A_879 = arith.constant 560 : index
        %parallel_loop3A_880 = tpu.vector_load %arg6[%parallel_loop3A_877, %parallel_loop3A_878, %parallel_loop3A_879] {strides = array<i32>} : memref<4x32x768xf32, #tpu.memory_space<vmem>>, vector<1x1x16xf32>,
        %parallel_loop3A_881 = vector.shape_cast %parallel_loop3A_880 : vector<1x1x16xf32> to vector<16xf32>
        %parallel_loop3A_882 = vector.shape_cast %parallel_loop3A_875 : vector<16xf32> to vector<1x1x16xf32>
        tpu.vector_store %arg6[%parallel_loop3A_877, %parallel_loop3A_878, %parallel_loop3A_879], %parallel_loop3A_882 {strides = array<i32>} : memref<4x32x768xf32, #tpu.memory_space<vmem>>, vector<1x1x16xf32>,
        %parallel_loop3A_883 = arith.constant 0 : i32
        %parallel_loop3A_884 = arith.index_cast %parallel_loop3A_883 : i32 to index
        %parallel_loop3A_885 = arith.index_cast %parallel_loop3A_306 : i32 to index
        %parallel_loop3A_886 = arith.constant 576 : index
        %parallel_loop3A_887 = tpu.vector_load %arg6[%parallel_loop3A_884, %parallel_loop3A_885, %parallel_loop3A_886] {strides = array<i32>} : memref<4x32x768xf32, #tpu.memory_space<vmem>>, vector<1x1x16xf32>,
        %parallel_loop3A_888 = vector.shape_cast %parallel_loop3A_887 : vector<1x1x16xf32> to vector<16xf32>
        %parallel_loop3A_889 = arith.constant 27.7128124 : f32
        %parallel_loop3A_890 = vector.broadcast %parallel_loop3A_889 : f32 to vector<16xf32>
        %parallel_loop3A_891 = arith.mulf %parallel_loop3A_888, %parallel_loop3A_890 : vector<16xf32>
        %parallel_loop3A_892 = arith.constant 0 : i32
        %parallel_loop3A_893 = arith.index_cast %parallel_loop3A_892 : i32 to index
        %parallel_loop3A_894 = arith.index_cast %parallel_loop3A_306 : i32 to index
        %parallel_loop3A_895 = arith.constant 576 : index
        %parallel_loop3A_896 = tpu.vector_load %arg6[%parallel_loop3A_893, %parallel_loop3A_894, %parallel_loop3A_895] {strides = array<i32>} : memref<4x32x768xf32, #tpu.memory_space<vmem>>, vector<1x1x16xf32>,
        %parallel_loop3A_897 = vector.shape_cast %parallel_loop3A_896 : vector<1x1x16xf32> to vector<16xf32>
        %parallel_loop3A_898 = vector.shape_cast %parallel_loop3A_891 : vector<16xf32> to vector<1x1x16xf32>
        tpu.vector_store %arg6[%parallel_loop3A_893, %parallel_loop3A_894, %parallel_loop3A_895], %parallel_loop3A_898 {strides = array<i32>} : memref<4x32x768xf32, #tpu.memory_space<vmem>>, vector<1x1x16xf32>,
        %parallel_loop3A_899 = arith.constant 0 : i32
        %parallel_loop3A_900 = arith.index_cast %parallel_loop3A_899 : i32 to index
        %parallel_loop3A_901 = arith.index_cast %parallel_loop3A_306 : i32 to index
        %parallel_loop3A_902 = arith.constant 592 : index
        %parallel_loop3A_903 = tpu.vector_load %arg6[%parallel_loop3A_900, %parallel_loop3A_901, %parallel_loop3A_902] {strides = array<i32>} : memref<4x32x768xf32, #tpu.memory_space<vmem>>, vector<1x1x16xf32>,
        %parallel_loop3A_904 = vector.shape_cast %parallel_loop3A_903 : vector<1x1x16xf32> to vector<16xf32>
        %parallel_loop3A_905 = arith.constant 27.7128124 : f32
        %parallel_loop3A_906 = vector.broadcast %parallel_loop3A_905 : f32 to vector<16xf32>
        %parallel_loop3A_907 = arith.mulf %parallel_loop3A_904, %parallel_loop3A_906 : vector<16xf32>
        %parallel_loop3A_908 = arith.constant 0 : i32
        %parallel_loop3A_909 = arith.index_cast %parallel_loop3A_908 : i32 to index
        %parallel_loop3A_910 = arith.index_cast %parallel_loop3A_306 : i32 to index
        %parallel_loop3A_911 = arith.constant 592 : index
        %parallel_loop3A_912 = tpu.vector_load %arg6[%parallel_loop3A_909, %parallel_loop3A_910, %parallel_loop3A_911] {strides = array<i32>} : memref<4x32x768xf32, #tpu.memory_space<vmem>>, vector<1x1x16xf32>,
        %parallel_loop3A_913 = vector.shape_cast %parallel_loop3A_912 : vector<1x1x16xf32> to vector<16xf32>
        %parallel_loop3A_914 = vector.shape_cast %parallel_loop3A_907 : vector<16xf32> to vector<1x1x16xf32>
        tpu.vector_store %arg6[%parallel_loop3A_909, %parallel_loop3A_910, %parallel_loop3A_911], %parallel_loop3A_914 {strides = array<i32>} : memref<4x32x768xf32, #tpu.memory_space<vmem>>, vector<1x1x16xf32>,
        %parallel_loop3A_915 = arith.constant 0 : i32
        %parallel_loop3A_916 = arith.index_cast %parallel_loop3A_915 : i32 to index
        %parallel_loop3A_917 = arith.index_cast %parallel_loop3A_306 : i32 to index
        %parallel_loop3A_918 = arith.constant 608 : index
        %parallel_loop3A_919 = tpu.vector_load %arg6[%parallel_loop3A_916, %parallel_loop3A_917, %parallel_loop3A_918] {strides = array<i32>} : memref<4x32x768xf32, #tpu.memory_space<vmem>>, vector<1x1x16xf32>,
        %parallel_loop3A_920 = vector.shape_cast %parallel_loop3A_919 : vector<1x1x16xf32> to vector<16xf32>
        %parallel_loop3A_921 = arith.constant 27.7128124 : f32
        %parallel_loop3A_922 = vector.broadcast %parallel_loop3A_921 : f32 to vector<16xf32>
        %parallel_loop3A_923 = arith.mulf %parallel_loop3A_920, %parallel_loop3A_922 : vector<16xf32>
        %parallel_loop3A_924 = arith.constant 0 : i32
        %parallel_loop3A_925 = arith.index_cast %parallel_loop3A_924 : i32 to index
        %parallel_loop3A_926 = arith.index_cast %parallel_loop3A_306 : i32 to index
        %parallel_loop3A_927 = arith.constant 608 : index
        %parallel_loop3A_928 = tpu.vector_load %arg6[%parallel_loop3A_925, %parallel_loop3A_926, %parallel_loop3A_927] {strides = array<i32>} : memref<4x32x768xf32, #tpu.memory_space<vmem>>, vector<1x1x16xf32>,
        %parallel_loop3A_929 = vector.shape_cast %parallel_loop3A_928 : vector<1x1x16xf32> to vector<16xf32>
        %parallel_loop3A_930 = vector.shape_cast %parallel_loop3A_923 : vector<16xf32> to vector<1x1x16xf32>
        tpu.vector_store %arg6[%parallel_loop3A_925, %parallel_loop3A_926, %parallel_loop3A_927], %parallel_loop3A_930 {strides = array<i32>} : memref<4x32x768xf32, #tpu.memory_space<vmem>>, vector<1x1x16xf32>,
        %parallel_loop3A_931 = arith.constant 0 : i32
        %parallel_loop3A_932 = arith.index_cast %parallel_loop3A_931 : i32 to index
        %parallel_loop3A_933 = arith.index_cast %parallel_loop3A_306 : i32 to index
        %parallel_loop3A_934 = arith.constant 624 : index
        %parallel_loop3A_935 = tpu.vector_load %arg6[%parallel_loop3A_932, %parallel_loop3A_933, %parallel_loop3A_934] {strides = array<i32>} : memref<4x32x768xf32, #tpu.memory_space<vmem>>, vector<1x1x16xf32>,
        %parallel_loop3A_936 = vector.shape_cast %parallel_loop3A_935 : vector<1x1x16xf32> to vector<16xf32>
        %parallel_loop3A_937 = arith.constant 27.7128124 : f32
        %parallel_loop3A_938 = vector.broadcast %parallel_loop3A_937 : f32 to vector<16xf32>
        %parallel_loop3A_939 = arith.mulf %parallel_loop3A_936, %parallel_loop3A_938 : vector<16xf32>
        %parallel_loop3A_940 = arith.constant 0 : i32
        %parallel_loop3A_941 = arith.index_cast %parallel_loop3A_940 : i32 to index
        %parallel_loop3A_942 = arith.index_cast %parallel_loop3A_306 : i32 to index
        %parallel_loop3A_943 = arith.constant 624 : index
        %parallel_loop3A_944 = tpu.vector_load %arg6[%parallel_loop3A_941, %parallel_loop3A_942, %parallel_loop3A_943] {strides = array<i32>} : memref<4x32x768xf32, #tpu.memory_space<vmem>>, vector<1x1x16xf32>,
        %parallel_loop3A_945 = vector.shape_cast %parallel_loop3A_944 : vector<1x1x16xf32> to vector<16xf32>
        %parallel_loop3A_946 = vector.shape_cast %parallel_loop3A_939 : vector<16xf32> to vector<1x1x16xf32>
        tpu.vector_store %arg6[%parallel_loop3A_941, %parallel_loop3A_942, %parallel_loop3A_943], %parallel_loop3A_946 {strides = array<i32>} : memref<4x32x768xf32, #tpu.memory_space<vmem>>, vector<1x1x16xf32>,
        %parallel_loop3A_947 = arith.constant 0 : i32
        %parallel_loop3A_948 = arith.index_cast %parallel_loop3A_947 : i32 to index
        %parallel_loop3A_949 = arith.index_cast %parallel_loop3A_306 : i32 to index
        %parallel_loop3A_950 = arith.constant 640 : index
        %parallel_loop3A_951 = tpu.vector_load %arg6[%parallel_loop3A_948, %parallel_loop3A_949, %parallel_loop3A_950] {strides = array<i32>} : memref<4x32x768xf32, #tpu.memory_space<vmem>>, vector<1x1x16xf32>,
        %parallel_loop3A_952 = vector.shape_cast %parallel_loop3A_951 : vector<1x1x16xf32> to vector<16xf32>
        %parallel_loop3A_953 = arith.constant 27.7128124 : f32
        %parallel_loop3A_954 = vector.broadcast %parallel_loop3A_953 : f32 to vector<16xf32>
        %parallel_loop3A_955 = arith.mulf %parallel_loop3A_952, %parallel_loop3A_954 : vector<16xf32>
        %parallel_loop3A_956 = arith.constant 0 : i32
        %parallel_loop3A_957 = arith.index_cast %parallel_loop3A_956 : i32 to index
        %parallel_loop3A_958 = arith.index_cast %parallel_loop3A_306 : i32 to index
        %parallel_loop3A_959 = arith.constant 640 : index
        %parallel_loop3A_960 = tpu.vector_load %arg6[%parallel_loop3A_957, %parallel_loop3A_958, %parallel_loop3A_959] {strides = array<i32>} : memref<4x32x768xf32, #tpu.memory_space<vmem>>, vector<1x1x16xf32>,
        %parallel_loop3A_961 = vector.shape_cast %parallel_loop3A_960 : vector<1x1x16xf32> to vector<16xf32>
        %parallel_loop3A_962 = vector.shape_cast %parallel_loop3A_955 : vector<16xf32> to vector<1x1x16xf32>
        tpu.vector_store %arg6[%parallel_loop3A_957, %parallel_loop3A_958, %parallel_loop3A_959], %parallel_loop3A_962 {strides = array<i32>} : memref<4x32x768xf32, #tpu.memory_space<vmem>>, vector<1x1x16xf32>,
        %parallel_loop3A_963 = arith.constant 0 : i32
        %parallel_loop3A_964 = arith.index_cast %parallel_loop3A_963 : i32 to index
        %parallel_loop3A_965 = arith.index_cast %parallel_loop3A_306 : i32 to index
        %parallel_loop3A_966 = arith.constant 656 : index
        %parallel_loop3A_967 = tpu.vector_load %arg6[%parallel_loop3A_964, %parallel_loop3A_965, %parallel_loop3A_966] {strides = array<i32>} : memref<4x32x768xf32, #tpu.memory_space<vmem>>, vector<1x1x16xf32>,
        %parallel_loop3A_968 = vector.shape_cast %parallel_loop3A_967 : vector<1x1x16xf32> to vector<16xf32>
        %parallel_loop3A_969 = arith.constant 27.7128124 : f32
        %parallel_loop3A_970 = vector.broadcast %parallel_loop3A_969 : f32 to vector<16xf32>
        %parallel_loop3A_971 = arith.mulf %parallel_loop3A_968, %parallel_loop3A_970 : vector<16xf32>
        %parallel_loop3A_972 = arith.constant 0 : i32
        %parallel_loop3A_973 = arith.index_cast %parallel_loop3A_972 : i32 to index
        %parallel_loop3A_974 = arith.index_cast %parallel_loop3A_306 : i32 to index
        %parallel_loop3A_975 = arith.constant 656 : index
        %parallel_loop3A_976 = tpu.vector_load %arg6[%parallel_loop3A_973, %parallel_loop3A_974, %parallel_loop3A_975] {strides = array<i32>} : memref<4x32x768xf32, #tpu.memory_space<vmem>>, vector<1x1x16xf32>,
        %parallel_loop3A_977 = vector.shape_cast %parallel_loop3A_976 : vector<1x1x16xf32> to vector<16xf32>
        %parallel_loop3A_978 = vector.shape_cast %parallel_loop3A_971 : vector<16xf32> to vector<1x1x16xf32>
        tpu.vector_store %arg6[%parallel_loop3A_973, %parallel_loop3A_974, %parallel_loop3A_975], %parallel_loop3A_978 {strides = array<i32>} : memref<4x32x768xf32, #tpu.memory_space<vmem>>, vector<1x1x16xf32>,
        %parallel_loop3A_979 = arith.constant 0 : i32
        %parallel_loop3A_980 = arith.index_cast %parallel_loop3A_979 : i32 to index
        %parallel_loop3A_981 = arith.index_cast %parallel_loop3A_306 : i32 to index
        %parallel_loop3A_982 = arith.constant 672 : index
        %parallel_loop3A_983 = tpu.vector_load %arg6[%parallel_loop3A_980, %parallel_loop3A_981, %parallel_loop3A_982] {strides = array<i32>} : memref<4x32x768xf32, #tpu.memory_space<vmem>>, vector<1x1x16xf32>,
        %parallel_loop3A_984 = vector.shape_cast %parallel_loop3A_983 : vector<1x1x16xf32> to vector<16xf32>
        %parallel_loop3A_985 = arith.constant 27.7128124 : f32
        %parallel_loop3A_986 = vector.broadcast %parallel_loop3A_985 : f32 to vector<16xf32>
        %parallel_loop3A_987 = arith.mulf %parallel_loop3A_984, %parallel_loop3A_986 : vector<16xf32>
        %parallel_loop3A_988 = arith.constant 0 : i32
        %parallel_loop3A_989 = arith.index_cast %parallel_loop3A_988 : i32 to index
        %parallel_loop3A_990 = arith.index_cast %parallel_loop3A_306 : i32 to index
        %parallel_loop3A_991 = arith.constant 672 : index
        %parallel_loop3A_992 = tpu.vector_load %arg6[%parallel_loop3A_989, %parallel_loop3A_990, %parallel_loop3A_991] {strides = array<i32>} : memref<4x32x768xf32, #tpu.memory_space<vmem>>, vector<1x1x16xf32>,
        %parallel_loop3A_993 = vector.shape_cast %parallel_loop3A_992 : vector<1x1x16xf32> to vector<16xf32>
        %parallel_loop3A_994 = vector.shape_cast %parallel_loop3A_987 : vector<16xf32> to vector<1x1x16xf32>
        tpu.vector_store %arg6[%parallel_loop3A_989, %parallel_loop3A_990, %parallel_loop3A_991], %parallel_loop3A_994 {strides = array<i32>} : memref<4x32x768xf32, #tpu.memory_space<vmem>>, vector<1x1x16xf32>,
        %parallel_loop3A_995 = arith.constant 0 : i32
        %parallel_loop3A_996 = arith.index_cast %parallel_loop3A_995 : i32 to index
        %parallel_loop3A_997 = arith.index_cast %parallel_loop3A_306 : i32 to index
        %parallel_loop3A_998 = arith.constant 688 : index
        %parallel_loop3A_999 = tpu.vector_load %arg6[%parallel_loop3A_996, %parallel_loop3A_997, %parallel_loop3A_998] {strides = array<i32>} : memref<4x32x768xf32, #tpu.memory_space<vmem>>, vector<1x1x16xf32>,
        %parallel_loop3A_1000 = vector.shape_cast %parallel_loop3A_999 : vector<1x1x16xf32> to vector<16xf32>
        %parallel_loop3A_1001 = arith.constant 27.7128124 : f32
        %parallel_loop3A_1002 = vector.broadcast %parallel_loop3A_1001 : f32 to vector<16xf32>
        %parallel_loop3A_1003 = arith.mulf %parallel_loop3A_1000, %parallel_loop3A_1002 : vector<16xf32>
        %parallel_loop3A_1004 = arith.constant 0 : i32
        %parallel_loop3A_1005 = arith.index_cast %parallel_loop3A_1004 : i32 to index
        %parallel_loop3A_1006 = arith.index_cast %parallel_loop3A_306 : i32 to index
        %parallel_loop3A_1007 = arith.constant 688 : index
        %parallel_loop3A_1008 = tpu.vector_load %arg6[%parallel_loop3A_1005, %parallel_loop3A_1006, %parallel_loop3A_1007] {strides = array<i32>} : memref<4x32x768xf32, #tpu.memory_space<vmem>>, vector<1x1x16xf32>,
        %parallel_loop3A_1009 = vector.shape_cast %parallel_loop3A_1008 : vector<1x1x16xf32> to vector<16xf32>
        %parallel_loop3A_1010 = vector.shape_cast %parallel_loop3A_1003 : vector<16xf32> to vector<1x1x16xf32>
        tpu.vector_store %arg6[%parallel_loop3A_1005, %parallel_loop3A_1006, %parallel_loop3A_1007], %parallel_loop3A_1010 {strides = array<i32>} : memref<4x32x768xf32, #tpu.memory_space<vmem>>, vector<1x1x16xf32>,
        %parallel_loop3A_1011 = arith.constant 0 : i32
        %parallel_loop3A_1012 = arith.index_cast %parallel_loop3A_1011 : i32 to index
        %parallel_loop3A_1013 = arith.index_cast %parallel_loop3A_306 : i32 to index
        %parallel_loop3A_1014 = arith.constant 704 : index
        %parallel_loop3A_1015 = tpu.vector_load %arg6[%parallel_loop3A_1012, %parallel_loop3A_1013, %parallel_loop3A_1014] {strides = array<i32>} : memref<4x32x768xf32, #tpu.memory_space<vmem>>, vector<1x1x16xf32>,
        %parallel_loop3A_1016 = vector.shape_cast %parallel_loop3A_1015 : vector<1x1x16xf32> to vector<16xf32>
        %parallel_loop3A_1017 = arith.constant 27.7128124 : f32
        %parallel_loop3A_1018 = vector.broadcast %parallel_loop3A_1017 : f32 to vector<16xf32>
        %parallel_loop3A_1019 = arith.mulf %parallel_loop3A_1016, %parallel_loop3A_1018 : vector<16xf32>
        %parallel_loop3A_1020 = arith.constant 0 : i32
        %parallel_loop3A_1021 = arith.index_cast %parallel_loop3A_1020 : i32 to index
        %parallel_loop3A_1022 = arith.index_cast %parallel_loop3A_306 : i32 to index
        %parallel_loop3A_1023 = arith.constant 704 : index
        %parallel_loop3A_1024 = tpu.vector_load %arg6[%parallel_loop3A_1021, %parallel_loop3A_1022, %parallel_loop3A_1023] {strides = array<i32>} : memref<4x32x768xf32, #tpu.memory_space<vmem>>, vector<1x1x16xf32>,
        %parallel_loop3A_1025 = vector.shape_cast %parallel_loop3A_1024 : vector<1x1x16xf32> to vector<16xf32>
        %parallel_loop3A_1026 = vector.shape_cast %parallel_loop3A_1019 : vector<16xf32> to vector<1x1x16xf32>
        tpu.vector_store %arg6[%parallel_loop3A_1021, %parallel_loop3A_1022, %parallel_loop3A_1023], %parallel_loop3A_1026 {strides = array<i32>} : memref<4x32x768xf32, #tpu.memory_space<vmem>>, vector<1x1x16xf32>,
        %parallel_loop3A_1027 = arith.constant 0 : i32
        %parallel_loop3A_1028 = arith.index_cast %parallel_loop3A_1027 : i32 to index
        %parallel_loop3A_1029 = arith.index_cast %parallel_loop3A_306 : i32 to index
        %parallel_loop3A_1030 = arith.constant 720 : index
        %parallel_loop3A_1031 = tpu.vector_load %arg6[%parallel_loop3A_1028, %parallel_loop3A_1029, %parallel_loop3A_1030] {strides = array<i32>} : memref<4x32x768xf32, #tpu.memory_space<vmem>>, vector<1x1x16xf32>,
        %parallel_loop3A_1032 = vector.shape_cast %parallel_loop3A_1031 : vector<1x1x16xf32> to vector<16xf32>
        %parallel_loop3A_1033 = arith.constant 27.7128124 : f32
        %parallel_loop3A_1034 = vector.broadcast %parallel_loop3A_1033 : f32 to vector<16xf32>
        %parallel_loop3A_1035 = arith.mulf %parallel_loop3A_1032, %parallel_loop3A_1034 : vector<16xf32>
        %parallel_loop3A_1036 = arith.constant 0 : i32
        %parallel_loop3A_1037 = arith.index_cast %parallel_loop3A_1036 : i32 to index
        %parallel_loop3A_1038 = arith.index_cast %parallel_loop3A_306 : i32 to index
        %parallel_loop3A_1039 = arith.constant 720 : index
        %parallel_loop3A_1040 = tpu.vector_load %arg6[%parallel_loop3A_1037, %parallel_loop3A_1038, %parallel_loop3A_1039] {strides = array<i32>} : memref<4x32x768xf32, #tpu.memory_space<vmem>>, vector<1x1x16xf32>,
        %parallel_loop3A_1041 = vector.shape_cast %parallel_loop3A_1040 : vector<1x1x16xf32> to vector<16xf32>
        %parallel_loop3A_1042 = vector.shape_cast %parallel_loop3A_1035 : vector<16xf32> to vector<1x1x16xf32>
        tpu.vector_store %arg6[%parallel_loop3A_1037, %parallel_loop3A_1038, %parallel_loop3A_1039], %parallel_loop3A_1042 {strides = array<i32>} : memref<4x32x768xf32, #tpu.memory_space<vmem>>, vector<1x1x16xf32>,
        %parallel_loop3A_1043 = arith.constant 0 : i32
        %parallel_loop3A_1044 = arith.index_cast %parallel_loop3A_1043 : i32 to index
        %parallel_loop3A_1045 = arith.index_cast %parallel_loop3A_306 : i32 to index
        %parallel_loop3A_1046 = arith.constant 736 : index
        %parallel_loop3A_1047 = tpu.vector_load %arg6[%parallel_loop3A_1044, %parallel_loop3A_1045, %parallel_loop3A_1046] {strides = array<i32>} : memref<4x32x768xf32, #tpu.memory_space<vmem>>, vector<1x1x16xf32>,
        %parallel_loop3A_1048 = vector.shape_cast %parallel_loop3A_1047 : vector<1x1x16xf32> to vector<16xf32>
        %parallel_loop3A_1049 = arith.constant 27.7128124 : f32
        %parallel_loop3A_1050 = vector.broadcast %parallel_loop3A_1049 : f32 to vector<16xf32>
        %parallel_loop3A_1051 = arith.mulf %parallel_loop3A_1048, %parallel_loop3A_1050 : vector<16xf32>
        %parallel_loop3A_1052 = arith.constant 0 : i32
        %parallel_loop3A_1053 = arith.index_cast %parallel_loop3A_1052 : i32 to index
        %parallel_loop3A_1054 = arith.index_cast %parallel_loop3A_306 : i32 to index
        %parallel_loop3A_1055 = arith.constant 736 : index
        %parallel_loop3A_1056 = tpu.vector_load %arg6[%parallel_loop3A_1053, %parallel_loop3A_1054, %parallel_loop3A_1055] {strides = array<i32>} : memref<4x32x768xf32, #tpu.memory_space<vmem>>, vector<1x1x16xf32>,
        %parallel_loop3A_1057 = vector.shape_cast %parallel_loop3A_1056 : vector<1x1x16xf32> to vector<16xf32>
        %parallel_loop3A_1058 = vector.shape_cast %parallel_loop3A_1051 : vector<16xf32> to vector<1x1x16xf32>
        tpu.vector_store %arg6[%parallel_loop3A_1053, %parallel_loop3A_1054, %parallel_loop3A_1055], %parallel_loop3A_1058 {strides = array<i32>} : memref<4x32x768xf32, #tpu.memory_space<vmem>>, vector<1x1x16xf32>,
        %parallel_loop3A_1059 = arith.constant 0 : i32
        %parallel_loop3A_1060 = arith.index_cast %parallel_loop3A_1059 : i32 to index
        %parallel_loop3A_1061 = arith.index_cast %parallel_loop3A_306 : i32 to index
        %parallel_loop3A_1062 = arith.constant 752 : index
        %parallel_loop3A_1063 = tpu.vector_load %arg6[%parallel_loop3A_1060, %parallel_loop3A_1061, %parallel_loop3A_1062] {strides = array<i32>} : memref<4x32x768xf32, #tpu.memory_space<vmem>>, vector<1x1x16xf32>,
        %parallel_loop3A_1064 = vector.shape_cast %parallel_loop3A_1063 : vector<1x1x16xf32> to vector<16xf32>
        %parallel_loop3A_1065 = arith.constant 27.7128124 : f32
        %parallel_loop3A_1066 = vector.broadcast %parallel_loop3A_1065 : f32 to vector<16xf32>
        %parallel_loop3A_1067 = arith.mulf %parallel_loop3A_1064, %parallel_loop3A_1066 : vector<16xf32>
        %parallel_loop3A_1068 = arith.constant 0 : i32
        %parallel_loop3A_1069 = arith.index_cast %parallel_loop3A_1068 : i32 to index
        %parallel_loop3A_1070 = arith.index_cast %parallel_loop3A_306 : i32 to index
        %parallel_loop3A_1071 = arith.constant 752 : index
        %parallel_loop3A_1072 = tpu.vector_load %arg6[%parallel_loop3A_1069, %parallel_loop3A_1070, %parallel_loop3A_1071] {strides = array<i32>} : memref<4x32x768xf32, #tpu.memory_space<vmem>>, vector<1x1x16xf32>,
        %parallel_loop3A_1073 = vector.shape_cast %parallel_loop3A_1072 : vector<1x1x16xf32> to vector<16xf32>
        %parallel_loop3A_1074 = vector.shape_cast %parallel_loop3A_1067 : vector<16xf32> to vector<1x1x16xf32>
        tpu.vector_store %arg6[%parallel_loop3A_1069, %parallel_loop3A_1070, %parallel_loop3A_1071], %parallel_loop3A_1074 {strides = array<i32>} : memref<4x32x768xf32, #tpu.memory_space<vmem>>, vector<1x1x16xf32>,
      } {sc.loop_unroll_factor = 1 : i64, sc.parallel_access}
      %mul3A_122 = arith.constant 32 : i32
      %mul3A_123 = arith.muli %add3A_91, %mul3A_122 : i32
      %add3A_124 = arith.addi %mul3A_2, %mul3A_123 : i32
      %dma_start3A_125 = arith.constant 0 : i32
      %dma_start3A_126 = arith.constant 0 : i32
      %dma_start3A_127 = arith.constant 0 : i32
      %dma_start3A_128 = tpu.memref_slice %arg6[%dma_start3A_125, %dma_start3A_126, %dma_start3A_127] : memref<4x32x768xf32, #tpu.memory_space<vmem>> -> memref<1x32x768xf32, #tpu.memory_space<vmem>>
      %dma_start3A_129 = tpu.memref_squeeze %dma_start3A_128 : memref<1x32x768xf32, #tpu.memory_space<vmem>> -> memref<32x768xf32, #tpu.memory_space<vmem>>
      %dma_start3A_130 = arith.constant 0 : i32
      %dma_start3A_131 = tpu.memref_slice %arg4[%add3A_124, %dma_start3A_130] : memref<16384x768xf32, #tpu.memory_space<hbm>> -> memref<32x768xf32, #tpu.memory_space<hbm>>
      %dma_start3A_132 = arith.constant 0 : i32
      %dma_start3A_133 = tpu.memref_slice %arg4[%add3A_124, %dma_start3A_132] : memref<16384x768xf32, #tpu.memory_space<hbm>> -> memref<32x768xf32, #tpu.memory_space<hbm>>
      %dma_start3A_134 = arith.constant 0 : i32
      %dma_start3A_135 = arith.constant 0 : i32
      %dma_start3A_136 = tpu.memref_slice %arg6[%dma_start3A_125, %dma_start3A_134, %dma_start3A_135] : memref<4x32x768xf32, #tpu.memory_space<vmem>> -> memref<1x32x768xf32, #tpu.memory_space<vmem>>
      %dma_start3A_137 = tpu.memref_squeeze %dma_start3A_136 : memref<1x32x768xf32, #tpu.memory_space<vmem>> -> memref<32x768xf32, #tpu.memory_space<vmem>>
      tpu.enqueue_dma source(%dma_start3A_137 : memref<32x768xf32, #tpu.memory_space<vmem>>) target(%dma_start3A_133 : memref<32x768xf32, #tpu.memory_space<hbm>>) target_semaphore(%arg11 : memref<!tpu.dma_semaphore, #tpu.memory_space<semaphore_mem>>)
      %mul3A_138 = arith.constant 4 : i32
      %mul3A_139 = arith.muli %scan3A_87, %mul3A_138 : i32
      %add3A_140 = arith.constant 1 : i32
      %add3A_141 = arith.addi %mul3A_139, %add3A_140 : i32
      %mul3A_142 = arith.constant 32 : i32
      %mul3A_143 = arith.muli %add3A_141, %mul3A_142 : i32
      %dma_wait3A_144 = arith.constant 1 : i32
      %dma_wait3A_145 = arith.constant 0 : i32
      %dma_wait3A_146 = arith.constant 0 : i32
      %dma_wait3A_147 = tpu.memref_slice %arg6[%dma_wait3A_144, %dma_wait3A_145, %dma_wait3A_146] : memref<4x32x768xf32, #tpu.memory_space<vmem>> -> memref<1x32x768xf32, #tpu.memory_space<vmem>>
      %dma_wait3A_148 = tpu.memref_squeeze %dma_wait3A_147 : memref<1x32x768xf32, #tpu.memory_space<vmem>> -> memref<32x768xf32, #tpu.memory_space<vmem>>
      %dma_wait3A_149 = tpu.memref_slice %arg5[%mul3A_143] : memref<512xi32, #tpu.memory_space<vmem>> -> memref<32xi32, #tpu.memory_space<vmem>>
      %dma_wait3A_150 = arith.constant 0 : i32
      %dma_wait3A_151 = arith.constant 0 : i32
      %dma_wait3A_152 = tpu.memref_slice %arg2[%dma_wait3A_150, %dma_wait3A_151] : memref<100000x768xf32, #tpu.memory_space<hbm>> -> memref<100000x768xf32, #tpu.memory_space<hbm>>
      tpu.wait_indirect_dma semaphore(%arg8 : memref<!tpu.dma_semaphore, #tpu.memory_space<semaphore_mem>>) src(%dma_wait3A_152 : memref<100000x768xf32, #tpu.memory_space<hbm>>) dst(%dma_wait3A_148 : memref<32x768xf32, #tpu.memory_space<vmem>>)
      %gt3A_153 = arith.constant 0 : i32
      %gt3A_154 = arith.cmpi sgt, %scan3A_87, %gt3A_153 : i32
      %convert_element_type3A_155 = arith.extui %gt3A_154 : i1 to i32
      %cond3A_156 = arith.constant 0 : i32
      %cond3A_157 = arith.cmpi ne, %convert_element_type3A_155, %cond3A_156 : i32
      scf.if %cond3A_157 {
        %sub3A_306 = arith.constant 2 : i32
        %sub3A_307 = arith.subi %add3A_141, %sub3A_306 : i32
        %mul3A_308 = arith.constant 32 : i32
        %mul3A_309 = arith.muli %sub3A_307, %mul3A_308 : i32
        %add3A_310 = arith.addi %mul3A_2, %mul3A_309 : i32
        %dma_wait3A_311 = arith.constant 3 : i32
        %dma_wait3A_312 = arith.constant 0 : i32
        %dma_wait3A_313 = arith.constant 0 : i32
        %dma_wait3A_314 = tpu.memref_slice %arg6[%dma_wait3A_311, %dma_wait3A_312, %dma_wait3A_313] : memref<4x32x768xf32, #tpu.memory_space<vmem>> -> memref<1x32x768xf32, #tpu.memory_space<vmem>>
        %dma_wait3A_315 = tpu.memref_squeeze %dma_wait3A_314 : memref<1x32x768xf32, #tpu.memory_space<vmem>> -> memref<32x768xf32, #tpu.memory_space<vmem>>
        %dma_wait3A_316 = arith.constant 0 : i32
        %dma_wait3A_317 = tpu.memref_slice %arg4[%add3A_310, %dma_wait3A_316] : memref<16384x768xf32, #tpu.memory_space<hbm>> -> memref<32x768xf32, #tpu.memory_space<hbm>>
        %dma_wait3A_318 = arith.constant 0 : i32
        %dma_wait3A_319 = tpu.memref_slice %arg4[%add3A_310, %dma_wait3A_318] : memref<16384x768xf32, #tpu.memory_space<hbm>> -> memref<32x768xf32, #tpu.memory_space<hbm>>
        %dma_wait3A_320 = arith.constant 0 : i32
        %dma_wait3A_321 = arith.constant 0 : i32
        %dma_wait3A_322 = tpu.memref_slice %arg6[%dma_wait3A_311, %dma_wait3A_320, %dma_wait3A_321] : memref<4x32x768xf32, #tpu.memory_space<vmem>> -> memref<1x32x768xf32, #tpu.memory_space<vmem>>
        %dma_wait3A_323 = tpu.memref_squeeze %dma_wait3A_322 : memref<1x32x768xf32, #tpu.memory_space<vmem>> -> memref<32x768xf32, #tpu.memory_space<vmem>>
        tpu.wait_dma2 semaphore(%arg14 : memref<!tpu.dma_semaphore, #tpu.memory_space<semaphore_mem>>) src(%dma_wait3A_323 : memref<32x768xf32, #tpu.memory_space<vmem>>) dst(%dma_wait3A_319 : memref<32x768xf32, #tpu.memory_space<hbm>>)
      } else {
      }
      %add3A_158 = arith.constant 4 : i32
      %add3A_159 = arith.addi %add3A_141, %add3A_158 : i32
      %sub3A_160 = arith.constant 2 : i32
      %sub3A_161 = arith.subi %add3A_159, %sub3A_160 : i32
      %mul3A_162 = arith.constant 32 : i32
      %mul3A_163 = arith.muli %sub3A_161, %mul3A_162 : i32
      %dma_start3A_164 = arith.constant 3 : i32
      %dma_start3A_165 = arith.constant 0 : i32
      %dma_start3A_166 = arith.constant 0 : i32
      %dma_start3A_167 = tpu.memref_slice %arg6[%dma_start3A_164, %dma_start3A_165, %dma_start3A_166] : memref<4x32x768xf32, #tpu.memory_space<vmem>> -> memref<1x32x768xf32, #tpu.memory_space<vmem>>
      %dma_start3A_168 = tpu.memref_squeeze %dma_start3A_167 : memref<1x32x768xf32, #tpu.memory_space<vmem>> -> memref<32x768xf32, #tpu.memory_space<vmem>>
      %dma_start3A_169 = tpu.memref_slice %arg5[%mul3A_163] : memref<512xi32, #tpu.memory_space<vmem>> -> memref<32xi32, #tpu.memory_space<vmem>>
      %dma_start3A_170 = arith.constant 0 : i32
      %dma_start3A_171 = arith.constant 0 : i32
      %dma_start3A_172 = tpu.memref_slice %arg2[%dma_start3A_170, %dma_start3A_171] : memref<100000x768xf32, #tpu.memory_space<hbm>> -> memref<100000x768xf32, #tpu.memory_space<hbm>>
      tpu.enqueue_indirect_dma source(%dma_start3A_172 : memref<100000x768xf32, #tpu.memory_space<hbm>>) target(%dma_start3A_168 : memref<32x768xf32, #tpu.memory_space<vmem>>) offsets(%dma_start3A_169 : memref<32xi32, #tpu.memory_space<vmem>>) semaphore(%arg10 : memref<!tpu.dma_semaphore, #tpu.memory_space<semaphore_mem>>)
      %parallel_loop3A_173 = arith.constant 0 : i32
      %parallel_loop3A_174 = arith.constant 32 : i32
      %parallel_loop3A_175 = arith.constant 1 : i32
      scf.for %parallel_loop3A_306 = %parallel_loop3A_173 to %parallel_loop3A_174 step %parallel_loop3A_175  : i32 {
        %parallel_loop3A_307 = arith.constant 1 : i32
        %parallel_loop3A_308 = arith.index_cast %parallel_loop3A_307 : i32 to index
        %parallel_loop3A_309 = arith.index_cast %parallel_loop3A_306 : i32 to index
        %parallel_loop3A_310 = arith.constant 0 : index
        %parallel_loop3A_311 = tpu.vector_load %arg6[%parallel_loop3A_308, %parallel_loop3A_309, %parallel_loop3A_310] {strides = array<i32>} : memref<4x32x768xf32, #tpu.memory_space<vmem>>, vector<1x1x16xf32>,
        %parallel_loop3A_312 = vector.shape_cast %parallel_loop3A_311 : vector<1x1x16xf32> to vector<16xf32>
        %parallel_loop3A_313 = arith.constant 27.7128124 : f32
        %parallel_loop3A_314 = vector.broadcast %parallel_loop3A_313 : f32 to vector<16xf32>
        %parallel_loop3A_315 = arith.mulf %parallel_loop3A_312, %parallel_loop3A_314 : vector<16xf32>
        %parallel_loop3A_316 = arith.constant 1 : i32
        %parallel_loop3A_317 = arith.index_cast %parallel_loop3A_316 : i32 to index
        %parallel_loop3A_318 = arith.index_cast %parallel_loop3A_306 : i32 to index
        %parallel_loop3A_319 = arith.constant 0 : index
        %parallel_loop3A_320 = tpu.vector_load %arg6[%parallel_loop3A_317, %parallel_loop3A_318, %parallel_loop3A_319] {strides = array<i32>} : memref<4x32x768xf32, #tpu.memory_space<vmem>>, vector<1x1x16xf32>,
        %parallel_loop3A_321 = vector.shape_cast %parallel_loop3A_320 : vector<1x1x16xf32> to vector<16xf32>
        %parallel_loop3A_322 = vector.shape_cast %parallel_loop3A_315 : vector<16xf32> to vector<1x1x16xf32>
        tpu.vector_store %arg6[%parallel_loop3A_317, %parallel_loop3A_318, %parallel_loop3A_319], %parallel_loop3A_322 {strides = array<i32>} : memref<4x32x768xf32, #tpu.memory_space<vmem>>, vector<1x1x16xf32>,
        %parallel_loop3A_323 = arith.constant 1 : i32
        %parallel_loop3A_324 = arith.index_cast %parallel_loop3A_323 : i32 to index
        %parallel_loop3A_325 = arith.index_cast %parallel_loop3A_306 : i32 to index
        %parallel_loop3A_326 = arith.constant 16 : index
        %parallel_loop3A_327 = tpu.vector_load %arg6[%parallel_loop3A_324, %parallel_loop3A_325, %parallel_loop3A_326] {strides = array<i32>} : memref<4x32x768xf32, #tpu.memory_space<vmem>>, vector<1x1x16xf32>,
        %parallel_loop3A_328 = vector.shape_cast %parallel_loop3A_327 : vector<1x1x16xf32> to vector<16xf32>
        %parallel_loop3A_329 = arith.constant 27.7128124 : f32
        %parallel_loop3A_330 = vector.broadcast %parallel_loop3A_329 : f32 to vector<16xf32>
        %parallel_loop3A_331 = arith.mulf %parallel_loop3A_328, %parallel_loop3A_330 : vector<16xf32>
        %parallel_loop3A_332 = arith.constant 1 : i32
        %parallel_loop3A_333 = arith.index_cast %parallel_loop3A_332 : i32 to index
        %parallel_loop3A_334 = arith.index_cast %parallel_loop3A_306 : i32 to index
        %parallel_loop3A_335 = arith.constant 16 : index
        %parallel_loop3A_336 = tpu.vector_load %arg6[%parallel_loop3A_333, %parallel_loop3A_334, %parallel_loop3A_335] {strides = array<i32>} : memref<4x32x768xf32, #tpu.memory_space<vmem>>, vector<1x1x16xf32>,
        %parallel_loop3A_337 = vector.shape_cast %parallel_loop3A_336 : vector<1x1x16xf32> to vector<16xf32>
        %parallel_loop3A_338 = vector.shape_cast %parallel_loop3A_331 : vector<16xf32> to vector<1x1x16xf32>
        tpu.vector_store %arg6[%parallel_loop3A_333, %parallel_loop3A_334, %parallel_loop3A_335], %parallel_loop3A_338 {strides = array<i32>} : memref<4x32x768xf32, #tpu.memory_space<vmem>>, vector<1x1x16xf32>,
        %parallel_loop3A_339 = arith.constant 1 : i32
        %parallel_loop3A_340 = arith.index_cast %parallel_loop3A_339 : i32 to index
        %parallel_loop3A_341 = arith.index_cast %parallel_loop3A_306 : i32 to index
        %parallel_loop3A_342 = arith.constant 32 : index
        %parallel_loop3A_343 = tpu.vector_load %arg6[%parallel_loop3A_340, %parallel_loop3A_341, %parallel_loop3A_342] {strides = array<i32>} : memref<4x32x768xf32, #tpu.memory_space<vmem>>, vector<1x1x16xf32>,
        %parallel_loop3A_344 = vector.shape_cast %parallel_loop3A_343 : vector<1x1x16xf32> to vector<16xf32>
        %parallel_loop3A_345 = arith.constant 27.7128124 : f32
        %parallel_loop3A_346 = vector.broadcast %parallel_loop3A_345 : f32 to vector<16xf32>
        %parallel_loop3A_347 = arith.mulf %parallel_loop3A_344, %parallel_loop3A_346 : vector<16xf32>
        %parallel_loop3A_348 = arith.constant 1 : i32
        %parallel_loop3A_349 = arith.index_cast %parallel_loop3A_348 : i32 to index
        %parallel_loop3A_350 = arith.index_cast %parallel_loop3A_306 : i32 to index
        %parallel_loop3A_351 = arith.constant 32 : index
        %parallel_loop3A_352 = tpu.vector_load %arg6[%parallel_loop3A_349, %parallel_loop3A_350, %parallel_loop3A_351] {strides = array<i32>} : memref<4x32x768xf32, #tpu.memory_space<vmem>>, vector<1x1x16xf32>,
        %parallel_loop3A_353 = vector.shape_cast %parallel_loop3A_352 : vector<1x1x16xf32> to vector<16xf32>
        %parallel_loop3A_354 = vector.shape_cast %parallel_loop3A_347 : vector<16xf32> to vector<1x1x16xf32>
        tpu.vector_store %arg6[%parallel_loop3A_349, %parallel_loop3A_350, %parallel_loop3A_351], %parallel_loop3A_354 {strides = array<i32>} : memref<4x32x768xf32, #tpu.memory_space<vmem>>, vector<1x1x16xf32>,
        %parallel_loop3A_355 = arith.constant 1 : i32
        %parallel_loop3A_356 = arith.index_cast %parallel_loop3A_355 : i32 to index
        %parallel_loop3A_357 = arith.index_cast %parallel_loop3A_306 : i32 to index
        %parallel_loop3A_358 = arith.constant 48 : index
        %parallel_loop3A_359 = tpu.vector_load %arg6[%parallel_loop3A_356, %parallel_loop3A_357, %parallel_loop3A_358] {strides = array<i32>} : memref<4x32x768xf32, #tpu.memory_space<vmem>>, vector<1x1x16xf32>,
        %parallel_loop3A_360 = vector.shape_cast %parallel_loop3A_359 : vector<1x1x16xf32> to vector<16xf32>
        %parallel_loop3A_361 = arith.constant 27.7128124 : f32
        %parallel_loop3A_362 = vector.broadcast %parallel_loop3A_361 : f32 to vector<16xf32>
        %parallel_loop3A_363 = arith.mulf %parallel_loop3A_360, %parallel_loop3A_362 : vector<16xf32>
        %parallel_loop3A_364 = arith.constant 1 : i32
        %parallel_loop3A_365 = arith.index_cast %parallel_loop3A_364 : i32 to index
        %parallel_loop3A_366 = arith.index_cast %parallel_loop3A_306 : i32 to index
        %parallel_loop3A_367 = arith.constant 48 : index
        %parallel_loop3A_368 = tpu.vector_load %arg6[%parallel_loop3A_365, %parallel_loop3A_366, %parallel_loop3A_367] {strides = array<i32>} : memref<4x32x768xf32, #tpu.memory_space<vmem>>, vector<1x1x16xf32>,
        %parallel_loop3A_369 = vector.shape_cast %parallel_loop3A_368 : vector<1x1x16xf32> to vector<16xf32>
        %parallel_loop3A_370 = vector.shape_cast %parallel_loop3A_363 : vector<16xf32> to vector<1x1x16xf32>
        tpu.vector_store %arg6[%parallel_loop3A_365, %parallel_loop3A_366, %parallel_loop3A_367], %parallel_loop3A_370 {strides = array<i32>} : memref<4x32x768xf32, #tpu.memory_space<vmem>>, vector<1x1x16xf32>,
        %parallel_loop3A_371 = arith.constant 1 : i32
        %parallel_loop3A_372 = arith.index_cast %parallel_loop3A_371 : i32 to index
        %parallel_loop3A_373 = arith.index_cast %parallel_loop3A_306 : i32 to index
        %parallel_loop3A_374 = arith.constant 64 : index
        %parallel_loop3A_375 = tpu.vector_load %arg6[%parallel_loop3A_372, %parallel_loop3A_373, %parallel_loop3A_374] {strides = array<i32>} : memref<4x32x768xf32, #tpu.memory_space<vmem>>, vector<1x1x16xf32>,
        %parallel_loop3A_376 = vector.shape_cast %parallel_loop3A_375 : vector<1x1x16xf32> to vector<16xf32>
        %parallel_loop3A_377 = arith.constant 27.7128124 : f32
        %parallel_loop3A_378 = vector.broadcast %parallel_loop3A_377 : f32 to vector<16xf32>
        %parallel_loop3A_379 = arith.mulf %parallel_loop3A_376, %parallel_loop3A_378 : vector<16xf32>
        %parallel_loop3A_380 = arith.constant 1 : i32
        %parallel_loop3A_381 = arith.index_cast %parallel_loop3A_380 : i32 to index
        %parallel_loop3A_382 = arith.index_cast %parallel_loop3A_306 : i32 to index
        %parallel_loop3A_383 = arith.constant 64 : index
        %parallel_loop3A_384 = tpu.vector_load %arg6[%parallel_loop3A_381, %parallel_loop3A_382, %parallel_loop3A_383] {strides = array<i32>} : memref<4x32x768xf32, #tpu.memory_space<vmem>>, vector<1x1x16xf32>,
        %parallel_loop3A_385 = vector.shape_cast %parallel_loop3A_384 : vector<1x1x16xf32> to vector<16xf32>
        %parallel_loop3A_386 = vector.shape_cast %parallel_loop3A_379 : vector<16xf32> to vector<1x1x16xf32>
        tpu.vector_store %arg6[%parallel_loop3A_381, %parallel_loop3A_382, %parallel_loop3A_383], %parallel_loop3A_386 {strides = array<i32>} : memref<4x32x768xf32, #tpu.memory_space<vmem>>, vector<1x1x16xf32>,
        %parallel_loop3A_387 = arith.constant 1 : i32
        %parallel_loop3A_388 = arith.index_cast %parallel_loop3A_387 : i32 to index
        %parallel_loop3A_389 = arith.index_cast %parallel_loop3A_306 : i32 to index
        %parallel_loop3A_390 = arith.constant 80 : index
        %parallel_loop3A_391 = tpu.vector_load %arg6[%parallel_loop3A_388, %parallel_loop3A_389, %parallel_loop3A_390] {strides = array<i32>} : memref<4x32x768xf32, #tpu.memory_space<vmem>>, vector<1x1x16xf32>,
        %parallel_loop3A_392 = vector.shape_cast %parallel_loop3A_391 : vector<1x1x16xf32> to vector<16xf32>
        %parallel_loop3A_393 = arith.constant 27.7128124 : f32
        %parallel_loop3A_394 = vector.broadcast %parallel_loop3A_393 : f32 to vector<16xf32>
        %parallel_loop3A_395 = arith.mulf %parallel_loop3A_392, %parallel_loop3A_394 : vector<16xf32>
        %parallel_loop3A_396 = arith.constant 1 : i32
        %parallel_loop3A_397 = arith.index_cast %parallel_loop3A_396 : i32 to index
        %parallel_loop3A_398 = arith.index_cast %parallel_loop3A_306 : i32 to index
        %parallel_loop3A_399 = arith.constant 80 : index
        %parallel_loop3A_400 = tpu.vector_load %arg6[%parallel_loop3A_397, %parallel_loop3A_398, %parallel_loop3A_399] {strides = array<i32>} : memref<4x32x768xf32, #tpu.memory_space<vmem>>, vector<1x1x16xf32>,
        %parallel_loop3A_401 = vector.shape_cast %parallel_loop3A_400 : vector<1x1x16xf32> to vector<16xf32>
        %parallel_loop3A_402 = vector.shape_cast %parallel_loop3A_395 : vector<16xf32> to vector<1x1x16xf32>
        tpu.vector_store %arg6[%parallel_loop3A_397, %parallel_loop3A_398, %parallel_loop3A_399], %parallel_loop3A_402 {strides = array<i32>} : memref<4x32x768xf32, #tpu.memory_space<vmem>>, vector<1x1x16xf32>,
        %parallel_loop3A_403 = arith.constant 1 : i32
        %parallel_loop3A_404 = arith.index_cast %parallel_loop3A_403 : i32 to index
        %parallel_loop3A_405 = arith.index_cast %parallel_loop3A_306 : i32 to index
        %parallel_loop3A_406 = arith.constant 96 : index
        %parallel_loop3A_407 = tpu.vector_load %arg6[%parallel_loop3A_404, %parallel_loop3A_405, %parallel_loop3A_406] {strides = array<i32>} : memref<4x32x768xf32, #tpu.memory_space<vmem>>, vector<1x1x16xf32>,
        %parallel_loop3A_408 = vector.shape_cast %parallel_loop3A_407 : vector<1x1x16xf32> to vector<16xf32>
        %parallel_loop3A_409 = arith.constant 27.7128124 : f32
        %parallel_loop3A_410 = vector.broadcast %parallel_loop3A_409 : f32 to vector<16xf32>
        %parallel_loop3A_411 = arith.mulf %parallel_loop3A_408, %parallel_loop3A_410 : vector<16xf32>
        %parallel_loop3A_412 = arith.constant 1 : i32
        %parallel_loop3A_413 = arith.index_cast %parallel_loop3A_412 : i32 to index
        %parallel_loop3A_414 = arith.index_cast %parallel_loop3A_306 : i32 to index
        %parallel_loop3A_415 = arith.constant 96 : index
        %parallel_loop3A_416 = tpu.vector_load %arg6[%parallel_loop3A_413, %parallel_loop3A_414, %parallel_loop3A_415] {strides = array<i32>} : memref<4x32x768xf32, #tpu.memory_space<vmem>>, vector<1x1x16xf32>,
        %parallel_loop3A_417 = vector.shape_cast %parallel_loop3A_416 : vector<1x1x16xf32> to vector<16xf32>
        %parallel_loop3A_418 = vector.shape_cast %parallel_loop3A_411 : vector<16xf32> to vector<1x1x16xf32>
        tpu.vector_store %arg6[%parallel_loop3A_413, %parallel_loop3A_414, %parallel_loop3A_415], %parallel_loop3A_418 {strides = array<i32>} : memref<4x32x768xf32, #tpu.memory_space<vmem>>, vector<1x1x16xf32>,
        %parallel_loop3A_419 = arith.constant 1 : i32
        %parallel_loop3A_420 = arith.index_cast %parallel_loop3A_419 : i32 to index
        %parallel_loop3A_421 = arith.index_cast %parallel_loop3A_306 : i32 to index
        %parallel_loop3A_422 = arith.constant 112 : index
        %parallel_loop3A_423 = tpu.vector_load %arg6[%parallel_loop3A_420, %parallel_loop3A_421, %parallel_loop3A_422] {strides = array<i32>} : memref<4x32x768xf32, #tpu.memory_space<vmem>>, vector<1x1x16xf32>,
        %parallel_loop3A_424 = vector.shape_cast %parallel_loop3A_423 : vector<1x1x16xf32> to vector<16xf32>
        %parallel_loop3A_425 = arith.constant 27.7128124 : f32
        %parallel_loop3A_426 = vector.broadcast %parallel_loop3A_425 : f32 to vector<16xf32>
        %parallel_loop3A_427 = arith.mulf %parallel_loop3A_424, %parallel_loop3A_426 : vector<16xf32>
        %parallel_loop3A_428 = arith.constant 1 : i32
        %parallel_loop3A_429 = arith.index_cast %parallel_loop3A_428 : i32 to index
        %parallel_loop3A_430 = arith.index_cast %parallel_loop3A_306 : i32 to index
        %parallel_loop3A_431 = arith.constant 112 : index
        %parallel_loop3A_432 = tpu.vector_load %arg6[%parallel_loop3A_429, %parallel_loop3A_430, %parallel_loop3A_431] {strides = array<i32>} : memref<4x32x768xf32, #tpu.memory_space<vmem>>, vector<1x1x16xf32>,
        %parallel_loop3A_433 = vector.shape_cast %parallel_loop3A_432 : vector<1x1x16xf32> to vector<16xf32>
        %parallel_loop3A_434 = vector.shape_cast %parallel_loop3A_427 : vector<16xf32> to vector<1x1x16xf32>
        tpu.vector_store %arg6[%parallel_loop3A_429, %parallel_loop3A_430, %parallel_loop3A_431], %parallel_loop3A_434 {strides = array<i32>} : memref<4x32x768xf32, #tpu.memory_space<vmem>>, vector<1x1x16xf32>,
        %parallel_loop3A_435 = arith.constant 1 : i32
        %parallel_loop3A_436 = arith.index_cast %parallel_loop3A_435 : i32 to index
        %parallel_loop3A_437 = arith.index_cast %parallel_loop3A_306 : i32 to index
        %parallel_loop3A_438 = arith.constant 128 : index
        %parallel_loop3A_439 = tpu.vector_load %arg6[%parallel_loop3A_436, %parallel_loop3A_437, %parallel_loop3A_438] {strides = array<i32>} : memref<4x32x768xf32, #tpu.memory_space<vmem>>, vector<1x1x16xf32>,
        %parallel_loop3A_440 = vector.shape_cast %parallel_loop3A_439 : vector<1x1x16xf32> to vector<16xf32>
        %parallel_loop3A_441 = arith.constant 27.7128124 : f32
        %parallel_loop3A_442 = vector.broadcast %parallel_loop3A_441 : f32 to vector<16xf32>
        %parallel_loop3A_443 = arith.mulf %parallel_loop3A_440, %parallel_loop3A_442 : vector<16xf32>
        %parallel_loop3A_444 = arith.constant 1 : i32
        %parallel_loop3A_445 = arith.index_cast %parallel_loop3A_444 : i32 to index
        %parallel_loop3A_446 = arith.index_cast %parallel_loop3A_306 : i32 to index
        %parallel_loop3A_447 = arith.constant 128 : index
        %parallel_loop3A_448 = tpu.vector_load %arg6[%parallel_loop3A_445, %parallel_loop3A_446, %parallel_loop3A_447] {strides = array<i32>} : memref<4x32x768xf32, #tpu.memory_space<vmem>>, vector<1x1x16xf32>,
        %parallel_loop3A_449 = vector.shape_cast %parallel_loop3A_448 : vector<1x1x16xf32> to vector<16xf32>
        %parallel_loop3A_450 = vector.shape_cast %parallel_loop3A_443 : vector<16xf32> to vector<1x1x16xf32>
        tpu.vector_store %arg6[%parallel_loop3A_445, %parallel_loop3A_446, %parallel_loop3A_447], %parallel_loop3A_450 {strides = array<i32>} : memref<4x32x768xf32, #tpu.memory_space<vmem>>, vector<1x1x16xf32>,
        %parallel_loop3A_451 = arith.constant 1 : i32
        %parallel_loop3A_452 = arith.index_cast %parallel_loop3A_451 : i32 to index
        %parallel_loop3A_453 = arith.index_cast %parallel_loop3A_306 : i32 to index
        %parallel_loop3A_454 = arith.constant 144 : index
        %parallel_loop3A_455 = tpu.vector_load %arg6[%parallel_loop3A_452, %parallel_loop3A_453, %parallel_loop3A_454] {strides = array<i32>} : memref<4x32x768xf32, #tpu.memory_space<vmem>>, vector<1x1x16xf32>,
        %parallel_loop3A_456 = vector.shape_cast %parallel_loop3A_455 : vector<1x1x16xf32> to vector<16xf32>
        %parallel_loop3A_457 = arith.constant 27.7128124 : f32
        %parallel_loop3A_458 = vector.broadcast %parallel_loop3A_457 : f32 to vector<16xf32>
        %parallel_loop3A_459 = arith.mulf %parallel_loop3A_456, %parallel_loop3A_458 : vector<16xf32>
        %parallel_loop3A_460 = arith.constant 1 : i32
        %parallel_loop3A_461 = arith.index_cast %parallel_loop3A_460 : i32 to index
        %parallel_loop3A_462 = arith.index_cast %parallel_loop3A_306 : i32 to index
        %parallel_loop3A_463 = arith.constant 144 : index
        %parallel_loop3A_464 = tpu.vector_load %arg6[%parallel_loop3A_461, %parallel_loop3A_462, %parallel_loop3A_463] {strides = array<i32>} : memref<4x32x768xf32, #tpu.memory_space<vmem>>, vector<1x1x16xf32>,
        %parallel_loop3A_465 = vector.shape_cast %parallel_loop3A_464 : vector<1x1x16xf32> to vector<16xf32>
        %parallel_loop3A_466 = vector.shape_cast %parallel_loop3A_459 : vector<16xf32> to vector<1x1x16xf32>
        tpu.vector_store %arg6[%parallel_loop3A_461, %parallel_loop3A_462, %parallel_loop3A_463], %parallel_loop3A_466 {strides = array<i32>} : memref<4x32x768xf32, #tpu.memory_space<vmem>>, vector<1x1x16xf32>,
        %parallel_loop3A_467 = arith.constant 1 : i32
        %parallel_loop3A_468 = arith.index_cast %parallel_loop3A_467 : i32 to index
        %parallel_loop3A_469 = arith.index_cast %parallel_loop3A_306 : i32 to index
        %parallel_loop3A_470 = arith.constant 160 : index
        %parallel_loop3A_471 = tpu.vector_load %arg6[%parallel_loop3A_468, %parallel_loop3A_469, %parallel_loop3A_470] {strides = array<i32>} : memref<4x32x768xf32, #tpu.memory_space<vmem>>, vector<1x1x16xf32>,
        %parallel_loop3A_472 = vector.shape_cast %parallel_loop3A_471 : vector<1x1x16xf32> to vector<16xf32>
        %parallel_loop3A_473 = arith.constant 27.7128124 : f32
        %parallel_loop3A_474 = vector.broadcast %parallel_loop3A_473 : f32 to vector<16xf32>
        %parallel_loop3A_475 = arith.mulf %parallel_loop3A_472, %parallel_loop3A_474 : vector<16xf32>
        %parallel_loop3A_476 = arith.constant 1 : i32
        %parallel_loop3A_477 = arith.index_cast %parallel_loop3A_476 : i32 to index
        %parallel_loop3A_478 = arith.index_cast %parallel_loop3A_306 : i32 to index
        %parallel_loop3A_479 = arith.constant 160 : index
        %parallel_loop3A_480 = tpu.vector_load %arg6[%parallel_loop3A_477, %parallel_loop3A_478, %parallel_loop3A_479] {strides = array<i32>} : memref<4x32x768xf32, #tpu.memory_space<vmem>>, vector<1x1x16xf32>,
        %parallel_loop3A_481 = vector.shape_cast %parallel_loop3A_480 : vector<1x1x16xf32> to vector<16xf32>
        %parallel_loop3A_482 = vector.shape_cast %parallel_loop3A_475 : vector<16xf32> to vector<1x1x16xf32>
        tpu.vector_store %arg6[%parallel_loop3A_477, %parallel_loop3A_478, %parallel_loop3A_479], %parallel_loop3A_482 {strides = array<i32>} : memref<4x32x768xf32, #tpu.memory_space<vmem>>, vector<1x1x16xf32>,
        %parallel_loop3A_483 = arith.constant 1 : i32
        %parallel_loop3A_484 = arith.index_cast %parallel_loop3A_483 : i32 to index
        %parallel_loop3A_485 = arith.index_cast %parallel_loop3A_306 : i32 to index
        %parallel_loop3A_486 = arith.constant 176 : index
        %parallel_loop3A_487 = tpu.vector_load %arg6[%parallel_loop3A_484, %parallel_loop3A_485, %parallel_loop3A_486] {strides = array<i32>} : memref<4x32x768xf32, #tpu.memory_space<vmem>>, vector<1x1x16xf32>,
        %parallel_loop3A_488 = vector.shape_cast %parallel_loop3A_487 : vector<1x1x16xf32> to vector<16xf32>
        %parallel_loop3A_489 = arith.constant 27.7128124 : f32
        %parallel_loop3A_490 = vector.broadcast %parallel_loop3A_489 : f32 to vector<16xf32>
        %parallel_loop3A_491 = arith.mulf %parallel_loop3A_488, %parallel_loop3A_490 : vector<16xf32>
        %parallel_loop3A_492 = arith.constant 1 : i32
        %parallel_loop3A_493 = arith.index_cast %parallel_loop3A_492 : i32 to index
        %parallel_loop3A_494 = arith.index_cast %parallel_loop3A_306 : i32 to index
        %parallel_loop3A_495 = arith.constant 176 : index
        %parallel_loop3A_496 = tpu.vector_load %arg6[%parallel_loop3A_493, %parallel_loop3A_494, %parallel_loop3A_495] {strides = array<i32>} : memref<4x32x768xf32, #tpu.memory_space<vmem>>, vector<1x1x16xf32>,
        %parallel_loop3A_497 = vector.shape_cast %parallel_loop3A_496 : vector<1x1x16xf32> to vector<16xf32>
        %parallel_loop3A_498 = vector.shape_cast %parallel_loop3A_491 : vector<16xf32> to vector<1x1x16xf32>
        tpu.vector_store %arg6[%parallel_loop3A_493, %parallel_loop3A_494, %parallel_loop3A_495], %parallel_loop3A_498 {strides = array<i32>} : memref<4x32x768xf32, #tpu.memory_space<vmem>>, vector<1x1x16xf32>,
        %parallel_loop3A_499 = arith.constant 1 : i32
        %parallel_loop3A_500 = arith.index_cast %parallel_loop3A_499 : i32 to index
        %parallel_loop3A_501 = arith.index_cast %parallel_loop3A_306 : i32 to index
        %parallel_loop3A_502 = arith.constant 192 : index
        %parallel_loop3A_503 = tpu.vector_load %arg6[%parallel_loop3A_500, %parallel_loop3A_501, %parallel_loop3A_502] {strides = array<i32>} : memref<4x32x768xf32, #tpu.memory_space<vmem>>, vector<1x1x16xf32>,
        %parallel_loop3A_504 = vector.shape_cast %parallel_loop3A_503 : vector<1x1x16xf32> to vector<16xf32>
        %parallel_loop3A_505 = arith.constant 27.7128124 : f32
        %parallel_loop3A_506 = vector.broadcast %parallel_loop3A_505 : f32 to vector<16xf32>
        %parallel_loop3A_507 = arith.mulf %parallel_loop3A_504, %parallel_loop3A_506 : vector<16xf32>
        %parallel_loop3A_508 = arith.constant 1 : i32
        %parallel_loop3A_509 = arith.index_cast %parallel_loop3A_508 : i32 to index
        %parallel_loop3A_510 = arith.index_cast %parallel_loop3A_306 : i32 to index
        %parallel_loop3A_511 = arith.constant 192 : index
        %parallel_loop3A_512 = tpu.vector_load %arg6[%parallel_loop3A_509, %parallel_loop3A_510, %parallel_loop3A_511] {strides = array<i32>} : memref<4x32x768xf32, #tpu.memory_space<vmem>>, vector<1x1x16xf32>,
        %parallel_loop3A_513 = vector.shape_cast %parallel_loop3A_512 : vector<1x1x16xf32> to vector<16xf32>
        %parallel_loop3A_514 = vector.shape_cast %parallel_loop3A_507 : vector<16xf32> to vector<1x1x16xf32>
        tpu.vector_store %arg6[%parallel_loop3A_509, %parallel_loop3A_510, %parallel_loop3A_511], %parallel_loop3A_514 {strides = array<i32>} : memref<4x32x768xf32, #tpu.memory_space<vmem>>, vector<1x1x16xf32>,
        %parallel_loop3A_515 = arith.constant 1 : i32
        %parallel_loop3A_516 = arith.index_cast %parallel_loop3A_515 : i32 to index
        %parallel_loop3A_517 = arith.index_cast %parallel_loop3A_306 : i32 to index
        %parallel_loop3A_518 = arith.constant 208 : index
        %parallel_loop3A_519 = tpu.vector_load %arg6[%parallel_loop3A_516, %parallel_loop3A_517, %parallel_loop3A_518] {strides = array<i32>} : memref<4x32x768xf32, #tpu.memory_space<vmem>>, vector<1x1x16xf32>,
        %parallel_loop3A_520 = vector.shape_cast %parallel_loop3A_519 : vector<1x1x16xf32> to vector<16xf32>
        %parallel_loop3A_521 = arith.constant 27.7128124 : f32
        %parallel_loop3A_522 = vector.broadcast %parallel_loop3A_521 : f32 to vector<16xf32>
        %parallel_loop3A_523 = arith.mulf %parallel_loop3A_520, %parallel_loop3A_522 : vector<16xf32>
        %parallel_loop3A_524 = arith.constant 1 : i32
        %parallel_loop3A_525 = arith.index_cast %parallel_loop3A_524 : i32 to index
        %parallel_loop3A_526 = arith.index_cast %parallel_loop3A_306 : i32 to index
        %parallel_loop3A_527 = arith.constant 208 : index
        %parallel_loop3A_528 = tpu.vector_load %arg6[%parallel_loop3A_525, %parallel_loop3A_526, %parallel_loop3A_527] {strides = array<i32>} : memref<4x32x768xf32, #tpu.memory_space<vmem>>, vector<1x1x16xf32>,
        %parallel_loop3A_529 = vector.shape_cast %parallel_loop3A_528 : vector<1x1x16xf32> to vector<16xf32>
        %parallel_loop3A_530 = vector.shape_cast %parallel_loop3A_523 : vector<16xf32> to vector<1x1x16xf32>
        tpu.vector_store %arg6[%parallel_loop3A_525, %parallel_loop3A_526, %parallel_loop3A_527], %parallel_loop3A_530 {strides = array<i32>} : memref<4x32x768xf32, #tpu.memory_space<vmem>>, vector<1x1x16xf32>,
        %parallel_loop3A_531 = arith.constant 1 : i32
        %parallel_loop3A_532 = arith.index_cast %parallel_loop3A_531 : i32 to index
        %parallel_loop3A_533 = arith.index_cast %parallel_loop3A_306 : i32 to index
        %parallel_loop3A_534 = arith.constant 224 : index
        %parallel_loop3A_535 = tpu.vector_load %arg6[%parallel_loop3A_532, %parallel_loop3A_533, %parallel_loop3A_534] {strides = array<i32>} : memref<4x32x768xf32, #tpu.memory_space<vmem>>, vector<1x1x16xf32>,
        %parallel_loop3A_536 = vector.shape_cast %parallel_loop3A_535 : vector<1x1x16xf32> to vector<16xf32>
        %parallel_loop3A_537 = arith.constant 27.7128124 : f32
        %parallel_loop3A_538 = vector.broadcast %parallel_loop3A_537 : f32 to vector<16xf32>
        %parallel_loop3A_539 = arith.mulf %parallel_loop3A_536, %parallel_loop3A_538 : vector<16xf32>
        %parallel_loop3A_540 = arith.constant 1 : i32
        %parallel_loop3A_541 = arith.index_cast %parallel_loop3A_540 : i32 to index
        %parallel_loop3A_542 = arith.index_cast %parallel_loop3A_306 : i32 to index
        %parallel_loop3A_543 = arith.constant 224 : index
        %parallel_loop3A_544 = tpu.vector_load %arg6[%parallel_loop3A_541, %parallel_loop3A_542, %parallel_loop3A_543] {strides = array<i32>} : memref<4x32x768xf32, #tpu.memory_space<vmem>>, vector<1x1x16xf32>,
        %parallel_loop3A_545 = vector.shape_cast %parallel_loop3A_544 : vector<1x1x16xf32> to vector<16xf32>
        %parallel_loop3A_546 = vector.shape_cast %parallel_loop3A_539 : vector<16xf32> to vector<1x1x16xf32>
        tpu.vector_store %arg6[%parallel_loop3A_541, %parallel_loop3A_542, %parallel_loop3A_543], %parallel_loop3A_546 {strides = array<i32>} : memref<4x32x768xf32, #tpu.memory_space<vmem>>, vector<1x1x16xf32>,
        %parallel_loop3A_547 = arith.constant 1 : i32
        %parallel_loop3A_548 = arith.index_cast %parallel_loop3A_547 : i32 to index
        %parallel_loop3A_549 = arith.index_cast %parallel_loop3A_306 : i32 to index
        %parallel_loop3A_550 = arith.constant 240 : index
        %parallel_loop3A_551 = tpu.vector_load %arg6[%parallel_loop3A_548, %parallel_loop3A_549, %parallel_loop3A_550] {strides = array<i32>} : memref<4x32x768xf32, #tpu.memory_space<vmem>>, vector<1x1x16xf32>,
        %parallel_loop3A_552 = vector.shape_cast %parallel_loop3A_551 : vector<1x1x16xf32> to vector<16xf32>
        %parallel_loop3A_553 = arith.constant 27.7128124 : f32
        %parallel_loop3A_554 = vector.broadcast %parallel_loop3A_553 : f32 to vector<16xf32>
        %parallel_loop3A_555 = arith.mulf %parallel_loop3A_552, %parallel_loop3A_554 : vector<16xf32>
        %parallel_loop3A_556 = arith.constant 1 : i32
        %parallel_loop3A_557 = arith.index_cast %parallel_loop3A_556 : i32 to index
        %parallel_loop3A_558 = arith.index_cast %parallel_loop3A_306 : i32 to index
        %parallel_loop3A_559 = arith.constant 240 : index
        %parallel_loop3A_560 = tpu.vector_load %arg6[%parallel_loop3A_557, %parallel_loop3A_558, %parallel_loop3A_559] {strides = array<i32>} : memref<4x32x768xf32, #tpu.memory_space<vmem>>, vector<1x1x16xf32>,
        %parallel_loop3A_561 = vector.shape_cast %parallel_loop3A_560 : vector<1x1x16xf32> to vector<16xf32>
        %parallel_loop3A_562 = vector.shape_cast %parallel_loop3A_555 : vector<16xf32> to vector<1x1x16xf32>
        tpu.vector_store %arg6[%parallel_loop3A_557, %parallel_loop3A_558, %parallel_loop3A_559], %parallel_loop3A_562 {strides = array<i32>} : memref<4x32x768xf32, #tpu.memory_space<vmem>>, vector<1x1x16xf32>,
        %parallel_loop3A_563 = arith.constant 1 : i32
        %parallel_loop3A_564 = arith.index_cast %parallel_loop3A_563 : i32 to index
        %parallel_loop3A_565 = arith.index_cast %parallel_loop3A_306 : i32 to index
        %parallel_loop3A_566 = arith.constant 256 : index
        %parallel_loop3A_567 = tpu.vector_load %arg6[%parallel_loop3A_564, %parallel_loop3A_565, %parallel_loop3A_566] {strides = array<i32>} : memref<4x32x768xf32, #tpu.memory_space<vmem>>, vector<1x1x16xf32>,
        %parallel_loop3A_568 = vector.shape_cast %parallel_loop3A_567 : vector<1x1x16xf32> to vector<16xf32>
        %parallel_loop3A_569 = arith.constant 27.7128124 : f32
        %parallel_loop3A_570 = vector.broadcast %parallel_loop3A_569 : f32 to vector<16xf32>
        %parallel_loop3A_571 = arith.mulf %parallel_loop3A_568, %parallel_loop3A_570 : vector<16xf32>
        %parallel_loop3A_572 = arith.constant 1 : i32
        %parallel_loop3A_573 = arith.index_cast %parallel_loop3A_572 : i32 to index
        %parallel_loop3A_574 = arith.index_cast %parallel_loop3A_306 : i32 to index
        %parallel_loop3A_575 = arith.constant 256 : index
        %parallel_loop3A_576 = tpu.vector_load %arg6[%parallel_loop3A_573, %parallel_loop3A_574, %parallel_loop3A_575] {strides = array<i32>} : memref<4x32x768xf32, #tpu.memory_space<vmem>>, vector<1x1x16xf32>,
        %parallel_loop3A_577 = vector.shape_cast %parallel_loop3A_576 : vector<1x1x16xf32> to vector<16xf32>
        %parallel_loop3A_578 = vector.shape_cast %parallel_loop3A_571 : vector<16xf32> to vector<1x1x16xf32>
        tpu.vector_store %arg6[%parallel_loop3A_573, %parallel_loop3A_574, %parallel_loop3A_575], %parallel_loop3A_578 {strides = array<i32>} : memref<4x32x768xf32, #tpu.memory_space<vmem>>, vector<1x1x16xf32>,
        %parallel_loop3A_579 = arith.constant 1 : i32
        %parallel_loop3A_580 = arith.index_cast %parallel_loop3A_579 : i32 to index
        %parallel_loop3A_581 = arith.index_cast %parallel_loop3A_306 : i32 to index
        %parallel_loop3A_582 = arith.constant 272 : index
        %parallel_loop3A_583 = tpu.vector_load %arg6[%parallel_loop3A_580, %parallel_loop3A_581, %parallel_loop3A_582] {strides = array<i32>} : memref<4x32x768xf32, #tpu.memory_space<vmem>>, vector<1x1x16xf32>,
        %parallel_loop3A_584 = vector.shape_cast %parallel_loop3A_583 : vector<1x1x16xf32> to vector<16xf32>
        %parallel_loop3A_585 = arith.constant 27.7128124 : f32
        %parallel_loop3A_586 = vector.broadcast %parallel_loop3A_585 : f32 to vector<16xf32>
        %parallel_loop3A_587 = arith.mulf %parallel_loop3A_584, %parallel_loop3A_586 : vector<16xf32>
        %parallel_loop3A_588 = arith.constant 1 : i32
        %parallel_loop3A_589 = arith.index_cast %parallel_loop3A_588 : i32 to index
        %parallel_loop3A_590 = arith.index_cast %parallel_loop3A_306 : i32 to index
        %parallel_loop3A_591 = arith.constant 272 : index
        %parallel_loop3A_592 = tpu.vector_load %arg6[%parallel_loop3A_589, %parallel_loop3A_590, %parallel_loop3A_591] {strides = array<i32>} : memref<4x32x768xf32, #tpu.memory_space<vmem>>, vector<1x1x16xf32>,
        %parallel_loop3A_593 = vector.shape_cast %parallel_loop3A_592 : vector<1x1x16xf32> to vector<16xf32>
        %parallel_loop3A_594 = vector.shape_cast %parallel_loop3A_587 : vector<16xf32> to vector<1x1x16xf32>
        tpu.vector_store %arg6[%parallel_loop3A_589, %parallel_loop3A_590, %parallel_loop3A_591], %parallel_loop3A_594 {strides = array<i32>} : memref<4x32x768xf32, #tpu.memory_space<vmem>>, vector<1x1x16xf32>,
        %parallel_loop3A_595 = arith.constant 1 : i32
        %parallel_loop3A_596 = arith.index_cast %parallel_loop3A_595 : i32 to index
        %parallel_loop3A_597 = arith.index_cast %parallel_loop3A_306 : i32 to index
        %parallel_loop3A_598 = arith.constant 288 : index
        %parallel_loop3A_599 = tpu.vector_load %arg6[%parallel_loop3A_596, %parallel_loop3A_597, %parallel_loop3A_598] {strides = array<i32>} : memref<4x32x768xf32, #tpu.memory_space<vmem>>, vector<1x1x16xf32>,
        %parallel_loop3A_600 = vector.shape_cast %parallel_loop3A_599 : vector<1x1x16xf32> to vector<16xf32>
        %parallel_loop3A_601 = arith.constant 27.7128124 : f32
        %parallel_loop3A_602 = vector.broadcast %parallel_loop3A_601 : f32 to vector<16xf32>
        %parallel_loop3A_603 = arith.mulf %parallel_loop3A_600, %parallel_loop3A_602 : vector<16xf32>
        %parallel_loop3A_604 = arith.constant 1 : i32
        %parallel_loop3A_605 = arith.index_cast %parallel_loop3A_604 : i32 to index
        %parallel_loop3A_606 = arith.index_cast %parallel_loop3A_306 : i32 to index
        %parallel_loop3A_607 = arith.constant 288 : index
        %parallel_loop3A_608 = tpu.vector_load %arg6[%parallel_loop3A_605, %parallel_loop3A_606, %parallel_loop3A_607] {strides = array<i32>} : memref<4x32x768xf32, #tpu.memory_space<vmem>>, vector<1x1x16xf32>,
        %parallel_loop3A_609 = vector.shape_cast %parallel_loop3A_608 : vector<1x1x16xf32> to vector<16xf32>
        %parallel_loop3A_610 = vector.shape_cast %parallel_loop3A_603 : vector<16xf32> to vector<1x1x16xf32>
        tpu.vector_store %arg6[%parallel_loop3A_605, %parallel_loop3A_606, %parallel_loop3A_607], %parallel_loop3A_610 {strides = array<i32>} : memref<4x32x768xf32, #tpu.memory_space<vmem>>, vector<1x1x16xf32>,
        %parallel_loop3A_611 = arith.constant 1 : i32
        %parallel_loop3A_612 = arith.index_cast %parallel_loop3A_611 : i32 to index
        %parallel_loop3A_613 = arith.index_cast %parallel_loop3A_306 : i32 to index
        %parallel_loop3A_614 = arith.constant 304 : index
        %parallel_loop3A_615 = tpu.vector_load %arg6[%parallel_loop3A_612, %parallel_loop3A_613, %parallel_loop3A_614] {strides = array<i32>} : memref<4x32x768xf32, #tpu.memory_space<vmem>>, vector<1x1x16xf32>,
        %parallel_loop3A_616 = vector.shape_cast %parallel_loop3A_615 : vector<1x1x16xf32> to vector<16xf32>
        %parallel_loop3A_617 = arith.constant 27.7128124 : f32
        %parallel_loop3A_618 = vector.broadcast %parallel_loop3A_617 : f32 to vector<16xf32>
        %parallel_loop3A_619 = arith.mulf %parallel_loop3A_616, %parallel_loop3A_618 : vector<16xf32>
        %parallel_loop3A_620 = arith.constant 1 : i32
        %parallel_loop3A_621 = arith.index_cast %parallel_loop3A_620 : i32 to index
        %parallel_loop3A_622 = arith.index_cast %parallel_loop3A_306 : i32 to index
        %parallel_loop3A_623 = arith.constant 304 : index
        %parallel_loop3A_624 = tpu.vector_load %arg6[%parallel_loop3A_621, %parallel_loop3A_622, %parallel_loop3A_623] {strides = array<i32>} : memref<4x32x768xf32, #tpu.memory_space<vmem>>, vector<1x1x16xf32>,
        %parallel_loop3A_625 = vector.shape_cast %parallel_loop3A_624 : vector<1x1x16xf32> to vector<16xf32>
        %parallel_loop3A_626 = vector.shape_cast %parallel_loop3A_619 : vector<16xf32> to vector<1x1x16xf32>
        tpu.vector_store %arg6[%parallel_loop3A_621, %parallel_loop3A_622, %parallel_loop3A_623], %parallel_loop3A_626 {strides = array<i32>} : memref<4x32x768xf32, #tpu.memory_space<vmem>>, vector<1x1x16xf32>,
        %parallel_loop3A_627 = arith.constant 1 : i32
        %parallel_loop3A_628 = arith.index_cast %parallel_loop3A_627 : i32 to index
        %parallel_loop3A_629 = arith.index_cast %parallel_loop3A_306 : i32 to index
        %parallel_loop3A_630 = arith.constant 320 : index
        %parallel_loop3A_631 = tpu.vector_load %arg6[%parallel_loop3A_628, %parallel_loop3A_629, %parallel_loop3A_630] {strides = array<i32>} : memref<4x32x768xf32, #tpu.memory_space<vmem>>, vector<1x1x16xf32>,
        %parallel_loop3A_632 = vector.shape_cast %parallel_loop3A_631 : vector<1x1x16xf32> to vector<16xf32>
        %parallel_loop3A_633 = arith.constant 27.7128124 : f32
        %parallel_loop3A_634 = vector.broadcast %parallel_loop3A_633 : f32 to vector<16xf32>
        %parallel_loop3A_635 = arith.mulf %parallel_loop3A_632, %parallel_loop3A_634 : vector<16xf32>
        %parallel_loop3A_636 = arith.constant 1 : i32
        %parallel_loop3A_637 = arith.index_cast %parallel_loop3A_636 : i32 to index
        %parallel_loop3A_638 = arith.index_cast %parallel_loop3A_306 : i32 to index
        %parallel_loop3A_639 = arith.constant 320 : index
        %parallel_loop3A_640 = tpu.vector_load %arg6[%parallel_loop3A_637, %parallel_loop3A_638, %parallel_loop3A_639] {strides = array<i32>} : memref<4x32x768xf32, #tpu.memory_space<vmem>>, vector<1x1x16xf32>,
        %parallel_loop3A_641 = vector.shape_cast %parallel_loop3A_640 : vector<1x1x16xf32> to vector<16xf32>
        %parallel_loop3A_642 = vector.shape_cast %parallel_loop3A_635 : vector<16xf32> to vector<1x1x16xf32>
        tpu.vector_store %arg6[%parallel_loop3A_637, %parallel_loop3A_638, %parallel_loop3A_639], %parallel_loop3A_642 {strides = array<i32>} : memref<4x32x768xf32, #tpu.memory_space<vmem>>, vector<1x1x16xf32>,
        %parallel_loop3A_643 = arith.constant 1 : i32
        %parallel_loop3A_644 = arith.index_cast %parallel_loop3A_643 : i32 to index
        %parallel_loop3A_645 = arith.index_cast %parallel_loop3A_306 : i32 to index
        %parallel_loop3A_646 = arith.constant 336 : index
        %parallel_loop3A_647 = tpu.vector_load %arg6[%parallel_loop3A_644, %parallel_loop3A_645, %parallel_loop3A_646] {strides = array<i32>} : memref<4x32x768xf32, #tpu.memory_space<vmem>>, vector<1x1x16xf32>,
        %parallel_loop3A_648 = vector.shape_cast %parallel_loop3A_647 : vector<1x1x16xf32> to vector<16xf32>
        %parallel_loop3A_649 = arith.constant 27.7128124 : f32
        %parallel_loop3A_650 = vector.broadcast %parallel_loop3A_649 : f32 to vector<16xf32>
        %parallel_loop3A_651 = arith.mulf %parallel_loop3A_648, %parallel_loop3A_650 : vector<16xf32>
        %parallel_loop3A_652 = arith.constant 1 : i32
        %parallel_loop3A_653 = arith.index_cast %parallel_loop3A_652 : i32 to index
        %parallel_loop3A_654 = arith.index_cast %parallel_loop3A_306 : i32 to index
        %parallel_loop3A_655 = arith.constant 336 : index
        %parallel_loop3A_656 = tpu.vector_load %arg6[%parallel_loop3A_653, %parallel_loop3A_654, %parallel_loop3A_655] {strides = array<i32>} : memref<4x32x768xf32, #tpu.memory_space<vmem>>, vector<1x1x16xf32>,
        %parallel_loop3A_657 = vector.shape_cast %parallel_loop3A_656 : vector<1x1x16xf32> to vector<16xf32>
        %parallel_loop3A_658 = vector.shape_cast %parallel_loop3A_651 : vector<16xf32> to vector<1x1x16xf32>
        tpu.vector_store %arg6[%parallel_loop3A_653, %parallel_loop3A_654, %parallel_loop3A_655], %parallel_loop3A_658 {strides = array<i32>} : memref<4x32x768xf32, #tpu.memory_space<vmem>>, vector<1x1x16xf32>,
        %parallel_loop3A_659 = arith.constant 1 : i32
        %parallel_loop3A_660 = arith.index_cast %parallel_loop3A_659 : i32 to index
        %parallel_loop3A_661 = arith.index_cast %parallel_loop3A_306 : i32 to index
        %parallel_loop3A_662 = arith.constant 352 : index
        %parallel_loop3A_663 = tpu.vector_load %arg6[%parallel_loop3A_660, %parallel_loop3A_661, %parallel_loop3A_662] {strides = array<i32>} : memref<4x32x768xf32, #tpu.memory_space<vmem>>, vector<1x1x16xf32>,
        %parallel_loop3A_664 = vector.shape_cast %parallel_loop3A_663 : vector<1x1x16xf32> to vector<16xf32>
        %parallel_loop3A_665 = arith.constant 27.7128124 : f32
        %parallel_loop3A_666 = vector.broadcast %parallel_loop3A_665 : f32 to vector<16xf32>
        %parallel_loop3A_667 = arith.mulf %parallel_loop3A_664, %parallel_loop3A_666 : vector<16xf32>
        %parallel_loop3A_668 = arith.constant 1 : i32
        %parallel_loop3A_669 = arith.index_cast %parallel_loop3A_668 : i32 to index
        %parallel_loop3A_670 = arith.index_cast %parallel_loop3A_306 : i32 to index
        %parallel_loop3A_671 = arith.constant 352 : index
        %parallel_loop3A_672 = tpu.vector_load %arg6[%parallel_loop3A_669, %parallel_loop3A_670, %parallel_loop3A_671] {strides = array<i32>} : memref<4x32x768xf32, #tpu.memory_space<vmem>>, vector<1x1x16xf32>,
        %parallel_loop3A_673 = vector.shape_cast %parallel_loop3A_672 : vector<1x1x16xf32> to vector<16xf32>
        %parallel_loop3A_674 = vector.shape_cast %parallel_loop3A_667 : vector<16xf32> to vector<1x1x16xf32>
        tpu.vector_store %arg6[%parallel_loop3A_669, %parallel_loop3A_670, %parallel_loop3A_671], %parallel_loop3A_674 {strides = array<i32>} : memref<4x32x768xf32, #tpu.memory_space<vmem>>, vector<1x1x16xf32>,
        %parallel_loop3A_675 = arith.constant 1 : i32
        %parallel_loop3A_676 = arith.index_cast %parallel_loop3A_675 : i32 to index
        %parallel_loop3A_677 = arith.index_cast %parallel_loop3A_306 : i32 to index
        %parallel_loop3A_678 = arith.constant 368 : index
        %parallel_loop3A_679 = tpu.vector_load %arg6[%parallel_loop3A_676, %parallel_loop3A_677, %parallel_loop3A_678] {strides = array<i32>} : memref<4x32x768xf32, #tpu.memory_space<vmem>>, vector<1x1x16xf32>,
        %parallel_loop3A_680 = vector.shape_cast %parallel_loop3A_679 : vector<1x1x16xf32> to vector<16xf32>
        %parallel_loop3A_681 = arith.constant 27.7128124 : f32
        %parallel_loop3A_682 = vector.broadcast %parallel_loop3A_681 : f32 to vector<16xf32>
        %parallel_loop3A_683 = arith.mulf %parallel_loop3A_680, %parallel_loop3A_682 : vector<16xf32>
        %parallel_loop3A_684 = arith.constant 1 : i32
        %parallel_loop3A_685 = arith.index_cast %parallel_loop3A_684 : i32 to index
        %parallel_loop3A_686 = arith.index_cast %parallel_loop3A_306 : i32 to index
        %parallel_loop3A_687 = arith.constant 368 : index
        %parallel_loop3A_688 = tpu.vector_load %arg6[%parallel_loop3A_685, %parallel_loop3A_686, %parallel_loop3A_687] {strides = array<i32>} : memref<4x32x768xf32, #tpu.memory_space<vmem>>, vector<1x1x16xf32>,
        %parallel_loop3A_689 = vector.shape_cast %parallel_loop3A_688 : vector<1x1x16xf32> to vector<16xf32>
        %parallel_loop3A_690 = vector.shape_cast %parallel_loop3A_683 : vector<16xf32> to vector<1x1x16xf32>
        tpu.vector_store %arg6[%parallel_loop3A_685, %parallel_loop3A_686, %parallel_loop3A_687], %parallel_loop3A_690 {strides = array<i32>} : memref<4x32x768xf32, #tpu.memory_space<vmem>>, vector<1x1x16xf32>,
        %parallel_loop3A_691 = arith.constant 1 : i32
        %parallel_loop3A_692 = arith.index_cast %parallel_loop3A_691 : i32 to index
        %parallel_loop3A_693 = arith.index_cast %parallel_loop3A_306 : i32 to index
        %parallel_loop3A_694 = arith.constant 384 : index
        %parallel_loop3A_695 = tpu.vector_load %arg6[%parallel_loop3A_692, %parallel_loop3A_693, %parallel_loop3A_694] {strides = array<i32>} : memref<4x32x768xf32, #tpu.memory_space<vmem>>, vector<1x1x16xf32>,
        %parallel_loop3A_696 = vector.shape_cast %parallel_loop3A_695 : vector<1x1x16xf32> to vector<16xf32>
        %parallel_loop3A_697 = arith.constant 27.7128124 : f32
        %parallel_loop3A_698 = vector.broadcast %parallel_loop3A_697 : f32 to vector<16xf32>
        %parallel_loop3A_699 = arith.mulf %parallel_loop3A_696, %parallel_loop3A_698 : vector<16xf32>
        %parallel_loop3A_700 = arith.constant 1 : i32
        %parallel_loop3A_701 = arith.index_cast %parallel_loop3A_700 : i32 to index
        %parallel_loop3A_702 = arith.index_cast %parallel_loop3A_306 : i32 to index
        %parallel_loop3A_703 = arith.constant 384 : index
        %parallel_loop3A_704 = tpu.vector_load %arg6[%parallel_loop3A_701, %parallel_loop3A_702, %parallel_loop3A_703] {strides = array<i32>} : memref<4x32x768xf32, #tpu.memory_space<vmem>>, vector<1x1x16xf32>,
        %parallel_loop3A_705 = vector.shape_cast %parallel_loop3A_704 : vector<1x1x16xf32> to vector<16xf32>
        %parallel_loop3A_706 = vector.shape_cast %parallel_loop3A_699 : vector<16xf32> to vector<1x1x16xf32>
        tpu.vector_store %arg6[%parallel_loop3A_701, %parallel_loop3A_702, %parallel_loop3A_703], %parallel_loop3A_706 {strides = array<i32>} : memref<4x32x768xf32, #tpu.memory_space<vmem>>, vector<1x1x16xf32>,
        %parallel_loop3A_707 = arith.constant 1 : i32
        %parallel_loop3A_708 = arith.index_cast %parallel_loop3A_707 : i32 to index
        %parallel_loop3A_709 = arith.index_cast %parallel_loop3A_306 : i32 to index
        %parallel_loop3A_710 = arith.constant 400 : index
        %parallel_loop3A_711 = tpu.vector_load %arg6[%parallel_loop3A_708, %parallel_loop3A_709, %parallel_loop3A_710] {strides = array<i32>} : memref<4x32x768xf32, #tpu.memory_space<vmem>>, vector<1x1x16xf32>,
        %parallel_loop3A_712 = vector.shape_cast %parallel_loop3A_711 : vector<1x1x16xf32> to vector<16xf32>
        %parallel_loop3A_713 = arith.constant 27.7128124 : f32
        %parallel_loop3A_714 = vector.broadcast %parallel_loop3A_713 : f32 to vector<16xf32>
        %parallel_loop3A_715 = arith.mulf %parallel_loop3A_712, %parallel_loop3A_714 : vector<16xf32>
        %parallel_loop3A_716 = arith.constant 1 : i32
        %parallel_loop3A_717 = arith.index_cast %parallel_loop3A_716 : i32 to index
        %parallel_loop3A_718 = arith.index_cast %parallel_loop3A_306 : i32 to index
        %parallel_loop3A_719 = arith.constant 400 : index
        %parallel_loop3A_720 = tpu.vector_load %arg6[%parallel_loop3A_717, %parallel_loop3A_718, %parallel_loop3A_719] {strides = array<i32>} : memref<4x32x768xf32, #tpu.memory_space<vmem>>, vector<1x1x16xf32>,
        %parallel_loop3A_721 = vector.shape_cast %parallel_loop3A_720 : vector<1x1x16xf32> to vector<16xf32>
        %parallel_loop3A_722 = vector.shape_cast %parallel_loop3A_715 : vector<16xf32> to vector<1x1x16xf32>
        tpu.vector_store %arg6[%parallel_loop3A_717, %parallel_loop3A_718, %parallel_loop3A_719], %parallel_loop3A_722 {strides = array<i32>} : memref<4x32x768xf32, #tpu.memory_space<vmem>>, vector<1x1x16xf32>,
        %parallel_loop3A_723 = arith.constant 1 : i32
        %parallel_loop3A_724 = arith.index_cast %parallel_loop3A_723 : i32 to index
        %parallel_loop3A_725 = arith.index_cast %parallel_loop3A_306 : i32 to index
        %parallel_loop3A_726 = arith.constant 416 : index
        %parallel_loop3A_727 = tpu.vector_load %arg6[%parallel_loop3A_724, %parallel_loop3A_725, %parallel_loop3A_726] {strides = array<i32>} : memref<4x32x768xf32, #tpu.memory_space<vmem>>, vector<1x1x16xf32>,
        %parallel_loop3A_728 = vector.shape_cast %parallel_loop3A_727 : vector<1x1x16xf32> to vector<16xf32>
        %parallel_loop3A_729 = arith.constant 27.7128124 : f32
        %parallel_loop3A_730 = vector.broadcast %parallel_loop3A_729 : f32 to vector<16xf32>
        %parallel_loop3A_731 = arith.mulf %parallel_loop3A_728, %parallel_loop3A_730 : vector<16xf32>
        %parallel_loop3A_732 = arith.constant 1 : i32
        %parallel_loop3A_733 = arith.index_cast %parallel_loop3A_732 : i32 to index
        %parallel_loop3A_734 = arith.index_cast %parallel_loop3A_306 : i32 to index
        %parallel_loop3A_735 = arith.constant 416 : index
        %parallel_loop3A_736 = tpu.vector_load %arg6[%parallel_loop3A_733, %parallel_loop3A_734, %parallel_loop3A_735] {strides = array<i32>} : memref<4x32x768xf32, #tpu.memory_space<vmem>>, vector<1x1x16xf32>,
        %parallel_loop3A_737 = vector.shape_cast %parallel_loop3A_736 : vector<1x1x16xf32> to vector<16xf32>
        %parallel_loop3A_738 = vector.shape_cast %parallel_loop3A_731 : vector<16xf32> to vector<1x1x16xf32>
        tpu.vector_store %arg6[%parallel_loop3A_733, %parallel_loop3A_734, %parallel_loop3A_735], %parallel_loop3A_738 {strides = array<i32>} : memref<4x32x768xf32, #tpu.memory_space<vmem>>, vector<1x1x16xf32>,
        %parallel_loop3A_739 = arith.constant 1 : i32
        %parallel_loop3A_740 = arith.index_cast %parallel_loop3A_739 : i32 to index
        %parallel_loop3A_741 = arith.index_cast %parallel_loop3A_306 : i32 to index
        %parallel_loop3A_742 = arith.constant 432 : index
        %parallel_loop3A_743 = tpu.vector_load %arg6[%parallel_loop3A_740, %parallel_loop3A_741, %parallel_loop3A_742] {strides = array<i32>} : memref<4x32x768xf32, #tpu.memory_space<vmem>>, vector<1x1x16xf32>,
        %parallel_loop3A_744 = vector.shape_cast %parallel_loop3A_743 : vector<1x1x16xf32> to vector<16xf32>
        %parallel_loop3A_745 = arith.constant 27.7128124 : f32
        %parallel_loop3A_746 = vector.broadcast %parallel_loop3A_745 : f32 to vector<16xf32>
        %parallel_loop3A_747 = arith.mulf %parallel_loop3A_744, %parallel_loop3A_746 : vector<16xf32>
        %parallel_loop3A_748 = arith.constant 1 : i32
        %parallel_loop3A_749 = arith.index_cast %parallel_loop3A_748 : i32 to index
        %parallel_loop3A_750 = arith.index_cast %parallel_loop3A_306 : i32 to index
        %parallel_loop3A_751 = arith.constant 432 : index
        %parallel_loop3A_752 = tpu.vector_load %arg6[%parallel_loop3A_749, %parallel_loop3A_750, %parallel_loop3A_751] {strides = array<i32>} : memref<4x32x768xf32, #tpu.memory_space<vmem>>, vector<1x1x16xf32>,
        %parallel_loop3A_753 = vector.shape_cast %parallel_loop3A_752 : vector<1x1x16xf32> to vector<16xf32>
        %parallel_loop3A_754 = vector.shape_cast %parallel_loop3A_747 : vector<16xf32> to vector<1x1x16xf32>
        tpu.vector_store %arg6[%parallel_loop3A_749, %parallel_loop3A_750, %parallel_loop3A_751], %parallel_loop3A_754 {strides = array<i32>} : memref<4x32x768xf32, #tpu.memory_space<vmem>>, vector<1x1x16xf32>,
        %parallel_loop3A_755 = arith.constant 1 : i32
        %parallel_loop3A_756 = arith.index_cast %parallel_loop3A_755 : i32 to index
        %parallel_loop3A_757 = arith.index_cast %parallel_loop3A_306 : i32 to index
        %parallel_loop3A_758 = arith.constant 448 : index
        %parallel_loop3A_759 = tpu.vector_load %arg6[%parallel_loop3A_756, %parallel_loop3A_757, %parallel_loop3A_758] {strides = array<i32>} : memref<4x32x768xf32, #tpu.memory_space<vmem>>, vector<1x1x16xf32>,
        %parallel_loop3A_760 = vector.shape_cast %parallel_loop3A_759 : vector<1x1x16xf32> to vector<16xf32>
        %parallel_loop3A_761 = arith.constant 27.7128124 : f32
        %parallel_loop3A_762 = vector.broadcast %parallel_loop3A_761 : f32 to vector<16xf32>
        %parallel_loop3A_763 = arith.mulf %parallel_loop3A_760, %parallel_loop3A_762 : vector<16xf32>
        %parallel_loop3A_764 = arith.constant 1 : i32
        %parallel_loop3A_765 = arith.index_cast %parallel_loop3A_764 : i32 to index
        %parallel_loop3A_766 = arith.index_cast %parallel_loop3A_306 : i32 to index
        %parallel_loop3A_767 = arith.constant 448 : index
        %parallel_loop3A_768 = tpu.vector_load %arg6[%parallel_loop3A_765, %parallel_loop3A_766, %parallel_loop3A_767] {strides = array<i32>} : memref<4x32x768xf32, #tpu.memory_space<vmem>>, vector<1x1x16xf32>,
        %parallel_loop3A_769 = vector.shape_cast %parallel_loop3A_768 : vector<1x1x16xf32> to vector<16xf32>
        %parallel_loop3A_770 = vector.shape_cast %parallel_loop3A_763 : vector<16xf32> to vector<1x1x16xf32>
        tpu.vector_store %arg6[%parallel_loop3A_765, %parallel_loop3A_766, %parallel_loop3A_767], %parallel_loop3A_770 {strides = array<i32>} : memref<4x32x768xf32, #tpu.memory_space<vmem>>, vector<1x1x16xf32>,
        %parallel_loop3A_771 = arith.constant 1 : i32
        %parallel_loop3A_772 = arith.index_cast %parallel_loop3A_771 : i32 to index
        %parallel_loop3A_773 = arith.index_cast %parallel_loop3A_306 : i32 to index
        %parallel_loop3A_774 = arith.constant 464 : index
        %parallel_loop3A_775 = tpu.vector_load %arg6[%parallel_loop3A_772, %parallel_loop3A_773, %parallel_loop3A_774] {strides = array<i32>} : memref<4x32x768xf32, #tpu.memory_space<vmem>>, vector<1x1x16xf32>,
        %parallel_loop3A_776 = vector.shape_cast %parallel_loop3A_775 : vector<1x1x16xf32> to vector<16xf32>
        %parallel_loop3A_777 = arith.constant 27.7128124 : f32
        %parallel_loop3A_778 = vector.broadcast %parallel_loop3A_777 : f32 to vector<16xf32>
        %parallel_loop3A_779 = arith.mulf %parallel_loop3A_776, %parallel_loop3A_778 : vector<16xf32>
        %parallel_loop3A_780 = arith.constant 1 : i32
        %parallel_loop3A_781 = arith.index_cast %parallel_loop3A_780 : i32 to index
        %parallel_loop3A_782 = arith.index_cast %parallel_loop3A_306 : i32 to index
        %parallel_loop3A_783 = arith.constant 464 : index
        %parallel_loop3A_784 = tpu.vector_load %arg6[%parallel_loop3A_781, %parallel_loop3A_782, %parallel_loop3A_783] {strides = array<i32>} : memref<4x32x768xf32, #tpu.memory_space<vmem>>, vector<1x1x16xf32>,
        %parallel_loop3A_785 = vector.shape_cast %parallel_loop3A_784 : vector<1x1x16xf32> to vector<16xf32>
        %parallel_loop3A_786 = vector.shape_cast %parallel_loop3A_779 : vector<16xf32> to vector<1x1x16xf32>
        tpu.vector_store %arg6[%parallel_loop3A_781, %parallel_loop3A_782, %parallel_loop3A_783], %parallel_loop3A_786 {strides = array<i32>} : memref<4x32x768xf32, #tpu.memory_space<vmem>>, vector<1x1x16xf32>,
        %parallel_loop3A_787 = arith.constant 1 : i32
        %parallel_loop3A_788 = arith.index_cast %parallel_loop3A_787 : i32 to index
        %parallel_loop3A_789 = arith.index_cast %parallel_loop3A_306 : i32 to index
        %parallel_loop3A_790 = arith.constant 480 : index
        %parallel_loop3A_791 = tpu.vector_load %arg6[%parallel_loop3A_788, %parallel_loop3A_789, %parallel_loop3A_790] {strides = array<i32>} : memref<4x32x768xf32, #tpu.memory_space<vmem>>, vector<1x1x16xf32>,
        %parallel_loop3A_792 = vector.shape_cast %parallel_loop3A_791 : vector<1x1x16xf32> to vector<16xf32>
        %parallel_loop3A_793 = arith.constant 27.7128124 : f32
        %parallel_loop3A_794 = vector.broadcast %parallel_loop3A_793 : f32 to vector<16xf32>
        %parallel_loop3A_795 = arith.mulf %parallel_loop3A_792, %parallel_loop3A_794 : vector<16xf32>
        %parallel_loop3A_796 = arith.constant 1 : i32
        %parallel_loop3A_797 = arith.index_cast %parallel_loop3A_796 : i32 to index
        %parallel_loop3A_798 = arith.index_cast %parallel_loop3A_306 : i32 to index
        %parallel_loop3A_799 = arith.constant 480 : index
        %parallel_loop3A_800 = tpu.vector_load %arg6[%parallel_loop3A_797, %parallel_loop3A_798, %parallel_loop3A_799] {strides = array<i32>} : memref<4x32x768xf32, #tpu.memory_space<vmem>>, vector<1x1x16xf32>,
        %parallel_loop3A_801 = vector.shape_cast %parallel_loop3A_800 : vector<1x1x16xf32> to vector<16xf32>
        %parallel_loop3A_802 = vector.shape_cast %parallel_loop3A_795 : vector<16xf32> to vector<1x1x16xf32>
        tpu.vector_store %arg6[%parallel_loop3A_797, %parallel_loop3A_798, %parallel_loop3A_799], %parallel_loop3A_802 {strides = array<i32>} : memref<4x32x768xf32, #tpu.memory_space<vmem>>, vector<1x1x16xf32>,
        %parallel_loop3A_803 = arith.constant 1 : i32
        %parallel_loop3A_804 = arith.index_cast %parallel_loop3A_803 : i32 to index
        %parallel_loop3A_805 = arith.index_cast %parallel_loop3A_306 : i32 to index
        %parallel_loop3A_806 = arith.constant 496 : index
        %parallel_loop3A_807 = tpu.vector_load %arg6[%parallel_loop3A_804, %parallel_loop3A_805, %parallel_loop3A_806] {strides = array<i32>} : memref<4x32x768xf32, #tpu.memory_space<vmem>>, vector<1x1x16xf32>,
        %parallel_loop3A_808 = vector.shape_cast %parallel_loop3A_807 : vector<1x1x16xf32> to vector<16xf32>
        %parallel_loop3A_809 = arith.constant 27.7128124 : f32
        %parallel_loop3A_810 = vector.broadcast %parallel_loop3A_809 : f32 to vector<16xf32>
        %parallel_loop3A_811 = arith.mulf %parallel_loop3A_808, %parallel_loop3A_810 : vector<16xf32>
        %parallel_loop3A_812 = arith.constant 1 : i32
        %parallel_loop3A_813 = arith.index_cast %parallel_loop3A_812 : i32 to index
        %parallel_loop3A_814 = arith.index_cast %parallel_loop3A_306 : i32 to index
        %parallel_loop3A_815 = arith.constant 496 : index
        %parallel_loop3A_816 = tpu.vector_load %arg6[%parallel_loop3A_813, %parallel_loop3A_814, %parallel_loop3A_815] {strides = array<i32>} : memref<4x32x768xf32, #tpu.memory_space<vmem>>, vector<1x1x16xf32>,
        %parallel_loop3A_817 = vector.shape_cast %parallel_loop3A_816 : vector<1x1x16xf32> to vector<16xf32>
        %parallel_loop3A_818 = vector.shape_cast %parallel_loop3A_811 : vector<16xf32> to vector<1x1x16xf32>
        tpu.vector_store %arg6[%parallel_loop3A_813, %parallel_loop3A_814, %parallel_loop3A_815], %parallel_loop3A_818 {strides = array<i32>} : memref<4x32x768xf32, #tpu.memory_space<vmem>>, vector<1x1x16xf32>,
        %parallel_loop3A_819 = arith.constant 1 : i32
        %parallel_loop3A_820 = arith.index_cast %parallel_loop3A_819 : i32 to index
        %parallel_loop3A_821 = arith.index_cast %parallel_loop3A_306 : i32 to index
        %parallel_loop3A_822 = arith.constant 512 : index
        %parallel_loop3A_823 = tpu.vector_load %arg6[%parallel_loop3A_820, %parallel_loop3A_821, %parallel_loop3A_822] {strides = array<i32>} : memref<4x32x768xf32, #tpu.memory_space<vmem>>, vector<1x1x16xf32>,
        %parallel_loop3A_824 = vector.shape_cast %parallel_loop3A_823 : vector<1x1x16xf32> to vector<16xf32>
        %parallel_loop3A_825 = arith.constant 27.7128124 : f32
        %parallel_loop3A_826 = vector.broadcast %parallel_loop3A_825 : f32 to vector<16xf32>
        %parallel_loop3A_827 = arith.mulf %parallel_loop3A_824, %parallel_loop3A_826 : vector<16xf32>
        %parallel_loop3A_828 = arith.constant 1 : i32
        %parallel_loop3A_829 = arith.index_cast %parallel_loop3A_828 : i32 to index
        %parallel_loop3A_830 = arith.index_cast %parallel_loop3A_306 : i32 to index
        %parallel_loop3A_831 = arith.constant 512 : index
        %parallel_loop3A_832 = tpu.vector_load %arg6[%parallel_loop3A_829, %parallel_loop3A_830, %parallel_loop3A_831] {strides = array<i32>} : memref<4x32x768xf32, #tpu.memory_space<vmem>>, vector<1x1x16xf32>,
        %parallel_loop3A_833 = vector.shape_cast %parallel_loop3A_832 : vector<1x1x16xf32> to vector<16xf32>
        %parallel_loop3A_834 = vector.shape_cast %parallel_loop3A_827 : vector<16xf32> to vector<1x1x16xf32>
        tpu.vector_store %arg6[%parallel_loop3A_829, %parallel_loop3A_830, %parallel_loop3A_831], %parallel_loop3A_834 {strides = array<i32>} : memref<4x32x768xf32, #tpu.memory_space<vmem>>, vector<1x1x16xf32>,
        %parallel_loop3A_835 = arith.constant 1 : i32
        %parallel_loop3A_836 = arith.index_cast %parallel_loop3A_835 : i32 to index
        %parallel_loop3A_837 = arith.index_cast %parallel_loop3A_306 : i32 to index
        %parallel_loop3A_838 = arith.constant 528 : index
        %parallel_loop3A_839 = tpu.vector_load %arg6[%parallel_loop3A_836, %parallel_loop3A_837, %parallel_loop3A_838] {strides = array<i32>} : memref<4x32x768xf32, #tpu.memory_space<vmem>>, vector<1x1x16xf32>,
        %parallel_loop3A_840 = vector.shape_cast %parallel_loop3A_839 : vector<1x1x16xf32> to vector<16xf32>
        %parallel_loop3A_841 = arith.constant 27.7128124 : f32
        %parallel_loop3A_842 = vector.broadcast %parallel_loop3A_841 : f32 to vector<16xf32>
        %parallel_loop3A_843 = arith.mulf %parallel_loop3A_840, %parallel_loop3A_842 : vector<16xf32>
        %parallel_loop3A_844 = arith.constant 1 : i32
        %parallel_loop3A_845 = arith.index_cast %parallel_loop3A_844 : i32 to index
        %parallel_loop3A_846 = arith.index_cast %parallel_loop3A_306 : i32 to index
        %parallel_loop3A_847 = arith.constant 528 : index
        %parallel_loop3A_848 = tpu.vector_load %arg6[%parallel_loop3A_845, %parallel_loop3A_846, %parallel_loop3A_847] {strides = array<i32>} : memref<4x32x768xf32, #tpu.memory_space<vmem>>, vector<1x1x16xf32>,
        %parallel_loop3A_849 = vector.shape_cast %parallel_loop3A_848 : vector<1x1x16xf32> to vector<16xf32>
        %parallel_loop3A_850 = vector.shape_cast %parallel_loop3A_843 : vector<16xf32> to vector<1x1x16xf32>
        tpu.vector_store %arg6[%parallel_loop3A_845, %parallel_loop3A_846, %parallel_loop3A_847], %parallel_loop3A_850 {strides = array<i32>} : memref<4x32x768xf32, #tpu.memory_space<vmem>>, vector<1x1x16xf32>,
        %parallel_loop3A_851 = arith.constant 1 : i32
        %parallel_loop3A_852 = arith.index_cast %parallel_loop3A_851 : i32 to index
        %parallel_loop3A_853 = arith.index_cast %parallel_loop3A_306 : i32 to index
        %parallel_loop3A_854 = arith.constant 544 : index
        %parallel_loop3A_855 = tpu.vector_load %arg6[%parallel_loop3A_852, %parallel_loop3A_853, %parallel_loop3A_854] {strides = array<i32>} : memref<4x32x768xf32, #tpu.memory_space<vmem>>, vector<1x1x16xf32>,
        %parallel_loop3A_856 = vector.shape_cast %parallel_loop3A_855 : vector<1x1x16xf32> to vector<16xf32>
        %parallel_loop3A_857 = arith.constant 27.7128124 : f32
        %parallel_loop3A_858 = vector.broadcast %parallel_loop3A_857 : f32 to vector<16xf32>
        %parallel_loop3A_859 = arith.mulf %parallel_loop3A_856, %parallel_loop3A_858 : vector<16xf32>
        %parallel_loop3A_860 = arith.constant 1 : i32
        %parallel_loop3A_861 = arith.index_cast %parallel_loop3A_860 : i32 to index
        %parallel_loop3A_862 = arith.index_cast %parallel_loop3A_306 : i32 to index
        %parallel_loop3A_863 = arith.constant 544 : index
        %parallel_loop3A_864 = tpu.vector_load %arg6[%parallel_loop3A_861, %parallel_loop3A_862, %parallel_loop3A_863] {strides = array<i32>} : memref<4x32x768xf32, #tpu.memory_space<vmem>>, vector<1x1x16xf32>,
        %parallel_loop3A_865 = vector.shape_cast %parallel_loop3A_864 : vector<1x1x16xf32> to vector<16xf32>
        %parallel_loop3A_866 = vector.shape_cast %parallel_loop3A_859 : vector<16xf32> to vector<1x1x16xf32>
        tpu.vector_store %arg6[%parallel_loop3A_861, %parallel_loop3A_862, %parallel_loop3A_863], %parallel_loop3A_866 {strides = array<i32>} : memref<4x32x768xf32, #tpu.memory_space<vmem>>, vector<1x1x16xf32>,
        %parallel_loop3A_867 = arith.constant 1 : i32
        %parallel_loop3A_868 = arith.index_cast %parallel_loop3A_867 : i32 to index
        %parallel_loop3A_869 = arith.index_cast %parallel_loop3A_306 : i32 to index
        %parallel_loop3A_870 = arith.constant 560 : index
        %parallel_loop3A_871 = tpu.vector_load %arg6[%parallel_loop3A_868, %parallel_loop3A_869, %parallel_loop3A_870] {strides = array<i32>} : memref<4x32x768xf32, #tpu.memory_space<vmem>>, vector<1x1x16xf32>,
        %parallel_loop3A_872 = vector.shape_cast %parallel_loop3A_871 : vector<1x1x16xf32> to vector<16xf32>
        %parallel_loop3A_873 = arith.constant 27.7128124 : f32
        %parallel_loop3A_874 = vector.broadcast %parallel_loop3A_873 : f32 to vector<16xf32>
        %parallel_loop3A_875 = arith.mulf %parallel_loop3A_872, %parallel_loop3A_874 : vector<16xf32>
        %parallel_loop3A_876 = arith.constant 1 : i32
        %parallel_loop3A_877 = arith.index_cast %parallel_loop3A_876 : i32 to index
        %parallel_loop3A_878 = arith.index_cast %parallel_loop3A_306 : i32 to index
        %parallel_loop3A_879 = arith.constant 560 : index
        %parallel_loop3A_880 = tpu.vector_load %arg6[%parallel_loop3A_877, %parallel_loop3A_878, %parallel_loop3A_879] {strides = array<i32>} : memref<4x32x768xf32, #tpu.memory_space<vmem>>, vector<1x1x16xf32>,
        %parallel_loop3A_881 = vector.shape_cast %parallel_loop3A_880 : vector<1x1x16xf32> to vector<16xf32>
        %parallel_loop3A_882 = vector.shape_cast %parallel_loop3A_875 : vector<16xf32> to vector<1x1x16xf32>
        tpu.vector_store %arg6[%parallel_loop3A_877, %parallel_loop3A_878, %parallel_loop3A_879], %parallel_loop3A_882 {strides = array<i32>} : memref<4x32x768xf32, #tpu.memory_space<vmem>>, vector<1x1x16xf32>,
        %parallel_loop3A_883 = arith.constant 1 : i32
        %parallel_loop3A_884 = arith.index_cast %parallel_loop3A_883 : i32 to index
        %parallel_loop3A_885 = arith.index_cast %parallel_loop3A_306 : i32 to index
        %parallel_loop3A_886 = arith.constant 576 : index
        %parallel_loop3A_887 = tpu.vector_load %arg6[%parallel_loop3A_884, %parallel_loop3A_885, %parallel_loop3A_886] {strides = array<i32>} : memref<4x32x768xf32, #tpu.memory_space<vmem>>, vector<1x1x16xf32>,
        %parallel_loop3A_888 = vector.shape_cast %parallel_loop3A_887 : vector<1x1x16xf32> to vector<16xf32>
        %parallel_loop3A_889 = arith.constant 27.7128124 : f32
        %parallel_loop3A_890 = vector.broadcast %parallel_loop3A_889 : f32 to vector<16xf32>
        %parallel_loop3A_891 = arith.mulf %parallel_loop3A_888, %parallel_loop3A_890 : vector<16xf32>
        %parallel_loop3A_892 = arith.constant 1 : i32
        %parallel_loop3A_893 = arith.index_cast %parallel_loop3A_892 : i32 to index
        %parallel_loop3A_894 = arith.index_cast %parallel_loop3A_306 : i32 to index
        %parallel_loop3A_895 = arith.constant 576 : index
        %parallel_loop3A_896 = tpu.vector_load %arg6[%parallel_loop3A_893, %parallel_loop3A_894, %parallel_loop3A_895] {strides = array<i32>} : memref<4x32x768xf32, #tpu.memory_space<vmem>>, vector<1x1x16xf32>,
        %parallel_loop3A_897 = vector.shape_cast %parallel_loop3A_896 : vector<1x1x16xf32> to vector<16xf32>
        %parallel_loop3A_898 = vector.shape_cast %parallel_loop3A_891 : vector<16xf32> to vector<1x1x16xf32>
        tpu.vector_store %arg6[%parallel_loop3A_893, %parallel_loop3A_894, %parallel_loop3A_895], %parallel_loop3A_898 {strides = array<i32>} : memref<4x32x768xf32, #tpu.memory_space<vmem>>, vector<1x1x16xf32>,
        %parallel_loop3A_899 = arith.constant 1 : i32
        %parallel_loop3A_900 = arith.index_cast %parallel_loop3A_899 : i32 to index
        %parallel_loop3A_901 = arith.index_cast %parallel_loop3A_306 : i32 to index
        %parallel_loop3A_902 = arith.constant 592 : index
        %parallel_loop3A_903 = tpu.vector_load %arg6[%parallel_loop3A_900, %parallel_loop3A_901, %parallel_loop3A_902] {strides = array<i32>} : memref<4x32x768xf32, #tpu.memory_space<vmem>>, vector<1x1x16xf32>,
        %parallel_loop3A_904 = vector.shape_cast %parallel_loop3A_903 : vector<1x1x16xf32> to vector<16xf32>
        %parallel_loop3A_905 = arith.constant 27.7128124 : f32
        %parallel_loop3A_906 = vector.broadcast %parallel_loop3A_905 : f32 to vector<16xf32>
        %parallel_loop3A_907 = arith.mulf %parallel_loop3A_904, %parallel_loop3A_906 : vector<16xf32>
        %parallel_loop3A_908 = arith.constant 1 : i32
        %parallel_loop3A_909 = arith.index_cast %parallel_loop3A_908 : i32 to index
        %parallel_loop3A_910 = arith.index_cast %parallel_loop3A_306 : i32 to index
        %parallel_loop3A_911 = arith.constant 592 : index
        %parallel_loop3A_912 = tpu.vector_load %arg6[%parallel_loop3A_909, %parallel_loop3A_910, %parallel_loop3A_911] {strides = array<i32>} : memref<4x32x768xf32, #tpu.memory_space<vmem>>, vector<1x1x16xf32>,
        %parallel_loop3A_913 = vector.shape_cast %parallel_loop3A_912 : vector<1x1x16xf32> to vector<16xf32>
        %parallel_loop3A_914 = vector.shape_cast %parallel_loop3A_907 : vector<16xf32> to vector<1x1x16xf32>
        tpu.vector_store %arg6[%parallel_loop3A_909, %parallel_loop3A_910, %parallel_loop3A_911], %parallel_loop3A_914 {strides = array<i32>} : memref<4x32x768xf32, #tpu.memory_space<vmem>>, vector<1x1x16xf32>,
        %parallel_loop3A_915 = arith.constant 1 : i32
        %parallel_loop3A_916 = arith.index_cast %parallel_loop3A_915 : i32 to index
        %parallel_loop3A_917 = arith.index_cast %parallel_loop3A_306 : i32 to index
        %parallel_loop3A_918 = arith.constant 608 : index
        %parallel_loop3A_919 = tpu.vector_load %arg6[%parallel_loop3A_916, %parallel_loop3A_917, %parallel_loop3A_918] {strides = array<i32>} : memref<4x32x768xf32, #tpu.memory_space<vmem>>, vector<1x1x16xf32>,
        %parallel_loop3A_920 = vector.shape_cast %parallel_loop3A_919 : vector<1x1x16xf32> to vector<16xf32>
        %parallel_loop3A_921 = arith.constant 27.7128124 : f32
        %parallel_loop3A_922 = vector.broadcast %parallel_loop3A_921 : f32 to vector<16xf32>
        %parallel_loop3A_923 = arith.mulf %parallel_loop3A_920, %parallel_loop3A_922 : vector<16xf32>
        %parallel_loop3A_924 = arith.constant 1 : i32
        %parallel_loop3A_925 = arith.index_cast %parallel_loop3A_924 : i32 to index
        %parallel_loop3A_926 = arith.index_cast %parallel_loop3A_306 : i32 to index
        %parallel_loop3A_927 = arith.constant 608 : index
        %parallel_loop3A_928 = tpu.vector_load %arg6[%parallel_loop3A_925, %parallel_loop3A_926, %parallel_loop3A_927] {strides = array<i32>} : memref<4x32x768xf32, #tpu.memory_space<vmem>>, vector<1x1x16xf32>,
        %parallel_loop3A_929 = vector.shape_cast %parallel_loop3A_928 : vector<1x1x16xf32> to vector<16xf32>
        %parallel_loop3A_930 = vector.shape_cast %parallel_loop3A_923 : vector<16xf32> to vector<1x1x16xf32>
        tpu.vector_store %arg6[%parallel_loop3A_925, %parallel_loop3A_926, %parallel_loop3A_927], %parallel_loop3A_930 {strides = array<i32>} : memref<4x32x768xf32, #tpu.memory_space<vmem>>, vector<1x1x16xf32>,
        %parallel_loop3A_931 = arith.constant 1 : i32
        %parallel_loop3A_932 = arith.index_cast %parallel_loop3A_931 : i32 to index
        %parallel_loop3A_933 = arith.index_cast %parallel_loop3A_306 : i32 to index
        %parallel_loop3A_934 = arith.constant 624 : index
        %parallel_loop3A_935 = tpu.vector_load %arg6[%parallel_loop3A_932, %parallel_loop3A_933, %parallel_loop3A_934] {strides = array<i32>} : memref<4x32x768xf32, #tpu.memory_space<vmem>>, vector<1x1x16xf32>,
        %parallel_loop3A_936 = vector.shape_cast %parallel_loop3A_935 : vector<1x1x16xf32> to vector<16xf32>
        %parallel_loop3A_937 = arith.constant 27.7128124 : f32
        %parallel_loop3A_938 = vector.broadcast %parallel_loop3A_937 : f32 to vector<16xf32>
        %parallel_loop3A_939 = arith.mulf %parallel_loop3A_936, %parallel_loop3A_938 : vector<16xf32>
        %parallel_loop3A_940 = arith.constant 1 : i32
        %parallel_loop3A_941 = arith.index_cast %parallel_loop3A_940 : i32 to index
        %parallel_loop3A_942 = arith.index_cast %parallel_loop3A_306 : i32 to index
        %parallel_loop3A_943 = arith.constant 624 : index
        %parallel_loop3A_944 = tpu.vector_load %arg6[%parallel_loop3A_941, %parallel_loop3A_942, %parallel_loop3A_943] {strides = array<i32>} : memref<4x32x768xf32, #tpu.memory_space<vmem>>, vector<1x1x16xf32>,
        %parallel_loop3A_945 = vector.shape_cast %parallel_loop3A_944 : vector<1x1x16xf32> to vector<16xf32>
        %parallel_loop3A_946 = vector.shape_cast %parallel_loop3A_939 : vector<16xf32> to vector<1x1x16xf32>
        tpu.vector_store %arg6[%parallel_loop3A_941, %parallel_loop3A_942, %parallel_loop3A_943], %parallel_loop3A_946 {strides = array<i32>} : memref<4x32x768xf32, #tpu.memory_space<vmem>>, vector<1x1x16xf32>,
        %parallel_loop3A_947 = arith.constant 1 : i32
        %parallel_loop3A_948 = arith.index_cast %parallel_loop3A_947 : i32 to index
        %parallel_loop3A_949 = arith.index_cast %parallel_loop3A_306 : i32 to index
        %parallel_loop3A_950 = arith.constant 640 : index
        %parallel_loop3A_951 = tpu.vector_load %arg6[%parallel_loop3A_948, %parallel_loop3A_949, %parallel_loop3A_950] {strides = array<i32>} : memref<4x32x768xf32, #tpu.memory_space<vmem>>, vector<1x1x16xf32>,
        %parallel_loop3A_952 = vector.shape_cast %parallel_loop3A_951 : vector<1x1x16xf32> to vector<16xf32>
        %parallel_loop3A_953 = arith.constant 27.7128124 : f32
        %parallel_loop3A_954 = vector.broadcast %parallel_loop3A_953 : f32 to vector<16xf32>
        %parallel_loop3A_955 = arith.mulf %parallel_loop3A_952, %parallel_loop3A_954 : vector<16xf32>
        %parallel_loop3A_956 = arith.constant 1 : i32
        %parallel_loop3A_957 = arith.index_cast %parallel_loop3A_956 : i32 to index
        %parallel_loop3A_958 = arith.index_cast %parallel_loop3A_306 : i32 to index
        %parallel_loop3A_959 = arith.constant 640 : index
        %parallel_loop3A_960 = tpu.vector_load %arg6[%parallel_loop3A_957, %parallel_loop3A_958, %parallel_loop3A_959] {strides = array<i32>} : memref<4x32x768xf32, #tpu.memory_space<vmem>>, vector<1x1x16xf32>,
        %parallel_loop3A_961 = vector.shape_cast %parallel_loop3A_960 : vector<1x1x16xf32> to vector<16xf32>
        %parallel_loop3A_962 = vector.shape_cast %parallel_loop3A_955 : vector<16xf32> to vector<1x1x16xf32>
        tpu.vector_store %arg6[%parallel_loop3A_957, %parallel_loop3A_958, %parallel_loop3A_959], %parallel_loop3A_962 {strides = array<i32>} : memref<4x32x768xf32, #tpu.memory_space<vmem>>, vector<1x1x16xf32>,
        %parallel_loop3A_963 = arith.constant 1 : i32
        %parallel_loop3A_964 = arith.index_cast %parallel_loop3A_963 : i32 to index
        %parallel_loop3A_965 = arith.index_cast %parallel_loop3A_306 : i32 to index
        %parallel_loop3A_966 = arith.constant 656 : index
        %parallel_loop3A_967 = tpu.vector_load %arg6[%parallel_loop3A_964, %parallel_loop3A_965, %parallel_loop3A_966] {strides = array<i32>} : memref<4x32x768xf32, #tpu.memory_space<vmem>>, vector<1x1x16xf32>,
        %parallel_loop3A_968 = vector.shape_cast %parallel_loop3A_967 : vector<1x1x16xf32> to vector<16xf32>
        %parallel_loop3A_969 = arith.constant 27.7128124 : f32
        %parallel_loop3A_970 = vector.broadcast %parallel_loop3A_969 : f32 to vector<16xf32>
        %parallel_loop3A_971 = arith.mulf %parallel_loop3A_968, %parallel_loop3A_970 : vector<16xf32>
        %parallel_loop3A_972 = arith.constant 1 : i32
        %parallel_loop3A_973 = arith.index_cast %parallel_loop3A_972 : i32 to index
        %parallel_loop3A_974 = arith.index_cast %parallel_loop3A_306 : i32 to index
        %parallel_loop3A_975 = arith.constant 656 : index
        %parallel_loop3A_976 = tpu.vector_load %arg6[%parallel_loop3A_973, %parallel_loop3A_974, %parallel_loop3A_975] {strides = array<i32>} : memref<4x32x768xf32, #tpu.memory_space<vmem>>, vector<1x1x16xf32>,
        %parallel_loop3A_977 = vector.shape_cast %parallel_loop3A_976 : vector<1x1x16xf32> to vector<16xf32>
        %parallel_loop3A_978 = vector.shape_cast %parallel_loop3A_971 : vector<16xf32> to vector<1x1x16xf32>
        tpu.vector_store %arg6[%parallel_loop3A_973, %parallel_loop3A_974, %parallel_loop3A_975], %parallel_loop3A_978 {strides = array<i32>} : memref<4x32x768xf32, #tpu.memory_space<vmem>>, vector<1x1x16xf32>,
        %parallel_loop3A_979 = arith.constant 1 : i32
        %parallel_loop3A_980 = arith.index_cast %parallel_loop3A_979 : i32 to index
        %parallel_loop3A_981 = arith.index_cast %parallel_loop3A_306 : i32 to index
        %parallel_loop3A_982 = arith.constant 672 : index
        %parallel_loop3A_983 = tpu.vector_load %arg6[%parallel_loop3A_980, %parallel_loop3A_981, %parallel_loop3A_982] {strides = array<i32>} : memref<4x32x768xf32, #tpu.memory_space<vmem>>, vector<1x1x16xf32>,
        %parallel_loop3A_984 = vector.shape_cast %parallel_loop3A_983 : vector<1x1x16xf32> to vector<16xf32>
        %parallel_loop3A_985 = arith.constant 27.7128124 : f32
        %parallel_loop3A_986 = vector.broadcast %parallel_loop3A_985 : f32 to vector<16xf32>
        %parallel_loop3A_987 = arith.mulf %parallel_loop3A_984, %parallel_loop3A_986 : vector<16xf32>
        %parallel_loop3A_988 = arith.constant 1 : i32
        %parallel_loop3A_989 = arith.index_cast %parallel_loop3A_988 : i32 to index
        %parallel_loop3A_990 = arith.index_cast %parallel_loop3A_306 : i32 to index
        %parallel_loop3A_991 = arith.constant 672 : index
        %parallel_loop3A_992 = tpu.vector_load %arg6[%parallel_loop3A_989, %parallel_loop3A_990, %parallel_loop3A_991] {strides = array<i32>} : memref<4x32x768xf32, #tpu.memory_space<vmem>>, vector<1x1x16xf32>,
        %parallel_loop3A_993 = vector.shape_cast %parallel_loop3A_992 : vector<1x1x16xf32> to vector<16xf32>
        %parallel_loop3A_994 = vector.shape_cast %parallel_loop3A_987 : vector<16xf32> to vector<1x1x16xf32>
        tpu.vector_store %arg6[%parallel_loop3A_989, %parallel_loop3A_990, %parallel_loop3A_991], %parallel_loop3A_994 {strides = array<i32>} : memref<4x32x768xf32, #tpu.memory_space<vmem>>, vector<1x1x16xf32>,
        %parallel_loop3A_995 = arith.constant 1 : i32
        %parallel_loop3A_996 = arith.index_cast %parallel_loop3A_995 : i32 to index
        %parallel_loop3A_997 = arith.index_cast %parallel_loop3A_306 : i32 to index
        %parallel_loop3A_998 = arith.constant 688 : index
        %parallel_loop3A_999 = tpu.vector_load %arg6[%parallel_loop3A_996, %parallel_loop3A_997, %parallel_loop3A_998] {strides = array<i32>} : memref<4x32x768xf32, #tpu.memory_space<vmem>>, vector<1x1x16xf32>,
        %parallel_loop3A_1000 = vector.shape_cast %parallel_loop3A_999 : vector<1x1x16xf32> to vector<16xf32>
        %parallel_loop3A_1001 = arith.constant 27.7128124 : f32
        %parallel_loop3A_1002 = vector.broadcast %parallel_loop3A_1001 : f32 to vector<16xf32>
        %parallel_loop3A_1003 = arith.mulf %parallel_loop3A_1000, %parallel_loop3A_1002 : vector<16xf32>
        %parallel_loop3A_1004 = arith.constant 1 : i32
        %parallel_loop3A_1005 = arith.index_cast %parallel_loop3A_1004 : i32 to index
        %parallel_loop3A_1006 = arith.index_cast %parallel_loop3A_306 : i32 to index
        %parallel_loop3A_1007 = arith.constant 688 : index
        %parallel_loop3A_1008 = tpu.vector_load %arg6[%parallel_loop3A_1005, %parallel_loop3A_1006, %parallel_loop3A_1007] {strides = array<i32>} : memref<4x32x768xf32, #tpu.memory_space<vmem>>, vector<1x1x16xf32>,
        %parallel_loop3A_1009 = vector.shape_cast %parallel_loop3A_1008 : vector<1x1x16xf32> to vector<16xf32>
        %parallel_loop3A_1010 = vector.shape_cast %parallel_loop3A_1003 : vector<16xf32> to vector<1x1x16xf32>
        tpu.vector_store %arg6[%parallel_loop3A_1005, %parallel_loop3A_1006, %parallel_loop3A_1007], %parallel_loop3A_1010 {strides = array<i32>} : memref<4x32x768xf32, #tpu.memory_space<vmem>>, vector<1x1x16xf32>,
        %parallel_loop3A_1011 = arith.constant 1 : i32
        %parallel_loop3A_1012 = arith.index_cast %parallel_loop3A_1011 : i32 to index
        %parallel_loop3A_1013 = arith.index_cast %parallel_loop3A_306 : i32 to index
        %parallel_loop3A_1014 = arith.constant 704 : index
        %parallel_loop3A_1015 = tpu.vector_load %arg6[%parallel_loop3A_1012, %parallel_loop3A_1013, %parallel_loop3A_1014] {strides = array<i32>} : memref<4x32x768xf32, #tpu.memory_space<vmem>>, vector<1x1x16xf32>,
        %parallel_loop3A_1016 = vector.shape_cast %parallel_loop3A_1015 : vector<1x1x16xf32> to vector<16xf32>
        %parallel_loop3A_1017 = arith.constant 27.7128124 : f32
        %parallel_loop3A_1018 = vector.broadcast %parallel_loop3A_1017 : f32 to vector<16xf32>
        %parallel_loop3A_1019 = arith.mulf %parallel_loop3A_1016, %parallel_loop3A_1018 : vector<16xf32>
        %parallel_loop3A_1020 = arith.constant 1 : i32
        %parallel_loop3A_1021 = arith.index_cast %parallel_loop3A_1020 : i32 to index
        %parallel_loop3A_1022 = arith.index_cast %parallel_loop3A_306 : i32 to index
        %parallel_loop3A_1023 = arith.constant 704 : index
        %parallel_loop3A_1024 = tpu.vector_load %arg6[%parallel_loop3A_1021, %parallel_loop3A_1022, %parallel_loop3A_1023] {strides = array<i32>} : memref<4x32x768xf32, #tpu.memory_space<vmem>>, vector<1x1x16xf32>,
        %parallel_loop3A_1025 = vector.shape_cast %parallel_loop3A_1024 : vector<1x1x16xf32> to vector<16xf32>
        %parallel_loop3A_1026 = vector.shape_cast %parallel_loop3A_1019 : vector<16xf32> to vector<1x1x16xf32>
        tpu.vector_store %arg6[%parallel_loop3A_1021, %parallel_loop3A_1022, %parallel_loop3A_1023], %parallel_loop3A_1026 {strides = array<i32>} : memref<4x32x768xf32, #tpu.memory_space<vmem>>, vector<1x1x16xf32>,
        %parallel_loop3A_1027 = arith.constant 1 : i32
        %parallel_loop3A_1028 = arith.index_cast %parallel_loop3A_1027 : i32 to index
        %parallel_loop3A_1029 = arith.index_cast %parallel_loop3A_306 : i32 to index
        %parallel_loop3A_1030 = arith.constant 720 : index
        %parallel_loop3A_1031 = tpu.vector_load %arg6[%parallel_loop3A_1028, %parallel_loop3A_1029, %parallel_loop3A_1030] {strides = array<i32>} : memref<4x32x768xf32, #tpu.memory_space<vmem>>, vector<1x1x16xf32>,
        %parallel_loop3A_1032 = vector.shape_cast %parallel_loop3A_1031 : vector<1x1x16xf32> to vector<16xf32>
        %parallel_loop3A_1033 = arith.constant 27.7128124 : f32
        %parallel_loop3A_1034 = vector.broadcast %parallel_loop3A_1033 : f32 to vector<16xf32>
        %parallel_loop3A_1035 = arith.mulf %parallel_loop3A_1032, %parallel_loop3A_1034 : vector<16xf32>
        %parallel_loop3A_1036 = arith.constant 1 : i32
        %parallel_loop3A_1037 = arith.index_cast %parallel_loop3A_1036 : i32 to index
        %parallel_loop3A_1038 = arith.index_cast %parallel_loop3A_306 : i32 to index
        %parallel_loop3A_1039 = arith.constant 720 : index
        %parallel_loop3A_1040 = tpu.vector_load %arg6[%parallel_loop3A_1037, %parallel_loop3A_1038, %parallel_loop3A_1039] {strides = array<i32>} : memref<4x32x768xf32, #tpu.memory_space<vmem>>, vector<1x1x16xf32>,
        %parallel_loop3A_1041 = vector.shape_cast %parallel_loop3A_1040 : vector<1x1x16xf32> to vector<16xf32>
        %parallel_loop3A_1042 = vector.shape_cast %parallel_loop3A_1035 : vector<16xf32> to vector<1x1x16xf32>
        tpu.vector_store %arg6[%parallel_loop3A_1037, %parallel_loop3A_1038, %parallel_loop3A_1039], %parallel_loop3A_1042 {strides = array<i32>} : memref<4x32x768xf32, #tpu.memory_space<vmem>>, vector<1x1x16xf32>,
        %parallel_loop3A_1043 = arith.constant 1 : i32
        %parallel_loop3A_1044 = arith.index_cast %parallel_loop3A_1043 : i32 to index
        %parallel_loop3A_1045 = arith.index_cast %parallel_loop3A_306 : i32 to index
        %parallel_loop3A_1046 = arith.constant 736 : index
        %parallel_loop3A_1047 = tpu.vector_load %arg6[%parallel_loop3A_1044, %parallel_loop3A_1045, %parallel_loop3A_1046] {strides = array<i32>} : memref<4x32x768xf32, #tpu.memory_space<vmem>>, vector<1x1x16xf32>,
        %parallel_loop3A_1048 = vector.shape_cast %parallel_loop3A_1047 : vector<1x1x16xf32> to vector<16xf32>
        %parallel_loop3A_1049 = arith.constant 27.7128124 : f32
        %parallel_loop3A_1050 = vector.broadcast %parallel_loop3A_1049 : f32 to vector<16xf32>
        %parallel_loop3A_1051 = arith.mulf %parallel_loop3A_1048, %parallel_loop3A_1050 : vector<16xf32>
        %parallel_loop3A_1052 = arith.constant 1 : i32
        %parallel_loop3A_1053 = arith.index_cast %parallel_loop3A_1052 : i32 to index
        %parallel_loop3A_1054 = arith.index_cast %parallel_loop3A_306 : i32 to index
        %parallel_loop3A_1055 = arith.constant 736 : index
        %parallel_loop3A_1056 = tpu.vector_load %arg6[%parallel_loop3A_1053, %parallel_loop3A_1054, %parallel_loop3A_1055] {strides = array<i32>} : memref<4x32x768xf32, #tpu.memory_space<vmem>>, vector<1x1x16xf32>,
        %parallel_loop3A_1057 = vector.shape_cast %parallel_loop3A_1056 : vector<1x1x16xf32> to vector<16xf32>
        %parallel_loop3A_1058 = vector.shape_cast %parallel_loop3A_1051 : vector<16xf32> to vector<1x1x16xf32>
        tpu.vector_store %arg6[%parallel_loop3A_1053, %parallel_loop3A_1054, %parallel_loop3A_1055], %parallel_loop3A_1058 {strides = array<i32>} : memref<4x32x768xf32, #tpu.memory_space<vmem>>, vector<1x1x16xf32>,
        %parallel_loop3A_1059 = arith.constant 1 : i32
        %parallel_loop3A_1060 = arith.index_cast %parallel_loop3A_1059 : i32 to index
        %parallel_loop3A_1061 = arith.index_cast %parallel_loop3A_306 : i32 to index
        %parallel_loop3A_1062 = arith.constant 752 : index
        %parallel_loop3A_1063 = tpu.vector_load %arg6[%parallel_loop3A_1060, %parallel_loop3A_1061, %parallel_loop3A_1062] {strides = array<i32>} : memref<4x32x768xf32, #tpu.memory_space<vmem>>, vector<1x1x16xf32>,
        %parallel_loop3A_1064 = vector.shape_cast %parallel_loop3A_1063 : vector<1x1x16xf32> to vector<16xf32>
        %parallel_loop3A_1065 = arith.constant 27.7128124 : f32
        %parallel_loop3A_1066 = vector.broadcast %parallel_loop3A_1065 : f32 to vector<16xf32>
        %parallel_loop3A_1067 = arith.mulf %parallel_loop3A_1064, %parallel_loop3A_1066 : vector<16xf32>
        %parallel_loop3A_1068 = arith.constant 1 : i32
        %parallel_loop3A_1069 = arith.index_cast %parallel_loop3A_1068 : i32 to index
        %parallel_loop3A_1070 = arith.index_cast %parallel_loop3A_306 : i32 to index
        %parallel_loop3A_1071 = arith.constant 752 : index
        %parallel_loop3A_1072 = tpu.vector_load %arg6[%parallel_loop3A_1069, %parallel_loop3A_1070, %parallel_loop3A_1071] {strides = array<i32>} : memref<4x32x768xf32, #tpu.memory_space<vmem>>, vector<1x1x16xf32>,
        %parallel_loop3A_1073 = vector.shape_cast %parallel_loop3A_1072 : vector<1x1x16xf32> to vector<16xf32>
        %parallel_loop3A_1074 = vector.shape_cast %parallel_loop3A_1067 : vector<16xf32> to vector<1x1x16xf32>
        tpu.vector_store %arg6[%parallel_loop3A_1069, %parallel_loop3A_1070, %parallel_loop3A_1071], %parallel_loop3A_1074 {strides = array<i32>} : memref<4x32x768xf32, #tpu.memory_space<vmem>>, vector<1x1x16xf32>,
      } {sc.loop_unroll_factor = 1 : i64, sc.parallel_access}
      %mul3A_176 = arith.constant 32 : i32
      %mul3A_177 = arith.muli %add3A_141, %mul3A_176 : i32
      %add3A_178 = arith.addi %mul3A_2, %mul3A_177 : i32
      %dma_start3A_179 = arith.constant 1 : i32
      %dma_start3A_180 = arith.constant 0 : i32
      %dma_start3A_181 = arith.constant 0 : i32
      %dma_start3A_182 = tpu.memref_slice %arg6[%dma_start3A_179, %dma_start3A_180, %dma_start3A_181] : memref<4x32x768xf32, #tpu.memory_space<vmem>> -> memref<1x32x768xf32, #tpu.memory_space<vmem>>
      %dma_start3A_183 = tpu.memref_squeeze %dma_start3A_182 : memref<1x32x768xf32, #tpu.memory_space<vmem>> -> memref<32x768xf32, #tpu.memory_space<vmem>>
      %dma_start3A_184 = arith.constant 0 : i32
      %dma_start3A_185 = tpu.memref_slice %arg4[%add3A_178, %dma_start3A_184] : memref<16384x768xf32, #tpu.memory_space<hbm>> -> memref<32x768xf32, #tpu.memory_space<hbm>>
      %dma_start3A_186 = arith.constant 0 : i32
      %dma_start3A_187 = tpu.memref_slice %arg4[%add3A_178, %dma_start3A_186] : memref<16384x768xf32, #tpu.memory_space<hbm>> -> memref<32x768xf32, #tpu.memory_space<hbm>>
      %dma_start3A_188 = arith.constant 0 : i32
      %dma_start3A_189 = arith.constant 0 : i32
      %dma_start3A_190 = tpu.memref_slice %arg6[%dma_start3A_179, %dma_start3A_188, %dma_start3A_189] : memref<4x32x768xf32, #tpu.memory_space<vmem>> -> memref<1x32x768xf32, #tpu.memory_space<vmem>>
      %dma_start3A_191 = tpu.memref_squeeze %dma_start3A_190 : memref<1x32x768xf32, #tpu.memory_space<vmem>> -> memref<32x768xf32, #tpu.memory_space<vmem>>
      tpu.enqueue_dma source(%dma_start3A_191 : memref<32x768xf32, #tpu.memory_space<vmem>>) target(%dma_start3A_187 : memref<32x768xf32, #tpu.memory_space<hbm>>) target_semaphore(%arg12 : memref<!tpu.dma_semaphore, #tpu.memory_space<semaphore_mem>>)
      %mul3A_192 = arith.constant 4 : i32
      %mul3A_193 = arith.muli %scan3A_87, %mul3A_192 : i32
      %add3A_194 = arith.constant 2 : i32
      %add3A_195 = arith.addi %mul3A_193, %add3A_194 : i32
      %mul3A_196 = arith.constant 32 : i32
      %mul3A_197 = arith.muli %add3A_195, %mul3A_196 : i32
      %dma_wait3A_198 = arith.constant 2 : i32
      %dma_wait3A_199 = arith.constant 0 : i32
      %dma_wait3A_200 = arith.constant 0 : i32
      %dma_wait3A_201 = tpu.memref_slice %arg6[%dma_wait3A_198, %dma_wait3A_199, %dma_wait3A_200] : memref<4x32x768xf32, #tpu.memory_space<vmem>> -> memref<1x32x768xf32, #tpu.memory_space<vmem>>
      %dma_wait3A_202 = tpu.memref_squeeze %dma_wait3A_201 : memref<1x32x768xf32, #tpu.memory_space<vmem>> -> memref<32x768xf32, #tpu.memory_space<vmem>>
      %dma_wait3A_203 = tpu.memref_slice %arg5[%mul3A_197] : memref<512xi32, #tpu.memory_space<vmem>> -> memref<32xi32, #tpu.memory_space<vmem>>
      %dma_wait3A_204 = arith.constant 0 : i32
      %dma_wait3A_205 = arith.constant 0 : i32
      %dma_wait3A_206 = tpu.memref_slice %arg2[%dma_wait3A_204, %dma_wait3A_205] : memref<100000x768xf32, #tpu.memory_space<hbm>> -> memref<100000x768xf32, #tpu.memory_space<hbm>>
      tpu.wait_indirect_dma semaphore(%arg9 : memref<!tpu.dma_semaphore, #tpu.memory_space<semaphore_mem>>) src(%dma_wait3A_206 : memref<100000x768xf32, #tpu.memory_space<hbm>>) dst(%dma_wait3A_202 : memref<32x768xf32, #tpu.memory_space<vmem>>)
      %sub3A_207 = arith.constant 2 : i32
      %sub3A_208 = arith.subi %add3A_195, %sub3A_207 : i32
      %mul3A_209 = arith.constant 32 : i32
      %mul3A_210 = arith.muli %sub3A_208, %mul3A_209 : i32
      %add3A_211 = arith.addi %mul3A_2, %mul3A_210 : i32
      %dma_wait3A_212 = arith.constant 0 : i32
      %dma_wait3A_213 = arith.constant 0 : i32
      %dma_wait3A_214 = arith.constant 0 : i32
      %dma_wait3A_215 = tpu.memref_slice %arg6[%dma_wait3A_212, %dma_wait3A_213, %dma_wait3A_214] : memref<4x32x768xf32, #tpu.memory_space<vmem>> -> memref<1x32x768xf32, #tpu.memory_space<vmem>>
      %dma_wait3A_216 = tpu.memref_squeeze %dma_wait3A_215 : memref<1x32x768xf32, #tpu.memory_space<vmem>> -> memref<32x768xf32, #tpu.memory_space<vmem>>
      %dma_wait3A_217 = arith.constant 0 : i32
      %dma_wait3A_218 = tpu.memref_slice %arg4[%add3A_211, %dma_wait3A_217] : memref<16384x768xf32, #tpu.memory_space<hbm>> -> memref<32x768xf32, #tpu.memory_space<hbm>>
      %dma_wait3A_219 = arith.constant 0 : i32
      %dma_wait3A_220 = tpu.memref_slice %arg4[%add3A_211, %dma_wait3A_219] : memref<16384x768xf32, #tpu.memory_space<hbm>> -> memref<32x768xf32, #tpu.memory_space<hbm>>
      %dma_wait3A_221 = arith.constant 0 : i32
      %dma_wait3A_222 = arith.constant 0 : i32
      %dma_wait3A_223 = tpu.memref_slice %arg6[%dma_wait3A_212, %dma_wait3A_221, %dma_wait3A_222] : memref<4x32x768xf32, #tpu.memory_space<vmem>> -> memref<1x32x768xf32, #tpu.memory_space<vmem>>
      %dma_wait3A_224 = tpu.memref_squeeze %dma_wait3A_223 : memref<1x32x768xf32, #tpu.memory_space<vmem>> -> memref<32x768xf32, #tpu.memory_space<vmem>>
      tpu.wait_dma2 semaphore(%arg11 : memref<!tpu.dma_semaphore, #tpu.memory_space<semaphore_mem>>) src(%dma_wait3A_224 : memref<32x768xf32, #tpu.memory_space<vmem>>) dst(%dma_wait3A_220 : memref<32x768xf32, #tpu.memory_space<hbm>>)
      %lt3A_225 = arith.constant 3 : i32
      %lt3A_226 = arith.cmpi slt, %scan3A_87, %lt3A_225 : i32
      %convert_element_type3A_227 = arith.extui %lt3A_226 : i1 to i32
      %cond3A_228 = arith.constant 0 : i32
      %cond3A_229 = arith.cmpi ne, %convert_element_type3A_227, %cond3A_228 : i32
      scf.if %cond3A_229 {
        %add3A_306 = arith.constant 4 : i32
        %add3A_307 = arith.addi %add3A_195, %add3A_306 : i32
        %sub3A_308 = arith.constant 2 : i32
        %sub3A_309 = arith.subi %add3A_307, %sub3A_308 : i32
        %mul3A_310 = arith.constant 32 : i32
        %mul3A_311 = arith.muli %sub3A_309, %mul3A_310 : i32
        %dma_start3A_312 = arith.constant 0 : i32
        %dma_start3A_313 = arith.constant 0 : i32
        %dma_start3A_314 = arith.constant 0 : i32
        %dma_start3A_315 = tpu.memref_slice %arg6[%dma_start3A_312, %dma_start3A_313, %dma_start3A_314] : memref<4x32x768xf32, #tpu.memory_space<vmem>> -> memref<1x32x768xf32, #tpu.memory_space<vmem>>
        %dma_start3A_316 = tpu.memref_squeeze %dma_start3A_315 : memref<1x32x768xf32, #tpu.memory_space<vmem>> -> memref<32x768xf32, #tpu.memory_space<vmem>>
        %dma_start3A_317 = tpu.memref_slice %arg5[%mul3A_311] : memref<512xi32, #tpu.memory_space<vmem>> -> memref<32xi32, #tpu.memory_space<vmem>>
        %dma_start3A_318 = arith.constant 0 : i32
        %dma_start3A_319 = arith.constant 0 : i32
        %dma_start3A_320 = tpu.memref_slice %arg2[%dma_start3A_318, %dma_start3A_319] : memref<100000x768xf32, #tpu.memory_space<hbm>> -> memref<100000x768xf32, #tpu.memory_space<hbm>>
        tpu.enqueue_indirect_dma source(%dma_start3A_320 : memref<100000x768xf32, #tpu.memory_space<hbm>>) target(%dma_start3A_316 : memref<32x768xf32, #tpu.memory_space<vmem>>) offsets(%dma_start3A_317 : memref<32xi32, #tpu.memory_space<vmem>>) semaphore(%arg7 : memref<!tpu.dma_semaphore, #tpu.memory_space<semaphore_mem>>)
      } else {
      }
      %parallel_loop3A_230 = arith.constant 0 : i32
      %parallel_loop3A_231 = arith.constant 32 : i32
      %parallel_loop3A_232 = arith.constant 1 : i32
      scf.for %parallel_loop3A_306 = %parallel_loop3A_230 to %parallel_loop3A_231 step %parallel_loop3A_232  : i32 {
        %parallel_loop3A_307 = arith.constant 2 : i32
        %parallel_loop3A_308 = arith.index_cast %parallel_loop3A_307 : i32 to index
        %parallel_loop3A_309 = arith.index_cast %parallel_loop3A_306 : i32 to index
        %parallel_loop3A_310 = arith.constant 0 : index
        %parallel_loop3A_311 = tpu.vector_load %arg6[%parallel_loop3A_308, %parallel_loop3A_309, %parallel_loop3A_310] {strides = array<i32>} : memref<4x32x768xf32, #tpu.memory_space<vmem>>, vector<1x1x16xf32>,
        %parallel_loop3A_312 = vector.shape_cast %parallel_loop3A_311 : vector<1x1x16xf32> to vector<16xf32>
        %parallel_loop3A_313 = arith.constant 27.7128124 : f32
        %parallel_loop3A_314 = vector.broadcast %parallel_loop3A_313 : f32 to vector<16xf32>
        %parallel_loop3A_315 = arith.mulf %parallel_loop3A_312, %parallel_loop3A_314 : vector<16xf32>
        %parallel_loop3A_316 = arith.constant 2 : i32
        %parallel_loop3A_317 = arith.index_cast %parallel_loop3A_316 : i32 to index
        %parallel_loop3A_318 = arith.index_cast %parallel_loop3A_306 : i32 to index
        %parallel_loop3A_319 = arith.constant 0 : index
        %parallel_loop3A_320 = tpu.vector_load %arg6[%parallel_loop3A_317, %parallel_loop3A_318, %parallel_loop3A_319] {strides = array<i32>} : memref<4x32x768xf32, #tpu.memory_space<vmem>>, vector<1x1x16xf32>,
        %parallel_loop3A_321 = vector.shape_cast %parallel_loop3A_320 : vector<1x1x16xf32> to vector<16xf32>
        %parallel_loop3A_322 = vector.shape_cast %parallel_loop3A_315 : vector<16xf32> to vector<1x1x16xf32>
        tpu.vector_store %arg6[%parallel_loop3A_317, %parallel_loop3A_318, %parallel_loop3A_319], %parallel_loop3A_322 {strides = array<i32>} : memref<4x32x768xf32, #tpu.memory_space<vmem>>, vector<1x1x16xf32>,
        %parallel_loop3A_323 = arith.constant 2 : i32
        %parallel_loop3A_324 = arith.index_cast %parallel_loop3A_323 : i32 to index
        %parallel_loop3A_325 = arith.index_cast %parallel_loop3A_306 : i32 to index
        %parallel_loop3A_326 = arith.constant 16 : index
        %parallel_loop3A_327 = tpu.vector_load %arg6[%parallel_loop3A_324, %parallel_loop3A_325, %parallel_loop3A_326] {strides = array<i32>} : memref<4x32x768xf32, #tpu.memory_space<vmem>>, vector<1x1x16xf32>,
        %parallel_loop3A_328 = vector.shape_cast %parallel_loop3A_327 : vector<1x1x16xf32> to vector<16xf32>
        %parallel_loop3A_329 = arith.constant 27.7128124 : f32
        %parallel_loop3A_330 = vector.broadcast %parallel_loop3A_329 : f32 to vector<16xf32>
        %parallel_loop3A_331 = arith.mulf %parallel_loop3A_328, %parallel_loop3A_330 : vector<16xf32>
        %parallel_loop3A_332 = arith.constant 2 : i32
        %parallel_loop3A_333 = arith.index_cast %parallel_loop3A_332 : i32 to index
        %parallel_loop3A_334 = arith.index_cast %parallel_loop3A_306 : i32 to index
        %parallel_loop3A_335 = arith.constant 16 : index
        %parallel_loop3A_336 = tpu.vector_load %arg6[%parallel_loop3A_333, %parallel_loop3A_334, %parallel_loop3A_335] {strides = array<i32>} : memref<4x32x768xf32, #tpu.memory_space<vmem>>, vector<1x1x16xf32>,
        %parallel_loop3A_337 = vector.shape_cast %parallel_loop3A_336 : vector<1x1x16xf32> to vector<16xf32>
        %parallel_loop3A_338 = vector.shape_cast %parallel_loop3A_331 : vector<16xf32> to vector<1x1x16xf32>
        tpu.vector_store %arg6[%parallel_loop3A_333, %parallel_loop3A_334, %parallel_loop3A_335], %parallel_loop3A_338 {strides = array<i32>} : memref<4x32x768xf32, #tpu.memory_space<vmem>>, vector<1x1x16xf32>,
        %parallel_loop3A_339 = arith.constant 2 : i32
        %parallel_loop3A_340 = arith.index_cast %parallel_loop3A_339 : i32 to index
        %parallel_loop3A_341 = arith.index_cast %parallel_loop3A_306 : i32 to index
        %parallel_loop3A_342 = arith.constant 32 : index
        %parallel_loop3A_343 = tpu.vector_load %arg6[%parallel_loop3A_340, %parallel_loop3A_341, %parallel_loop3A_342] {strides = array<i32>} : memref<4x32x768xf32, #tpu.memory_space<vmem>>, vector<1x1x16xf32>,
        %parallel_loop3A_344 = vector.shape_cast %parallel_loop3A_343 : vector<1x1x16xf32> to vector<16xf32>
        %parallel_loop3A_345 = arith.constant 27.7128124 : f32
        %parallel_loop3A_346 = vector.broadcast %parallel_loop3A_345 : f32 to vector<16xf32>
        %parallel_loop3A_347 = arith.mulf %parallel_loop3A_344, %parallel_loop3A_346 : vector<16xf32>
        %parallel_loop3A_348 = arith.constant 2 : i32
        %parallel_loop3A_349 = arith.index_cast %parallel_loop3A_348 : i32 to index
        %parallel_loop3A_350 = arith.index_cast %parallel_loop3A_306 : i32 to index
        %parallel_loop3A_351 = arith.constant 32 : index
        %parallel_loop3A_352 = tpu.vector_load %arg6[%parallel_loop3A_349, %parallel_loop3A_350, %parallel_loop3A_351] {strides = array<i32>} : memref<4x32x768xf32, #tpu.memory_space<vmem>>, vector<1x1x16xf32>,
        %parallel_loop3A_353 = vector.shape_cast %parallel_loop3A_352 : vector<1x1x16xf32> to vector<16xf32>
        %parallel_loop3A_354 = vector.shape_cast %parallel_loop3A_347 : vector<16xf32> to vector<1x1x16xf32>
        tpu.vector_store %arg6[%parallel_loop3A_349, %parallel_loop3A_350, %parallel_loop3A_351], %parallel_loop3A_354 {strides = array<i32>} : memref<4x32x768xf32, #tpu.memory_space<vmem>>, vector<1x1x16xf32>,
        %parallel_loop3A_355 = arith.constant 2 : i32
        %parallel_loop3A_356 = arith.index_cast %parallel_loop3A_355 : i32 to index
        %parallel_loop3A_357 = arith.index_cast %parallel_loop3A_306 : i32 to index
        %parallel_loop3A_358 = arith.constant 48 : index
        %parallel_loop3A_359 = tpu.vector_load %arg6[%parallel_loop3A_356, %parallel_loop3A_357, %parallel_loop3A_358] {strides = array<i32>} : memref<4x32x768xf32, #tpu.memory_space<vmem>>, vector<1x1x16xf32>,
        %parallel_loop3A_360 = vector.shape_cast %parallel_loop3A_359 : vector<1x1x16xf32> to vector<16xf32>
        %parallel_loop3A_361 = arith.constant 27.7128124 : f32
        %parallel_loop3A_362 = vector.broadcast %parallel_loop3A_361 : f32 to vector<16xf32>
        %parallel_loop3A_363 = arith.mulf %parallel_loop3A_360, %parallel_loop3A_362 : vector<16xf32>
        %parallel_loop3A_364 = arith.constant 2 : i32
        %parallel_loop3A_365 = arith.index_cast %parallel_loop3A_364 : i32 to index
        %parallel_loop3A_366 = arith.index_cast %parallel_loop3A_306 : i32 to index
        %parallel_loop3A_367 = arith.constant 48 : index
        %parallel_loop3A_368 = tpu.vector_load %arg6[%parallel_loop3A_365, %parallel_loop3A_366, %parallel_loop3A_367] {strides = array<i32>} : memref<4x32x768xf32, #tpu.memory_space<vmem>>, vector<1x1x16xf32>,
        %parallel_loop3A_369 = vector.shape_cast %parallel_loop3A_368 : vector<1x1x16xf32> to vector<16xf32>
        %parallel_loop3A_370 = vector.shape_cast %parallel_loop3A_363 : vector<16xf32> to vector<1x1x16xf32>
        tpu.vector_store %arg6[%parallel_loop3A_365, %parallel_loop3A_366, %parallel_loop3A_367], %parallel_loop3A_370 {strides = array<i32>} : memref<4x32x768xf32, #tpu.memory_space<vmem>>, vector<1x1x16xf32>,
        %parallel_loop3A_371 = arith.constant 2 : i32
        %parallel_loop3A_372 = arith.index_cast %parallel_loop3A_371 : i32 to index
        %parallel_loop3A_373 = arith.index_cast %parallel_loop3A_306 : i32 to index
        %parallel_loop3A_374 = arith.constant 64 : index
        %parallel_loop3A_375 = tpu.vector_load %arg6[%parallel_loop3A_372, %parallel_loop3A_373, %parallel_loop3A_374] {strides = array<i32>} : memref<4x32x768xf32, #tpu.memory_space<vmem>>, vector<1x1x16xf32>,
        %parallel_loop3A_376 = vector.shape_cast %parallel_loop3A_375 : vector<1x1x16xf32> to vector<16xf32>
        %parallel_loop3A_377 = arith.constant 27.7128124 : f32
        %parallel_loop3A_378 = vector.broadcast %parallel_loop3A_377 : f32 to vector<16xf32>
        %parallel_loop3A_379 = arith.mulf %parallel_loop3A_376, %parallel_loop3A_378 : vector<16xf32>
        %parallel_loop3A_380 = arith.constant 2 : i32
        %parallel_loop3A_381 = arith.index_cast %parallel_loop3A_380 : i32 to index
        %parallel_loop3A_382 = arith.index_cast %parallel_loop3A_306 : i32 to index
        %parallel_loop3A_383 = arith.constant 64 : index
        %parallel_loop3A_384 = tpu.vector_load %arg6[%parallel_loop3A_381, %parallel_loop3A_382, %parallel_loop3A_383] {strides = array<i32>} : memref<4x32x768xf32, #tpu.memory_space<vmem>>, vector<1x1x16xf32>,
        %parallel_loop3A_385 = vector.shape_cast %parallel_loop3A_384 : vector<1x1x16xf32> to vector<16xf32>
        %parallel_loop3A_386 = vector.shape_cast %parallel_loop3A_379 : vector<16xf32> to vector<1x1x16xf32>
        tpu.vector_store %arg6[%parallel_loop3A_381, %parallel_loop3A_382, %parallel_loop3A_383], %parallel_loop3A_386 {strides = array<i32>} : memref<4x32x768xf32, #tpu.memory_space<vmem>>, vector<1x1x16xf32>,
        %parallel_loop3A_387 = arith.constant 2 : i32
        %parallel_loop3A_388 = arith.index_cast %parallel_loop3A_387 : i32 to index
        %parallel_loop3A_389 = arith.index_cast %parallel_loop3A_306 : i32 to index
        %parallel_loop3A_390 = arith.constant 80 : index
        %parallel_loop3A_391 = tpu.vector_load %arg6[%parallel_loop3A_388, %parallel_loop3A_389, %parallel_loop3A_390] {strides = array<i32>} : memref<4x32x768xf32, #tpu.memory_space<vmem>>, vector<1x1x16xf32>,
        %parallel_loop3A_392 = vector.shape_cast %parallel_loop3A_391 : vector<1x1x16xf32> to vector<16xf32>
        %parallel_loop3A_393 = arith.constant 27.7128124 : f32
        %parallel_loop3A_394 = vector.broadcast %parallel_loop3A_393 : f32 to vector<16xf32>
        %parallel_loop3A_395 = arith.mulf %parallel_loop3A_392, %parallel_loop3A_394 : vector<16xf32>
        %parallel_loop3A_396 = arith.constant 2 : i32
        %parallel_loop3A_397 = arith.index_cast %parallel_loop3A_396 : i32 to index
        %parallel_loop3A_398 = arith.index_cast %parallel_loop3A_306 : i32 to index
        %parallel_loop3A_399 = arith.constant 80 : index
        %parallel_loop3A_400 = tpu.vector_load %arg6[%parallel_loop3A_397, %parallel_loop3A_398, %parallel_loop3A_399] {strides = array<i32>} : memref<4x32x768xf32, #tpu.memory_space<vmem>>, vector<1x1x16xf32>,
        %parallel_loop3A_401 = vector.shape_cast %parallel_loop3A_400 : vector<1x1x16xf32> to vector<16xf32>
        %parallel_loop3A_402 = vector.shape_cast %parallel_loop3A_395 : vector<16xf32> to vector<1x1x16xf32>
        tpu.vector_store %arg6[%parallel_loop3A_397, %parallel_loop3A_398, %parallel_loop3A_399], %parallel_loop3A_402 {strides = array<i32>} : memref<4x32x768xf32, #tpu.memory_space<vmem>>, vector<1x1x16xf32>,
        %parallel_loop3A_403 = arith.constant 2 : i32
        %parallel_loop3A_404 = arith.index_cast %parallel_loop3A_403 : i32 to index
        %parallel_loop3A_405 = arith.index_cast %parallel_loop3A_306 : i32 to index
        %parallel_loop3A_406 = arith.constant 96 : index
        %parallel_loop3A_407 = tpu.vector_load %arg6[%parallel_loop3A_404, %parallel_loop3A_405, %parallel_loop3A_406] {strides = array<i32>} : memref<4x32x768xf32, #tpu.memory_space<vmem>>, vector<1x1x16xf32>,
        %parallel_loop3A_408 = vector.shape_cast %parallel_loop3A_407 : vector<1x1x16xf32> to vector<16xf32>
        %parallel_loop3A_409 = arith.constant 27.7128124 : f32
        %parallel_loop3A_410 = vector.broadcast %parallel_loop3A_409 : f32 to vector<16xf32>
        %parallel_loop3A_411 = arith.mulf %parallel_loop3A_408, %parallel_loop3A_410 : vector<16xf32>
        %parallel_loop3A_412 = arith.constant 2 : i32
        %parallel_loop3A_413 = arith.index_cast %parallel_loop3A_412 : i32 to index
        %parallel_loop3A_414 = arith.index_cast %parallel_loop3A_306 : i32 to index
        %parallel_loop3A_415 = arith.constant 96 : index
        %parallel_loop3A_416 = tpu.vector_load %arg6[%parallel_loop3A_413, %parallel_loop3A_414, %parallel_loop3A_415] {strides = array<i32>} : memref<4x32x768xf32, #tpu.memory_space<vmem>>, vector<1x1x16xf32>,
        %parallel_loop3A_417 = vector.shape_cast %parallel_loop3A_416 : vector<1x1x16xf32> to vector<16xf32>
        %parallel_loop3A_418 = vector.shape_cast %parallel_loop3A_411 : vector<16xf32> to vector<1x1x16xf32>
        tpu.vector_store %arg6[%parallel_loop3A_413, %parallel_loop3A_414, %parallel_loop3A_415], %parallel_loop3A_418 {strides = array<i32>} : memref<4x32x768xf32, #tpu.memory_space<vmem>>, vector<1x1x16xf32>,
        %parallel_loop3A_419 = arith.constant 2 : i32
        %parallel_loop3A_420 = arith.index_cast %parallel_loop3A_419 : i32 to index
        %parallel_loop3A_421 = arith.index_cast %parallel_loop3A_306 : i32 to index
        %parallel_loop3A_422 = arith.constant 112 : index
        %parallel_loop3A_423 = tpu.vector_load %arg6[%parallel_loop3A_420, %parallel_loop3A_421, %parallel_loop3A_422] {strides = array<i32>} : memref<4x32x768xf32, #tpu.memory_space<vmem>>, vector<1x1x16xf32>,
        %parallel_loop3A_424 = vector.shape_cast %parallel_loop3A_423 : vector<1x1x16xf32> to vector<16xf32>
        %parallel_loop3A_425 = arith.constant 27.7128124 : f32
        %parallel_loop3A_426 = vector.broadcast %parallel_loop3A_425 : f32 to vector<16xf32>
        %parallel_loop3A_427 = arith.mulf %parallel_loop3A_424, %parallel_loop3A_426 : vector<16xf32>
        %parallel_loop3A_428 = arith.constant 2 : i32
        %parallel_loop3A_429 = arith.index_cast %parallel_loop3A_428 : i32 to index
        %parallel_loop3A_430 = arith.index_cast %parallel_loop3A_306 : i32 to index
        %parallel_loop3A_431 = arith.constant 112 : index
        %parallel_loop3A_432 = tpu.vector_load %arg6[%parallel_loop3A_429, %parallel_loop3A_430, %parallel_loop3A_431] {strides = array<i32>} : memref<4x32x768xf32, #tpu.memory_space<vmem>>, vector<1x1x16xf32>,
        %parallel_loop3A_433 = vector.shape_cast %parallel_loop3A_432 : vector<1x1x16xf32> to vector<16xf32>
        %parallel_loop3A_434 = vector.shape_cast %parallel_loop3A_427 : vector<16xf32> to vector<1x1x16xf32>
        tpu.vector_store %arg6[%parallel_loop3A_429, %parallel_loop3A_430, %parallel_loop3A_431], %parallel_loop3A_434 {strides = array<i32>} : memref<4x32x768xf32, #tpu.memory_space<vmem>>, vector<1x1x16xf32>,
        %parallel_loop3A_435 = arith.constant 2 : i32
        %parallel_loop3A_436 = arith.index_cast %parallel_loop3A_435 : i32 to index
        %parallel_loop3A_437 = arith.index_cast %parallel_loop3A_306 : i32 to index
        %parallel_loop3A_438 = arith.constant 128 : index
        %parallel_loop3A_439 = tpu.vector_load %arg6[%parallel_loop3A_436, %parallel_loop3A_437, %parallel_loop3A_438] {strides = array<i32>} : memref<4x32x768xf32, #tpu.memory_space<vmem>>, vector<1x1x16xf32>,
        %parallel_loop3A_440 = vector.shape_cast %parallel_loop3A_439 : vector<1x1x16xf32> to vector<16xf32>
        %parallel_loop3A_441 = arith.constant 27.7128124 : f32
        %parallel_loop3A_442 = vector.broadcast %parallel_loop3A_441 : f32 to vector<16xf32>
        %parallel_loop3A_443 = arith.mulf %parallel_loop3A_440, %parallel_loop3A_442 : vector<16xf32>
        %parallel_loop3A_444 = arith.constant 2 : i32
        %parallel_loop3A_445 = arith.index_cast %parallel_loop3A_444 : i32 to index
        %parallel_loop3A_446 = arith.index_cast %parallel_loop3A_306 : i32 to index
        %parallel_loop3A_447 = arith.constant 128 : index
        %parallel_loop3A_448 = tpu.vector_load %arg6[%parallel_loop3A_445, %parallel_loop3A_446, %parallel_loop3A_447] {strides = array<i32>} : memref<4x32x768xf32, #tpu.memory_space<vmem>>, vector<1x1x16xf32>,
        %parallel_loop3A_449 = vector.shape_cast %parallel_loop3A_448 : vector<1x1x16xf32> to vector<16xf32>
        %parallel_loop3A_450 = vector.shape_cast %parallel_loop3A_443 : vector<16xf32> to vector<1x1x16xf32>
        tpu.vector_store %arg6[%parallel_loop3A_445, %parallel_loop3A_446, %parallel_loop3A_447], %parallel_loop3A_450 {strides = array<i32>} : memref<4x32x768xf32, #tpu.memory_space<vmem>>, vector<1x1x16xf32>,
        %parallel_loop3A_451 = arith.constant 2 : i32
        %parallel_loop3A_452 = arith.index_cast %parallel_loop3A_451 : i32 to index
        %parallel_loop3A_453 = arith.index_cast %parallel_loop3A_306 : i32 to index
        %parallel_loop3A_454 = arith.constant 144 : index
        %parallel_loop3A_455 = tpu.vector_load %arg6[%parallel_loop3A_452, %parallel_loop3A_453, %parallel_loop3A_454] {strides = array<i32>} : memref<4x32x768xf32, #tpu.memory_space<vmem>>, vector<1x1x16xf32>,
        %parallel_loop3A_456 = vector.shape_cast %parallel_loop3A_455 : vector<1x1x16xf32> to vector<16xf32>
        %parallel_loop3A_457 = arith.constant 27.7128124 : f32
        %parallel_loop3A_458 = vector.broadcast %parallel_loop3A_457 : f32 to vector<16xf32>
        %parallel_loop3A_459 = arith.mulf %parallel_loop3A_456, %parallel_loop3A_458 : vector<16xf32>
        %parallel_loop3A_460 = arith.constant 2 : i32
        %parallel_loop3A_461 = arith.index_cast %parallel_loop3A_460 : i32 to index
        %parallel_loop3A_462 = arith.index_cast %parallel_loop3A_306 : i32 to index
        %parallel_loop3A_463 = arith.constant 144 : index
        %parallel_loop3A_464 = tpu.vector_load %arg6[%parallel_loop3A_461, %parallel_loop3A_462, %parallel_loop3A_463] {strides = array<i32>} : memref<4x32x768xf32, #tpu.memory_space<vmem>>, vector<1x1x16xf32>,
        %parallel_loop3A_465 = vector.shape_cast %parallel_loop3A_464 : vector<1x1x16xf32> to vector<16xf32>
        %parallel_loop3A_466 = vector.shape_cast %parallel_loop3A_459 : vector<16xf32> to vector<1x1x16xf32>
        tpu.vector_store %arg6[%parallel_loop3A_461, %parallel_loop3A_462, %parallel_loop3A_463], %parallel_loop3A_466 {strides = array<i32>} : memref<4x32x768xf32, #tpu.memory_space<vmem>>, vector<1x1x16xf32>,
        %parallel_loop3A_467 = arith.constant 2 : i32
        %parallel_loop3A_468 = arith.index_cast %parallel_loop3A_467 : i32 to index
        %parallel_loop3A_469 = arith.index_cast %parallel_loop3A_306 : i32 to index
        %parallel_loop3A_470 = arith.constant 160 : index
        %parallel_loop3A_471 = tpu.vector_load %arg6[%parallel_loop3A_468, %parallel_loop3A_469, %parallel_loop3A_470] {strides = array<i32>} : memref<4x32x768xf32, #tpu.memory_space<vmem>>, vector<1x1x16xf32>,
        %parallel_loop3A_472 = vector.shape_cast %parallel_loop3A_471 : vector<1x1x16xf32> to vector<16xf32>
        %parallel_loop3A_473 = arith.constant 27.7128124 : f32
        %parallel_loop3A_474 = vector.broadcast %parallel_loop3A_473 : f32 to vector<16xf32>
        %parallel_loop3A_475 = arith.mulf %parallel_loop3A_472, %parallel_loop3A_474 : vector<16xf32>
        %parallel_loop3A_476 = arith.constant 2 : i32
        %parallel_loop3A_477 = arith.index_cast %parallel_loop3A_476 : i32 to index
        %parallel_loop3A_478 = arith.index_cast %parallel_loop3A_306 : i32 to index
        %parallel_loop3A_479 = arith.constant 160 : index
        %parallel_loop3A_480 = tpu.vector_load %arg6[%parallel_loop3A_477, %parallel_loop3A_478, %parallel_loop3A_479] {strides = array<i32>} : memref<4x32x768xf32, #tpu.memory_space<vmem>>, vector<1x1x16xf32>,
        %parallel_loop3A_481 = vector.shape_cast %parallel_loop3A_480 : vector<1x1x16xf32> to vector<16xf32>
        %parallel_loop3A_482 = vector.shape_cast %parallel_loop3A_475 : vector<16xf32> to vector<1x1x16xf32>
        tpu.vector_store %arg6[%parallel_loop3A_477, %parallel_loop3A_478, %parallel_loop3A_479], %parallel_loop3A_482 {strides = array<i32>} : memref<4x32x768xf32, #tpu.memory_space<vmem>>, vector<1x1x16xf32>,
        %parallel_loop3A_483 = arith.constant 2 : i32
        %parallel_loop3A_484 = arith.index_cast %parallel_loop3A_483 : i32 to index
        %parallel_loop3A_485 = arith.index_cast %parallel_loop3A_306 : i32 to index
        %parallel_loop3A_486 = arith.constant 176 : index
        %parallel_loop3A_487 = tpu.vector_load %arg6[%parallel_loop3A_484, %parallel_loop3A_485, %parallel_loop3A_486] {strides = array<i32>} : memref<4x32x768xf32, #tpu.memory_space<vmem>>, vector<1x1x16xf32>,
        %parallel_loop3A_488 = vector.shape_cast %parallel_loop3A_487 : vector<1x1x16xf32> to vector<16xf32>
        %parallel_loop3A_489 = arith.constant 27.7128124 : f32
        %parallel_loop3A_490 = vector.broadcast %parallel_loop3A_489 : f32 to vector<16xf32>
        %parallel_loop3A_491 = arith.mulf %parallel_loop3A_488, %parallel_loop3A_490 : vector<16xf32>
        %parallel_loop3A_492 = arith.constant 2 : i32
        %parallel_loop3A_493 = arith.index_cast %parallel_loop3A_492 : i32 to index
        %parallel_loop3A_494 = arith.index_cast %parallel_loop3A_306 : i32 to index
        %parallel_loop3A_495 = arith.constant 176 : index
        %parallel_loop3A_496 = tpu.vector_load %arg6[%parallel_loop3A_493, %parallel_loop3A_494, %parallel_loop3A_495] {strides = array<i32>} : memref<4x32x768xf32, #tpu.memory_space<vmem>>, vector<1x1x16xf32>,
        %parallel_loop3A_497 = vector.shape_cast %parallel_loop3A_496 : vector<1x1x16xf32> to vector<16xf32>
        %parallel_loop3A_498 = vector.shape_cast %parallel_loop3A_491 : vector<16xf32> to vector<1x1x16xf32>
        tpu.vector_store %arg6[%parallel_loop3A_493, %parallel_loop3A_494, %parallel_loop3A_495], %parallel_loop3A_498 {strides = array<i32>} : memref<4x32x768xf32, #tpu.memory_space<vmem>>, vector<1x1x16xf32>,
        %parallel_loop3A_499 = arith.constant 2 : i32
        %parallel_loop3A_500 = arith.index_cast %parallel_loop3A_499 : i32 to index
        %parallel_loop3A_501 = arith.index_cast %parallel_loop3A_306 : i32 to index
        %parallel_loop3A_502 = arith.constant 192 : index
        %parallel_loop3A_503 = tpu.vector_load %arg6[%parallel_loop3A_500, %parallel_loop3A_501, %parallel_loop3A_502] {strides = array<i32>} : memref<4x32x768xf32, #tpu.memory_space<vmem>>, vector<1x1x16xf32>,
        %parallel_loop3A_504 = vector.shape_cast %parallel_loop3A_503 : vector<1x1x16xf32> to vector<16xf32>
        %parallel_loop3A_505 = arith.constant 27.7128124 : f32
        %parallel_loop3A_506 = vector.broadcast %parallel_loop3A_505 : f32 to vector<16xf32>
        %parallel_loop3A_507 = arith.mulf %parallel_loop3A_504, %parallel_loop3A_506 : vector<16xf32>
        %parallel_loop3A_508 = arith.constant 2 : i32
        %parallel_loop3A_509 = arith.index_cast %parallel_loop3A_508 : i32 to index
        %parallel_loop3A_510 = arith.index_cast %parallel_loop3A_306 : i32 to index
        %parallel_loop3A_511 = arith.constant 192 : index
        %parallel_loop3A_512 = tpu.vector_load %arg6[%parallel_loop3A_509, %parallel_loop3A_510, %parallel_loop3A_511] {strides = array<i32>} : memref<4x32x768xf32, #tpu.memory_space<vmem>>, vector<1x1x16xf32>,
        %parallel_loop3A_513 = vector.shape_cast %parallel_loop3A_512 : vector<1x1x16xf32> to vector<16xf32>
        %parallel_loop3A_514 = vector.shape_cast %parallel_loop3A_507 : vector<16xf32> to vector<1x1x16xf32>
        tpu.vector_store %arg6[%parallel_loop3A_509, %parallel_loop3A_510, %parallel_loop3A_511], %parallel_loop3A_514 {strides = array<i32>} : memref<4x32x768xf32, #tpu.memory_space<vmem>>, vector<1x1x16xf32>,
        %parallel_loop3A_515 = arith.constant 2 : i32
        %parallel_loop3A_516 = arith.index_cast %parallel_loop3A_515 : i32 to index
        %parallel_loop3A_517 = arith.index_cast %parallel_loop3A_306 : i32 to index
        %parallel_loop3A_518 = arith.constant 208 : index
        %parallel_loop3A_519 = tpu.vector_load %arg6[%parallel_loop3A_516, %parallel_loop3A_517, %parallel_loop3A_518] {strides = array<i32>} : memref<4x32x768xf32, #tpu.memory_space<vmem>>, vector<1x1x16xf32>,
        %parallel_loop3A_520 = vector.shape_cast %parallel_loop3A_519 : vector<1x1x16xf32> to vector<16xf32>
        %parallel_loop3A_521 = arith.constant 27.7128124 : f32
        %parallel_loop3A_522 = vector.broadcast %parallel_loop3A_521 : f32 to vector<16xf32>
        %parallel_loop3A_523 = arith.mulf %parallel_loop3A_520, %parallel_loop3A_522 : vector<16xf32>
        %parallel_loop3A_524 = arith.constant 2 : i32
        %parallel_loop3A_525 = arith.index_cast %parallel_loop3A_524 : i32 to index
        %parallel_loop3A_526 = arith.index_cast %parallel_loop3A_306 : i32 to index
        %parallel_loop3A_527 = arith.constant 208 : index
        %parallel_loop3A_528 = tpu.vector_load %arg6[%parallel_loop3A_525, %parallel_loop3A_526, %parallel_loop3A_527] {strides = array<i32>} : memref<4x32x768xf32, #tpu.memory_space<vmem>>, vector<1x1x16xf32>,
        %parallel_loop3A_529 = vector.shape_cast %parallel_loop3A_528 : vector<1x1x16xf32> to vector<16xf32>
        %parallel_loop3A_530 = vector.shape_cast %parallel_loop3A_523 : vector<16xf32> to vector<1x1x16xf32>
        tpu.vector_store %arg6[%parallel_loop3A_525, %parallel_loop3A_526, %parallel_loop3A_527], %parallel_loop3A_530 {strides = array<i32>} : memref<4x32x768xf32, #tpu.memory_space<vmem>>, vector<1x1x16xf32>,
        %parallel_loop3A_531 = arith.constant 2 : i32
        %parallel_loop3A_532 = arith.index_cast %parallel_loop3A_531 : i32 to index
        %parallel_loop3A_533 = arith.index_cast %parallel_loop3A_306 : i32 to index
        %parallel_loop3A_534 = arith.constant 224 : index
        %parallel_loop3A_535 = tpu.vector_load %arg6[%parallel_loop3A_532, %parallel_loop3A_533, %parallel_loop3A_534] {strides = array<i32>} : memref<4x32x768xf32, #tpu.memory_space<vmem>>, vector<1x1x16xf32>,
        %parallel_loop3A_536 = vector.shape_cast %parallel_loop3A_535 : vector<1x1x16xf32> to vector<16xf32>
        %parallel_loop3A_537 = arith.constant 27.7128124 : f32
        %parallel_loop3A_538 = vector.broadcast %parallel_loop3A_537 : f32 to vector<16xf32>
        %parallel_loop3A_539 = arith.mulf %parallel_loop3A_536, %parallel_loop3A_538 : vector<16xf32>
        %parallel_loop3A_540 = arith.constant 2 : i32
        %parallel_loop3A_541 = arith.index_cast %parallel_loop3A_540 : i32 to index
        %parallel_loop3A_542 = arith.index_cast %parallel_loop3A_306 : i32 to index
        %parallel_loop3A_543 = arith.constant 224 : index
        %parallel_loop3A_544 = tpu.vector_load %arg6[%parallel_loop3A_541, %parallel_loop3A_542, %parallel_loop3A_543] {strides = array<i32>} : memref<4x32x768xf32, #tpu.memory_space<vmem>>, vector<1x1x16xf32>,
        %parallel_loop3A_545 = vector.shape_cast %parallel_loop3A_544 : vector<1x1x16xf32> to vector<16xf32>
        %parallel_loop3A_546 = vector.shape_cast %parallel_loop3A_539 : vector<16xf32> to vector<1x1x16xf32>
        tpu.vector_store %arg6[%parallel_loop3A_541, %parallel_loop3A_542, %parallel_loop3A_543], %parallel_loop3A_546 {strides = array<i32>} : memref<4x32x768xf32, #tpu.memory_space<vmem>>, vector<1x1x16xf32>,
        %parallel_loop3A_547 = arith.constant 2 : i32
        %parallel_loop3A_548 = arith.index_cast %parallel_loop3A_547 : i32 to index
        %parallel_loop3A_549 = arith.index_cast %parallel_loop3A_306 : i32 to index
        %parallel_loop3A_550 = arith.constant 240 : index
        %parallel_loop3A_551 = tpu.vector_load %arg6[%parallel_loop3A_548, %parallel_loop3A_549, %parallel_loop3A_550] {strides = array<i32>} : memref<4x32x768xf32, #tpu.memory_space<vmem>>, vector<1x1x16xf32>,
        %parallel_loop3A_552 = vector.shape_cast %parallel_loop3A_551 : vector<1x1x16xf32> to vector<16xf32>
        %parallel_loop3A_553 = arith.constant 27.7128124 : f32
        %parallel_loop3A_554 = vector.broadcast %parallel_loop3A_553 : f32 to vector<16xf32>
        %parallel_loop3A_555 = arith.mulf %parallel_loop3A_552, %parallel_loop3A_554 : vector<16xf32>
        %parallel_loop3A_556 = arith.constant 2 : i32
        %parallel_loop3A_557 = arith.index_cast %parallel_loop3A_556 : i32 to index
        %parallel_loop3A_558 = arith.index_cast %parallel_loop3A_306 : i32 to index
        %parallel_loop3A_559 = arith.constant 240 : index
        %parallel_loop3A_560 = tpu.vector_load %arg6[%parallel_loop3A_557, %parallel_loop3A_558, %parallel_loop3A_559] {strides = array<i32>} : memref<4x32x768xf32, #tpu.memory_space<vmem>>, vector<1x1x16xf32>,
        %parallel_loop3A_561 = vector.shape_cast %parallel_loop3A_560 : vector<1x1x16xf32> to vector<16xf32>
        %parallel_loop3A_562 = vector.shape_cast %parallel_loop3A_555 : vector<16xf32> to vector<1x1x16xf32>
        tpu.vector_store %arg6[%parallel_loop3A_557, %parallel_loop3A_558, %parallel_loop3A_559], %parallel_loop3A_562 {strides = array<i32>} : memref<4x32x768xf32, #tpu.memory_space<vmem>>, vector<1x1x16xf32>,
        %parallel_loop3A_563 = arith.constant 2 : i32
        %parallel_loop3A_564 = arith.index_cast %parallel_loop3A_563 : i32 to index
        %parallel_loop3A_565 = arith.index_cast %parallel_loop3A_306 : i32 to index
        %parallel_loop3A_566 = arith.constant 256 : index
        %parallel_loop3A_567 = tpu.vector_load %arg6[%parallel_loop3A_564, %parallel_loop3A_565, %parallel_loop3A_566] {strides = array<i32>} : memref<4x32x768xf32, #tpu.memory_space<vmem>>, vector<1x1x16xf32>,
        %parallel_loop3A_568 = vector.shape_cast %parallel_loop3A_567 : vector<1x1x16xf32> to vector<16xf32>
        %parallel_loop3A_569 = arith.constant 27.7128124 : f32
        %parallel_loop3A_570 = vector.broadcast %parallel_loop3A_569 : f32 to vector<16xf32>
        %parallel_loop3A_571 = arith.mulf %parallel_loop3A_568, %parallel_loop3A_570 : vector<16xf32>
        %parallel_loop3A_572 = arith.constant 2 : i32
        %parallel_loop3A_573 = arith.index_cast %parallel_loop3A_572 : i32 to index
        %parallel_loop3A_574 = arith.index_cast %parallel_loop3A_306 : i32 to index
        %parallel_loop3A_575 = arith.constant 256 : index
        %parallel_loop3A_576 = tpu.vector_load %arg6[%parallel_loop3A_573, %parallel_loop3A_574, %parallel_loop3A_575] {strides = array<i32>} : memref<4x32x768xf32, #tpu.memory_space<vmem>>, vector<1x1x16xf32>,
        %parallel_loop3A_577 = vector.shape_cast %parallel_loop3A_576 : vector<1x1x16xf32> to vector<16xf32>
        %parallel_loop3A_578 = vector.shape_cast %parallel_loop3A_571 : vector<16xf32> to vector<1x1x16xf32>
        tpu.vector_store %arg6[%parallel_loop3A_573, %parallel_loop3A_574, %parallel_loop3A_575], %parallel_loop3A_578 {strides = array<i32>} : memref<4x32x768xf32, #tpu.memory_space<vmem>>, vector<1x1x16xf32>,
        %parallel_loop3A_579 = arith.constant 2 : i32
        %parallel_loop3A_580 = arith.index_cast %parallel_loop3A_579 : i32 to index
        %parallel_loop3A_581 = arith.index_cast %parallel_loop3A_306 : i32 to index
        %parallel_loop3A_582 = arith.constant 272 : index
        %parallel_loop3A_583 = tpu.vector_load %arg6[%parallel_loop3A_580, %parallel_loop3A_581, %parallel_loop3A_582] {strides = array<i32>} : memref<4x32x768xf32, #tpu.memory_space<vmem>>, vector<1x1x16xf32>,
        %parallel_loop3A_584 = vector.shape_cast %parallel_loop3A_583 : vector<1x1x16xf32> to vector<16xf32>
        %parallel_loop3A_585 = arith.constant 27.7128124 : f32
        %parallel_loop3A_586 = vector.broadcast %parallel_loop3A_585 : f32 to vector<16xf32>
        %parallel_loop3A_587 = arith.mulf %parallel_loop3A_584, %parallel_loop3A_586 : vector<16xf32>
        %parallel_loop3A_588 = arith.constant 2 : i32
        %parallel_loop3A_589 = arith.index_cast %parallel_loop3A_588 : i32 to index
        %parallel_loop3A_590 = arith.index_cast %parallel_loop3A_306 : i32 to index
        %parallel_loop3A_591 = arith.constant 272 : index
        %parallel_loop3A_592 = tpu.vector_load %arg6[%parallel_loop3A_589, %parallel_loop3A_590, %parallel_loop3A_591] {strides = array<i32>} : memref<4x32x768xf32, #tpu.memory_space<vmem>>, vector<1x1x16xf32>,
        %parallel_loop3A_593 = vector.shape_cast %parallel_loop3A_592 : vector<1x1x16xf32> to vector<16xf32>
        %parallel_loop3A_594 = vector.shape_cast %parallel_loop3A_587 : vector<16xf32> to vector<1x1x16xf32>
        tpu.vector_store %arg6[%parallel_loop3A_589, %parallel_loop3A_590, %parallel_loop3A_591], %parallel_loop3A_594 {strides = array<i32>} : memref<4x32x768xf32, #tpu.memory_space<vmem>>, vector<1x1x16xf32>,
        %parallel_loop3A_595 = arith.constant 2 : i32
        %parallel_loop3A_596 = arith.index_cast %parallel_loop3A_595 : i32 to index
        %parallel_loop3A_597 = arith.index_cast %parallel_loop3A_306 : i32 to index
        %parallel_loop3A_598 = arith.constant 288 : index
        %parallel_loop3A_599 = tpu.vector_load %arg6[%parallel_loop3A_596, %parallel_loop3A_597, %parallel_loop3A_598] {strides = array<i32>} : memref<4x32x768xf32, #tpu.memory_space<vmem>>, vector<1x1x16xf32>,
        %parallel_loop3A_600 = vector.shape_cast %parallel_loop3A_599 : vector<1x1x16xf32> to vector<16xf32>
        %parallel_loop3A_601 = arith.constant 27.7128124 : f32
        %parallel_loop3A_602 = vector.broadcast %parallel_loop3A_601 : f32 to vector<16xf32>
        %parallel_loop3A_603 = arith.mulf %parallel_loop3A_600, %parallel_loop3A_602 : vector<16xf32>
        %parallel_loop3A_604 = arith.constant 2 : i32
        %parallel_loop3A_605 = arith.index_cast %parallel_loop3A_604 : i32 to index
        %parallel_loop3A_606 = arith.index_cast %parallel_loop3A_306 : i32 to index
        %parallel_loop3A_607 = arith.constant 288 : index
        %parallel_loop3A_608 = tpu.vector_load %arg6[%parallel_loop3A_605, %parallel_loop3A_606, %parallel_loop3A_607] {strides = array<i32>} : memref<4x32x768xf32, #tpu.memory_space<vmem>>, vector<1x1x16xf32>,
        %parallel_loop3A_609 = vector.shape_cast %parallel_loop3A_608 : vector<1x1x16xf32> to vector<16xf32>
        %parallel_loop3A_610 = vector.shape_cast %parallel_loop3A_603 : vector<16xf32> to vector<1x1x16xf32>
        tpu.vector_store %arg6[%parallel_loop3A_605, %parallel_loop3A_606, %parallel_loop3A_607], %parallel_loop3A_610 {strides = array<i32>} : memref<4x32x768xf32, #tpu.memory_space<vmem>>, vector<1x1x16xf32>,
        %parallel_loop3A_611 = arith.constant 2 : i32
        %parallel_loop3A_612 = arith.index_cast %parallel_loop3A_611 : i32 to index
        %parallel_loop3A_613 = arith.index_cast %parallel_loop3A_306 : i32 to index
        %parallel_loop3A_614 = arith.constant 304 : index
        %parallel_loop3A_615 = tpu.vector_load %arg6[%parallel_loop3A_612, %parallel_loop3A_613, %parallel_loop3A_614] {strides = array<i32>} : memref<4x32x768xf32, #tpu.memory_space<vmem>>, vector<1x1x16xf32>,
        %parallel_loop3A_616 = vector.shape_cast %parallel_loop3A_615 : vector<1x1x16xf32> to vector<16xf32>
        %parallel_loop3A_617 = arith.constant 27.7128124 : f32
        %parallel_loop3A_618 = vector.broadcast %parallel_loop3A_617 : f32 to vector<16xf32>
        %parallel_loop3A_619 = arith.mulf %parallel_loop3A_616, %parallel_loop3A_618 : vector<16xf32>
        %parallel_loop3A_620 = arith.constant 2 : i32
        %parallel_loop3A_621 = arith.index_cast %parallel_loop3A_620 : i32 to index
        %parallel_loop3A_622 = arith.index_cast %parallel_loop3A_306 : i32 to index
        %parallel_loop3A_623 = arith.constant 304 : index
        %parallel_loop3A_624 = tpu.vector_load %arg6[%parallel_loop3A_621, %parallel_loop3A_622, %parallel_loop3A_623] {strides = array<i32>} : memref<4x32x768xf32, #tpu.memory_space<vmem>>, vector<1x1x16xf32>,
        %parallel_loop3A_625 = vector.shape_cast %parallel_loop3A_624 : vector<1x1x16xf32> to vector<16xf32>
        %parallel_loop3A_626 = vector.shape_cast %parallel_loop3A_619 : vector<16xf32> to vector<1x1x16xf32>
        tpu.vector_store %arg6[%parallel_loop3A_621, %parallel_loop3A_622, %parallel_loop3A_623], %parallel_loop3A_626 {strides = array<i32>} : memref<4x32x768xf32, #tpu.memory_space<vmem>>, vector<1x1x16xf32>,
        %parallel_loop3A_627 = arith.constant 2 : i32
        %parallel_loop3A_628 = arith.index_cast %parallel_loop3A_627 : i32 to index
        %parallel_loop3A_629 = arith.index_cast %parallel_loop3A_306 : i32 to index
        %parallel_loop3A_630 = arith.constant 320 : index
        %parallel_loop3A_631 = tpu.vector_load %arg6[%parallel_loop3A_628, %parallel_loop3A_629, %parallel_loop3A_630] {strides = array<i32>} : memref<4x32x768xf32, #tpu.memory_space<vmem>>, vector<1x1x16xf32>,
        %parallel_loop3A_632 = vector.shape_cast %parallel_loop3A_631 : vector<1x1x16xf32> to vector<16xf32>
        %parallel_loop3A_633 = arith.constant 27.7128124 : f32
        %parallel_loop3A_634 = vector.broadcast %parallel_loop3A_633 : f32 to vector<16xf32>
        %parallel_loop3A_635 = arith.mulf %parallel_loop3A_632, %parallel_loop3A_634 : vector<16xf32>
        %parallel_loop3A_636 = arith.constant 2 : i32
        %parallel_loop3A_637 = arith.index_cast %parallel_loop3A_636 : i32 to index
        %parallel_loop3A_638 = arith.index_cast %parallel_loop3A_306 : i32 to index
        %parallel_loop3A_639 = arith.constant 320 : index
        %parallel_loop3A_640 = tpu.vector_load %arg6[%parallel_loop3A_637, %parallel_loop3A_638, %parallel_loop3A_639] {strides = array<i32>} : memref<4x32x768xf32, #tpu.memory_space<vmem>>, vector<1x1x16xf32>,
        %parallel_loop3A_641 = vector.shape_cast %parallel_loop3A_640 : vector<1x1x16xf32> to vector<16xf32>
        %parallel_loop3A_642 = vector.shape_cast %parallel_loop3A_635 : vector<16xf32> to vector<1x1x16xf32>
        tpu.vector_store %arg6[%parallel_loop3A_637, %parallel_loop3A_638, %parallel_loop3A_639], %parallel_loop3A_642 {strides = array<i32>} : memref<4x32x768xf32, #tpu.memory_space<vmem>>, vector<1x1x16xf32>,
        %parallel_loop3A_643 = arith.constant 2 : i32
        %parallel_loop3A_644 = arith.index_cast %parallel_loop3A_643 : i32 to index
        %parallel_loop3A_645 = arith.index_cast %parallel_loop3A_306 : i32 to index
        %parallel_loop3A_646 = arith.constant 336 : index
        %parallel_loop3A_647 = tpu.vector_load %arg6[%parallel_loop3A_644, %parallel_loop3A_645, %parallel_loop3A_646] {strides = array<i32>} : memref<4x32x768xf32, #tpu.memory_space<vmem>>, vector<1x1x16xf32>,
        %parallel_loop3A_648 = vector.shape_cast %parallel_loop3A_647 : vector<1x1x16xf32> to vector<16xf32>
        %parallel_loop3A_649 = arith.constant 27.7128124 : f32
        %parallel_loop3A_650 = vector.broadcast %parallel_loop3A_649 : f32 to vector<16xf32>
        %parallel_loop3A_651 = arith.mulf %parallel_loop3A_648, %parallel_loop3A_650 : vector<16xf32>
        %parallel_loop3A_652 = arith.constant 2 : i32
        %parallel_loop3A_653 = arith.index_cast %parallel_loop3A_652 : i32 to index
        %parallel_loop3A_654 = arith.index_cast %parallel_loop3A_306 : i32 to index
        %parallel_loop3A_655 = arith.constant 336 : index
        %parallel_loop3A_656 = tpu.vector_load %arg6[%parallel_loop3A_653, %parallel_loop3A_654, %parallel_loop3A_655] {strides = array<i32>} : memref<4x32x768xf32, #tpu.memory_space<vmem>>, vector<1x1x16xf32>,
        %parallel_loop3A_657 = vector.shape_cast %parallel_loop3A_656 : vector<1x1x16xf32> to vector<16xf32>
        %parallel_loop3A_658 = vector.shape_cast %parallel_loop3A_651 : vector<16xf32> to vector<1x1x16xf32>
        tpu.vector_store %arg6[%parallel_loop3A_653, %parallel_loop3A_654, %parallel_loop3A_655], %parallel_loop3A_658 {strides = array<i32>} : memref<4x32x768xf32, #tpu.memory_space<vmem>>, vector<1x1x16xf32>,
        %parallel_loop3A_659 = arith.constant 2 : i32
        %parallel_loop3A_660 = arith.index_cast %parallel_loop3A_659 : i32 to index
        %parallel_loop3A_661 = arith.index_cast %parallel_loop3A_306 : i32 to index
        %parallel_loop3A_662 = arith.constant 352 : index
        %parallel_loop3A_663 = tpu.vector_load %arg6[%parallel_loop3A_660, %parallel_loop3A_661, %parallel_loop3A_662] {strides = array<i32>} : memref<4x32x768xf32, #tpu.memory_space<vmem>>, vector<1x1x16xf32>,
        %parallel_loop3A_664 = vector.shape_cast %parallel_loop3A_663 : vector<1x1x16xf32> to vector<16xf32>
        %parallel_loop3A_665 = arith.constant 27.7128124 : f32
        %parallel_loop3A_666 = vector.broadcast %parallel_loop3A_665 : f32 to vector<16xf32>
        %parallel_loop3A_667 = arith.mulf %parallel_loop3A_664, %parallel_loop3A_666 : vector<16xf32>
        %parallel_loop3A_668 = arith.constant 2 : i32
        %parallel_loop3A_669 = arith.index_cast %parallel_loop3A_668 : i32 to index
        %parallel_loop3A_670 = arith.index_cast %parallel_loop3A_306 : i32 to index
        %parallel_loop3A_671 = arith.constant 352 : index
        %parallel_loop3A_672 = tpu.vector_load %arg6[%parallel_loop3A_669, %parallel_loop3A_670, %parallel_loop3A_671] {strides = array<i32>} : memref<4x32x768xf32, #tpu.memory_space<vmem>>, vector<1x1x16xf32>,
        %parallel_loop3A_673 = vector.shape_cast %parallel_loop3A_672 : vector<1x1x16xf32> to vector<16xf32>
        %parallel_loop3A_674 = vector.shape_cast %parallel_loop3A_667 : vector<16xf32> to vector<1x1x16xf32>
        tpu.vector_store %arg6[%parallel_loop3A_669, %parallel_loop3A_670, %parallel_loop3A_671], %parallel_loop3A_674 {strides = array<i32>} : memref<4x32x768xf32, #tpu.memory_space<vmem>>, vector<1x1x16xf32>,
        %parallel_loop3A_675 = arith.constant 2 : i32
        %parallel_loop3A_676 = arith.index_cast %parallel_loop3A_675 : i32 to index
        %parallel_loop3A_677 = arith.index_cast %parallel_loop3A_306 : i32 to index
        %parallel_loop3A_678 = arith.constant 368 : index
        %parallel_loop3A_679 = tpu.vector_load %arg6[%parallel_loop3A_676, %parallel_loop3A_677, %parallel_loop3A_678] {strides = array<i32>} : memref<4x32x768xf32, #tpu.memory_space<vmem>>, vector<1x1x16xf32>,
        %parallel_loop3A_680 = vector.shape_cast %parallel_loop3A_679 : vector<1x1x16xf32> to vector<16xf32>
        %parallel_loop3A_681 = arith.constant 27.7128124 : f32
        %parallel_loop3A_682 = vector.broadcast %parallel_loop3A_681 : f32 to vector<16xf32>
        %parallel_loop3A_683 = arith.mulf %parallel_loop3A_680, %parallel_loop3A_682 : vector<16xf32>
        %parallel_loop3A_684 = arith.constant 2 : i32
        %parallel_loop3A_685 = arith.index_cast %parallel_loop3A_684 : i32 to index
        %parallel_loop3A_686 = arith.index_cast %parallel_loop3A_306 : i32 to index
        %parallel_loop3A_687 = arith.constant 368 : index
        %parallel_loop3A_688 = tpu.vector_load %arg6[%parallel_loop3A_685, %parallel_loop3A_686, %parallel_loop3A_687] {strides = array<i32>} : memref<4x32x768xf32, #tpu.memory_space<vmem>>, vector<1x1x16xf32>,
        %parallel_loop3A_689 = vector.shape_cast %parallel_loop3A_688 : vector<1x1x16xf32> to vector<16xf32>
        %parallel_loop3A_690 = vector.shape_cast %parallel_loop3A_683 : vector<16xf32> to vector<1x1x16xf32>
        tpu.vector_store %arg6[%parallel_loop3A_685, %parallel_loop3A_686, %parallel_loop3A_687], %parallel_loop3A_690 {strides = array<i32>} : memref<4x32x768xf32, #tpu.memory_space<vmem>>, vector<1x1x16xf32>,
        %parallel_loop3A_691 = arith.constant 2 : i32
        %parallel_loop3A_692 = arith.index_cast %parallel_loop3A_691 : i32 to index
        %parallel_loop3A_693 = arith.index_cast %parallel_loop3A_306 : i32 to index
        %parallel_loop3A_694 = arith.constant 384 : index
        %parallel_loop3A_695 = tpu.vector_load %arg6[%parallel_loop3A_692, %parallel_loop3A_693, %parallel_loop3A_694] {strides = array<i32>} : memref<4x32x768xf32, #tpu.memory_space<vmem>>, vector<1x1x16xf32>,
        %parallel_loop3A_696 = vector.shape_cast %parallel_loop3A_695 : vector<1x1x16xf32> to vector<16xf32>
        %parallel_loop3A_697 = arith.constant 27.7128124 : f32
        %parallel_loop3A_698 = vector.broadcast %parallel_loop3A_697 : f32 to vector<16xf32>
        %parallel_loop3A_699 = arith.mulf %parallel_loop3A_696, %parallel_loop3A_698 : vector<16xf32>
        %parallel_loop3A_700 = arith.constant 2 : i32
        %parallel_loop3A_701 = arith.index_cast %parallel_loop3A_700 : i32 to index
        %parallel_loop3A_702 = arith.index_cast %parallel_loop3A_306 : i32 to index
        %parallel_loop3A_703 = arith.constant 384 : index
        %parallel_loop3A_704 = tpu.vector_load %arg6[%parallel_loop3A_701, %parallel_loop3A_702, %parallel_loop3A_703] {strides = array<i32>} : memref<4x32x768xf32, #tpu.memory_space<vmem>>, vector<1x1x16xf32>,
        %parallel_loop3A_705 = vector.shape_cast %parallel_loop3A_704 : vector<1x1x16xf32> to vector<16xf32>
        %parallel_loop3A_706 = vector.shape_cast %parallel_loop3A_699 : vector<16xf32> to vector<1x1x16xf32>
        tpu.vector_store %arg6[%parallel_loop3A_701, %parallel_loop3A_702, %parallel_loop3A_703], %parallel_loop3A_706 {strides = array<i32>} : memref<4x32x768xf32, #tpu.memory_space<vmem>>, vector<1x1x16xf32>,
        %parallel_loop3A_707 = arith.constant 2 : i32
        %parallel_loop3A_708 = arith.index_cast %parallel_loop3A_707 : i32 to index
        %parallel_loop3A_709 = arith.index_cast %parallel_loop3A_306 : i32 to index
        %parallel_loop3A_710 = arith.constant 400 : index
        %parallel_loop3A_711 = tpu.vector_load %arg6[%parallel_loop3A_708, %parallel_loop3A_709, %parallel_loop3A_710] {strides = array<i32>} : memref<4x32x768xf32, #tpu.memory_space<vmem>>, vector<1x1x16xf32>,
        %parallel_loop3A_712 = vector.shape_cast %parallel_loop3A_711 : vector<1x1x16xf32> to vector<16xf32>
        %parallel_loop3A_713 = arith.constant 27.7128124 : f32
        %parallel_loop3A_714 = vector.broadcast %parallel_loop3A_713 : f32 to vector<16xf32>
        %parallel_loop3A_715 = arith.mulf %parallel_loop3A_712, %parallel_loop3A_714 : vector<16xf32>
        %parallel_loop3A_716 = arith.constant 2 : i32
        %parallel_loop3A_717 = arith.index_cast %parallel_loop3A_716 : i32 to index
        %parallel_loop3A_718 = arith.index_cast %parallel_loop3A_306 : i32 to index
        %parallel_loop3A_719 = arith.constant 400 : index
        %parallel_loop3A_720 = tpu.vector_load %arg6[%parallel_loop3A_717, %parallel_loop3A_718, %parallel_loop3A_719] {strides = array<i32>} : memref<4x32x768xf32, #tpu.memory_space<vmem>>, vector<1x1x16xf32>,
        %parallel_loop3A_721 = vector.shape_cast %parallel_loop3A_720 : vector<1x1x16xf32> to vector<16xf32>
        %parallel_loop3A_722 = vector.shape_cast %parallel_loop3A_715 : vector<16xf32> to vector<1x1x16xf32>
        tpu.vector_store %arg6[%parallel_loop3A_717, %parallel_loop3A_718, %parallel_loop3A_719], %parallel_loop3A_722 {strides = array<i32>} : memref<4x32x768xf32, #tpu.memory_space<vmem>>, vector<1x1x16xf32>,
        %parallel_loop3A_723 = arith.constant 2 : i32
        %parallel_loop3A_724 = arith.index_cast %parallel_loop3A_723 : i32 to index
        %parallel_loop3A_725 = arith.index_cast %parallel_loop3A_306 : i32 to index
        %parallel_loop3A_726 = arith.constant 416 : index
        %parallel_loop3A_727 = tpu.vector_load %arg6[%parallel_loop3A_724, %parallel_loop3A_725, %parallel_loop3A_726] {strides = array<i32>} : memref<4x32x768xf32, #tpu.memory_space<vmem>>, vector<1x1x16xf32>,
        %parallel_loop3A_728 = vector.shape_cast %parallel_loop3A_727 : vector<1x1x16xf32> to vector<16xf32>
        %parallel_loop3A_729 = arith.constant 27.7128124 : f32
        %parallel_loop3A_730 = vector.broadcast %parallel_loop3A_729 : f32 to vector<16xf32>
        %parallel_loop3A_731 = arith.mulf %parallel_loop3A_728, %parallel_loop3A_730 : vector<16xf32>
        %parallel_loop3A_732 = arith.constant 2 : i32
        %parallel_loop3A_733 = arith.index_cast %parallel_loop3A_732 : i32 to index
        %parallel_loop3A_734 = arith.index_cast %parallel_loop3A_306 : i32 to index
        %parallel_loop3A_735 = arith.constant 416 : index
        %parallel_loop3A_736 = tpu.vector_load %arg6[%parallel_loop3A_733, %parallel_loop3A_734, %parallel_loop3A_735] {strides = array<i32>} : memref<4x32x768xf32, #tpu.memory_space<vmem>>, vector<1x1x16xf32>,
        %parallel_loop3A_737 = vector.shape_cast %parallel_loop3A_736 : vector<1x1x16xf32> to vector<16xf32>
        %parallel_loop3A_738 = vector.shape_cast %parallel_loop3A_731 : vector<16xf32> to vector<1x1x16xf32>
        tpu.vector_store %arg6[%parallel_loop3A_733, %parallel_loop3A_734, %parallel_loop3A_735], %parallel_loop3A_738 {strides = array<i32>} : memref<4x32x768xf32, #tpu.memory_space<vmem>>, vector<1x1x16xf32>,
        %parallel_loop3A_739 = arith.constant 2 : i32
        %parallel_loop3A_740 = arith.index_cast %parallel_loop3A_739 : i32 to index
        %parallel_loop3A_741 = arith.index_cast %parallel_loop3A_306 : i32 to index
        %parallel_loop3A_742 = arith.constant 432 : index
        %parallel_loop3A_743 = tpu.vector_load %arg6[%parallel_loop3A_740, %parallel_loop3A_741, %parallel_loop3A_742] {strides = array<i32>} : memref<4x32x768xf32, #tpu.memory_space<vmem>>, vector<1x1x16xf32>,
        %parallel_loop3A_744 = vector.shape_cast %parallel_loop3A_743 : vector<1x1x16xf32> to vector<16xf32>
        %parallel_loop3A_745 = arith.constant 27.7128124 : f32
        %parallel_loop3A_746 = vector.broadcast %parallel_loop3A_745 : f32 to vector<16xf32>
        %parallel_loop3A_747 = arith.mulf %parallel_loop3A_744, %parallel_loop3A_746 : vector<16xf32>
        %parallel_loop3A_748 = arith.constant 2 : i32
        %parallel_loop3A_749 = arith.index_cast %parallel_loop3A_748 : i32 to index
        %parallel_loop3A_750 = arith.index_cast %parallel_loop3A_306 : i32 to index
        %parallel_loop3A_751 = arith.constant 432 : index
        %parallel_loop3A_752 = tpu.vector_load %arg6[%parallel_loop3A_749, %parallel_loop3A_750, %parallel_loop3A_751] {strides = array<i32>} : memref<4x32x768xf32, #tpu.memory_space<vmem>>, vector<1x1x16xf32>,
        %parallel_loop3A_753 = vector.shape_cast %parallel_loop3A_752 : vector<1x1x16xf32> to vector<16xf32>
        %parallel_loop3A_754 = vector.shape_cast %parallel_loop3A_747 : vector<16xf32> to vector<1x1x16xf32>
        tpu.vector_store %arg6[%parallel_loop3A_749, %parallel_loop3A_750, %parallel_loop3A_751], %parallel_loop3A_754 {strides = array<i32>} : memref<4x32x768xf32, #tpu.memory_space<vmem>>, vector<1x1x16xf32>,
        %parallel_loop3A_755 = arith.constant 2 : i32
        %parallel_loop3A_756 = arith.index_cast %parallel_loop3A_755 : i32 to index
        %parallel_loop3A_757 = arith.index_cast %parallel_loop3A_306 : i32 to index
        %parallel_loop3A_758 = arith.constant 448 : index
        %parallel_loop3A_759 = tpu.vector_load %arg6[%parallel_loop3A_756, %parallel_loop3A_757, %parallel_loop3A_758] {strides = array<i32>} : memref<4x32x768xf32, #tpu.memory_space<vmem>>, vector<1x1x16xf32>,
        %parallel_loop3A_760 = vector.shape_cast %parallel_loop3A_759 : vector<1x1x16xf32> to vector<16xf32>
        %parallel_loop3A_761 = arith.constant 27.7128124 : f32
        %parallel_loop3A_762 = vector.broadcast %parallel_loop3A_761 : f32 to vector<16xf32>
        %parallel_loop3A_763 = arith.mulf %parallel_loop3A_760, %parallel_loop3A_762 : vector<16xf32>
        %parallel_loop3A_764 = arith.constant 2 : i32
        %parallel_loop3A_765 = arith.index_cast %parallel_loop3A_764 : i32 to index
        %parallel_loop3A_766 = arith.index_cast %parallel_loop3A_306 : i32 to index
        %parallel_loop3A_767 = arith.constant 448 : index
        %parallel_loop3A_768 = tpu.vector_load %arg6[%parallel_loop3A_765, %parallel_loop3A_766, %parallel_loop3A_767] {strides = array<i32>} : memref<4x32x768xf32, #tpu.memory_space<vmem>>, vector<1x1x16xf32>,
        %parallel_loop3A_769 = vector.shape_cast %parallel_loop3A_768 : vector<1x1x16xf32> to vector<16xf32>
        %parallel_loop3A_770 = vector.shape_cast %parallel_loop3A_763 : vector<16xf32> to vector<1x1x16xf32>
        tpu.vector_store %arg6[%parallel_loop3A_765, %parallel_loop3A_766, %parallel_loop3A_767], %parallel_loop3A_770 {strides = array<i32>} : memref<4x32x768xf32, #tpu.memory_space<vmem>>, vector<1x1x16xf32>,
        %parallel_loop3A_771 = arith.constant 2 : i32
        %parallel_loop3A_772 = arith.index_cast %parallel_loop3A_771 : i32 to index
        %parallel_loop3A_773 = arith.index_cast %parallel_loop3A_306 : i32 to index
        %parallel_loop3A_774 = arith.constant 464 : index
        %parallel_loop3A_775 = tpu.vector_load %arg6[%parallel_loop3A_772, %parallel_loop3A_773, %parallel_loop3A_774] {strides = array<i32>} : memref<4x32x768xf32, #tpu.memory_space<vmem>>, vector<1x1x16xf32>,
        %parallel_loop3A_776 = vector.shape_cast %parallel_loop3A_775 : vector<1x1x16xf32> to vector<16xf32>
        %parallel_loop3A_777 = arith.constant 27.7128124 : f32
        %parallel_loop3A_778 = vector.broadcast %parallel_loop3A_777 : f32 to vector<16xf32>
        %parallel_loop3A_779 = arith.mulf %parallel_loop3A_776, %parallel_loop3A_778 : vector<16xf32>
        %parallel_loop3A_780 = arith.constant 2 : i32
        %parallel_loop3A_781 = arith.index_cast %parallel_loop3A_780 : i32 to index
        %parallel_loop3A_782 = arith.index_cast %parallel_loop3A_306 : i32 to index
        %parallel_loop3A_783 = arith.constant 464 : index
        %parallel_loop3A_784 = tpu.vector_load %arg6[%parallel_loop3A_781, %parallel_loop3A_782, %parallel_loop3A_783] {strides = array<i32>} : memref<4x32x768xf32, #tpu.memory_space<vmem>>, vector<1x1x16xf32>,
        %parallel_loop3A_785 = vector.shape_cast %parallel_loop3A_784 : vector<1x1x16xf32> to vector<16xf32>
        %parallel_loop3A_786 = vector.shape_cast %parallel_loop3A_779 : vector<16xf32> to vector<1x1x16xf32>
        tpu.vector_store %arg6[%parallel_loop3A_781, %parallel_loop3A_782, %parallel_loop3A_783], %parallel_loop3A_786 {strides = array<i32>} : memref<4x32x768xf32, #tpu.memory_space<vmem>>, vector<1x1x16xf32>,
        %parallel_loop3A_787 = arith.constant 2 : i32
        %parallel_loop3A_788 = arith.index_cast %parallel_loop3A_787 : i32 to index
        %parallel_loop3A_789 = arith.index_cast %parallel_loop3A_306 : i32 to index
        %parallel_loop3A_790 = arith.constant 480 : index
        %parallel_loop3A_791 = tpu.vector_load %arg6[%parallel_loop3A_788, %parallel_loop3A_789, %parallel_loop3A_790] {strides = array<i32>} : memref<4x32x768xf32, #tpu.memory_space<vmem>>, vector<1x1x16xf32>,
        %parallel_loop3A_792 = vector.shape_cast %parallel_loop3A_791 : vector<1x1x16xf32> to vector<16xf32>
        %parallel_loop3A_793 = arith.constant 27.7128124 : f32
        %parallel_loop3A_794 = vector.broadcast %parallel_loop3A_793 : f32 to vector<16xf32>
        %parallel_loop3A_795 = arith.mulf %parallel_loop3A_792, %parallel_loop3A_794 : vector<16xf32>
        %parallel_loop3A_796 = arith.constant 2 : i32
        %parallel_loop3A_797 = arith.index_cast %parallel_loop3A_796 : i32 to index
        %parallel_loop3A_798 = arith.index_cast %parallel_loop3A_306 : i32 to index
        %parallel_loop3A_799 = arith.constant 480 : index
        %parallel_loop3A_800 = tpu.vector_load %arg6[%parallel_loop3A_797, %parallel_loop3A_798, %parallel_loop3A_799] {strides = array<i32>} : memref<4x32x768xf32, #tpu.memory_space<vmem>>, vector<1x1x16xf32>,
        %parallel_loop3A_801 = vector.shape_cast %parallel_loop3A_800 : vector<1x1x16xf32> to vector<16xf32>
        %parallel_loop3A_802 = vector.shape_cast %parallel_loop3A_795 : vector<16xf32> to vector<1x1x16xf32>
        tpu.vector_store %arg6[%parallel_loop3A_797, %parallel_loop3A_798, %parallel_loop3A_799], %parallel_loop3A_802 {strides = array<i32>} : memref<4x32x768xf32, #tpu.memory_space<vmem>>, vector<1x1x16xf32>,
        %parallel_loop3A_803 = arith.constant 2 : i32
        %parallel_loop3A_804 = arith.index_cast %parallel_loop3A_803 : i32 to index
        %parallel_loop3A_805 = arith.index_cast %parallel_loop3A_306 : i32 to index
        %parallel_loop3A_806 = arith.constant 496 : index
        %parallel_loop3A_807 = tpu.vector_load %arg6[%parallel_loop3A_804, %parallel_loop3A_805, %parallel_loop3A_806] {strides = array<i32>} : memref<4x32x768xf32, #tpu.memory_space<vmem>>, vector<1x1x16xf32>,
        %parallel_loop3A_808 = vector.shape_cast %parallel_loop3A_807 : vector<1x1x16xf32> to vector<16xf32>
        %parallel_loop3A_809 = arith.constant 27.7128124 : f32
        %parallel_loop3A_810 = vector.broadcast %parallel_loop3A_809 : f32 to vector<16xf32>
        %parallel_loop3A_811 = arith.mulf %parallel_loop3A_808, %parallel_loop3A_810 : vector<16xf32>
        %parallel_loop3A_812 = arith.constant 2 : i32
        %parallel_loop3A_813 = arith.index_cast %parallel_loop3A_812 : i32 to index
        %parallel_loop3A_814 = arith.index_cast %parallel_loop3A_306 : i32 to index
        %parallel_loop3A_815 = arith.constant 496 : index
        %parallel_loop3A_816 = tpu.vector_load %arg6[%parallel_loop3A_813, %parallel_loop3A_814, %parallel_loop3A_815] {strides = array<i32>} : memref<4x32x768xf32, #tpu.memory_space<vmem>>, vector<1x1x16xf32>,
        %parallel_loop3A_817 = vector.shape_cast %parallel_loop3A_816 : vector<1x1x16xf32> to vector<16xf32>
        %parallel_loop3A_818 = vector.shape_cast %parallel_loop3A_811 : vector<16xf32> to vector<1x1x16xf32>
        tpu.vector_store %arg6[%parallel_loop3A_813, %parallel_loop3A_814, %parallel_loop3A_815], %parallel_loop3A_818 {strides = array<i32>} : memref<4x32x768xf32, #tpu.memory_space<vmem>>, vector<1x1x16xf32>,
        %parallel_loop3A_819 = arith.constant 2 : i32
        %parallel_loop3A_820 = arith.index_cast %parallel_loop3A_819 : i32 to index
        %parallel_loop3A_821 = arith.index_cast %parallel_loop3A_306 : i32 to index
        %parallel_loop3A_822 = arith.constant 512 : index
        %parallel_loop3A_823 = tpu.vector_load %arg6[%parallel_loop3A_820, %parallel_loop3A_821, %parallel_loop3A_822] {strides = array<i32>} : memref<4x32x768xf32, #tpu.memory_space<vmem>>, vector<1x1x16xf32>,
        %parallel_loop3A_824 = vector.shape_cast %parallel_loop3A_823 : vector<1x1x16xf32> to vector<16xf32>
        %parallel_loop3A_825 = arith.constant 27.7128124 : f32
        %parallel_loop3A_826 = vector.broadcast %parallel_loop3A_825 : f32 to vector<16xf32>
        %parallel_loop3A_827 = arith.mulf %parallel_loop3A_824, %parallel_loop3A_826 : vector<16xf32>
        %parallel_loop3A_828 = arith.constant 2 : i32
        %parallel_loop3A_829 = arith.index_cast %parallel_loop3A_828 : i32 to index
        %parallel_loop3A_830 = arith.index_cast %parallel_loop3A_306 : i32 to index
        %parallel_loop3A_831 = arith.constant 512 : index
        %parallel_loop3A_832 = tpu.vector_load %arg6[%parallel_loop3A_829, %parallel_loop3A_830, %parallel_loop3A_831] {strides = array<i32>} : memref<4x32x768xf32, #tpu.memory_space<vmem>>, vector<1x1x16xf32>,
        %parallel_loop3A_833 = vector.shape_cast %parallel_loop3A_832 : vector<1x1x16xf32> to vector<16xf32>
        %parallel_loop3A_834 = vector.shape_cast %parallel_loop3A_827 : vector<16xf32> to vector<1x1x16xf32>
        tpu.vector_store %arg6[%parallel_loop3A_829, %parallel_loop3A_830, %parallel_loop3A_831], %parallel_loop3A_834 {strides = array<i32>} : memref<4x32x768xf32, #tpu.memory_space<vmem>>, vector<1x1x16xf32>,
        %parallel_loop3A_835 = arith.constant 2 : i32
        %parallel_loop3A_836 = arith.index_cast %parallel_loop3A_835 : i32 to index
        %parallel_loop3A_837 = arith.index_cast %parallel_loop3A_306 : i32 to index
        %parallel_loop3A_838 = arith.constant 528 : index
        %parallel_loop3A_839 = tpu.vector_load %arg6[%parallel_loop3A_836, %parallel_loop3A_837, %parallel_loop3A_838] {strides = array<i32>} : memref<4x32x768xf32, #tpu.memory_space<vmem>>, vector<1x1x16xf32>,
        %parallel_loop3A_840 = vector.shape_cast %parallel_loop3A_839 : vector<1x1x16xf32> to vector<16xf32>
        %parallel_loop3A_841 = arith.constant 27.7128124 : f32
        %parallel_loop3A_842 = vector.broadcast %parallel_loop3A_841 : f32 to vector<16xf32>
        %parallel_loop3A_843 = arith.mulf %parallel_loop3A_840, %parallel_loop3A_842 : vector<16xf32>
        %parallel_loop3A_844 = arith.constant 2 : i32
        %parallel_loop3A_845 = arith.index_cast %parallel_loop3A_844 : i32 to index
        %parallel_loop3A_846 = arith.index_cast %parallel_loop3A_306 : i32 to index
        %parallel_loop3A_847 = arith.constant 528 : index
        %parallel_loop3A_848 = tpu.vector_load %arg6[%parallel_loop3A_845, %parallel_loop3A_846, %parallel_loop3A_847] {strides = array<i32>} : memref<4x32x768xf32, #tpu.memory_space<vmem>>, vector<1x1x16xf32>,
        %parallel_loop3A_849 = vector.shape_cast %parallel_loop3A_848 : vector<1x1x16xf32> to vector<16xf32>
        %parallel_loop3A_850 = vector.shape_cast %parallel_loop3A_843 : vector<16xf32> to vector<1x1x16xf32>
        tpu.vector_store %arg6[%parallel_loop3A_845, %parallel_loop3A_846, %parallel_loop3A_847], %parallel_loop3A_850 {strides = array<i32>} : memref<4x32x768xf32, #tpu.memory_space<vmem>>, vector<1x1x16xf32>,
        %parallel_loop3A_851 = arith.constant 2 : i32
        %parallel_loop3A_852 = arith.index_cast %parallel_loop3A_851 : i32 to index
        %parallel_loop3A_853 = arith.index_cast %parallel_loop3A_306 : i32 to index
        %parallel_loop3A_854 = arith.constant 544 : index
        %parallel_loop3A_855 = tpu.vector_load %arg6[%parallel_loop3A_852, %parallel_loop3A_853, %parallel_loop3A_854] {strides = array<i32>} : memref<4x32x768xf32, #tpu.memory_space<vmem>>, vector<1x1x16xf32>,
        %parallel_loop3A_856 = vector.shape_cast %parallel_loop3A_855 : vector<1x1x16xf32> to vector<16xf32>
        %parallel_loop3A_857 = arith.constant 27.7128124 : f32
        %parallel_loop3A_858 = vector.broadcast %parallel_loop3A_857 : f32 to vector<16xf32>
        %parallel_loop3A_859 = arith.mulf %parallel_loop3A_856, %parallel_loop3A_858 : vector<16xf32>
        %parallel_loop3A_860 = arith.constant 2 : i32
        %parallel_loop3A_861 = arith.index_cast %parallel_loop3A_860 : i32 to index
        %parallel_loop3A_862 = arith.index_cast %parallel_loop3A_306 : i32 to index
        %parallel_loop3A_863 = arith.constant 544 : index
        %parallel_loop3A_864 = tpu.vector_load %arg6[%parallel_loop3A_861, %parallel_loop3A_862, %parallel_loop3A_863] {strides = array<i32>} : memref<4x32x768xf32, #tpu.memory_space<vmem>>, vector<1x1x16xf32>,
        %parallel_loop3A_865 = vector.shape_cast %parallel_loop3A_864 : vector<1x1x16xf32> to vector<16xf32>
        %parallel_loop3A_866 = vector.shape_cast %parallel_loop3A_859 : vector<16xf32> to vector<1x1x16xf32>
        tpu.vector_store %arg6[%parallel_loop3A_861, %parallel_loop3A_862, %parallel_loop3A_863], %parallel_loop3A_866 {strides = array<i32>} : memref<4x32x768xf32, #tpu.memory_space<vmem>>, vector<1x1x16xf32>,
        %parallel_loop3A_867 = arith.constant 2 : i32
        %parallel_loop3A_868 = arith.index_cast %parallel_loop3A_867 : i32 to index
        %parallel_loop3A_869 = arith.index_cast %parallel_loop3A_306 : i32 to index
        %parallel_loop3A_870 = arith.constant 560 : index
        %parallel_loop3A_871 = tpu.vector_load %arg6[%parallel_loop3A_868, %parallel_loop3A_869, %parallel_loop3A_870] {strides = array<i32>} : memref<4x32x768xf32, #tpu.memory_space<vmem>>, vector<1x1x16xf32>,
        %parallel_loop3A_872 = vector.shape_cast %parallel_loop3A_871 : vector<1x1x16xf32> to vector<16xf32>
        %parallel_loop3A_873 = arith.constant 27.7128124 : f32
        %parallel_loop3A_874 = vector.broadcast %parallel_loop3A_873 : f32 to vector<16xf32>
        %parallel_loop3A_875 = arith.mulf %parallel_loop3A_872, %parallel_loop3A_874 : vector<16xf32>
        %parallel_loop3A_876 = arith.constant 2 : i32
        %parallel_loop3A_877 = arith.index_cast %parallel_loop3A_876 : i32 to index
        %parallel_loop3A_878 = arith.index_cast %parallel_loop3A_306 : i32 to index
        %parallel_loop3A_879 = arith.constant 560 : index
        %parallel_loop3A_880 = tpu.vector_load %arg6[%parallel_loop3A_877, %parallel_loop3A_878, %parallel_loop3A_879] {strides = array<i32>} : memref<4x32x768xf32, #tpu.memory_space<vmem>>, vector<1x1x16xf32>,
        %parallel_loop3A_881 = vector.shape_cast %parallel_loop3A_880 : vector<1x1x16xf32> to vector<16xf32>
        %parallel_loop3A_882 = vector.shape_cast %parallel_loop3A_875 : vector<16xf32> to vector<1x1x16xf32>
        tpu.vector_store %arg6[%parallel_loop3A_877, %parallel_loop3A_878, %parallel_loop3A_879], %parallel_loop3A_882 {strides = array<i32>} : memref<4x32x768xf32, #tpu.memory_space<vmem>>, vector<1x1x16xf32>,
        %parallel_loop3A_883 = arith.constant 2 : i32
        %parallel_loop3A_884 = arith.index_cast %parallel_loop3A_883 : i32 to index
        %parallel_loop3A_885 = arith.index_cast %parallel_loop3A_306 : i32 to index
        %parallel_loop3A_886 = arith.constant 576 : index
        %parallel_loop3A_887 = tpu.vector_load %arg6[%parallel_loop3A_884, %parallel_loop3A_885, %parallel_loop3A_886] {strides = array<i32>} : memref<4x32x768xf32, #tpu.memory_space<vmem>>, vector<1x1x16xf32>,
        %parallel_loop3A_888 = vector.shape_cast %parallel_loop3A_887 : vector<1x1x16xf32> to vector<16xf32>
        %parallel_loop3A_889 = arith.constant 27.7128124 : f32
        %parallel_loop3A_890 = vector.broadcast %parallel_loop3A_889 : f32 to vector<16xf32>
        %parallel_loop3A_891 = arith.mulf %parallel_loop3A_888, %parallel_loop3A_890 : vector<16xf32>
        %parallel_loop3A_892 = arith.constant 2 : i32
        %parallel_loop3A_893 = arith.index_cast %parallel_loop3A_892 : i32 to index
        %parallel_loop3A_894 = arith.index_cast %parallel_loop3A_306 : i32 to index
        %parallel_loop3A_895 = arith.constant 576 : index
        %parallel_loop3A_896 = tpu.vector_load %arg6[%parallel_loop3A_893, %parallel_loop3A_894, %parallel_loop3A_895] {strides = array<i32>} : memref<4x32x768xf32, #tpu.memory_space<vmem>>, vector<1x1x16xf32>,
        %parallel_loop3A_897 = vector.shape_cast %parallel_loop3A_896 : vector<1x1x16xf32> to vector<16xf32>
        %parallel_loop3A_898 = vector.shape_cast %parallel_loop3A_891 : vector<16xf32> to vector<1x1x16xf32>
        tpu.vector_store %arg6[%parallel_loop3A_893, %parallel_loop3A_894, %parallel_loop3A_895], %parallel_loop3A_898 {strides = array<i32>} : memref<4x32x768xf32, #tpu.memory_space<vmem>>, vector<1x1x16xf32>,
        %parallel_loop3A_899 = arith.constant 2 : i32
        %parallel_loop3A_900 = arith.index_cast %parallel_loop3A_899 : i32 to index
        %parallel_loop3A_901 = arith.index_cast %parallel_loop3A_306 : i32 to index
        %parallel_loop3A_902 = arith.constant 592 : index
        %parallel_loop3A_903 = tpu.vector_load %arg6[%parallel_loop3A_900, %parallel_loop3A_901, %parallel_loop3A_902] {strides = array<i32>} : memref<4x32x768xf32, #tpu.memory_space<vmem>>, vector<1x1x16xf32>,
        %parallel_loop3A_904 = vector.shape_cast %parallel_loop3A_903 : vector<1x1x16xf32> to vector<16xf32>
        %parallel_loop3A_905 = arith.constant 27.7128124 : f32
        %parallel_loop3A_906 = vector.broadcast %parallel_loop3A_905 : f32 to vector<16xf32>
        %parallel_loop3A_907 = arith.mulf %parallel_loop3A_904, %parallel_loop3A_906 : vector<16xf32>
        %parallel_loop3A_908 = arith.constant 2 : i32
        %parallel_loop3A_909 = arith.index_cast %parallel_loop3A_908 : i32 to index
        %parallel_loop3A_910 = arith.index_cast %parallel_loop3A_306 : i32 to index
        %parallel_loop3A_911 = arith.constant 592 : index
        %parallel_loop3A_912 = tpu.vector_load %arg6[%parallel_loop3A_909, %parallel_loop3A_910, %parallel_loop3A_911] {strides = array<i32>} : memref<4x32x768xf32, #tpu.memory_space<vmem>>, vector<1x1x16xf32>,
        %parallel_loop3A_913 = vector.shape_cast %parallel_loop3A_912 : vector<1x1x16xf32> to vector<16xf32>
        %parallel_loop3A_914 = vector.shape_cast %parallel_loop3A_907 : vector<16xf32> to vector<1x1x16xf32>
        tpu.vector_store %arg6[%parallel_loop3A_909, %parallel_loop3A_910, %parallel_loop3A_911], %parallel_loop3A_914 {strides = array<i32>} : memref<4x32x768xf32, #tpu.memory_space<vmem>>, vector<1x1x16xf32>,
        %parallel_loop3A_915 = arith.constant 2 : i32
        %parallel_loop3A_916 = arith.index_cast %parallel_loop3A_915 : i32 to index
        %parallel_loop3A_917 = arith.index_cast %parallel_loop3A_306 : i32 to index
        %parallel_loop3A_918 = arith.constant 608 : index
        %parallel_loop3A_919 = tpu.vector_load %arg6[%parallel_loop3A_916, %parallel_loop3A_917, %parallel_loop3A_918] {strides = array<i32>} : memref<4x32x768xf32, #tpu.memory_space<vmem>>, vector<1x1x16xf32>,
        %parallel_loop3A_920 = vector.shape_cast %parallel_loop3A_919 : vector<1x1x16xf32> to vector<16xf32>
        %parallel_loop3A_921 = arith.constant 27.7128124 : f32
        %parallel_loop3A_922 = vector.broadcast %parallel_loop3A_921 : f32 to vector<16xf32>
        %parallel_loop3A_923 = arith.mulf %parallel_loop3A_920, %parallel_loop3A_922 : vector<16xf32>
        %parallel_loop3A_924 = arith.constant 2 : i32
        %parallel_loop3A_925 = arith.index_cast %parallel_loop3A_924 : i32 to index
        %parallel_loop3A_926 = arith.index_cast %parallel_loop3A_306 : i32 to index
        %parallel_loop3A_927 = arith.constant 608 : index
        %parallel_loop3A_928 = tpu.vector_load %arg6[%parallel_loop3A_925, %parallel_loop3A_926, %parallel_loop3A_927] {strides = array<i32>} : memref<4x32x768xf32, #tpu.memory_space<vmem>>, vector<1x1x16xf32>,
        %parallel_loop3A_929 = vector.shape_cast %parallel_loop3A_928 : vector<1x1x16xf32> to vector<16xf32>
        %parallel_loop3A_930 = vector.shape_cast %parallel_loop3A_923 : vector<16xf32> to vector<1x1x16xf32>
        tpu.vector_store %arg6[%parallel_loop3A_925, %parallel_loop3A_926, %parallel_loop3A_927], %parallel_loop3A_930 {strides = array<i32>} : memref<4x32x768xf32, #tpu.memory_space<vmem>>, vector<1x1x16xf32>,
        %parallel_loop3A_931 = arith.constant 2 : i32
        %parallel_loop3A_932 = arith.index_cast %parallel_loop3A_931 : i32 to index
        %parallel_loop3A_933 = arith.index_cast %parallel_loop3A_306 : i32 to index
        %parallel_loop3A_934 = arith.constant 624 : index
        %parallel_loop3A_935 = tpu.vector_load %arg6[%parallel_loop3A_932, %parallel_loop3A_933, %parallel_loop3A_934] {strides = array<i32>} : memref<4x32x768xf32, #tpu.memory_space<vmem>>, vector<1x1x16xf32>,
        %parallel_loop3A_936 = vector.shape_cast %parallel_loop3A_935 : vector<1x1x16xf32> to vector<16xf32>
        %parallel_loop3A_937 = arith.constant 27.7128124 : f32
        %parallel_loop3A_938 = vector.broadcast %parallel_loop3A_937 : f32 to vector<16xf32>
        %parallel_loop3A_939 = arith.mulf %parallel_loop3A_936, %parallel_loop3A_938 : vector<16xf32>
        %parallel_loop3A_940 = arith.constant 2 : i32
        %parallel_loop3A_941 = arith.index_cast %parallel_loop3A_940 : i32 to index
        %parallel_loop3A_942 = arith.index_cast %parallel_loop3A_306 : i32 to index
        %parallel_loop3A_943 = arith.constant 624 : index
        %parallel_loop3A_944 = tpu.vector_load %arg6[%parallel_loop3A_941, %parallel_loop3A_942, %parallel_loop3A_943] {strides = array<i32>} : memref<4x32x768xf32, #tpu.memory_space<vmem>>, vector<1x1x16xf32>,
        %parallel_loop3A_945 = vector.shape_cast %parallel_loop3A_944 : vector<1x1x16xf32> to vector<16xf32>
        %parallel_loop3A_946 = vector.shape_cast %parallel_loop3A_939 : vector<16xf32> to vector<1x1x16xf32>
        tpu.vector_store %arg6[%parallel_loop3A_941, %parallel_loop3A_942, %parallel_loop3A_943], %parallel_loop3A_946 {strides = array<i32>} : memref<4x32x768xf32, #tpu.memory_space<vmem>>, vector<1x1x16xf32>,
        %parallel_loop3A_947 = arith.constant 2 : i32
        %parallel_loop3A_948 = arith.index_cast %parallel_loop3A_947 : i32 to index
        %parallel_loop3A_949 = arith.index_cast %parallel_loop3A_306 : i32 to index
        %parallel_loop3A_950 = arith.constant 640 : index
        %parallel_loop3A_951 = tpu.vector_load %arg6[%parallel_loop3A_948, %parallel_loop3A_949, %parallel_loop3A_950] {strides = array<i32>} : memref<4x32x768xf32, #tpu.memory_space<vmem>>, vector<1x1x16xf32>,
        %parallel_loop3A_952 = vector.shape_cast %parallel_loop3A_951 : vector<1x1x16xf32> to vector<16xf32>
        %parallel_loop3A_953 = arith.constant 27.7128124 : f32
        %parallel_loop3A_954 = vector.broadcast %parallel_loop3A_953 : f32 to vector<16xf32>
        %parallel_loop3A_955 = arith.mulf %parallel_loop3A_952, %parallel_loop3A_954 : vector<16xf32>
        %parallel_loop3A_956 = arith.constant 2 : i32
        %parallel_loop3A_957 = arith.index_cast %parallel_loop3A_956 : i32 to index
        %parallel_loop3A_958 = arith.index_cast %parallel_loop3A_306 : i32 to index
        %parallel_loop3A_959 = arith.constant 640 : index
        %parallel_loop3A_960 = tpu.vector_load %arg6[%parallel_loop3A_957, %parallel_loop3A_958, %parallel_loop3A_959] {strides = array<i32>} : memref<4x32x768xf32, #tpu.memory_space<vmem>>, vector<1x1x16xf32>,
        %parallel_loop3A_961 = vector.shape_cast %parallel_loop3A_960 : vector<1x1x16xf32> to vector<16xf32>
        %parallel_loop3A_962 = vector.shape_cast %parallel_loop3A_955 : vector<16xf32> to vector<1x1x16xf32>
        tpu.vector_store %arg6[%parallel_loop3A_957, %parallel_loop3A_958, %parallel_loop3A_959], %parallel_loop3A_962 {strides = array<i32>} : memref<4x32x768xf32, #tpu.memory_space<vmem>>, vector<1x1x16xf32>,
        %parallel_loop3A_963 = arith.constant 2 : i32
        %parallel_loop3A_964 = arith.index_cast %parallel_loop3A_963 : i32 to index
        %parallel_loop3A_965 = arith.index_cast %parallel_loop3A_306 : i32 to index
        %parallel_loop3A_966 = arith.constant 656 : index
        %parallel_loop3A_967 = tpu.vector_load %arg6[%parallel_loop3A_964, %parallel_loop3A_965, %parallel_loop3A_966] {strides = array<i32>} : memref<4x32x768xf32, #tpu.memory_space<vmem>>, vector<1x1x16xf32>,
        %parallel_loop3A_968 = vector.shape_cast %parallel_loop3A_967 : vector<1x1x16xf32> to vector<16xf32>
        %parallel_loop3A_969 = arith.constant 27.7128124 : f32
        %parallel_loop3A_970 = vector.broadcast %parallel_loop3A_969 : f32 to vector<16xf32>
        %parallel_loop3A_971 = arith.mulf %parallel_loop3A_968, %parallel_loop3A_970 : vector<16xf32>
        %parallel_loop3A_972 = arith.constant 2 : i32
        %parallel_loop3A_973 = arith.index_cast %parallel_loop3A_972 : i32 to index
        %parallel_loop3A_974 = arith.index_cast %parallel_loop3A_306 : i32 to index
        %parallel_loop3A_975 = arith.constant 656 : index
        %parallel_loop3A_976 = tpu.vector_load %arg6[%parallel_loop3A_973, %parallel_loop3A_974, %parallel_loop3A_975] {strides = array<i32>} : memref<4x32x768xf32, #tpu.memory_space<vmem>>, vector<1x1x16xf32>,
        %parallel_loop3A_977 = vector.shape_cast %parallel_loop3A_976 : vector<1x1x16xf32> to vector<16xf32>
        %parallel_loop3A_978 = vector.shape_cast %parallel_loop3A_971 : vector<16xf32> to vector<1x1x16xf32>
        tpu.vector_store %arg6[%parallel_loop3A_973, %parallel_loop3A_974, %parallel_loop3A_975], %parallel_loop3A_978 {strides = array<i32>} : memref<4x32x768xf32, #tpu.memory_space<vmem>>, vector<1x1x16xf32>,
        %parallel_loop3A_979 = arith.constant 2 : i32
        %parallel_loop3A_980 = arith.index_cast %parallel_loop3A_979 : i32 to index
        %parallel_loop3A_981 = arith.index_cast %parallel_loop3A_306 : i32 to index
        %parallel_loop3A_982 = arith.constant 672 : index
        %parallel_loop3A_983 = tpu.vector_load %arg6[%parallel_loop3A_980, %parallel_loop3A_981, %parallel_loop3A_982] {strides = array<i32>} : memref<4x32x768xf32, #tpu.memory_space<vmem>>, vector<1x1x16xf32>,
        %parallel_loop3A_984 = vector.shape_cast %parallel_loop3A_983 : vector<1x1x16xf32> to vector<16xf32>
        %parallel_loop3A_985 = arith.constant 27.7128124 : f32
        %parallel_loop3A_986 = vector.broadcast %parallel_loop3A_985 : f32 to vector<16xf32>
        %parallel_loop3A_987 = arith.mulf %parallel_loop3A_984, %parallel_loop3A_986 : vector<16xf32>
        %parallel_loop3A_988 = arith.constant 2 : i32
        %parallel_loop3A_989 = arith.index_cast %parallel_loop3A_988 : i32 to index
        %parallel_loop3A_990 = arith.index_cast %parallel_loop3A_306 : i32 to index
        %parallel_loop3A_991 = arith.constant 672 : index
        %parallel_loop3A_992 = tpu.vector_load %arg6[%parallel_loop3A_989, %parallel_loop3A_990, %parallel_loop3A_991] {strides = array<i32>} : memref<4x32x768xf32, #tpu.memory_space<vmem>>, vector<1x1x16xf32>,
        %parallel_loop3A_993 = vector.shape_cast %parallel_loop3A_992 : vector<1x1x16xf32> to vector<16xf32>
        %parallel_loop3A_994 = vector.shape_cast %parallel_loop3A_987 : vector<16xf32> to vector<1x1x16xf32>
        tpu.vector_store %arg6[%parallel_loop3A_989, %parallel_loop3A_990, %parallel_loop3A_991], %parallel_loop3A_994 {strides = array<i32>} : memref<4x32x768xf32, #tpu.memory_space<vmem>>, vector<1x1x16xf32>,
        %parallel_loop3A_995 = arith.constant 2 : i32
        %parallel_loop3A_996 = arith.index_cast %parallel_loop3A_995 : i32 to index
        %parallel_loop3A_997 = arith.index_cast %parallel_loop3A_306 : i32 to index
        %parallel_loop3A_998 = arith.constant 688 : index
        %parallel_loop3A_999 = tpu.vector_load %arg6[%parallel_loop3A_996, %parallel_loop3A_997, %parallel_loop3A_998] {strides = array<i32>} : memref<4x32x768xf32, #tpu.memory_space<vmem>>, vector<1x1x16xf32>,
        %parallel_loop3A_1000 = vector.shape_cast %parallel_loop3A_999 : vector<1x1x16xf32> to vector<16xf32>
        %parallel_loop3A_1001 = arith.constant 27.7128124 : f32
        %parallel_loop3A_1002 = vector.broadcast %parallel_loop3A_1001 : f32 to vector<16xf32>
        %parallel_loop3A_1003 = arith.mulf %parallel_loop3A_1000, %parallel_loop3A_1002 : vector<16xf32>
        %parallel_loop3A_1004 = arith.constant 2 : i32
        %parallel_loop3A_1005 = arith.index_cast %parallel_loop3A_1004 : i32 to index
        %parallel_loop3A_1006 = arith.index_cast %parallel_loop3A_306 : i32 to index
        %parallel_loop3A_1007 = arith.constant 688 : index
        %parallel_loop3A_1008 = tpu.vector_load %arg6[%parallel_loop3A_1005, %parallel_loop3A_1006, %parallel_loop3A_1007] {strides = array<i32>} : memref<4x32x768xf32, #tpu.memory_space<vmem>>, vector<1x1x16xf32>,
        %parallel_loop3A_1009 = vector.shape_cast %parallel_loop3A_1008 : vector<1x1x16xf32> to vector<16xf32>
        %parallel_loop3A_1010 = vector.shape_cast %parallel_loop3A_1003 : vector<16xf32> to vector<1x1x16xf32>
        tpu.vector_store %arg6[%parallel_loop3A_1005, %parallel_loop3A_1006, %parallel_loop3A_1007], %parallel_loop3A_1010 {strides = array<i32>} : memref<4x32x768xf32, #tpu.memory_space<vmem>>, vector<1x1x16xf32>,
        %parallel_loop3A_1011 = arith.constant 2 : i32
        %parallel_loop3A_1012 = arith.index_cast %parallel_loop3A_1011 : i32 to index
        %parallel_loop3A_1013 = arith.index_cast %parallel_loop3A_306 : i32 to index
        %parallel_loop3A_1014 = arith.constant 704 : index
        %parallel_loop3A_1015 = tpu.vector_load %arg6[%parallel_loop3A_1012, %parallel_loop3A_1013, %parallel_loop3A_1014] {strides = array<i32>} : memref<4x32x768xf32, #tpu.memory_space<vmem>>, vector<1x1x16xf32>,
        %parallel_loop3A_1016 = vector.shape_cast %parallel_loop3A_1015 : vector<1x1x16xf32> to vector<16xf32>
        %parallel_loop3A_1017 = arith.constant 27.7128124 : f32
        %parallel_loop3A_1018 = vector.broadcast %parallel_loop3A_1017 : f32 to vector<16xf32>
        %parallel_loop3A_1019 = arith.mulf %parallel_loop3A_1016, %parallel_loop3A_1018 : vector<16xf32>
        %parallel_loop3A_1020 = arith.constant 2 : i32
        %parallel_loop3A_1021 = arith.index_cast %parallel_loop3A_1020 : i32 to index
        %parallel_loop3A_1022 = arith.index_cast %parallel_loop3A_306 : i32 to index
        %parallel_loop3A_1023 = arith.constant 704 : index
        %parallel_loop3A_1024 = tpu.vector_load %arg6[%parallel_loop3A_1021, %parallel_loop3A_1022, %parallel_loop3A_1023] {strides = array<i32>} : memref<4x32x768xf32, #tpu.memory_space<vmem>>, vector<1x1x16xf32>,
        %parallel_loop3A_1025 = vector.shape_cast %parallel_loop3A_1024 : vector<1x1x16xf32> to vector<16xf32>
        %parallel_loop3A_1026 = vector.shape_cast %parallel_loop3A_1019 : vector<16xf32> to vector<1x1x16xf32>
        tpu.vector_store %arg6[%parallel_loop3A_1021, %parallel_loop3A_1022, %parallel_loop3A_1023], %parallel_loop3A_1026 {strides = array<i32>} : memref<4x32x768xf32, #tpu.memory_space<vmem>>, vector<1x1x16xf32>,
        %parallel_loop3A_1027 = arith.constant 2 : i32
        %parallel_loop3A_1028 = arith.index_cast %parallel_loop3A_1027 : i32 to index
        %parallel_loop3A_1029 = arith.index_cast %parallel_loop3A_306 : i32 to index
        %parallel_loop3A_1030 = arith.constant 720 : index
        %parallel_loop3A_1031 = tpu.vector_load %arg6[%parallel_loop3A_1028, %parallel_loop3A_1029, %parallel_loop3A_1030] {strides = array<i32>} : memref<4x32x768xf32, #tpu.memory_space<vmem>>, vector<1x1x16xf32>,
        %parallel_loop3A_1032 = vector.shape_cast %parallel_loop3A_1031 : vector<1x1x16xf32> to vector<16xf32>
        %parallel_loop3A_1033 = arith.constant 27.7128124 : f32
        %parallel_loop3A_1034 = vector.broadcast %parallel_loop3A_1033 : f32 to vector<16xf32>
        %parallel_loop3A_1035 = arith.mulf %parallel_loop3A_1032, %parallel_loop3A_1034 : vector<16xf32>
        %parallel_loop3A_1036 = arith.constant 2 : i32
        %parallel_loop3A_1037 = arith.index_cast %parallel_loop3A_1036 : i32 to index
        %parallel_loop3A_1038 = arith.index_cast %parallel_loop3A_306 : i32 to index
        %parallel_loop3A_1039 = arith.constant 720 : index
        %parallel_loop3A_1040 = tpu.vector_load %arg6[%parallel_loop3A_1037, %parallel_loop3A_1038, %parallel_loop3A_1039] {strides = array<i32>} : memref<4x32x768xf32, #tpu.memory_space<vmem>>, vector<1x1x16xf32>,
        %parallel_loop3A_1041 = vector.shape_cast %parallel_loop3A_1040 : vector<1x1x16xf32> to vector<16xf32>
        %parallel_loop3A_1042 = vector.shape_cast %parallel_loop3A_1035 : vector<16xf32> to vector<1x1x16xf32>
        tpu.vector_store %arg6[%parallel_loop3A_1037, %parallel_loop3A_1038, %parallel_loop3A_1039], %parallel_loop3A_1042 {strides = array<i32>} : memref<4x32x768xf32, #tpu.memory_space<vmem>>, vector<1x1x16xf32>,
        %parallel_loop3A_1043 = arith.constant 2 : i32
        %parallel_loop3A_1044 = arith.index_cast %parallel_loop3A_1043 : i32 to index
        %parallel_loop3A_1045 = arith.index_cast %parallel_loop3A_306 : i32 to index
        %parallel_loop3A_1046 = arith.constant 736 : index
        %parallel_loop3A_1047 = tpu.vector_load %arg6[%parallel_loop3A_1044, %parallel_loop3A_1045, %parallel_loop3A_1046] {strides = array<i32>} : memref<4x32x768xf32, #tpu.memory_space<vmem>>, vector<1x1x16xf32>,
        %parallel_loop3A_1048 = vector.shape_cast %parallel_loop3A_1047 : vector<1x1x16xf32> to vector<16xf32>
        %parallel_loop3A_1049 = arith.constant 27.7128124 : f32
        %parallel_loop3A_1050 = vector.broadcast %parallel_loop3A_1049 : f32 to vector<16xf32>
        %parallel_loop3A_1051 = arith.mulf %parallel_loop3A_1048, %parallel_loop3A_1050 : vector<16xf32>
        %parallel_loop3A_1052 = arith.constant 2 : i32
        %parallel_loop3A_1053 = arith.index_cast %parallel_loop3A_1052 : i32 to index
        %parallel_loop3A_1054 = arith.index_cast %parallel_loop3A_306 : i32 to index
        %parallel_loop3A_1055 = arith.constant 736 : index
        %parallel_loop3A_1056 = tpu.vector_load %arg6[%parallel_loop3A_1053, %parallel_loop3A_1054, %parallel_loop3A_1055] {strides = array<i32>} : memref<4x32x768xf32, #tpu.memory_space<vmem>>, vector<1x1x16xf32>,
        %parallel_loop3A_1057 = vector.shape_cast %parallel_loop3A_1056 : vector<1x1x16xf32> to vector<16xf32>
        %parallel_loop3A_1058 = vector.shape_cast %parallel_loop3A_1051 : vector<16xf32> to vector<1x1x16xf32>
        tpu.vector_store %arg6[%parallel_loop3A_1053, %parallel_loop3A_1054, %parallel_loop3A_1055], %parallel_loop3A_1058 {strides = array<i32>} : memref<4x32x768xf32, #tpu.memory_space<vmem>>, vector<1x1x16xf32>,
        %parallel_loop3A_1059 = arith.constant 2 : i32
        %parallel_loop3A_1060 = arith.index_cast %parallel_loop3A_1059 : i32 to index
        %parallel_loop3A_1061 = arith.index_cast %parallel_loop3A_306 : i32 to index
        %parallel_loop3A_1062 = arith.constant 752 : index
        %parallel_loop3A_1063 = tpu.vector_load %arg6[%parallel_loop3A_1060, %parallel_loop3A_1061, %parallel_loop3A_1062] {strides = array<i32>} : memref<4x32x768xf32, #tpu.memory_space<vmem>>, vector<1x1x16xf32>,
        %parallel_loop3A_1064 = vector.shape_cast %parallel_loop3A_1063 : vector<1x1x16xf32> to vector<16xf32>
        %parallel_loop3A_1065 = arith.constant 27.7128124 : f32
        %parallel_loop3A_1066 = vector.broadcast %parallel_loop3A_1065 : f32 to vector<16xf32>
        %parallel_loop3A_1067 = arith.mulf %parallel_loop3A_1064, %parallel_loop3A_1066 : vector<16xf32>
        %parallel_loop3A_1068 = arith.constant 2 : i32
        %parallel_loop3A_1069 = arith.index_cast %parallel_loop3A_1068 : i32 to index
        %parallel_loop3A_1070 = arith.index_cast %parallel_loop3A_306 : i32 to index
        %parallel_loop3A_1071 = arith.constant 752 : index
        %parallel_loop3A_1072 = tpu.vector_load %arg6[%parallel_loop3A_1069, %parallel_loop3A_1070, %parallel_loop3A_1071] {strides = array<i32>} : memref<4x32x768xf32, #tpu.memory_space<vmem>>, vector<1x1x16xf32>,
        %parallel_loop3A_1073 = vector.shape_cast %parallel_loop3A_1072 : vector<1x1x16xf32> to vector<16xf32>
        %parallel_loop3A_1074 = vector.shape_cast %parallel_loop3A_1067 : vector<16xf32> to vector<1x1x16xf32>
        tpu.vector_store %arg6[%parallel_loop3A_1069, %parallel_loop3A_1070, %parallel_loop3A_1071], %parallel_loop3A_1074 {strides = array<i32>} : memref<4x32x768xf32, #tpu.memory_space<vmem>>, vector<1x1x16xf32>,
      } {sc.loop_unroll_factor = 1 : i64, sc.parallel_access}
      %mul3A_233 = arith.constant 32 : i32
      %mul3A_234 = arith.muli %add3A_195, %mul3A_233 : i32
      %add3A_235 = arith.addi %mul3A_2, %mul3A_234 : i32
      %dma_start3A_236 = arith.constant 2 : i32
      %dma_start3A_237 = arith.constant 0 : i32
      %dma_start3A_238 = arith.constant 0 : i32
      %dma_start3A_239 = tpu.memref_slice %arg6[%dma_start3A_236, %dma_start3A_237, %dma_start3A_238] : memref<4x32x768xf32, #tpu.memory_space<vmem>> -> memref<1x32x768xf32, #tpu.memory_space<vmem>>
      %dma_start3A_240 = tpu.memref_squeeze %dma_start3A_239 : memref<1x32x768xf32, #tpu.memory_space<vmem>> -> memref<32x768xf32, #tpu.memory_space<vmem>>
      %dma_start3A_241 = arith.constant 0 : i32
      %dma_start3A_242 = tpu.memref_slice %arg4[%add3A_235, %dma_start3A_241] : memref<16384x768xf32, #tpu.memory_space<hbm>> -> memref<32x768xf32, #tpu.memory_space<hbm>>
      %dma_start3A_243 = arith.constant 0 : i32
      %dma_start3A_244 = tpu.memref_slice %arg4[%add3A_235, %dma_start3A_243] : memref<16384x768xf32, #tpu.memory_space<hbm>> -> memref<32x768xf32, #tpu.memory_space<hbm>>
      %dma_start3A_245 = arith.constant 0 : i32
      %dma_start3A_246 = arith.constant 0 : i32
      %dma_start3A_247 = tpu.memref_slice %arg6[%dma_start3A_236, %dma_start3A_245, %dma_start3A_246] : memref<4x32x768xf32, #tpu.memory_space<vmem>> -> memref<1x32x768xf32, #tpu.memory_space<vmem>>
      %dma_start3A_248 = tpu.memref_squeeze %dma_start3A_247 : memref<1x32x768xf32, #tpu.memory_space<vmem>> -> memref<32x768xf32, #tpu.memory_space<vmem>>
      tpu.enqueue_dma source(%dma_start3A_248 : memref<32x768xf32, #tpu.memory_space<vmem>>) target(%dma_start3A_244 : memref<32x768xf32, #tpu.memory_space<hbm>>) target_semaphore(%arg13 : memref<!tpu.dma_semaphore, #tpu.memory_space<semaphore_mem>>)
      %mul3A_249 = arith.constant 4 : i32
      %mul3A_250 = arith.muli %scan3A_87, %mul3A_249 : i32
      %add3A_251 = arith.constant 3 : i32
      %add3A_252 = arith.addi %mul3A_250, %add3A_251 : i32
      %mul3A_253 = arith.constant 32 : i32
      %mul3A_254 = arith.muli %add3A_252, %mul3A_253 : i32
      %dma_wait3A_255 = arith.constant 3 : i32
      %dma_wait3A_256 = arith.constant 0 : i32
      %dma_wait3A_257 = arith.constant 0 : i32
      %dma_wait3A_258 = tpu.memref_slice %arg6[%dma_wait3A_255, %dma_wait3A_256, %dma_wait3A_257] : memref<4x32x768xf32, #tpu.memory_space<vmem>> -> memref<1x32x768xf32, #tpu.memory_space<vmem>>
      %dma_wait3A_259 = tpu.memref_squeeze %dma_wait3A_258 : memref<1x32x768xf32, #tpu.memory_space<vmem>> -> memref<32x768xf32, #tpu.memory_space<vmem>>
      %dma_wait3A_260 = tpu.memref_slice %arg5[%mul3A_254] : memref<512xi32, #tpu.memory_space<vmem>> -> memref<32xi32, #tpu.memory_space<vmem>>
      %dma_wait3A_261 = arith.constant 0 : i32
      %dma_wait3A_262 = arith.constant 0 : i32
      %dma_wait3A_263 = tpu.memref_slice %arg2[%dma_wait3A_261, %dma_wait3A_262] : memref<100000x768xf32, #tpu.memory_space<hbm>> -> memref<100000x768xf32, #tpu.memory_space<hbm>>
      tpu.wait_indirect_dma semaphore(%arg10 : memref<!tpu.dma_semaphore, #tpu.memory_space<semaphore_mem>>) src(%dma_wait3A_263 : memref<100000x768xf32, #tpu.memory_space<hbm>>) dst(%dma_wait3A_259 : memref<32x768xf32, #tpu.memory_space<vmem>>)
      %sub3A_264 = arith.constant 2 : i32
      %sub3A_265 = arith.subi %add3A_252, %sub3A_264 : i32
      %mul3A_266 = arith.constant 32 : i32
      %mul3A_267 = arith.muli %sub3A_265, %mul3A_266 : i32
      %add3A_268 = arith.addi %mul3A_2, %mul3A_267 : i32
      %dma_wait3A_269 = arith.constant 1 : i32
      %dma_wait3A_270 = arith.constant 0 : i32
      %dma_wait3A_271 = arith.constant 0 : i32
      %dma_wait3A_272 = tpu.memref_slice %arg6[%dma_wait3A_269, %dma_wait3A_270, %dma_wait3A_271] : memref<4x32x768xf32, #tpu.memory_space<vmem>> -> memref<1x32x768xf32, #tpu.memory_space<vmem>>
      %dma_wait3A_273 = tpu.memref_squeeze %dma_wait3A_272 : memref<1x32x768xf32, #tpu.memory_space<vmem>> -> memref<32x768xf32, #tpu.memory_space<vmem>>
      %dma_wait3A_274 = arith.constant 0 : i32
      %dma_wait3A_275 = tpu.memref_slice %arg4[%add3A_268, %dma_wait3A_274] : memref<16384x768xf32, #tpu.memory_space<hbm>> -> memref<32x768xf32, #tpu.memory_space<hbm>>
      %dma_wait3A_276 = arith.constant 0 : i32
      %dma_wait3A_277 = tpu.memref_slice %arg4[%add3A_268, %dma_wait3A_276] : memref<16384x768xf32, #tpu.memory_space<hbm>> -> memref<32x768xf32, #tpu.memory_space<hbm>>
      %dma_wait3A_278 = arith.constant 0 : i32
      %dma_wait3A_279 = arith.constant 0 : i32
      %dma_wait3A_280 = tpu.memref_slice %arg6[%dma_wait3A_269, %dma_wait3A_278, %dma_wait3A_279] : memref<4x32x768xf32, #tpu.memory_space<vmem>> -> memref<1x32x768xf32, #tpu.memory_space<vmem>>
      %dma_wait3A_281 = tpu.memref_squeeze %dma_wait3A_280 : memref<1x32x768xf32, #tpu.memory_space<vmem>> -> memref<32x768xf32, #tpu.memory_space<vmem>>
      tpu.wait_dma2 semaphore(%arg12 : memref<!tpu.dma_semaphore, #tpu.memory_space<semaphore_mem>>) src(%dma_wait3A_281 : memref<32x768xf32, #tpu.memory_space<vmem>>) dst(%dma_wait3A_277 : memref<32x768xf32, #tpu.memory_space<hbm>>)
      %lt3A_282 = arith.constant 3 : i32
      %lt3A_283 = arith.cmpi slt, %scan3A_87, %lt3A_282 : i32
      %convert_element_type3A_284 = arith.extui %lt3A_283 : i1 to i32
      %cond3A_285 = arith.constant 0 : i32
      %cond3A_286 = arith.cmpi ne, %convert_element_type3A_284, %cond3A_285 : i32
      scf.if %cond3A_286 {
        %add3A_306 = arith.constant 4 : i32
        %add3A_307 = arith.addi %add3A_252, %add3A_306 : i32
        %sub3A_308 = arith.constant 2 : i32
        %sub3A_309 = arith.subi %add3A_307, %sub3A_308 : i32
        %mul3A_310 = arith.constant 32 : i32
        %mul3A_311 = arith.muli %sub3A_309, %mul3A_310 : i32
        %dma_start3A_312 = arith.constant 1 : i32
        %dma_start3A_313 = arith.constant 0 : i32
        %dma_start3A_314 = arith.constant 0 : i32
        %dma_start3A_315 = tpu.memref_slice %arg6[%dma_start3A_312, %dma_start3A_313, %dma_start3A_314] : memref<4x32x768xf32, #tpu.memory_space<vmem>> -> memref<1x32x768xf32, #tpu.memory_space<vmem>>
        %dma_start3A_316 = tpu.memref_squeeze %dma_start3A_315 : memref<1x32x768xf32, #tpu.memory_space<vmem>> -> memref<32x768xf32, #tpu.memory_space<vmem>>
        %dma_start3A_317 = tpu.memref_slice %arg5[%mul3A_311] : memref<512xi32, #tpu.memory_space<vmem>> -> memref<32xi32, #tpu.memory_space<vmem>>
        %dma_start3A_318 = arith.constant 0 : i32
        %dma_start3A_319 = arith.constant 0 : i32
        %dma_start3A_320 = tpu.memref_slice %arg2[%dma_start3A_318, %dma_start3A_319] : memref<100000x768xf32, #tpu.memory_space<hbm>> -> memref<100000x768xf32, #tpu.memory_space<hbm>>
        tpu.enqueue_indirect_dma source(%dma_start3A_320 : memref<100000x768xf32, #tpu.memory_space<hbm>>) target(%dma_start3A_316 : memref<32x768xf32, #tpu.memory_space<vmem>>) offsets(%dma_start3A_317 : memref<32xi32, #tpu.memory_space<vmem>>) semaphore(%arg8 : memref<!tpu.dma_semaphore, #tpu.memory_space<semaphore_mem>>)
      } else {
      }
      %parallel_loop3A_287 = arith.constant 0 : i32
      %parallel_loop3A_288 = arith.constant 32 : i32
      %parallel_loop3A_289 = arith.constant 1 : i32
      scf.for %parallel_loop3A_306 = %parallel_loop3A_287 to %parallel_loop3A_288 step %parallel_loop3A_289  : i32 {
        %parallel_loop3A_307 = arith.constant 3 : i32
        %parallel_loop3A_308 = arith.index_cast %parallel_loop3A_307 : i32 to index
        %parallel_loop3A_309 = arith.index_cast %parallel_loop3A_306 : i32 to index
        %parallel_loop3A_310 = arith.constant 0 : index
        %parallel_loop3A_311 = tpu.vector_load %arg6[%parallel_loop3A_308, %parallel_loop3A_309, %parallel_loop3A_310] {strides = array<i32>} : memref<4x32x768xf32, #tpu.memory_space<vmem>>, vector<1x1x16xf32>,
        %parallel_loop3A_312 = vector.shape_cast %parallel_loop3A_311 : vector<1x1x16xf32> to vector<16xf32>
        %parallel_loop3A_313 = arith.constant 27.7128124 : f32
        %parallel_loop3A_314 = vector.broadcast %parallel_loop3A_313 : f32 to vector<16xf32>
        %parallel_loop3A_315 = arith.mulf %parallel_loop3A_312, %parallel_loop3A_314 : vector<16xf32>
        %parallel_loop3A_316 = arith.constant 3 : i32
        %parallel_loop3A_317 = arith.index_cast %parallel_loop3A_316 : i32 to index
        %parallel_loop3A_318 = arith.index_cast %parallel_loop3A_306 : i32 to index
        %parallel_loop3A_319 = arith.constant 0 : index
        %parallel_loop3A_320 = tpu.vector_load %arg6[%parallel_loop3A_317, %parallel_loop3A_318, %parallel_loop3A_319] {strides = array<i32>} : memref<4x32x768xf32, #tpu.memory_space<vmem>>, vector<1x1x16xf32>,
        %parallel_loop3A_321 = vector.shape_cast %parallel_loop3A_320 : vector<1x1x16xf32> to vector<16xf32>
        %parallel_loop3A_322 = vector.shape_cast %parallel_loop3A_315 : vector<16xf32> to vector<1x1x16xf32>
        tpu.vector_store %arg6[%parallel_loop3A_317, %parallel_loop3A_318, %parallel_loop3A_319], %parallel_loop3A_322 {strides = array<i32>} : memref<4x32x768xf32, #tpu.memory_space<vmem>>, vector<1x1x16xf32>,
        %parallel_loop3A_323 = arith.constant 3 : i32
        %parallel_loop3A_324 = arith.index_cast %parallel_loop3A_323 : i32 to index
        %parallel_loop3A_325 = arith.index_cast %parallel_loop3A_306 : i32 to index
        %parallel_loop3A_326 = arith.constant 16 : index
        %parallel_loop3A_327 = tpu.vector_load %arg6[%parallel_loop3A_324, %parallel_loop3A_325, %parallel_loop3A_326] {strides = array<i32>} : memref<4x32x768xf32, #tpu.memory_space<vmem>>, vector<1x1x16xf32>,
        %parallel_loop3A_328 = vector.shape_cast %parallel_loop3A_327 : vector<1x1x16xf32> to vector<16xf32>
        %parallel_loop3A_329 = arith.constant 27.7128124 : f32
        %parallel_loop3A_330 = vector.broadcast %parallel_loop3A_329 : f32 to vector<16xf32>
        %parallel_loop3A_331 = arith.mulf %parallel_loop3A_328, %parallel_loop3A_330 : vector<16xf32>
        %parallel_loop3A_332 = arith.constant 3 : i32
        %parallel_loop3A_333 = arith.index_cast %parallel_loop3A_332 : i32 to index
        %parallel_loop3A_334 = arith.index_cast %parallel_loop3A_306 : i32 to index
        %parallel_loop3A_335 = arith.constant 16 : index
        %parallel_loop3A_336 = tpu.vector_load %arg6[%parallel_loop3A_333, %parallel_loop3A_334, %parallel_loop3A_335] {strides = array<i32>} : memref<4x32x768xf32, #tpu.memory_space<vmem>>, vector<1x1x16xf32>,
        %parallel_loop3A_337 = vector.shape_cast %parallel_loop3A_336 : vector<1x1x16xf32> to vector<16xf32>
        %parallel_loop3A_338 = vector.shape_cast %parallel_loop3A_331 : vector<16xf32> to vector<1x1x16xf32>
        tpu.vector_store %arg6[%parallel_loop3A_333, %parallel_loop3A_334, %parallel_loop3A_335], %parallel_loop3A_338 {strides = array<i32>} : memref<4x32x768xf32, #tpu.memory_space<vmem>>, vector<1x1x16xf32>,
        %parallel_loop3A_339 = arith.constant 3 : i32
        %parallel_loop3A_340 = arith.index_cast %parallel_loop3A_339 : i32 to index
        %parallel_loop3A_341 = arith.index_cast %parallel_loop3A_306 : i32 to index
        %parallel_loop3A_342 = arith.constant 32 : index
        %parallel_loop3A_343 = tpu.vector_load %arg6[%parallel_loop3A_340, %parallel_loop3A_341, %parallel_loop3A_342] {strides = array<i32>} : memref<4x32x768xf32, #tpu.memory_space<vmem>>, vector<1x1x16xf32>,
        %parallel_loop3A_344 = vector.shape_cast %parallel_loop3A_343 : vector<1x1x16xf32> to vector<16xf32>
        %parallel_loop3A_345 = arith.constant 27.7128124 : f32
        %parallel_loop3A_346 = vector.broadcast %parallel_loop3A_345 : f32 to vector<16xf32>
        %parallel_loop3A_347 = arith.mulf %parallel_loop3A_344, %parallel_loop3A_346 : vector<16xf32>
        %parallel_loop3A_348 = arith.constant 3 : i32
        %parallel_loop3A_349 = arith.index_cast %parallel_loop3A_348 : i32 to index
        %parallel_loop3A_350 = arith.index_cast %parallel_loop3A_306 : i32 to index
        %parallel_loop3A_351 = arith.constant 32 : index
        %parallel_loop3A_352 = tpu.vector_load %arg6[%parallel_loop3A_349, %parallel_loop3A_350, %parallel_loop3A_351] {strides = array<i32>} : memref<4x32x768xf32, #tpu.memory_space<vmem>>, vector<1x1x16xf32>,
        %parallel_loop3A_353 = vector.shape_cast %parallel_loop3A_352 : vector<1x1x16xf32> to vector<16xf32>
        %parallel_loop3A_354 = vector.shape_cast %parallel_loop3A_347 : vector<16xf32> to vector<1x1x16xf32>
        tpu.vector_store %arg6[%parallel_loop3A_349, %parallel_loop3A_350, %parallel_loop3A_351], %parallel_loop3A_354 {strides = array<i32>} : memref<4x32x768xf32, #tpu.memory_space<vmem>>, vector<1x1x16xf32>,
        %parallel_loop3A_355 = arith.constant 3 : i32
        %parallel_loop3A_356 = arith.index_cast %parallel_loop3A_355 : i32 to index
        %parallel_loop3A_357 = arith.index_cast %parallel_loop3A_306 : i32 to index
        %parallel_loop3A_358 = arith.constant 48 : index
        %parallel_loop3A_359 = tpu.vector_load %arg6[%parallel_loop3A_356, %parallel_loop3A_357, %parallel_loop3A_358] {strides = array<i32>} : memref<4x32x768xf32, #tpu.memory_space<vmem>>, vector<1x1x16xf32>,
        %parallel_loop3A_360 = vector.shape_cast %parallel_loop3A_359 : vector<1x1x16xf32> to vector<16xf32>
        %parallel_loop3A_361 = arith.constant 27.7128124 : f32
        %parallel_loop3A_362 = vector.broadcast %parallel_loop3A_361 : f32 to vector<16xf32>
        %parallel_loop3A_363 = arith.mulf %parallel_loop3A_360, %parallel_loop3A_362 : vector<16xf32>
        %parallel_loop3A_364 = arith.constant 3 : i32
        %parallel_loop3A_365 = arith.index_cast %parallel_loop3A_364 : i32 to index
        %parallel_loop3A_366 = arith.index_cast %parallel_loop3A_306 : i32 to index
        %parallel_loop3A_367 = arith.constant 48 : index
        %parallel_loop3A_368 = tpu.vector_load %arg6[%parallel_loop3A_365, %parallel_loop3A_366, %parallel_loop3A_367] {strides = array<i32>} : memref<4x32x768xf32, #tpu.memory_space<vmem>>, vector<1x1x16xf32>,
        %parallel_loop3A_369 = vector.shape_cast %parallel_loop3A_368 : vector<1x1x16xf32> to vector<16xf32>
        %parallel_loop3A_370 = vector.shape_cast %parallel_loop3A_363 : vector<16xf32> to vector<1x1x16xf32>
        tpu.vector_store %arg6[%parallel_loop3A_365, %parallel_loop3A_366, %parallel_loop3A_367], %parallel_loop3A_370 {strides = array<i32>} : memref<4x32x768xf32, #tpu.memory_space<vmem>>, vector<1x1x16xf32>,
        %parallel_loop3A_371 = arith.constant 3 : i32
        %parallel_loop3A_372 = arith.index_cast %parallel_loop3A_371 : i32 to index
        %parallel_loop3A_373 = arith.index_cast %parallel_loop3A_306 : i32 to index
        %parallel_loop3A_374 = arith.constant 64 : index
        %parallel_loop3A_375 = tpu.vector_load %arg6[%parallel_loop3A_372, %parallel_loop3A_373, %parallel_loop3A_374] {strides = array<i32>} : memref<4x32x768xf32, #tpu.memory_space<vmem>>, vector<1x1x16xf32>,
        %parallel_loop3A_376 = vector.shape_cast %parallel_loop3A_375 : vector<1x1x16xf32> to vector<16xf32>
        %parallel_loop3A_377 = arith.constant 27.7128124 : f32
        %parallel_loop3A_378 = vector.broadcast %parallel_loop3A_377 : f32 to vector<16xf32>
        %parallel_loop3A_379 = arith.mulf %parallel_loop3A_376, %parallel_loop3A_378 : vector<16xf32>
        %parallel_loop3A_380 = arith.constant 3 : i32
        %parallel_loop3A_381 = arith.index_cast %parallel_loop3A_380 : i32 to index
        %parallel_loop3A_382 = arith.index_cast %parallel_loop3A_306 : i32 to index
        %parallel_loop3A_383 = arith.constant 64 : index
        %parallel_loop3A_384 = tpu.vector_load %arg6[%parallel_loop3A_381, %parallel_loop3A_382, %parallel_loop3A_383] {strides = array<i32>} : memref<4x32x768xf32, #tpu.memory_space<vmem>>, vector<1x1x16xf32>,
        %parallel_loop3A_385 = vector.shape_cast %parallel_loop3A_384 : vector<1x1x16xf32> to vector<16xf32>
        %parallel_loop3A_386 = vector.shape_cast %parallel_loop3A_379 : vector<16xf32> to vector<1x1x16xf32>
        tpu.vector_store %arg6[%parallel_loop3A_381, %parallel_loop3A_382, %parallel_loop3A_383], %parallel_loop3A_386 {strides = array<i32>} : memref<4x32x768xf32, #tpu.memory_space<vmem>>, vector<1x1x16xf32>,
        %parallel_loop3A_387 = arith.constant 3 : i32
        %parallel_loop3A_388 = arith.index_cast %parallel_loop3A_387 : i32 to index
        %parallel_loop3A_389 = arith.index_cast %parallel_loop3A_306 : i32 to index
        %parallel_loop3A_390 = arith.constant 80 : index
        %parallel_loop3A_391 = tpu.vector_load %arg6[%parallel_loop3A_388, %parallel_loop3A_389, %parallel_loop3A_390] {strides = array<i32>} : memref<4x32x768xf32, #tpu.memory_space<vmem>>, vector<1x1x16xf32>,
        %parallel_loop3A_392 = vector.shape_cast %parallel_loop3A_391 : vector<1x1x16xf32> to vector<16xf32>
        %parallel_loop3A_393 = arith.constant 27.7128124 : f32
        %parallel_loop3A_394 = vector.broadcast %parallel_loop3A_393 : f32 to vector<16xf32>
        %parallel_loop3A_395 = arith.mulf %parallel_loop3A_392, %parallel_loop3A_394 : vector<16xf32>
        %parallel_loop3A_396 = arith.constant 3 : i32
        %parallel_loop3A_397 = arith.index_cast %parallel_loop3A_396 : i32 to index
        %parallel_loop3A_398 = arith.index_cast %parallel_loop3A_306 : i32 to index
        %parallel_loop3A_399 = arith.constant 80 : index
        %parallel_loop3A_400 = tpu.vector_load %arg6[%parallel_loop3A_397, %parallel_loop3A_398, %parallel_loop3A_399] {strides = array<i32>} : memref<4x32x768xf32, #tpu.memory_space<vmem>>, vector<1x1x16xf32>,
        %parallel_loop3A_401 = vector.shape_cast %parallel_loop3A_400 : vector<1x1x16xf32> to vector<16xf32>
        %parallel_loop3A_402 = vector.shape_cast %parallel_loop3A_395 : vector<16xf32> to vector<1x1x16xf32>
        tpu.vector_store %arg6[%parallel_loop3A_397, %parallel_loop3A_398, %parallel_loop3A_399], %parallel_loop3A_402 {strides = array<i32>} : memref<4x32x768xf32, #tpu.memory_space<vmem>>, vector<1x1x16xf32>,
        %parallel_loop3A_403 = arith.constant 3 : i32
        %parallel_loop3A_404 = arith.index_cast %parallel_loop3A_403 : i32 to index
        %parallel_loop3A_405 = arith.index_cast %parallel_loop3A_306 : i32 to index
        %parallel_loop3A_406 = arith.constant 96 : index
        %parallel_loop3A_407 = tpu.vector_load %arg6[%parallel_loop3A_404, %parallel_loop3A_405, %parallel_loop3A_406] {strides = array<i32>} : memref<4x32x768xf32, #tpu.memory_space<vmem>>, vector<1x1x16xf32>,
        %parallel_loop3A_408 = vector.shape_cast %parallel_loop3A_407 : vector<1x1x16xf32> to vector<16xf32>
        %parallel_loop3A_409 = arith.constant 27.7128124 : f32
        %parallel_loop3A_410 = vector.broadcast %parallel_loop3A_409 : f32 to vector<16xf32>
        %parallel_loop3A_411 = arith.mulf %parallel_loop3A_408, %parallel_loop3A_410 : vector<16xf32>
        %parallel_loop3A_412 = arith.constant 3 : i32
        %parallel_loop3A_413 = arith.index_cast %parallel_loop3A_412 : i32 to index
        %parallel_loop3A_414 = arith.index_cast %parallel_loop3A_306 : i32 to index
        %parallel_loop3A_415 = arith.constant 96 : index
        %parallel_loop3A_416 = tpu.vector_load %arg6[%parallel_loop3A_413, %parallel_loop3A_414, %parallel_loop3A_415] {strides = array<i32>} : memref<4x32x768xf32, #tpu.memory_space<vmem>>, vector<1x1x16xf32>,
        %parallel_loop3A_417 = vector.shape_cast %parallel_loop3A_416 : vector<1x1x16xf32> to vector<16xf32>
        %parallel_loop3A_418 = vector.shape_cast %parallel_loop3A_411 : vector<16xf32> to vector<1x1x16xf32>
        tpu.vector_store %arg6[%parallel_loop3A_413, %parallel_loop3A_414, %parallel_loop3A_415], %parallel_loop3A_418 {strides = array<i32>} : memref<4x32x768xf32, #tpu.memory_space<vmem>>, vector<1x1x16xf32>,
        %parallel_loop3A_419 = arith.constant 3 : i32
        %parallel_loop3A_420 = arith.index_cast %parallel_loop3A_419 : i32 to index
        %parallel_loop3A_421 = arith.index_cast %parallel_loop3A_306 : i32 to index
        %parallel_loop3A_422 = arith.constant 112 : index
        %parallel_loop3A_423 = tpu.vector_load %arg6[%parallel_loop3A_420, %parallel_loop3A_421, %parallel_loop3A_422] {strides = array<i32>} : memref<4x32x768xf32, #tpu.memory_space<vmem>>, vector<1x1x16xf32>,
        %parallel_loop3A_424 = vector.shape_cast %parallel_loop3A_423 : vector<1x1x16xf32> to vector<16xf32>
        %parallel_loop3A_425 = arith.constant 27.7128124 : f32
        %parallel_loop3A_426 = vector.broadcast %parallel_loop3A_425 : f32 to vector<16xf32>
        %parallel_loop3A_427 = arith.mulf %parallel_loop3A_424, %parallel_loop3A_426 : vector<16xf32>
        %parallel_loop3A_428 = arith.constant 3 : i32
        %parallel_loop3A_429 = arith.index_cast %parallel_loop3A_428 : i32 to index
        %parallel_loop3A_430 = arith.index_cast %parallel_loop3A_306 : i32 to index
        %parallel_loop3A_431 = arith.constant 112 : index
        %parallel_loop3A_432 = tpu.vector_load %arg6[%parallel_loop3A_429, %parallel_loop3A_430, %parallel_loop3A_431] {strides = array<i32>} : memref<4x32x768xf32, #tpu.memory_space<vmem>>, vector<1x1x16xf32>,
        %parallel_loop3A_433 = vector.shape_cast %parallel_loop3A_432 : vector<1x1x16xf32> to vector<16xf32>
        %parallel_loop3A_434 = vector.shape_cast %parallel_loop3A_427 : vector<16xf32> to vector<1x1x16xf32>
        tpu.vector_store %arg6[%parallel_loop3A_429, %parallel_loop3A_430, %parallel_loop3A_431], %parallel_loop3A_434 {strides = array<i32>} : memref<4x32x768xf32, #tpu.memory_space<vmem>>, vector<1x1x16xf32>,
        %parallel_loop3A_435 = arith.constant 3 : i32
        %parallel_loop3A_436 = arith.index_cast %parallel_loop3A_435 : i32 to index
        %parallel_loop3A_437 = arith.index_cast %parallel_loop3A_306 : i32 to index
        %parallel_loop3A_438 = arith.constant 128 : index
        %parallel_loop3A_439 = tpu.vector_load %arg6[%parallel_loop3A_436, %parallel_loop3A_437, %parallel_loop3A_438] {strides = array<i32>} : memref<4x32x768xf32, #tpu.memory_space<vmem>>, vector<1x1x16xf32>,
        %parallel_loop3A_440 = vector.shape_cast %parallel_loop3A_439 : vector<1x1x16xf32> to vector<16xf32>
        %parallel_loop3A_441 = arith.constant 27.7128124 : f32
        %parallel_loop3A_442 = vector.broadcast %parallel_loop3A_441 : f32 to vector<16xf32>
        %parallel_loop3A_443 = arith.mulf %parallel_loop3A_440, %parallel_loop3A_442 : vector<16xf32>
        %parallel_loop3A_444 = arith.constant 3 : i32
        %parallel_loop3A_445 = arith.index_cast %parallel_loop3A_444 : i32 to index
        %parallel_loop3A_446 = arith.index_cast %parallel_loop3A_306 : i32 to index
        %parallel_loop3A_447 = arith.constant 128 : index
        %parallel_loop3A_448 = tpu.vector_load %arg6[%parallel_loop3A_445, %parallel_loop3A_446, %parallel_loop3A_447] {strides = array<i32>} : memref<4x32x768xf32, #tpu.memory_space<vmem>>, vector<1x1x16xf32>,
        %parallel_loop3A_449 = vector.shape_cast %parallel_loop3A_448 : vector<1x1x16xf32> to vector<16xf32>
        %parallel_loop3A_450 = vector.shape_cast %parallel_loop3A_443 : vector<16xf32> to vector<1x1x16xf32>
        tpu.vector_store %arg6[%parallel_loop3A_445, %parallel_loop3A_446, %parallel_loop3A_447], %parallel_loop3A_450 {strides = array<i32>} : memref<4x32x768xf32, #tpu.memory_space<vmem>>, vector<1x1x16xf32>,
        %parallel_loop3A_451 = arith.constant 3 : i32
        %parallel_loop3A_452 = arith.index_cast %parallel_loop3A_451 : i32 to index
        %parallel_loop3A_453 = arith.index_cast %parallel_loop3A_306 : i32 to index
        %parallel_loop3A_454 = arith.constant 144 : index
        %parallel_loop3A_455 = tpu.vector_load %arg6[%parallel_loop3A_452, %parallel_loop3A_453, %parallel_loop3A_454] {strides = array<i32>} : memref<4x32x768xf32, #tpu.memory_space<vmem>>, vector<1x1x16xf32>,
        %parallel_loop3A_456 = vector.shape_cast %parallel_loop3A_455 : vector<1x1x16xf32> to vector<16xf32>
        %parallel_loop3A_457 = arith.constant 27.7128124 : f32
        %parallel_loop3A_458 = vector.broadcast %parallel_loop3A_457 : f32 to vector<16xf32>
        %parallel_loop3A_459 = arith.mulf %parallel_loop3A_456, %parallel_loop3A_458 : vector<16xf32>
        %parallel_loop3A_460 = arith.constant 3 : i32
        %parallel_loop3A_461 = arith.index_cast %parallel_loop3A_460 : i32 to index
        %parallel_loop3A_462 = arith.index_cast %parallel_loop3A_306 : i32 to index
        %parallel_loop3A_463 = arith.constant 144 : index
        %parallel_loop3A_464 = tpu.vector_load %arg6[%parallel_loop3A_461, %parallel_loop3A_462, %parallel_loop3A_463] {strides = array<i32>} : memref<4x32x768xf32, #tpu.memory_space<vmem>>, vector<1x1x16xf32>,
        %parallel_loop3A_465 = vector.shape_cast %parallel_loop3A_464 : vector<1x1x16xf32> to vector<16xf32>
        %parallel_loop3A_466 = vector.shape_cast %parallel_loop3A_459 : vector<16xf32> to vector<1x1x16xf32>
        tpu.vector_store %arg6[%parallel_loop3A_461, %parallel_loop3A_462, %parallel_loop3A_463], %parallel_loop3A_466 {strides = array<i32>} : memref<4x32x768xf32, #tpu.memory_space<vmem>>, vector<1x1x16xf32>,
        %parallel_loop3A_467 = arith.constant 3 : i32
        %parallel_loop3A_468 = arith.index_cast %parallel_loop3A_467 : i32 to index
        %parallel_loop3A_469 = arith.index_cast %parallel_loop3A_306 : i32 to index
        %parallel_loop3A_470 = arith.constant 160 : index
        %parallel_loop3A_471 = tpu.vector_load %arg6[%parallel_loop3A_468, %parallel_loop3A_469, %parallel_loop3A_470] {strides = array<i32>} : memref<4x32x768xf32, #tpu.memory_space<vmem>>, vector<1x1x16xf32>,
        %parallel_loop3A_472 = vector.shape_cast %parallel_loop3A_471 : vector<1x1x16xf32> to vector<16xf32>
        %parallel_loop3A_473 = arith.constant 27.7128124 : f32
        %parallel_loop3A_474 = vector.broadcast %parallel_loop3A_473 : f32 to vector<16xf32>
        %parallel_loop3A_475 = arith.mulf %parallel_loop3A_472, %parallel_loop3A_474 : vector<16xf32>
        %parallel_loop3A_476 = arith.constant 3 : i32
        %parallel_loop3A_477 = arith.index_cast %parallel_loop3A_476 : i32 to index
        %parallel_loop3A_478 = arith.index_cast %parallel_loop3A_306 : i32 to index
        %parallel_loop3A_479 = arith.constant 160 : index
        %parallel_loop3A_480 = tpu.vector_load %arg6[%parallel_loop3A_477, %parallel_loop3A_478, %parallel_loop3A_479] {strides = array<i32>} : memref<4x32x768xf32, #tpu.memory_space<vmem>>, vector<1x1x16xf32>,
        %parallel_loop3A_481 = vector.shape_cast %parallel_loop3A_480 : vector<1x1x16xf32> to vector<16xf32>
        %parallel_loop3A_482 = vector.shape_cast %parallel_loop3A_475 : vector<16xf32> to vector<1x1x16xf32>
        tpu.vector_store %arg6[%parallel_loop3A_477, %parallel_loop3A_478, %parallel_loop3A_479], %parallel_loop3A_482 {strides = array<i32>} : memref<4x32x768xf32, #tpu.memory_space<vmem>>, vector<1x1x16xf32>,
        %parallel_loop3A_483 = arith.constant 3 : i32
        %parallel_loop3A_484 = arith.index_cast %parallel_loop3A_483 : i32 to index
        %parallel_loop3A_485 = arith.index_cast %parallel_loop3A_306 : i32 to index
        %parallel_loop3A_486 = arith.constant 176 : index
        %parallel_loop3A_487 = tpu.vector_load %arg6[%parallel_loop3A_484, %parallel_loop3A_485, %parallel_loop3A_486] {strides = array<i32>} : memref<4x32x768xf32, #tpu.memory_space<vmem>>, vector<1x1x16xf32>,
        %parallel_loop3A_488 = vector.shape_cast %parallel_loop3A_487 : vector<1x1x16xf32> to vector<16xf32>
        %parallel_loop3A_489 = arith.constant 27.7128124 : f32
        %parallel_loop3A_490 = vector.broadcast %parallel_loop3A_489 : f32 to vector<16xf32>
        %parallel_loop3A_491 = arith.mulf %parallel_loop3A_488, %parallel_loop3A_490 : vector<16xf32>
        %parallel_loop3A_492 = arith.constant 3 : i32
        %parallel_loop3A_493 = arith.index_cast %parallel_loop3A_492 : i32 to index
        %parallel_loop3A_494 = arith.index_cast %parallel_loop3A_306 : i32 to index
        %parallel_loop3A_495 = arith.constant 176 : index
        %parallel_loop3A_496 = tpu.vector_load %arg6[%parallel_loop3A_493, %parallel_loop3A_494, %parallel_loop3A_495] {strides = array<i32>} : memref<4x32x768xf32, #tpu.memory_space<vmem>>, vector<1x1x16xf32>,
        %parallel_loop3A_497 = vector.shape_cast %parallel_loop3A_496 : vector<1x1x16xf32> to vector<16xf32>
        %parallel_loop3A_498 = vector.shape_cast %parallel_loop3A_491 : vector<16xf32> to vector<1x1x16xf32>
        tpu.vector_store %arg6[%parallel_loop3A_493, %parallel_loop3A_494, %parallel_loop3A_495], %parallel_loop3A_498 {strides = array<i32>} : memref<4x32x768xf32, #tpu.memory_space<vmem>>, vector<1x1x16xf32>,
        %parallel_loop3A_499 = arith.constant 3 : i32
        %parallel_loop3A_500 = arith.index_cast %parallel_loop3A_499 : i32 to index
        %parallel_loop3A_501 = arith.index_cast %parallel_loop3A_306 : i32 to index
        %parallel_loop3A_502 = arith.constant 192 : index
        %parallel_loop3A_503 = tpu.vector_load %arg6[%parallel_loop3A_500, %parallel_loop3A_501, %parallel_loop3A_502] {strides = array<i32>} : memref<4x32x768xf32, #tpu.memory_space<vmem>>, vector<1x1x16xf32>,
        %parallel_loop3A_504 = vector.shape_cast %parallel_loop3A_503 : vector<1x1x16xf32> to vector<16xf32>
        %parallel_loop3A_505 = arith.constant 27.7128124 : f32
        %parallel_loop3A_506 = vector.broadcast %parallel_loop3A_505 : f32 to vector<16xf32>
        %parallel_loop3A_507 = arith.mulf %parallel_loop3A_504, %parallel_loop3A_506 : vector<16xf32>
        %parallel_loop3A_508 = arith.constant 3 : i32
        %parallel_loop3A_509 = arith.index_cast %parallel_loop3A_508 : i32 to index
        %parallel_loop3A_510 = arith.index_cast %parallel_loop3A_306 : i32 to index
        %parallel_loop3A_511 = arith.constant 192 : index
        %parallel_loop3A_512 = tpu.vector_load %arg6[%parallel_loop3A_509, %parallel_loop3A_510, %parallel_loop3A_511] {strides = array<i32>} : memref<4x32x768xf32, #tpu.memory_space<vmem>>, vector<1x1x16xf32>,
        %parallel_loop3A_513 = vector.shape_cast %parallel_loop3A_512 : vector<1x1x16xf32> to vector<16xf32>
        %parallel_loop3A_514 = vector.shape_cast %parallel_loop3A_507 : vector<16xf32> to vector<1x1x16xf32>
        tpu.vector_store %arg6[%parallel_loop3A_509, %parallel_loop3A_510, %parallel_loop3A_511], %parallel_loop3A_514 {strides = array<i32>} : memref<4x32x768xf32, #tpu.memory_space<vmem>>, vector<1x1x16xf32>,
        %parallel_loop3A_515 = arith.constant 3 : i32
        %parallel_loop3A_516 = arith.index_cast %parallel_loop3A_515 : i32 to index
        %parallel_loop3A_517 = arith.index_cast %parallel_loop3A_306 : i32 to index
        %parallel_loop3A_518 = arith.constant 208 : index
        %parallel_loop3A_519 = tpu.vector_load %arg6[%parallel_loop3A_516, %parallel_loop3A_517, %parallel_loop3A_518] {strides = array<i32>} : memref<4x32x768xf32, #tpu.memory_space<vmem>>, vector<1x1x16xf32>,
        %parallel_loop3A_520 = vector.shape_cast %parallel_loop3A_519 : vector<1x1x16xf32> to vector<16xf32>
        %parallel_loop3A_521 = arith.constant 27.7128124 : f32
        %parallel_loop3A_522 = vector.broadcast %parallel_loop3A_521 : f32 to vector<16xf32>
        %parallel_loop3A_523 = arith.mulf %parallel_loop3A_520, %parallel_loop3A_522 : vector<16xf32>
        %parallel_loop3A_524 = arith.constant 3 : i32
        %parallel_loop3A_525 = arith.index_cast %parallel_loop3A_524 : i32 to index
        %parallel_loop3A_526 = arith.index_cast %parallel_loop3A_306 : i32 to index
        %parallel_loop3A_527 = arith.constant 208 : index
        %parallel_loop3A_528 = tpu.vector_load %arg6[%parallel_loop3A_525, %parallel_loop3A_526, %parallel_loop3A_527] {strides = array<i32>} : memref<4x32x768xf32, #tpu.memory_space<vmem>>, vector<1x1x16xf32>,
        %parallel_loop3A_529 = vector.shape_cast %parallel_loop3A_528 : vector<1x1x16xf32> to vector<16xf32>
        %parallel_loop3A_530 = vector.shape_cast %parallel_loop3A_523 : vector<16xf32> to vector<1x1x16xf32>
        tpu.vector_store %arg6[%parallel_loop3A_525, %parallel_loop3A_526, %parallel_loop3A_527], %parallel_loop3A_530 {strides = array<i32>} : memref<4x32x768xf32, #tpu.memory_space<vmem>>, vector<1x1x16xf32>,
        %parallel_loop3A_531 = arith.constant 3 : i32
        %parallel_loop3A_532 = arith.index_cast %parallel_loop3A_531 : i32 to index
        %parallel_loop3A_533 = arith.index_cast %parallel_loop3A_306 : i32 to index
        %parallel_loop3A_534 = arith.constant 224 : index
        %parallel_loop3A_535 = tpu.vector_load %arg6[%parallel_loop3A_532, %parallel_loop3A_533, %parallel_loop3A_534] {strides = array<i32>} : memref<4x32x768xf32, #tpu.memory_space<vmem>>, vector<1x1x16xf32>,
        %parallel_loop3A_536 = vector.shape_cast %parallel_loop3A_535 : vector<1x1x16xf32> to vector<16xf32>
        %parallel_loop3A_537 = arith.constant 27.7128124 : f32
        %parallel_loop3A_538 = vector.broadcast %parallel_loop3A_537 : f32 to vector<16xf32>
        %parallel_loop3A_539 = arith.mulf %parallel_loop3A_536, %parallel_loop3A_538 : vector<16xf32>
        %parallel_loop3A_540 = arith.constant 3 : i32
        %parallel_loop3A_541 = arith.index_cast %parallel_loop3A_540 : i32 to index
        %parallel_loop3A_542 = arith.index_cast %parallel_loop3A_306 : i32 to index
        %parallel_loop3A_543 = arith.constant 224 : index
        %parallel_loop3A_544 = tpu.vector_load %arg6[%parallel_loop3A_541, %parallel_loop3A_542, %parallel_loop3A_543] {strides = array<i32>} : memref<4x32x768xf32, #tpu.memory_space<vmem>>, vector<1x1x16xf32>,
        %parallel_loop3A_545 = vector.shape_cast %parallel_loop3A_544 : vector<1x1x16xf32> to vector<16xf32>
        %parallel_loop3A_546 = vector.shape_cast %parallel_loop3A_539 : vector<16xf32> to vector<1x1x16xf32>
        tpu.vector_store %arg6[%parallel_loop3A_541, %parallel_loop3A_542, %parallel_loop3A_543], %parallel_loop3A_546 {strides = array<i32>} : memref<4x32x768xf32, #tpu.memory_space<vmem>>, vector<1x1x16xf32>,
        %parallel_loop3A_547 = arith.constant 3 : i32
        %parallel_loop3A_548 = arith.index_cast %parallel_loop3A_547 : i32 to index
        %parallel_loop3A_549 = arith.index_cast %parallel_loop3A_306 : i32 to index
        %parallel_loop3A_550 = arith.constant 240 : index
        %parallel_loop3A_551 = tpu.vector_load %arg6[%parallel_loop3A_548, %parallel_loop3A_549, %parallel_loop3A_550] {strides = array<i32>} : memref<4x32x768xf32, #tpu.memory_space<vmem>>, vector<1x1x16xf32>,
        %parallel_loop3A_552 = vector.shape_cast %parallel_loop3A_551 : vector<1x1x16xf32> to vector<16xf32>
        %parallel_loop3A_553 = arith.constant 27.7128124 : f32
        %parallel_loop3A_554 = vector.broadcast %parallel_loop3A_553 : f32 to vector<16xf32>
        %parallel_loop3A_555 = arith.mulf %parallel_loop3A_552, %parallel_loop3A_554 : vector<16xf32>
        %parallel_loop3A_556 = arith.constant 3 : i32
        %parallel_loop3A_557 = arith.index_cast %parallel_loop3A_556 : i32 to index
        %parallel_loop3A_558 = arith.index_cast %parallel_loop3A_306 : i32 to index
        %parallel_loop3A_559 = arith.constant 240 : index
        %parallel_loop3A_560 = tpu.vector_load %arg6[%parallel_loop3A_557, %parallel_loop3A_558, %parallel_loop3A_559] {strides = array<i32>} : memref<4x32x768xf32, #tpu.memory_space<vmem>>, vector<1x1x16xf32>,
        %parallel_loop3A_561 = vector.shape_cast %parallel_loop3A_560 : vector<1x1x16xf32> to vector<16xf32>
        %parallel_loop3A_562 = vector.shape_cast %parallel_loop3A_555 : vector<16xf32> to vector<1x1x16xf32>
        tpu.vector_store %arg6[%parallel_loop3A_557, %parallel_loop3A_558, %parallel_loop3A_559], %parallel_loop3A_562 {strides = array<i32>} : memref<4x32x768xf32, #tpu.memory_space<vmem>>, vector<1x1x16xf32>,
        %parallel_loop3A_563 = arith.constant 3 : i32
        %parallel_loop3A_564 = arith.index_cast %parallel_loop3A_563 : i32 to index
        %parallel_loop3A_565 = arith.index_cast %parallel_loop3A_306 : i32 to index
        %parallel_loop3A_566 = arith.constant 256 : index
        %parallel_loop3A_567 = tpu.vector_load %arg6[%parallel_loop3A_564, %parallel_loop3A_565, %parallel_loop3A_566] {strides = array<i32>} : memref<4x32x768xf32, #tpu.memory_space<vmem>>, vector<1x1x16xf32>,
        %parallel_loop3A_568 = vector.shape_cast %parallel_loop3A_567 : vector<1x1x16xf32> to vector<16xf32>
        %parallel_loop3A_569 = arith.constant 27.7128124 : f32
        %parallel_loop3A_570 = vector.broadcast %parallel_loop3A_569 : f32 to vector<16xf32>
        %parallel_loop3A_571 = arith.mulf %parallel_loop3A_568, %parallel_loop3A_570 : vector<16xf32>
        %parallel_loop3A_572 = arith.constant 3 : i32
        %parallel_loop3A_573 = arith.index_cast %parallel_loop3A_572 : i32 to index
        %parallel_loop3A_574 = arith.index_cast %parallel_loop3A_306 : i32 to index
        %parallel_loop3A_575 = arith.constant 256 : index
        %parallel_loop3A_576 = tpu.vector_load %arg6[%parallel_loop3A_573, %parallel_loop3A_574, %parallel_loop3A_575] {strides = array<i32>} : memref<4x32x768xf32, #tpu.memory_space<vmem>>, vector<1x1x16xf32>,
        %parallel_loop3A_577 = vector.shape_cast %parallel_loop3A_576 : vector<1x1x16xf32> to vector<16xf32>
        %parallel_loop3A_578 = vector.shape_cast %parallel_loop3A_571 : vector<16xf32> to vector<1x1x16xf32>
        tpu.vector_store %arg6[%parallel_loop3A_573, %parallel_loop3A_574, %parallel_loop3A_575], %parallel_loop3A_578 {strides = array<i32>} : memref<4x32x768xf32, #tpu.memory_space<vmem>>, vector<1x1x16xf32>,
        %parallel_loop3A_579 = arith.constant 3 : i32
        %parallel_loop3A_580 = arith.index_cast %parallel_loop3A_579 : i32 to index
        %parallel_loop3A_581 = arith.index_cast %parallel_loop3A_306 : i32 to index
        %parallel_loop3A_582 = arith.constant 272 : index
        %parallel_loop3A_583 = tpu.vector_load %arg6[%parallel_loop3A_580, %parallel_loop3A_581, %parallel_loop3A_582] {strides = array<i32>} : memref<4x32x768xf32, #tpu.memory_space<vmem>>, vector<1x1x16xf32>,
        %parallel_loop3A_584 = vector.shape_cast %parallel_loop3A_583 : vector<1x1x16xf32> to vector<16xf32>
        %parallel_loop3A_585 = arith.constant 27.7128124 : f32
        %parallel_loop3A_586 = vector.broadcast %parallel_loop3A_585 : f32 to vector<16xf32>
        %parallel_loop3A_587 = arith.mulf %parallel_loop3A_584, %parallel_loop3A_586 : vector<16xf32>
        %parallel_loop3A_588 = arith.constant 3 : i32
        %parallel_loop3A_589 = arith.index_cast %parallel_loop3A_588 : i32 to index
        %parallel_loop3A_590 = arith.index_cast %parallel_loop3A_306 : i32 to index
        %parallel_loop3A_591 = arith.constant 272 : index
        %parallel_loop3A_592 = tpu.vector_load %arg6[%parallel_loop3A_589, %parallel_loop3A_590, %parallel_loop3A_591] {strides = array<i32>} : memref<4x32x768xf32, #tpu.memory_space<vmem>>, vector<1x1x16xf32>,
        %parallel_loop3A_593 = vector.shape_cast %parallel_loop3A_592 : vector<1x1x16xf32> to vector<16xf32>
        %parallel_loop3A_594 = vector.shape_cast %parallel_loop3A_587 : vector<16xf32> to vector<1x1x16xf32>
        tpu.vector_store %arg6[%parallel_loop3A_589, %parallel_loop3A_590, %parallel_loop3A_591], %parallel_loop3A_594 {strides = array<i32>} : memref<4x32x768xf32, #tpu.memory_space<vmem>>, vector<1x1x16xf32>,
        %parallel_loop3A_595 = arith.constant 3 : i32
        %parallel_loop3A_596 = arith.index_cast %parallel_loop3A_595 : i32 to index
        %parallel_loop3A_597 = arith.index_cast %parallel_loop3A_306 : i32 to index
        %parallel_loop3A_598 = arith.constant 288 : index
        %parallel_loop3A_599 = tpu.vector_load %arg6[%parallel_loop3A_596, %parallel_loop3A_597, %parallel_loop3A_598] {strides = array<i32>} : memref<4x32x768xf32, #tpu.memory_space<vmem>>, vector<1x1x16xf32>,
        %parallel_loop3A_600 = vector.shape_cast %parallel_loop3A_599 : vector<1x1x16xf32> to vector<16xf32>
        %parallel_loop3A_601 = arith.constant 27.7128124 : f32
        %parallel_loop3A_602 = vector.broadcast %parallel_loop3A_601 : f32 to vector<16xf32>
        %parallel_loop3A_603 = arith.mulf %parallel_loop3A_600, %parallel_loop3A_602 : vector<16xf32>
        %parallel_loop3A_604 = arith.constant 3 : i32
        %parallel_loop3A_605 = arith.index_cast %parallel_loop3A_604 : i32 to index
        %parallel_loop3A_606 = arith.index_cast %parallel_loop3A_306 : i32 to index
        %parallel_loop3A_607 = arith.constant 288 : index
        %parallel_loop3A_608 = tpu.vector_load %arg6[%parallel_loop3A_605, %parallel_loop3A_606, %parallel_loop3A_607] {strides = array<i32>} : memref<4x32x768xf32, #tpu.memory_space<vmem>>, vector<1x1x16xf32>,
        %parallel_loop3A_609 = vector.shape_cast %parallel_loop3A_608 : vector<1x1x16xf32> to vector<16xf32>
        %parallel_loop3A_610 = vector.shape_cast %parallel_loop3A_603 : vector<16xf32> to vector<1x1x16xf32>
        tpu.vector_store %arg6[%parallel_loop3A_605, %parallel_loop3A_606, %parallel_loop3A_607], %parallel_loop3A_610 {strides = array<i32>} : memref<4x32x768xf32, #tpu.memory_space<vmem>>, vector<1x1x16xf32>,
        %parallel_loop3A_611 = arith.constant 3 : i32
        %parallel_loop3A_612 = arith.index_cast %parallel_loop3A_611 : i32 to index
        %parallel_loop3A_613 = arith.index_cast %parallel_loop3A_306 : i32 to index
        %parallel_loop3A_614 = arith.constant 304 : index
        %parallel_loop3A_615 = tpu.vector_load %arg6[%parallel_loop3A_612, %parallel_loop3A_613, %parallel_loop3A_614] {strides = array<i32>} : memref<4x32x768xf32, #tpu.memory_space<vmem>>, vector<1x1x16xf32>,
        %parallel_loop3A_616 = vector.shape_cast %parallel_loop3A_615 : vector<1x1x16xf32> to vector<16xf32>
        %parallel_loop3A_617 = arith.constant 27.7128124 : f32
        %parallel_loop3A_618 = vector.broadcast %parallel_loop3A_617 : f32 to vector<16xf32>
        %parallel_loop3A_619 = arith.mulf %parallel_loop3A_616, %parallel_loop3A_618 : vector<16xf32>
        %parallel_loop3A_620 = arith.constant 3 : i32
        %parallel_loop3A_621 = arith.index_cast %parallel_loop3A_620 : i32 to index
        %parallel_loop3A_622 = arith.index_cast %parallel_loop3A_306 : i32 to index
        %parallel_loop3A_623 = arith.constant 304 : index
        %parallel_loop3A_624 = tpu.vector_load %arg6[%parallel_loop3A_621, %parallel_loop3A_622, %parallel_loop3A_623] {strides = array<i32>} : memref<4x32x768xf32, #tpu.memory_space<vmem>>, vector<1x1x16xf32>,
        %parallel_loop3A_625 = vector.shape_cast %parallel_loop3A_624 : vector<1x1x16xf32> to vector<16xf32>
        %parallel_loop3A_626 = vector.shape_cast %parallel_loop3A_619 : vector<16xf32> to vector<1x1x16xf32>
        tpu.vector_store %arg6[%parallel_loop3A_621, %parallel_loop3A_622, %parallel_loop3A_623], %parallel_loop3A_626 {strides = array<i32>} : memref<4x32x768xf32, #tpu.memory_space<vmem>>, vector<1x1x16xf32>,
        %parallel_loop3A_627 = arith.constant 3 : i32
        %parallel_loop3A_628 = arith.index_cast %parallel_loop3A_627 : i32 to index
        %parallel_loop3A_629 = arith.index_cast %parallel_loop3A_306 : i32 to index
        %parallel_loop3A_630 = arith.constant 320 : index
        %parallel_loop3A_631 = tpu.vector_load %arg6[%parallel_loop3A_628, %parallel_loop3A_629, %parallel_loop3A_630] {strides = array<i32>} : memref<4x32x768xf32, #tpu.memory_space<vmem>>, vector<1x1x16xf32>,
        %parallel_loop3A_632 = vector.shape_cast %parallel_loop3A_631 : vector<1x1x16xf32> to vector<16xf32>
        %parallel_loop3A_633 = arith.constant 27.7128124 : f32
        %parallel_loop3A_634 = vector.broadcast %parallel_loop3A_633 : f32 to vector<16xf32>
        %parallel_loop3A_635 = arith.mulf %parallel_loop3A_632, %parallel_loop3A_634 : vector<16xf32>
        %parallel_loop3A_636 = arith.constant 3 : i32
        %parallel_loop3A_637 = arith.index_cast %parallel_loop3A_636 : i32 to index
        %parallel_loop3A_638 = arith.index_cast %parallel_loop3A_306 : i32 to index
        %parallel_loop3A_639 = arith.constant 320 : index
        %parallel_loop3A_640 = tpu.vector_load %arg6[%parallel_loop3A_637, %parallel_loop3A_638, %parallel_loop3A_639] {strides = array<i32>} : memref<4x32x768xf32, #tpu.memory_space<vmem>>, vector<1x1x16xf32>,
        %parallel_loop3A_641 = vector.shape_cast %parallel_loop3A_640 : vector<1x1x16xf32> to vector<16xf32>
        %parallel_loop3A_642 = vector.shape_cast %parallel_loop3A_635 : vector<16xf32> to vector<1x1x16xf32>
        tpu.vector_store %arg6[%parallel_loop3A_637, %parallel_loop3A_638, %parallel_loop3A_639], %parallel_loop3A_642 {strides = array<i32>} : memref<4x32x768xf32, #tpu.memory_space<vmem>>, vector<1x1x16xf32>,
        %parallel_loop3A_643 = arith.constant 3 : i32
        %parallel_loop3A_644 = arith.index_cast %parallel_loop3A_643 : i32 to index
        %parallel_loop3A_645 = arith.index_cast %parallel_loop3A_306 : i32 to index
        %parallel_loop3A_646 = arith.constant 336 : index
        %parallel_loop3A_647 = tpu.vector_load %arg6[%parallel_loop3A_644, %parallel_loop3A_645, %parallel_loop3A_646] {strides = array<i32>} : memref<4x32x768xf32, #tpu.memory_space<vmem>>, vector<1x1x16xf32>,
        %parallel_loop3A_648 = vector.shape_cast %parallel_loop3A_647 : vector<1x1x16xf32> to vector<16xf32>
        %parallel_loop3A_649 = arith.constant 27.7128124 : f32
        %parallel_loop3A_650 = vector.broadcast %parallel_loop3A_649 : f32 to vector<16xf32>
        %parallel_loop3A_651 = arith.mulf %parallel_loop3A_648, %parallel_loop3A_650 : vector<16xf32>
        %parallel_loop3A_652 = arith.constant 3 : i32
        %parallel_loop3A_653 = arith.index_cast %parallel_loop3A_652 : i32 to index
        %parallel_loop3A_654 = arith.index_cast %parallel_loop3A_306 : i32 to index
        %parallel_loop3A_655 = arith.constant 336 : index
        %parallel_loop3A_656 = tpu.vector_load %arg6[%parallel_loop3A_653, %parallel_loop3A_654, %parallel_loop3A_655] {strides = array<i32>} : memref<4x32x768xf32, #tpu.memory_space<vmem>>, vector<1x1x16xf32>,
        %parallel_loop3A_657 = vector.shape_cast %parallel_loop3A_656 : vector<1x1x16xf32> to vector<16xf32>
        %parallel_loop3A_658 = vector.shape_cast %parallel_loop3A_651 : vector<16xf32> to vector<1x1x16xf32>
        tpu.vector_store %arg6[%parallel_loop3A_653, %parallel_loop3A_654, %parallel_loop3A_655], %parallel_loop3A_658 {strides = array<i32>} : memref<4x32x768xf32, #tpu.memory_space<vmem>>, vector<1x1x16xf32>,
        %parallel_loop3A_659 = arith.constant 3 : i32
        %parallel_loop3A_660 = arith.index_cast %parallel_loop3A_659 : i32 to index
        %parallel_loop3A_661 = arith.index_cast %parallel_loop3A_306 : i32 to index
        %parallel_loop3A_662 = arith.constant 352 : index
        %parallel_loop3A_663 = tpu.vector_load %arg6[%parallel_loop3A_660, %parallel_loop3A_661, %parallel_loop3A_662] {strides = array<i32>} : memref<4x32x768xf32, #tpu.memory_space<vmem>>, vector<1x1x16xf32>,
        %parallel_loop3A_664 = vector.shape_cast %parallel_loop3A_663 : vector<1x1x16xf32> to vector<16xf32>
        %parallel_loop3A_665 = arith.constant 27.7128124 : f32
        %parallel_loop3A_666 = vector.broadcast %parallel_loop3A_665 : f32 to vector<16xf32>
        %parallel_loop3A_667 = arith.mulf %parallel_loop3A_664, %parallel_loop3A_666 : vector<16xf32>
        %parallel_loop3A_668 = arith.constant 3 : i32
        %parallel_loop3A_669 = arith.index_cast %parallel_loop3A_668 : i32 to index
        %parallel_loop3A_670 = arith.index_cast %parallel_loop3A_306 : i32 to index
        %parallel_loop3A_671 = arith.constant 352 : index
        %parallel_loop3A_672 = tpu.vector_load %arg6[%parallel_loop3A_669, %parallel_loop3A_670, %parallel_loop3A_671] {strides = array<i32>} : memref<4x32x768xf32, #tpu.memory_space<vmem>>, vector<1x1x16xf32>,
        %parallel_loop3A_673 = vector.shape_cast %parallel_loop3A_672 : vector<1x1x16xf32> to vector<16xf32>
        %parallel_loop3A_674 = vector.shape_cast %parallel_loop3A_667 : vector<16xf32> to vector<1x1x16xf32>
        tpu.vector_store %arg6[%parallel_loop3A_669, %parallel_loop3A_670, %parallel_loop3A_671], %parallel_loop3A_674 {strides = array<i32>} : memref<4x32x768xf32, #tpu.memory_space<vmem>>, vector<1x1x16xf32>,
        %parallel_loop3A_675 = arith.constant 3 : i32
        %parallel_loop3A_676 = arith.index_cast %parallel_loop3A_675 : i32 to index
        %parallel_loop3A_677 = arith.index_cast %parallel_loop3A_306 : i32 to index
        %parallel_loop3A_678 = arith.constant 368 : index
        %parallel_loop3A_679 = tpu.vector_load %arg6[%parallel_loop3A_676, %parallel_loop3A_677, %parallel_loop3A_678] {strides = array<i32>} : memref<4x32x768xf32, #tpu.memory_space<vmem>>, vector<1x1x16xf32>,
        %parallel_loop3A_680 = vector.shape_cast %parallel_loop3A_679 : vector<1x1x16xf32> to vector<16xf32>
        %parallel_loop3A_681 = arith.constant 27.7128124 : f32
        %parallel_loop3A_682 = vector.broadcast %parallel_loop3A_681 : f32 to vector<16xf32>
        %parallel_loop3A_683 = arith.mulf %parallel_loop3A_680, %parallel_loop3A_682 : vector<16xf32>
        %parallel_loop3A_684 = arith.constant 3 : i32
        %parallel_loop3A_685 = arith.index_cast %parallel_loop3A_684 : i32 to index
        %parallel_loop3A_686 = arith.index_cast %parallel_loop3A_306 : i32 to index
        %parallel_loop3A_687 = arith.constant 368 : index
        %parallel_loop3A_688 = tpu.vector_load %arg6[%parallel_loop3A_685, %parallel_loop3A_686, %parallel_loop3A_687] {strides = array<i32>} : memref<4x32x768xf32, #tpu.memory_space<vmem>>, vector<1x1x16xf32>,
        %parallel_loop3A_689 = vector.shape_cast %parallel_loop3A_688 : vector<1x1x16xf32> to vector<16xf32>
        %parallel_loop3A_690 = vector.shape_cast %parallel_loop3A_683 : vector<16xf32> to vector<1x1x16xf32>
        tpu.vector_store %arg6[%parallel_loop3A_685, %parallel_loop3A_686, %parallel_loop3A_687], %parallel_loop3A_690 {strides = array<i32>} : memref<4x32x768xf32, #tpu.memory_space<vmem>>, vector<1x1x16xf32>,
        %parallel_loop3A_691 = arith.constant 3 : i32
        %parallel_loop3A_692 = arith.index_cast %parallel_loop3A_691 : i32 to index
        %parallel_loop3A_693 = arith.index_cast %parallel_loop3A_306 : i32 to index
        %parallel_loop3A_694 = arith.constant 384 : index
        %parallel_loop3A_695 = tpu.vector_load %arg6[%parallel_loop3A_692, %parallel_loop3A_693, %parallel_loop3A_694] {strides = array<i32>} : memref<4x32x768xf32, #tpu.memory_space<vmem>>, vector<1x1x16xf32>,
        %parallel_loop3A_696 = vector.shape_cast %parallel_loop3A_695 : vector<1x1x16xf32> to vector<16xf32>
        %parallel_loop3A_697 = arith.constant 27.7128124 : f32
        %parallel_loop3A_698 = vector.broadcast %parallel_loop3A_697 : f32 to vector<16xf32>
        %parallel_loop3A_699 = arith.mulf %parallel_loop3A_696, %parallel_loop3A_698 : vector<16xf32>
        %parallel_loop3A_700 = arith.constant 3 : i32
        %parallel_loop3A_701 = arith.index_cast %parallel_loop3A_700 : i32 to index
        %parallel_loop3A_702 = arith.index_cast %parallel_loop3A_306 : i32 to index
        %parallel_loop3A_703 = arith.constant 384 : index
        %parallel_loop3A_704 = tpu.vector_load %arg6[%parallel_loop3A_701, %parallel_loop3A_702, %parallel_loop3A_703] {strides = array<i32>} : memref<4x32x768xf32, #tpu.memory_space<vmem>>, vector<1x1x16xf32>,
        %parallel_loop3A_705 = vector.shape_cast %parallel_loop3A_704 : vector<1x1x16xf32> to vector<16xf32>
        %parallel_loop3A_706 = vector.shape_cast %parallel_loop3A_699 : vector<16xf32> to vector<1x1x16xf32>
        tpu.vector_store %arg6[%parallel_loop3A_701, %parallel_loop3A_702, %parallel_loop3A_703], %parallel_loop3A_706 {strides = array<i32>} : memref<4x32x768xf32, #tpu.memory_space<vmem>>, vector<1x1x16xf32>,
        %parallel_loop3A_707 = arith.constant 3 : i32
        %parallel_loop3A_708 = arith.index_cast %parallel_loop3A_707 : i32 to index
        %parallel_loop3A_709 = arith.index_cast %parallel_loop3A_306 : i32 to index
        %parallel_loop3A_710 = arith.constant 400 : index
        %parallel_loop3A_711 = tpu.vector_load %arg6[%parallel_loop3A_708, %parallel_loop3A_709, %parallel_loop3A_710] {strides = array<i32>} : memref<4x32x768xf32, #tpu.memory_space<vmem>>, vector<1x1x16xf32>,
        %parallel_loop3A_712 = vector.shape_cast %parallel_loop3A_711 : vector<1x1x16xf32> to vector<16xf32>
        %parallel_loop3A_713 = arith.constant 27.7128124 : f32
        %parallel_loop3A_714 = vector.broadcast %parallel_loop3A_713 : f32 to vector<16xf32>
        %parallel_loop3A_715 = arith.mulf %parallel_loop3A_712, %parallel_loop3A_714 : vector<16xf32>
        %parallel_loop3A_716 = arith.constant 3 : i32
        %parallel_loop3A_717 = arith.index_cast %parallel_loop3A_716 : i32 to index
        %parallel_loop3A_718 = arith.index_cast %parallel_loop3A_306 : i32 to index
        %parallel_loop3A_719 = arith.constant 400 : index
        %parallel_loop3A_720 = tpu.vector_load %arg6[%parallel_loop3A_717, %parallel_loop3A_718, %parallel_loop3A_719] {strides = array<i32>} : memref<4x32x768xf32, #tpu.memory_space<vmem>>, vector<1x1x16xf32>,
        %parallel_loop3A_721 = vector.shape_cast %parallel_loop3A_720 : vector<1x1x16xf32> to vector<16xf32>
        %parallel_loop3A_722 = vector.shape_cast %parallel_loop3A_715 : vector<16xf32> to vector<1x1x16xf32>
        tpu.vector_store %arg6[%parallel_loop3A_717, %parallel_loop3A_718, %parallel_loop3A_719], %parallel_loop3A_722 {strides = array<i32>} : memref<4x32x768xf32, #tpu.memory_space<vmem>>, vector<1x1x16xf32>,
        %parallel_loop3A_723 = arith.constant 3 : i32
        %parallel_loop3A_724 = arith.index_cast %parallel_loop3A_723 : i32 to index
        %parallel_loop3A_725 = arith.index_cast %parallel_loop3A_306 : i32 to index
        %parallel_loop3A_726 = arith.constant 416 : index
        %parallel_loop3A_727 = tpu.vector_load %arg6[%parallel_loop3A_724, %parallel_loop3A_725, %parallel_loop3A_726] {strides = array<i32>} : memref<4x32x768xf32, #tpu.memory_space<vmem>>, vector<1x1x16xf32>,
        %parallel_loop3A_728 = vector.shape_cast %parallel_loop3A_727 : vector<1x1x16xf32> to vector<16xf32>
        %parallel_loop3A_729 = arith.constant 27.7128124 : f32
        %parallel_loop3A_730 = vector.broadcast %parallel_loop3A_729 : f32 to vector<16xf32>
        %parallel_loop3A_731 = arith.mulf %parallel_loop3A_728, %parallel_loop3A_730 : vector<16xf32>
        %parallel_loop3A_732 = arith.constant 3 : i32
        %parallel_loop3A_733 = arith.index_cast %parallel_loop3A_732 : i32 to index
        %parallel_loop3A_734 = arith.index_cast %parallel_loop3A_306 : i32 to index
        %parallel_loop3A_735 = arith.constant 416 : index
        %parallel_loop3A_736 = tpu.vector_load %arg6[%parallel_loop3A_733, %parallel_loop3A_734, %parallel_loop3A_735] {strides = array<i32>} : memref<4x32x768xf32, #tpu.memory_space<vmem>>, vector<1x1x16xf32>,
        %parallel_loop3A_737 = vector.shape_cast %parallel_loop3A_736 : vector<1x1x16xf32> to vector<16xf32>
        %parallel_loop3A_738 = vector.shape_cast %parallel_loop3A_731 : vector<16xf32> to vector<1x1x16xf32>
        tpu.vector_store %arg6[%parallel_loop3A_733, %parallel_loop3A_734, %parallel_loop3A_735], %parallel_loop3A_738 {strides = array<i32>} : memref<4x32x768xf32, #tpu.memory_space<vmem>>, vector<1x1x16xf32>,
        %parallel_loop3A_739 = arith.constant 3 : i32
        %parallel_loop3A_740 = arith.index_cast %parallel_loop3A_739 : i32 to index
        %parallel_loop3A_741 = arith.index_cast %parallel_loop3A_306 : i32 to index
        %parallel_loop3A_742 = arith.constant 432 : index
        %parallel_loop3A_743 = tpu.vector_load %arg6[%parallel_loop3A_740, %parallel_loop3A_741, %parallel_loop3A_742] {strides = array<i32>} : memref<4x32x768xf32, #tpu.memory_space<vmem>>, vector<1x1x16xf32>,
        %parallel_loop3A_744 = vector.shape_cast %parallel_loop3A_743 : vector<1x1x16xf32> to vector<16xf32>
        %parallel_loop3A_745 = arith.constant 27.7128124 : f32
        %parallel_loop3A_746 = vector.broadcast %parallel_loop3A_745 : f32 to vector<16xf32>
        %parallel_loop3A_747 = arith.mulf %parallel_loop3A_744, %parallel_loop3A_746 : vector<16xf32>
        %parallel_loop3A_748 = arith.constant 3 : i32
        %parallel_loop3A_749 = arith.index_cast %parallel_loop3A_748 : i32 to index
        %parallel_loop3A_750 = arith.index_cast %parallel_loop3A_306 : i32 to index
        %parallel_loop3A_751 = arith.constant 432 : index
        %parallel_loop3A_752 = tpu.vector_load %arg6[%parallel_loop3A_749, %parallel_loop3A_750, %parallel_loop3A_751] {strides = array<i32>} : memref<4x32x768xf32, #tpu.memory_space<vmem>>, vector<1x1x16xf32>,
        %parallel_loop3A_753 = vector.shape_cast %parallel_loop3A_752 : vector<1x1x16xf32> to vector<16xf32>
        %parallel_loop3A_754 = vector.shape_cast %parallel_loop3A_747 : vector<16xf32> to vector<1x1x16xf32>
        tpu.vector_store %arg6[%parallel_loop3A_749, %parallel_loop3A_750, %parallel_loop3A_751], %parallel_loop3A_754 {strides = array<i32>} : memref<4x32x768xf32, #tpu.memory_space<vmem>>, vector<1x1x16xf32>,
        %parallel_loop3A_755 = arith.constant 3 : i32
        %parallel_loop3A_756 = arith.index_cast %parallel_loop3A_755 : i32 to index
        %parallel_loop3A_757 = arith.index_cast %parallel_loop3A_306 : i32 to index
        %parallel_loop3A_758 = arith.constant 448 : index
        %parallel_loop3A_759 = tpu.vector_load %arg6[%parallel_loop3A_756, %parallel_loop3A_757, %parallel_loop3A_758] {strides = array<i32>} : memref<4x32x768xf32, #tpu.memory_space<vmem>>, vector<1x1x16xf32>,
        %parallel_loop3A_760 = vector.shape_cast %parallel_loop3A_759 : vector<1x1x16xf32> to vector<16xf32>
        %parallel_loop3A_761 = arith.constant 27.7128124 : f32
        %parallel_loop3A_762 = vector.broadcast %parallel_loop3A_761 : f32 to vector<16xf32>
        %parallel_loop3A_763 = arith.mulf %parallel_loop3A_760, %parallel_loop3A_762 : vector<16xf32>
        %parallel_loop3A_764 = arith.constant 3 : i32
        %parallel_loop3A_765 = arith.index_cast %parallel_loop3A_764 : i32 to index
        %parallel_loop3A_766 = arith.index_cast %parallel_loop3A_306 : i32 to index
        %parallel_loop3A_767 = arith.constant 448 : index
        %parallel_loop3A_768 = tpu.vector_load %arg6[%parallel_loop3A_765, %parallel_loop3A_766, %parallel_loop3A_767] {strides = array<i32>} : memref<4x32x768xf32, #tpu.memory_space<vmem>>, vector<1x1x16xf32>,
        %parallel_loop3A_769 = vector.shape_cast %parallel_loop3A_768 : vector<1x1x16xf32> to vector<16xf32>
        %parallel_loop3A_770 = vector.shape_cast %parallel_loop3A_763 : vector<16xf32> to vector<1x1x16xf32>
        tpu.vector_store %arg6[%parallel_loop3A_765, %parallel_loop3A_766, %parallel_loop3A_767], %parallel_loop3A_770 {strides = array<i32>} : memref<4x32x768xf32, #tpu.memory_space<vmem>>, vector<1x1x16xf32>,
        %parallel_loop3A_771 = arith.constant 3 : i32
        %parallel_loop3A_772 = arith.index_cast %parallel_loop3A_771 : i32 to index
        %parallel_loop3A_773 = arith.index_cast %parallel_loop3A_306 : i32 to index
        %parallel_loop3A_774 = arith.constant 464 : index
        %parallel_loop3A_775 = tpu.vector_load %arg6[%parallel_loop3A_772, %parallel_loop3A_773, %parallel_loop3A_774] {strides = array<i32>} : memref<4x32x768xf32, #tpu.memory_space<vmem>>, vector<1x1x16xf32>,
        %parallel_loop3A_776 = vector.shape_cast %parallel_loop3A_775 : vector<1x1x16xf32> to vector<16xf32>
        %parallel_loop3A_777 = arith.constant 27.7128124 : f32
        %parallel_loop3A_778 = vector.broadcast %parallel_loop3A_777 : f32 to vector<16xf32>
        %parallel_loop3A_779 = arith.mulf %parallel_loop3A_776, %parallel_loop3A_778 : vector<16xf32>
        %parallel_loop3A_780 = arith.constant 3 : i32
        %parallel_loop3A_781 = arith.index_cast %parallel_loop3A_780 : i32 to index
        %parallel_loop3A_782 = arith.index_cast %parallel_loop3A_306 : i32 to index
        %parallel_loop3A_783 = arith.constant 464 : index
        %parallel_loop3A_784 = tpu.vector_load %arg6[%parallel_loop3A_781, %parallel_loop3A_782, %parallel_loop3A_783] {strides = array<i32>} : memref<4x32x768xf32, #tpu.memory_space<vmem>>, vector<1x1x16xf32>,
        %parallel_loop3A_785 = vector.shape_cast %parallel_loop3A_784 : vector<1x1x16xf32> to vector<16xf32>
        %parallel_loop3A_786 = vector.shape_cast %parallel_loop3A_779 : vector<16xf32> to vector<1x1x16xf32>
        tpu.vector_store %arg6[%parallel_loop3A_781, %parallel_loop3A_782, %parallel_loop3A_783], %parallel_loop3A_786 {strides = array<i32>} : memref<4x32x768xf32, #tpu.memory_space<vmem>>, vector<1x1x16xf32>,
        %parallel_loop3A_787 = arith.constant 3 : i32
        %parallel_loop3A_788 = arith.index_cast %parallel_loop3A_787 : i32 to index
        %parallel_loop3A_789 = arith.index_cast %parallel_loop3A_306 : i32 to index
        %parallel_loop3A_790 = arith.constant 480 : index
        %parallel_loop3A_791 = tpu.vector_load %arg6[%parallel_loop3A_788, %parallel_loop3A_789, %parallel_loop3A_790] {strides = array<i32>} : memref<4x32x768xf32, #tpu.memory_space<vmem>>, vector<1x1x16xf32>,
        %parallel_loop3A_792 = vector.shape_cast %parallel_loop3A_791 : vector<1x1x16xf32> to vector<16xf32>
        %parallel_loop3A_793 = arith.constant 27.7128124 : f32
        %parallel_loop3A_794 = vector.broadcast %parallel_loop3A_793 : f32 to vector<16xf32>
        %parallel_loop3A_795 = arith.mulf %parallel_loop3A_792, %parallel_loop3A_794 : vector<16xf32>
        %parallel_loop3A_796 = arith.constant 3 : i32
        %parallel_loop3A_797 = arith.index_cast %parallel_loop3A_796 : i32 to index
        %parallel_loop3A_798 = arith.index_cast %parallel_loop3A_306 : i32 to index
        %parallel_loop3A_799 = arith.constant 480 : index
        %parallel_loop3A_800 = tpu.vector_load %arg6[%parallel_loop3A_797, %parallel_loop3A_798, %parallel_loop3A_799] {strides = array<i32>} : memref<4x32x768xf32, #tpu.memory_space<vmem>>, vector<1x1x16xf32>,
        %parallel_loop3A_801 = vector.shape_cast %parallel_loop3A_800 : vector<1x1x16xf32> to vector<16xf32>
        %parallel_loop3A_802 = vector.shape_cast %parallel_loop3A_795 : vector<16xf32> to vector<1x1x16xf32>
        tpu.vector_store %arg6[%parallel_loop3A_797, %parallel_loop3A_798, %parallel_loop3A_799], %parallel_loop3A_802 {strides = array<i32>} : memref<4x32x768xf32, #tpu.memory_space<vmem>>, vector<1x1x16xf32>,
        %parallel_loop3A_803 = arith.constant 3 : i32
        %parallel_loop3A_804 = arith.index_cast %parallel_loop3A_803 : i32 to index
        %parallel_loop3A_805 = arith.index_cast %parallel_loop3A_306 : i32 to index
        %parallel_loop3A_806 = arith.constant 496 : index
        %parallel_loop3A_807 = tpu.vector_load %arg6[%parallel_loop3A_804, %parallel_loop3A_805, %parallel_loop3A_806] {strides = array<i32>} : memref<4x32x768xf32, #tpu.memory_space<vmem>>, vector<1x1x16xf32>,
        %parallel_loop3A_808 = vector.shape_cast %parallel_loop3A_807 : vector<1x1x16xf32> to vector<16xf32>
        %parallel_loop3A_809 = arith.constant 27.7128124 : f32
        %parallel_loop3A_810 = vector.broadcast %parallel_loop3A_809 : f32 to vector<16xf32>
        %parallel_loop3A_811 = arith.mulf %parallel_loop3A_808, %parallel_loop3A_810 : vector<16xf32>
        %parallel_loop3A_812 = arith.constant 3 : i32
        %parallel_loop3A_813 = arith.index_cast %parallel_loop3A_812 : i32 to index
        %parallel_loop3A_814 = arith.index_cast %parallel_loop3A_306 : i32 to index
        %parallel_loop3A_815 = arith.constant 496 : index
        %parallel_loop3A_816 = tpu.vector_load %arg6[%parallel_loop3A_813, %parallel_loop3A_814, %parallel_loop3A_815] {strides = array<i32>} : memref<4x32x768xf32, #tpu.memory_space<vmem>>, vector<1x1x16xf32>,
        %parallel_loop3A_817 = vector.shape_cast %parallel_loop3A_816 : vector<1x1x16xf32> to vector<16xf32>
        %parallel_loop3A_818 = vector.shape_cast %parallel_loop3A_811 : vector<16xf32> to vector<1x1x16xf32>
        tpu.vector_store %arg6[%parallel_loop3A_813, %parallel_loop3A_814, %parallel_loop3A_815], %parallel_loop3A_818 {strides = array<i32>} : memref<4x32x768xf32, #tpu.memory_space<vmem>>, vector<1x1x16xf32>,
        %parallel_loop3A_819 = arith.constant 3 : i32
        %parallel_loop3A_820 = arith.index_cast %parallel_loop3A_819 : i32 to index
        %parallel_loop3A_821 = arith.index_cast %parallel_loop3A_306 : i32 to index
        %parallel_loop3A_822 = arith.constant 512 : index
        %parallel_loop3A_823 = tpu.vector_load %arg6[%parallel_loop3A_820, %parallel_loop3A_821, %parallel_loop3A_822] {strides = array<i32>} : memref<4x32x768xf32, #tpu.memory_space<vmem>>, vector<1x1x16xf32>,
        %parallel_loop3A_824 = vector.shape_cast %parallel_loop3A_823 : vector<1x1x16xf32> to vector<16xf32>
        %parallel_loop3A_825 = arith.constant 27.7128124 : f32
        %parallel_loop3A_826 = vector.broadcast %parallel_loop3A_825 : f32 to vector<16xf32>
        %parallel_loop3A_827 = arith.mulf %parallel_loop3A_824, %parallel_loop3A_826 : vector<16xf32>
        %parallel_loop3A_828 = arith.constant 3 : i32
        %parallel_loop3A_829 = arith.index_cast %parallel_loop3A_828 : i32 to index
        %parallel_loop3A_830 = arith.index_cast %parallel_loop3A_306 : i32 to index
        %parallel_loop3A_831 = arith.constant 512 : index
        %parallel_loop3A_832 = tpu.vector_load %arg6[%parallel_loop3A_829, %parallel_loop3A_830, %parallel_loop3A_831] {strides = array<i32>} : memref<4x32x768xf32, #tpu.memory_space<vmem>>, vector<1x1x16xf32>,
        %parallel_loop3A_833 = vector.shape_cast %parallel_loop3A_832 : vector<1x1x16xf32> to vector<16xf32>
        %parallel_loop3A_834 = vector.shape_cast %parallel_loop3A_827 : vector<16xf32> to vector<1x1x16xf32>
        tpu.vector_store %arg6[%parallel_loop3A_829, %parallel_loop3A_830, %parallel_loop3A_831], %parallel_loop3A_834 {strides = array<i32>} : memref<4x32x768xf32, #tpu.memory_space<vmem>>, vector<1x1x16xf32>,
        %parallel_loop3A_835 = arith.constant 3 : i32
        %parallel_loop3A_836 = arith.index_cast %parallel_loop3A_835 : i32 to index
        %parallel_loop3A_837 = arith.index_cast %parallel_loop3A_306 : i32 to index
        %parallel_loop3A_838 = arith.constant 528 : index
        %parallel_loop3A_839 = tpu.vector_load %arg6[%parallel_loop3A_836, %parallel_loop3A_837, %parallel_loop3A_838] {strides = array<i32>} : memref<4x32x768xf32, #tpu.memory_space<vmem>>, vector<1x1x16xf32>,
        %parallel_loop3A_840 = vector.shape_cast %parallel_loop3A_839 : vector<1x1x16xf32> to vector<16xf32>
        %parallel_loop3A_841 = arith.constant 27.7128124 : f32
        %parallel_loop3A_842 = vector.broadcast %parallel_loop3A_841 : f32 to vector<16xf32>
        %parallel_loop3A_843 = arith.mulf %parallel_loop3A_840, %parallel_loop3A_842 : vector<16xf32>
        %parallel_loop3A_844 = arith.constant 3 : i32
        %parallel_loop3A_845 = arith.index_cast %parallel_loop3A_844 : i32 to index
        %parallel_loop3A_846 = arith.index_cast %parallel_loop3A_306 : i32 to index
        %parallel_loop3A_847 = arith.constant 528 : index
        %parallel_loop3A_848 = tpu.vector_load %arg6[%parallel_loop3A_845, %parallel_loop3A_846, %parallel_loop3A_847] {strides = array<i32>} : memref<4x32x768xf32, #tpu.memory_space<vmem>>, vector<1x1x16xf32>,
        %parallel_loop3A_849 = vector.shape_cast %parallel_loop3A_848 : vector<1x1x16xf32> to vector<16xf32>
        %parallel_loop3A_850 = vector.shape_cast %parallel_loop3A_843 : vector<16xf32> to vector<1x1x16xf32>
        tpu.vector_store %arg6[%parallel_loop3A_845, %parallel_loop3A_846, %parallel_loop3A_847], %parallel_loop3A_850 {strides = array<i32>} : memref<4x32x768xf32, #tpu.memory_space<vmem>>, vector<1x1x16xf32>,
        %parallel_loop3A_851 = arith.constant 3 : i32
        %parallel_loop3A_852 = arith.index_cast %parallel_loop3A_851 : i32 to index
        %parallel_loop3A_853 = arith.index_cast %parallel_loop3A_306 : i32 to index
        %parallel_loop3A_854 = arith.constant 544 : index
        %parallel_loop3A_855 = tpu.vector_load %arg6[%parallel_loop3A_852, %parallel_loop3A_853, %parallel_loop3A_854] {strides = array<i32>} : memref<4x32x768xf32, #tpu.memory_space<vmem>>, vector<1x1x16xf32>,
        %parallel_loop3A_856 = vector.shape_cast %parallel_loop3A_855 : vector<1x1x16xf32> to vector<16xf32>
        %parallel_loop3A_857 = arith.constant 27.7128124 : f32
        %parallel_loop3A_858 = vector.broadcast %parallel_loop3A_857 : f32 to vector<16xf32>
        %parallel_loop3A_859 = arith.mulf %parallel_loop3A_856, %parallel_loop3A_858 : vector<16xf32>
        %parallel_loop3A_860 = arith.constant 3 : i32
        %parallel_loop3A_861 = arith.index_cast %parallel_loop3A_860 : i32 to index
        %parallel_loop3A_862 = arith.index_cast %parallel_loop3A_306 : i32 to index
        %parallel_loop3A_863 = arith.constant 544 : index
        %parallel_loop3A_864 = tpu.vector_load %arg6[%parallel_loop3A_861, %parallel_loop3A_862, %parallel_loop3A_863] {strides = array<i32>} : memref<4x32x768xf32, #tpu.memory_space<vmem>>, vector<1x1x16xf32>,
        %parallel_loop3A_865 = vector.shape_cast %parallel_loop3A_864 : vector<1x1x16xf32> to vector<16xf32>
        %parallel_loop3A_866 = vector.shape_cast %parallel_loop3A_859 : vector<16xf32> to vector<1x1x16xf32>
        tpu.vector_store %arg6[%parallel_loop3A_861, %parallel_loop3A_862, %parallel_loop3A_863], %parallel_loop3A_866 {strides = array<i32>} : memref<4x32x768xf32, #tpu.memory_space<vmem>>, vector<1x1x16xf32>,
        %parallel_loop3A_867 = arith.constant 3 : i32
        %parallel_loop3A_868 = arith.index_cast %parallel_loop3A_867 : i32 to index
        %parallel_loop3A_869 = arith.index_cast %parallel_loop3A_306 : i32 to index
        %parallel_loop3A_870 = arith.constant 560 : index
        %parallel_loop3A_871 = tpu.vector_load %arg6[%parallel_loop3A_868, %parallel_loop3A_869, %parallel_loop3A_870] {strides = array<i32>} : memref<4x32x768xf32, #tpu.memory_space<vmem>>, vector<1x1x16xf32>,
        %parallel_loop3A_872 = vector.shape_cast %parallel_loop3A_871 : vector<1x1x16xf32> to vector<16xf32>
        %parallel_loop3A_873 = arith.constant 27.7128124 : f32
        %parallel_loop3A_874 = vector.broadcast %parallel_loop3A_873 : f32 to vector<16xf32>
        %parallel_loop3A_875 = arith.mulf %parallel_loop3A_872, %parallel_loop3A_874 : vector<16xf32>
        %parallel_loop3A_876 = arith.constant 3 : i32
        %parallel_loop3A_877 = arith.index_cast %parallel_loop3A_876 : i32 to index
        %parallel_loop3A_878 = arith.index_cast %parallel_loop3A_306 : i32 to index
        %parallel_loop3A_879 = arith.constant 560 : index
        %parallel_loop3A_880 = tpu.vector_load %arg6[%parallel_loop3A_877, %parallel_loop3A_878, %parallel_loop3A_879] {strides = array<i32>} : memref<4x32x768xf32, #tpu.memory_space<vmem>>, vector<1x1x16xf32>,
        %parallel_loop3A_881 = vector.shape_cast %parallel_loop3A_880 : vector<1x1x16xf32> to vector<16xf32>
        %parallel_loop3A_882 = vector.shape_cast %parallel_loop3A_875 : vector<16xf32> to vector<1x1x16xf32>
        tpu.vector_store %arg6[%parallel_loop3A_877, %parallel_loop3A_878, %parallel_loop3A_879], %parallel_loop3A_882 {strides = array<i32>} : memref<4x32x768xf32, #tpu.memory_space<vmem>>, vector<1x1x16xf32>,
        %parallel_loop3A_883 = arith.constant 3 : i32
        %parallel_loop3A_884 = arith.index_cast %parallel_loop3A_883 : i32 to index
        %parallel_loop3A_885 = arith.index_cast %parallel_loop3A_306 : i32 to index
        %parallel_loop3A_886 = arith.constant 576 : index
        %parallel_loop3A_887 = tpu.vector_load %arg6[%parallel_loop3A_884, %parallel_loop3A_885, %parallel_loop3A_886] {strides = array<i32>} : memref<4x32x768xf32, #tpu.memory_space<vmem>>, vector<1x1x16xf32>,
        %parallel_loop3A_888 = vector.shape_cast %parallel_loop3A_887 : vector<1x1x16xf32> to vector<16xf32>
        %parallel_loop3A_889 = arith.constant 27.7128124 : f32
        %parallel_loop3A_890 = vector.broadcast %parallel_loop3A_889 : f32 to vector<16xf32>
        %parallel_loop3A_891 = arith.mulf %parallel_loop3A_888, %parallel_loop3A_890 : vector<16xf32>
        %parallel_loop3A_892 = arith.constant 3 : i32
        %parallel_loop3A_893 = arith.index_cast %parallel_loop3A_892 : i32 to index
        %parallel_loop3A_894 = arith.index_cast %parallel_loop3A_306 : i32 to index
        %parallel_loop3A_895 = arith.constant 576 : index
        %parallel_loop3A_896 = tpu.vector_load %arg6[%parallel_loop3A_893, %parallel_loop3A_894, %parallel_loop3A_895] {strides = array<i32>} : memref<4x32x768xf32, #tpu.memory_space<vmem>>, vector<1x1x16xf32>,
        %parallel_loop3A_897 = vector.shape_cast %parallel_loop3A_896 : vector<1x1x16xf32> to vector<16xf32>
        %parallel_loop3A_898 = vector.shape_cast %parallel_loop3A_891 : vector<16xf32> to vector<1x1x16xf32>
        tpu.vector_store %arg6[%parallel_loop3A_893, %parallel_loop3A_894, %parallel_loop3A_895], %parallel_loop3A_898 {strides = array<i32>} : memref<4x32x768xf32, #tpu.memory_space<vmem>>, vector<1x1x16xf32>,
        %parallel_loop3A_899 = arith.constant 3 : i32
        %parallel_loop3A_900 = arith.index_cast %parallel_loop3A_899 : i32 to index
        %parallel_loop3A_901 = arith.index_cast %parallel_loop3A_306 : i32 to index
        %parallel_loop3A_902 = arith.constant 592 : index
        %parallel_loop3A_903 = tpu.vector_load %arg6[%parallel_loop3A_900, %parallel_loop3A_901, %parallel_loop3A_902] {strides = array<i32>} : memref<4x32x768xf32, #tpu.memory_space<vmem>>, vector<1x1x16xf32>,
        %parallel_loop3A_904 = vector.shape_cast %parallel_loop3A_903 : vector<1x1x16xf32> to vector<16xf32>
        %parallel_loop3A_905 = arith.constant 27.7128124 : f32
        %parallel_loop3A_906 = vector.broadcast %parallel_loop3A_905 : f32 to vector<16xf32>
        %parallel_loop3A_907 = arith.mulf %parallel_loop3A_904, %parallel_loop3A_906 : vector<16xf32>
        %parallel_loop3A_908 = arith.constant 3 : i32
        %parallel_loop3A_909 = arith.index_cast %parallel_loop3A_908 : i32 to index
        %parallel_loop3A_910 = arith.index_cast %parallel_loop3A_306 : i32 to index
        %parallel_loop3A_911 = arith.constant 592 : index
        %parallel_loop3A_912 = tpu.vector_load %arg6[%parallel_loop3A_909, %parallel_loop3A_910, %parallel_loop3A_911] {strides = array<i32>} : memref<4x32x768xf32, #tpu.memory_space<vmem>>, vector<1x1x16xf32>,
        %parallel_loop3A_913 = vector.shape_cast %parallel_loop3A_912 : vector<1x1x16xf32> to vector<16xf32>
        %parallel_loop3A_914 = vector.shape_cast %parallel_loop3A_907 : vector<16xf32> to vector<1x1x16xf32>
        tpu.vector_store %arg6[%parallel_loop3A_909, %parallel_loop3A_910, %parallel_loop3A_911], %parallel_loop3A_914 {strides = array<i32>} : memref<4x32x768xf32, #tpu.memory_space<vmem>>, vector<1x1x16xf32>,
        %parallel_loop3A_915 = arith.constant 3 : i32
        %parallel_loop3A_916 = arith.index_cast %parallel_loop3A_915 : i32 to index
        %parallel_loop3A_917 = arith.index_cast %parallel_loop3A_306 : i32 to index
        %parallel_loop3A_918 = arith.constant 608 : index
        %parallel_loop3A_919 = tpu.vector_load %arg6[%parallel_loop3A_916, %parallel_loop3A_917, %parallel_loop3A_918] {strides = array<i32>} : memref<4x32x768xf32, #tpu.memory_space<vmem>>, vector<1x1x16xf32>,
        %parallel_loop3A_920 = vector.shape_cast %parallel_loop3A_919 : vector<1x1x16xf32> to vector<16xf32>
        %parallel_loop3A_921 = arith.constant 27.7128124 : f32
        %parallel_loop3A_922 = vector.broadcast %parallel_loop3A_921 : f32 to vector<16xf32>
        %parallel_loop3A_923 = arith.mulf %parallel_loop3A_920, %parallel_loop3A_922 : vector<16xf32>
        %parallel_loop3A_924 = arith.constant 3 : i32
        %parallel_loop3A_925 = arith.index_cast %parallel_loop3A_924 : i32 to index
        %parallel_loop3A_926 = arith.index_cast %parallel_loop3A_306 : i32 to index
        %parallel_loop3A_927 = arith.constant 608 : index
        %parallel_loop3A_928 = tpu.vector_load %arg6[%parallel_loop3A_925, %parallel_loop3A_926, %parallel_loop3A_927] {strides = array<i32>} : memref<4x32x768xf32, #tpu.memory_space<vmem>>, vector<1x1x16xf32>,
        %parallel_loop3A_929 = vector.shape_cast %parallel_loop3A_928 : vector<1x1x16xf32> to vector<16xf32>
        %parallel_loop3A_930 = vector.shape_cast %parallel_loop3A_923 : vector<16xf32> to vector<1x1x16xf32>
        tpu.vector_store %arg6[%parallel_loop3A_925, %parallel_loop3A_926, %parallel_loop3A_927], %parallel_loop3A_930 {strides = array<i32>} : memref<4x32x768xf32, #tpu.memory_space<vmem>>, vector<1x1x16xf32>,
        %parallel_loop3A_931 = arith.constant 3 : i32
        %parallel_loop3A_932 = arith.index_cast %parallel_loop3A_931 : i32 to index
        %parallel_loop3A_933 = arith.index_cast %parallel_loop3A_306 : i32 to index
        %parallel_loop3A_934 = arith.constant 624 : index
        %parallel_loop3A_935 = tpu.vector_load %arg6[%parallel_loop3A_932, %parallel_loop3A_933, %parallel_loop3A_934] {strides = array<i32>} : memref<4x32x768xf32, #tpu.memory_space<vmem>>, vector<1x1x16xf32>,
        %parallel_loop3A_936 = vector.shape_cast %parallel_loop3A_935 : vector<1x1x16xf32> to vector<16xf32>
        %parallel_loop3A_937 = arith.constant 27.7128124 : f32
        %parallel_loop3A_938 = vector.broadcast %parallel_loop3A_937 : f32 to vector<16xf32>
        %parallel_loop3A_939 = arith.mulf %parallel_loop3A_936, %parallel_loop3A_938 : vector<16xf32>
        %parallel_loop3A_940 = arith.constant 3 : i32
        %parallel_loop3A_941 = arith.index_cast %parallel_loop3A_940 : i32 to index
        %parallel_loop3A_942 = arith.index_cast %parallel_loop3A_306 : i32 to index
        %parallel_loop3A_943 = arith.constant 624 : index
        %parallel_loop3A_944 = tpu.vector_load %arg6[%parallel_loop3A_941, %parallel_loop3A_942, %parallel_loop3A_943] {strides = array<i32>} : memref<4x32x768xf32, #tpu.memory_space<vmem>>, vector<1x1x16xf32>,
        %parallel_loop3A_945 = vector.shape_cast %parallel_loop3A_944 : vector<1x1x16xf32> to vector<16xf32>
        %parallel_loop3A_946 = vector.shape_cast %parallel_loop3A_939 : vector<16xf32> to vector<1x1x16xf32>
        tpu.vector_store %arg6[%parallel_loop3A_941, %parallel_loop3A_942, %parallel_loop3A_943], %parallel_loop3A_946 {strides = array<i32>} : memref<4x32x768xf32, #tpu.memory_space<vmem>>, vector<1x1x16xf32>,
        %parallel_loop3A_947 = arith.constant 3 : i32
        %parallel_loop3A_948 = arith.index_cast %parallel_loop3A_947 : i32 to index
        %parallel_loop3A_949 = arith.index_cast %parallel_loop3A_306 : i32 to index
        %parallel_loop3A_950 = arith.constant 640 : index
        %parallel_loop3A_951 = tpu.vector_load %arg6[%parallel_loop3A_948, %parallel_loop3A_949, %parallel_loop3A_950] {strides = array<i32>} : memref<4x32x768xf32, #tpu.memory_space<vmem>>, vector<1x1x16xf32>,
        %parallel_loop3A_952 = vector.shape_cast %parallel_loop3A_951 : vector<1x1x16xf32> to vector<16xf32>
        %parallel_loop3A_953 = arith.constant 27.7128124 : f32
        %parallel_loop3A_954 = vector.broadcast %parallel_loop3A_953 : f32 to vector<16xf32>
        %parallel_loop3A_955 = arith.mulf %parallel_loop3A_952, %parallel_loop3A_954 : vector<16xf32>
        %parallel_loop3A_956 = arith.constant 3 : i32
        %parallel_loop3A_957 = arith.index_cast %parallel_loop3A_956 : i32 to index
        %parallel_loop3A_958 = arith.index_cast %parallel_loop3A_306 : i32 to index
        %parallel_loop3A_959 = arith.constant 640 : index
        %parallel_loop3A_960 = tpu.vector_load %arg6[%parallel_loop3A_957, %parallel_loop3A_958, %parallel_loop3A_959] {strides = array<i32>} : memref<4x32x768xf32, #tpu.memory_space<vmem>>, vector<1x1x16xf32>,
        %parallel_loop3A_961 = vector.shape_cast %parallel_loop3A_960 : vector<1x1x16xf32> to vector<16xf32>
        %parallel_loop3A_962 = vector.shape_cast %parallel_loop3A_955 : vector<16xf32> to vector<1x1x16xf32>
        tpu.vector_store %arg6[%parallel_loop3A_957, %parallel_loop3A_958, %parallel_loop3A_959], %parallel_loop3A_962 {strides = array<i32>} : memref<4x32x768xf32, #tpu.memory_space<vmem>>, vector<1x1x16xf32>,
        %parallel_loop3A_963 = arith.constant 3 : i32
        %parallel_loop3A_964 = arith.index_cast %parallel_loop3A_963 : i32 to index
        %parallel_loop3A_965 = arith.index_cast %parallel_loop3A_306 : i32 to index
        %parallel_loop3A_966 = arith.constant 656 : index
        %parallel_loop3A_967 = tpu.vector_load %arg6[%parallel_loop3A_964, %parallel_loop3A_965, %parallel_loop3A_966] {strides = array<i32>} : memref<4x32x768xf32, #tpu.memory_space<vmem>>, vector<1x1x16xf32>,
        %parallel_loop3A_968 = vector.shape_cast %parallel_loop3A_967 : vector<1x1x16xf32> to vector<16xf32>
        %parallel_loop3A_969 = arith.constant 27.7128124 : f32
        %parallel_loop3A_970 = vector.broadcast %parallel_loop3A_969 : f32 to vector<16xf32>
        %parallel_loop3A_971 = arith.mulf %parallel_loop3A_968, %parallel_loop3A_970 : vector<16xf32>
        %parallel_loop3A_972 = arith.constant 3 : i32
        %parallel_loop3A_973 = arith.index_cast %parallel_loop3A_972 : i32 to index
        %parallel_loop3A_974 = arith.index_cast %parallel_loop3A_306 : i32 to index
        %parallel_loop3A_975 = arith.constant 656 : index
        %parallel_loop3A_976 = tpu.vector_load %arg6[%parallel_loop3A_973, %parallel_loop3A_974, %parallel_loop3A_975] {strides = array<i32>} : memref<4x32x768xf32, #tpu.memory_space<vmem>>, vector<1x1x16xf32>,
        %parallel_loop3A_977 = vector.shape_cast %parallel_loop3A_976 : vector<1x1x16xf32> to vector<16xf32>
        %parallel_loop3A_978 = vector.shape_cast %parallel_loop3A_971 : vector<16xf32> to vector<1x1x16xf32>
        tpu.vector_store %arg6[%parallel_loop3A_973, %parallel_loop3A_974, %parallel_loop3A_975], %parallel_loop3A_978 {strides = array<i32>} : memref<4x32x768xf32, #tpu.memory_space<vmem>>, vector<1x1x16xf32>,
        %parallel_loop3A_979 = arith.constant 3 : i32
        %parallel_loop3A_980 = arith.index_cast %parallel_loop3A_979 : i32 to index
        %parallel_loop3A_981 = arith.index_cast %parallel_loop3A_306 : i32 to index
        %parallel_loop3A_982 = arith.constant 672 : index
        %parallel_loop3A_983 = tpu.vector_load %arg6[%parallel_loop3A_980, %parallel_loop3A_981, %parallel_loop3A_982] {strides = array<i32>} : memref<4x32x768xf32, #tpu.memory_space<vmem>>, vector<1x1x16xf32>,
        %parallel_loop3A_984 = vector.shape_cast %parallel_loop3A_983 : vector<1x1x16xf32> to vector<16xf32>
        %parallel_loop3A_985 = arith.constant 27.7128124 : f32
        %parallel_loop3A_986 = vector.broadcast %parallel_loop3A_985 : f32 to vector<16xf32>
        %parallel_loop3A_987 = arith.mulf %parallel_loop3A_984, %parallel_loop3A_986 : vector<16xf32>
        %parallel_loop3A_988 = arith.constant 3 : i32
        %parallel_loop3A_989 = arith.index_cast %parallel_loop3A_988 : i32 to index
        %parallel_loop3A_990 = arith.index_cast %parallel_loop3A_306 : i32 to index
        %parallel_loop3A_991 = arith.constant 672 : index
        %parallel_loop3A_992 = tpu.vector_load %arg6[%parallel_loop3A_989, %parallel_loop3A_990, %parallel_loop3A_991] {strides = array<i32>} : memref<4x32x768xf32, #tpu.memory_space<vmem>>, vector<1x1x16xf32>,
        %parallel_loop3A_993 = vector.shape_cast %parallel_loop3A_992 : vector<1x1x16xf32> to vector<16xf32>
        %parallel_loop3A_994 = vector.shape_cast %parallel_loop3A_987 : vector<16xf32> to vector<1x1x16xf32>
        tpu.vector_store %arg6[%parallel_loop3A_989, %parallel_loop3A_990, %parallel_loop3A_991], %parallel_loop3A_994 {strides = array<i32>} : memref<4x32x768xf32, #tpu.memory_space<vmem>>, vector<1x1x16xf32>,
        %parallel_loop3A_995 = arith.constant 3 : i32
        %parallel_loop3A_996 = arith.index_cast %parallel_loop3A_995 : i32 to index
        %parallel_loop3A_997 = arith.index_cast %parallel_loop3A_306 : i32 to index
        %parallel_loop3A_998 = arith.constant 688 : index
        %parallel_loop3A_999 = tpu.vector_load %arg6[%parallel_loop3A_996, %parallel_loop3A_997, %parallel_loop3A_998] {strides = array<i32>} : memref<4x32x768xf32, #tpu.memory_space<vmem>>, vector<1x1x16xf32>,
        %parallel_loop3A_1000 = vector.shape_cast %parallel_loop3A_999 : vector<1x1x16xf32> to vector<16xf32>
        %parallel_loop3A_1001 = arith.constant 27.7128124 : f32
        %parallel_loop3A_1002 = vector.broadcast %parallel_loop3A_1001 : f32 to vector<16xf32>
        %parallel_loop3A_1003 = arith.mulf %parallel_loop3A_1000, %parallel_loop3A_1002 : vector<16xf32>
        %parallel_loop3A_1004 = arith.constant 3 : i32
        %parallel_loop3A_1005 = arith.index_cast %parallel_loop3A_1004 : i32 to index
        %parallel_loop3A_1006 = arith.index_cast %parallel_loop3A_306 : i32 to index
        %parallel_loop3A_1007 = arith.constant 688 : index
        %parallel_loop3A_1008 = tpu.vector_load %arg6[%parallel_loop3A_1005, %parallel_loop3A_1006, %parallel_loop3A_1007] {strides = array<i32>} : memref<4x32x768xf32, #tpu.memory_space<vmem>>, vector<1x1x16xf32>,
        %parallel_loop3A_1009 = vector.shape_cast %parallel_loop3A_1008 : vector<1x1x16xf32> to vector<16xf32>
        %parallel_loop3A_1010 = vector.shape_cast %parallel_loop3A_1003 : vector<16xf32> to vector<1x1x16xf32>
        tpu.vector_store %arg6[%parallel_loop3A_1005, %parallel_loop3A_1006, %parallel_loop3A_1007], %parallel_loop3A_1010 {strides = array<i32>} : memref<4x32x768xf32, #tpu.memory_space<vmem>>, vector<1x1x16xf32>,
        %parallel_loop3A_1011 = arith.constant 3 : i32
        %parallel_loop3A_1012 = arith.index_cast %parallel_loop3A_1011 : i32 to index
        %parallel_loop3A_1013 = arith.index_cast %parallel_loop3A_306 : i32 to index
        %parallel_loop3A_1014 = arith.constant 704 : index
        %parallel_loop3A_1015 = tpu.vector_load %arg6[%parallel_loop3A_1012, %parallel_loop3A_1013, %parallel_loop3A_1014] {strides = array<i32>} : memref<4x32x768xf32, #tpu.memory_space<vmem>>, vector<1x1x16xf32>,
        %parallel_loop3A_1016 = vector.shape_cast %parallel_loop3A_1015 : vector<1x1x16xf32> to vector<16xf32>
        %parallel_loop3A_1017 = arith.constant 27.7128124 : f32
        %parallel_loop3A_1018 = vector.broadcast %parallel_loop3A_1017 : f32 to vector<16xf32>
        %parallel_loop3A_1019 = arith.mulf %parallel_loop3A_1016, %parallel_loop3A_1018 : vector<16xf32>
        %parallel_loop3A_1020 = arith.constant 3 : i32
        %parallel_loop3A_1021 = arith.index_cast %parallel_loop3A_1020 : i32 to index
        %parallel_loop3A_1022 = arith.index_cast %parallel_loop3A_306 : i32 to index
        %parallel_loop3A_1023 = arith.constant 704 : index
        %parallel_loop3A_1024 = tpu.vector_load %arg6[%parallel_loop3A_1021, %parallel_loop3A_1022, %parallel_loop3A_1023] {strides = array<i32>} : memref<4x32x768xf32, #tpu.memory_space<vmem>>, vector<1x1x16xf32>,
        %parallel_loop3A_1025 = vector.shape_cast %parallel_loop3A_1024 : vector<1x1x16xf32> to vector<16xf32>
        %parallel_loop3A_1026 = vector.shape_cast %parallel_loop3A_1019 : vector<16xf32> to vector<1x1x16xf32>
        tpu.vector_store %arg6[%parallel_loop3A_1021, %parallel_loop3A_1022, %parallel_loop3A_1023], %parallel_loop3A_1026 {strides = array<i32>} : memref<4x32x768xf32, #tpu.memory_space<vmem>>, vector<1x1x16xf32>,
        %parallel_loop3A_1027 = arith.constant 3 : i32
        %parallel_loop3A_1028 = arith.index_cast %parallel_loop3A_1027 : i32 to index
        %parallel_loop3A_1029 = arith.index_cast %parallel_loop3A_306 : i32 to index
        %parallel_loop3A_1030 = arith.constant 720 : index
        %parallel_loop3A_1031 = tpu.vector_load %arg6[%parallel_loop3A_1028, %parallel_loop3A_1029, %parallel_loop3A_1030] {strides = array<i32>} : memref<4x32x768xf32, #tpu.memory_space<vmem>>, vector<1x1x16xf32>,
        %parallel_loop3A_1032 = vector.shape_cast %parallel_loop3A_1031 : vector<1x1x16xf32> to vector<16xf32>
        %parallel_loop3A_1033 = arith.constant 27.7128124 : f32
        %parallel_loop3A_1034 = vector.broadcast %parallel_loop3A_1033 : f32 to vector<16xf32>
        %parallel_loop3A_1035 = arith.mulf %parallel_loop3A_1032, %parallel_loop3A_1034 : vector<16xf32>
        %parallel_loop3A_1036 = arith.constant 3 : i32
        %parallel_loop3A_1037 = arith.index_cast %parallel_loop3A_1036 : i32 to index
        %parallel_loop3A_1038 = arith.index_cast %parallel_loop3A_306 : i32 to index
        %parallel_loop3A_1039 = arith.constant 720 : index
        %parallel_loop3A_1040 = tpu.vector_load %arg6[%parallel_loop3A_1037, %parallel_loop3A_1038, %parallel_loop3A_1039] {strides = array<i32>} : memref<4x32x768xf32, #tpu.memory_space<vmem>>, vector<1x1x16xf32>,
        %parallel_loop3A_1041 = vector.shape_cast %parallel_loop3A_1040 : vector<1x1x16xf32> to vector<16xf32>
        %parallel_loop3A_1042 = vector.shape_cast %parallel_loop3A_1035 : vector<16xf32> to vector<1x1x16xf32>
        tpu.vector_store %arg6[%parallel_loop3A_1037, %parallel_loop3A_1038, %parallel_loop3A_1039], %parallel_loop3A_1042 {strides = array<i32>} : memref<4x32x768xf32, #tpu.memory_space<vmem>>, vector<1x1x16xf32>,
        %parallel_loop3A_1043 = arith.constant 3 : i32
        %parallel_loop3A_1044 = arith.index_cast %parallel_loop3A_1043 : i32 to index
        %parallel_loop3A_1045 = arith.index_cast %parallel_loop3A_306 : i32 to index
        %parallel_loop3A_1046 = arith.constant 736 : index
        %parallel_loop3A_1047 = tpu.vector_load %arg6[%parallel_loop3A_1044, %parallel_loop3A_1045, %parallel_loop3A_1046] {strides = array<i32>} : memref<4x32x768xf32, #tpu.memory_space<vmem>>, vector<1x1x16xf32>,
        %parallel_loop3A_1048 = vector.shape_cast %parallel_loop3A_1047 : vector<1x1x16xf32> to vector<16xf32>
        %parallel_loop3A_1049 = arith.constant 27.7128124 : f32
        %parallel_loop3A_1050 = vector.broadcast %parallel_loop3A_1049 : f32 to vector<16xf32>
        %parallel_loop3A_1051 = arith.mulf %parallel_loop3A_1048, %parallel_loop3A_1050 : vector<16xf32>
        %parallel_loop3A_1052 = arith.constant 3 : i32
        %parallel_loop3A_1053 = arith.index_cast %parallel_loop3A_1052 : i32 to index
        %parallel_loop3A_1054 = arith.index_cast %parallel_loop3A_306 : i32 to index
        %parallel_loop3A_1055 = arith.constant 736 : index
        %parallel_loop3A_1056 = tpu.vector_load %arg6[%parallel_loop3A_1053, %parallel_loop3A_1054, %parallel_loop3A_1055] {strides = array<i32>} : memref<4x32x768xf32, #tpu.memory_space<vmem>>, vector<1x1x16xf32>,
        %parallel_loop3A_1057 = vector.shape_cast %parallel_loop3A_1056 : vector<1x1x16xf32> to vector<16xf32>
        %parallel_loop3A_1058 = vector.shape_cast %parallel_loop3A_1051 : vector<16xf32> to vector<1x1x16xf32>
        tpu.vector_store %arg6[%parallel_loop3A_1053, %parallel_loop3A_1054, %parallel_loop3A_1055], %parallel_loop3A_1058 {strides = array<i32>} : memref<4x32x768xf32, #tpu.memory_space<vmem>>, vector<1x1x16xf32>,
        %parallel_loop3A_1059 = arith.constant 3 : i32
        %parallel_loop3A_1060 = arith.index_cast %parallel_loop3A_1059 : i32 to index
        %parallel_loop3A_1061 = arith.index_cast %parallel_loop3A_306 : i32 to index
        %parallel_loop3A_1062 = arith.constant 752 : index
        %parallel_loop3A_1063 = tpu.vector_load %arg6[%parallel_loop3A_1060, %parallel_loop3A_1061, %parallel_loop3A_1062] {strides = array<i32>} : memref<4x32x768xf32, #tpu.memory_space<vmem>>, vector<1x1x16xf32>,
        %parallel_loop3A_1064 = vector.shape_cast %parallel_loop3A_1063 : vector<1x1x16xf32> to vector<16xf32>
        %parallel_loop3A_1065 = arith.constant 27.7128124 : f32
        %parallel_loop3A_1066 = vector.broadcast %parallel_loop3A_1065 : f32 to vector<16xf32>
        %parallel_loop3A_1067 = arith.mulf %parallel_loop3A_1064, %parallel_loop3A_1066 : vector<16xf32>
        %parallel_loop3A_1068 = arith.constant 3 : i32
        %parallel_loop3A_1069 = arith.index_cast %parallel_loop3A_1068 : i32 to index
        %parallel_loop3A_1070 = arith.index_cast %parallel_loop3A_306 : i32 to index
        %parallel_loop3A_1071 = arith.constant 752 : index
        %parallel_loop3A_1072 = tpu.vector_load %arg6[%parallel_loop3A_1069, %parallel_loop3A_1070, %parallel_loop3A_1071] {strides = array<i32>} : memref<4x32x768xf32, #tpu.memory_space<vmem>>, vector<1x1x16xf32>,
        %parallel_loop3A_1073 = vector.shape_cast %parallel_loop3A_1072 : vector<1x1x16xf32> to vector<16xf32>
        %parallel_loop3A_1074 = vector.shape_cast %parallel_loop3A_1067 : vector<16xf32> to vector<1x1x16xf32>
        tpu.vector_store %arg6[%parallel_loop3A_1069, %parallel_loop3A_1070, %parallel_loop3A_1071], %parallel_loop3A_1074 {strides = array<i32>} : memref<4x32x768xf32, #tpu.memory_space<vmem>>, vector<1x1x16xf32>,
      } {sc.loop_unroll_factor = 1 : i64, sc.parallel_access}
      %mul3A_290 = arith.constant 32 : i32
      %mul3A_291 = arith.muli %add3A_252, %mul3A_290 : i32
      %add3A_292 = arith.addi %mul3A_2, %mul3A_291 : i32
      %dma_start3A_293 = arith.constant 3 : i32
      %dma_start3A_294 = arith.constant 0 : i32
      %dma_start3A_295 = arith.constant 0 : i32
      %dma_start3A_296 = tpu.memref_slice %arg6[%dma_start3A_293, %dma_start3A_294, %dma_start3A_295] : memref<4x32x768xf32, #tpu.memory_space<vmem>> -> memref<1x32x768xf32, #tpu.memory_space<vmem>>
      %dma_start3A_297 = tpu.memref_squeeze %dma_start3A_296 : memref<1x32x768xf32, #tpu.memory_space<vmem>> -> memref<32x768xf32, #tpu.memory_space<vmem>>
      %dma_start3A_298 = arith.constant 0 : i32
      %dma_start3A_299 = tpu.memref_slice %arg4[%add3A_292, %dma_start3A_298] : memref<16384x768xf32, #tpu.memory_space<hbm>> -> memref<32x768xf32, #tpu.memory_space<hbm>>
      %dma_start3A_300 = arith.constant 0 : i32
      %dma_start3A_301 = tpu.memref_slice %arg4[%add3A_292, %dma_start3A_300] : memref<16384x768xf32, #tpu.memory_space<hbm>> -> memref<32x768xf32, #tpu.memory_space<hbm>>
      %dma_start3A_302 = arith.constant 0 : i32
      %dma_start3A_303 = arith.constant 0 : i32
      %dma_start3A_304 = tpu.memref_slice %arg6[%dma_start3A_293, %dma_start3A_302, %dma_start3A_303] : memref<4x32x768xf32, #tpu.memory_space<vmem>> -> memref<1x32x768xf32, #tpu.memory_space<vmem>>
      %dma_start3A_305 = tpu.memref_squeeze %dma_start3A_304 : memref<1x32x768xf32, #tpu.memory_space<vmem>> -> memref<32x768xf32, #tpu.memory_space<vmem>>
      tpu.enqueue_dma source(%dma_start3A_305 : memref<32x768xf32, #tpu.memory_space<vmem>>) target(%dma_start3A_301 : memref<32x768xf32, #tpu.memory_space<hbm>>) target_semaphore(%arg14 : memref<!tpu.dma_semaphore, #tpu.memory_space<semaphore_mem>>)
    }
    %scan3A_57 = arith.constant 4 : i32
    %add3A_58 = arith.constant 448 : i32
    %add3A_59 = arith.addi %mul3A_2, %add3A_58 : i32
    %dma_wait3A = arith.constant 2 : i32
    %dma_wait3A_60 = arith.constant 0 : i32
    %dma_wait3A_61 = arith.constant 0 : i32
    %dma_wait3A_62 = tpu.memref_slice %arg6[%dma_wait3A, %dma_wait3A_60, %dma_wait3A_61] : memref<4x32x768xf32, #tpu.memory_space<vmem>> -> memref<1x32x768xf32, #tpu.memory_space<vmem>>
    %dma_wait3A_63 = tpu.memref_squeeze %dma_wait3A_62 : memref<1x32x768xf32, #tpu.memory_space<vmem>> -> memref<32x768xf32, #tpu.memory_space<vmem>>
    %dma_wait3A_64 = arith.constant 0 : i32
    %dma_wait3A_65 = tpu.memref_slice %arg4[%add3A_59, %dma_wait3A_64] : memref<16384x768xf32, #tpu.memory_space<hbm>> -> memref<32x768xf32, #tpu.memory_space<hbm>>
    %dma_wait3A_66 = arith.constant 0 : i32
    %dma_wait3A_67 = tpu.memref_slice %arg4[%add3A_59, %dma_wait3A_66] : memref<16384x768xf32, #tpu.memory_space<hbm>> -> memref<32x768xf32, #tpu.memory_space<hbm>>
    %dma_wait3A_68 = arith.constant 0 : i32
    %dma_wait3A_69 = arith.constant 0 : i32
    %dma_wait3A_70 = tpu.memref_slice %arg6[%dma_wait3A, %dma_wait3A_68, %dma_wait3A_69] : memref<4x32x768xf32, #tpu.memory_space<vmem>> -> memref<1x32x768xf32, #tpu.memory_space<vmem>>
    %dma_wait3A_71 = tpu.memref_squeeze %dma_wait3A_70 : memref<1x32x768xf32, #tpu.memory_space<vmem>> -> memref<32x768xf32, #tpu.memory_space<vmem>>
    tpu.wait_dma2 semaphore(%arg13 : memref<!tpu.dma_semaphore, #tpu.memory_space<semaphore_mem>>) src(%dma_wait3A_71 : memref<32x768xf32, #tpu.memory_space<vmem>>) dst(%dma_wait3A_67 : memref<32x768xf32, #tpu.memory_space<hbm>>)
    %add3A_72 = arith.constant 480 : i32
    %add3A_73 = arith.addi %mul3A_2, %add3A_72 : i32
    %dma_wait3A_74 = arith.constant 3 : i32
    %dma_wait3A_75 = arith.constant 0 : i32
    %dma_wait3A_76 = arith.constant 0 : i32
    %dma_wait3A_77 = tpu.memref_slice %arg6[%dma_wait3A_74, %dma_wait3A_75, %dma_wait3A_76] : memref<4x32x768xf32, #tpu.memory_space<vmem>> -> memref<1x32x768xf32, #tpu.memory_space<vmem>>
    %dma_wait3A_78 = tpu.memref_squeeze %dma_wait3A_77 : memref<1x32x768xf32, #tpu.memory_space<vmem>> -> memref<32x768xf32, #tpu.memory_space<vmem>>
    %dma_wait3A_79 = arith.constant 0 : i32
    %dma_wait3A_80 = tpu.memref_slice %arg4[%add3A_73, %dma_wait3A_79] : memref<16384x768xf32, #tpu.memory_space<hbm>> -> memref<32x768xf32, #tpu.memory_space<hbm>>
    %dma_wait3A_81 = arith.constant 0 : i32
    %dma_wait3A_82 = tpu.memref_slice %arg4[%add3A_73, %dma_wait3A_81] : memref<16384x768xf32, #tpu.memory_space<hbm>> -> memref<32x768xf32, #tpu.memory_space<hbm>>
    %dma_wait3A_83 = arith.constant 0 : i32
    %dma_wait3A_84 = arith.constant 0 : i32
    %dma_wait3A_85 = tpu.memref_slice %arg6[%dma_wait3A_74, %dma_wait3A_83, %dma_wait3A_84] : memref<4x32x768xf32, #tpu.memory_space<vmem>> -> memref<1x32x768xf32, #tpu.memory_space<vmem>>
    %dma_wait3A_86 = tpu.memref_squeeze %dma_wait3A_85 : memref<1x32x768xf32, #tpu.memory_space<vmem>> -> memref<32x768xf32, #tpu.memory_space<vmem>>
    tpu.wait_dma2 semaphore(%arg14 : memref<!tpu.dma_semaphore, #tpu.memory_space<semaphore_mem>>) src(%dma_wait3A_86 : memref<32x768xf32, #tpu.memory_space<vmem>>) dst(%dma_wait3A_82 : memref<32x768xf32, #tpu.memory_space<hbm>>)
    return
  }
}

</mosaic_0001>

<sc_bundles>
// kernel: kernel.3.cloned.1.call-start
scs
__scs_entry_jumppad:
0x0: {  	(pc) =	sbr.rel $0x88, $3  }
0x1: {  	(tag) =	ssettag $0x0;
	lr =	simm.s32 $0x1  }
0x2: {  	[smem:$0x3F9F] =	sst lr;
	_ =	strace $0xD0000000  }
0x3: {  	_ = 	snop  }
0x4: {  	_ = 	snop  }
0x5: {  	_ = 	snop  }
0x6: {  	_ = 	snop  }
0x7: {  	_ = 	snop  }
__scs_overlays_trampoline_lowered:
0x8: {  	[smem:$0x3FAE] =	sst s0  }
0x9: {  	[smem:$0x3FAF] =	sst s1  }
0xa: {  	[smem:$0x3FB0] =	sst s2  }
0xb: {  	[smem:$0x3FB1] =	sst s3  }
0xc: {  	[smem:$0x3FB2] =	sst s4  }
0xd: {  	[smem:$0x3FB3] =	sst s5  }
0xe: {  	[smem:$0x3FB4] =	sst s6  }
0xf: {  	[smem:$0x3FB5] =	sst s7  }
0x10: {  	[smem:$0x3FB6] =	sst s8  }
0x11: {  	[smem:$0x3FB7] =	sst s9;
	s0 =	simm.s32 @!p0 $0x0  }
0x12: {  	s1 =	sld [smem:$0x3F9D];
	s0 =	simm.s32 @p0 $0x1  }
0x13: {  	[smem:$0x3FB8] =	sst s0;
	s0 =	simm.s32 @!p1 $0x0  }
0x14: {  	s2 =	sld [smem:$0x3F9C];
	s0 =	simm.s32 @p1 $0x1  }
0x15: {  	[smem:$0x3FB9] =	sst s0;
	s0 =	simm.s32 @!p2 $0x0  }
0x16: {  	s3 =	sld [smem:$0x3FDB];
	s0 =	simm.s32 @p2 $0x1  }
0x17: {  	s4 =	simm.s32 $0x1BF5;
	[smem:$0x3FBB] =	sst s0  }
0x18: {  	s0 =	sld [smem:$0x3F9E];
	_ =	swait.ge [sflag:s4], $0x0  }
0x19: {  	s7 =	sld [smem:$0x3F9F]  }
0x1a: {  	s8 =	sadd.s32 $0xFFFFE003, lr  }
0x1b: {  	s9 =	sadd.s32 $0xFFFFFEF7, lr;
	s5 =	simm.s32 $0xFFFFFFFF;
	p2 =	slt.u32 s8, $0xFFFFF086  }
0x1c: {  	p1 =	slt.u32 s9, $0xF7A;
	s5 =	simm.s32 @!p2 $0x0  }
0x1d: {  	s5 =	simm.s32 @p1 $0x1;
	p0 =	seq.s32 s7, s2  }
0x1e: {  	s7 =	smul.u32 @!p0 $0xF7A, s2;
	p2 =	seq.s32 @!p0 s5, $0x0  }
0x1f: {  	s9 =	smul.u32 $0xF7A, s1;
	s8 =	simm.s32 @!p0 $0x1BF5;
	p2 =	por !p2, p0  }
0x20: {  	[sflag:s8] =	ssyncset.s32 @!p0 $0xFFFFF086;
	s6 =	sadd.s32 @!p0 s3, s7;
	s7 =	simm.s32 @!p0 $0x108  }
0x21: {  	s3 =	sadd.s32 s3, s9;
	s6 =	sadd.s32 @!p0 $0x88, s6;
	s7 =	simm.s32 @p2 $0x1082  }
0x22: {  	[simem:s7], [sflag:s8] =	dma.local @!p0 [hbm:s6], $0xF7A  }
0x23: {  	s9 =	sor.u32 $0xD0000000, s2;
	s6 =	simm.s32 $0x108;
	_ =	swait.ge @!p0 [sflag:s8], $0x0  }
0x24: {  	s3 =	sadd.s32 $0x88, s3;
	s6 =	simm.s32 @!p1 $0x1082;
	[sflag:s4] =	ssyncset.s32 $0xFFFFF086  }
0x25: {  	[simem:s6], [sflag:s4] =	dma.local [hbm:s3], $0xF7A  }
0x26: {  	[smem:$0x3F9F] =	sst s1;
	(tag) =	ssettag s2;
	_ =	strace s9  }
0x27: {  	s1 =	sld [smem:$0x3FAF]  }
0x28: {  	s2 =	sld [smem:$0x3FB0]  }
0x29: {  	s4 =	sld [smem:$0x3FB2]  }
0x2a: {  	p0 =	seq.s32 s5, $0x0;
	s5 =	sld [smem:$0x3FB3]  }
0x2b: {  	s6 =	sld [smem:$0x3FB4]  }
0x2c: {  	s7 =	sld [smem:$0x3FB5]  }
0x2d: {  	s3 =	simm.s32 $0x108;
	s8 =	sld [smem:$0x3FB6]  }
0x2e: {  	s3 =	simm.s32 @!p0 $0x1082;
	s9 =	sld [smem:$0x3FB7]  }
0x2f: {  	lr =	sadd.s32 s0, s3;
	s0 =	sld [smem:$0x3FAE]  }
0x30: {  	s3 =	sld [smem:$0x3FB1]  }
0x31: {  	[smem:$0x3FBA] =	sst s10  }
0x32: {  	s10 =	sld [smem:$0x3FB8];
	_ =	sdelay $0x3  }
0x33: {  	p0 =	seq.s32 s10, $0x1;
	s10 =	sld [smem:$0x3FBA];
	_ =	sdelay $0x3  }
0x34: {  	[smem:$0x3FBA] =	sst s10  }
0x35: {  	s10 =	sld [smem:$0x3FB9];
	_ =	sdelay $0x3  }
0x36: {  	p1 =	seq.s32 s10, $0x1;
	s10 =	sld [smem:$0x3FBA];
	_ =	sdelay $0x3  }
0x37: {  	[smem:$0x3FBA] =	sst s10  }
0x38: {  	s10 =	sld [smem:$0x3FBB]  }
0x39: {  	_ = 	snop;
	(pc) =	sbr.ind lr, $3  }
0x3a: {  	_ = 	snop  }
0x3b: {  	_ = 	snop  }
0x3c: {  	p2 =	seq.s32 s10, $0x1;
	s10 =	sld [smem:$0x3FBA]  }
0x3d: {  	_ =	shalt  }
0x3e: {  	_ =	shalt  }
0x3f: {  	_ =	shalt  }
0x40: {  	_ =	shalt  }
0x41: {  	_ =	shalt  }
0x42: {  	_ =	shalt  }
0x43: {  	_ =	shalt  }
0x44: {  	_ =	shalt  }
0x45: {  	_ =	shalt  }
0x46: {  	_ =	shalt  }
0x47: {  	_ =	shalt  }
0x48: {  	_ =	shalt  }
0x49: {  	_ =	shalt  }
0x4a: {  	_ =	shalt  }
0x4b: {  	_ =	shalt  }
0x4c: {  	_ =	shalt  }
0x4d: {  	_ =	shalt  }
0x4e: {  	_ =	shalt  }
0x4f: {  	_ =	shalt  }
0x50: {  	_ =	shalt  }
0x51: {  	_ =	shalt  }
0x52: {  	_ =	shalt  }
0x53: {  	_ =	shalt  }
0x54: {  	_ =	shalt  }
0x55: {  	_ =	shalt  }
0x56: {  	_ =	shalt  }
0x57: {  	_ =	shalt  }
0x58: {  	_ =	shalt  }
0x59: {  	_ =	shalt  }
0x5a: {  	_ =	shalt  }
0x5b: {  	_ =	shalt  }
0x5c: {  	_ =	shalt  }
0x5d: {  	_ =	shalt  }
0x5e: {  	_ =	shalt  }
0x5f: {  	_ =	shalt  }
0x60: {  	_ =	shalt  }
0x61: {  	_ =	shalt  }
0x62: {  	_ =	shalt  }
0x63: {  	_ =	shalt  }
0x64: {  	_ =	shalt  }
0x65: {  	_ =	shalt  }
0x66: {  	_ =	shalt  }
0x67: {  	_ =	shalt  }
0x68: {  	_ =	shalt  }
0x69: {  	_ =	shalt  }
0x6a: {  	_ =	shalt  }
0x6b: {  	_ =	shalt  }
0x6c: {  	_ =	shalt  }
0x6d: {  	_ =	shalt  }
0x6e: {  	_ =	shalt  }
0x6f: {  	_ =	shalt  }
0x70: {  	_ =	shalt  }
0x71: {  	_ =	shalt  }
0x72: {  	_ =	shalt  }
0x73: {  	_ =	shalt  }
0x74: {  	_ =	shalt  }
0x75: {  	_ =	shalt  }
0x76: {  	_ =	shalt  }
0x77: {  	_ =	shalt  }
0x78: {  	_ =	shalt  }
0x79: {  	_ =	shalt  }
0x7a: {  	_ =	shalt  }
0x7b: {  	_ =	shalt  }
0x7c: {  	_ =	shalt  }
0x7d: {  	_ =	shalt  }
0x7e: {  	_ =	shalt  }
0x7f: {  	_ =	shalt  }
0x80: {  	_ =	shalt  }
0x81: {  	_ =	shalt  }
0x82: {  	_ =	shalt  }
0x83: {  	_ =	shalt  }
0x84: {  	_ =	shalt  }
0x85: {  	_ =	shalt  }
0x86: {  	_ =	shalt  }
0x87: {  	_ =	shalt  }
.Lfunc_end0:
.L_simem_size_0:
called_computation_lowered:
.L_overlay_start_0:
0x88: {  	s2 =	sld [smem:$0x3FD9]  }
0x89: {  	s3 =	sld [smem:$0x3FFE];
	_ =	sdelay $0x1  }
0x8a: {  	s1 =	srdreg.scid  }
0x8b: {  	s0 =	sand.u32 $0x1, s1  }
0x8c: {  	s18 =	sshll.u32 s0, $0xA;
	s2 =	sadd.s32 s3, s2  }
0x8d: {  	s2 =	sadd.s32 s2, s18  }
0x8e: {  	[smem:$0x3FC6] =	sst s2  }
0x8f: {  	_ = 	snop  }
0x90: {  	s2 =	sld [smem:$0x3FC9]  }
0x91: {  	s19 =	sld [smem:$0x3FC8]  }
0x92: {  	s4 =	sld [smem:$0x3FD0];
	(tm) =	ssettm $0x1  }
0x93: {  	s5 =	sld [smem:$0x3FFB];
	_ =	sdelay $0x3  }
0x94: {  	_ =	strace s5  }
0x95: {  	s5 =	sld [smem:$0x3FFC];
	_ =	sdelay $0x3  }
0x96: {  	_ =	strace s5  }
0x97: {  	s5 =	sld [smem:$0x3FFD];
	_ =	sdelay $0x3  }
0x98: {  	_ =	strace s5  }
0x99: {  	_ =	strace $0x8FFFFFFF  }
0x9a: {  	s20 =	sld [smem:$0x3FDB];
	_ =	sdelay $0x1  }
0x9b: {  	s6 =	simm.s32 $_scs_section_size  }
0x9c: {  	s7 =	simm.s32 $_size__tile_overlayer_lowered;
	s8 =	simm.s32 $_tile_overlayer_lowered  }
0x9d: {  	s23 =	simm.s32 $0x1BFF;
	s22 =	sshll.u32 s8, $0x1;
	s5 =	sadd.s32 s6, s20  }
0x9e: {  	s9 =	simm.s32 $0x0;
	s21 =	sshll.u32 s7, $0x1;
	s7 =	sadd.s32 s22, s5  }
0x9f: {  	[timem:s9], [sflag:s23] =	dma.local [hbm:s7], s21  }
0xa0: {  	_ =	swait.ge [sflag:s23], s21  }
0xa1: {  	s6 =	ssub.s32 $0x0, s21;
	[sflag:s23] =	ssyncset.done $0x0  }
0xa2: {  	[sflag:s23] =	ssyncadd.s32 s6;
	_ =	sdelay $0x1  }
0xa3: {  	s24 =	simm.s32 $0x1B8B  }
0xa4: {  	_ =	swait.ge [sflag:s24], $0x1  }
0xa5: {  	[sflag:s24] =	ssyncset.done $0x0  }
0xa6: {  	s25 =	simm.s32 $0x1B8E;
	[sflag:s24] =	ssyncadd.s32 $0xFFFFFFFF  }
0xa7: {  	s26 =	simm.s32 $execute0_lowered;
	[smem:$0x3FD2] =	sst s25  }
0xa8: {  	s6 =	sshll.u32 s26, $0x1;
	_ =	strace $0x80000046;
	[dreg:$0x1] =	wrdreg $0xFFFFFFFF  }
0xa9: {  	s28 =	simm.s32 $_size_execute0_lowered;
	s5 =	sadd.s32 s5, s6;
	[dreg:$0x0] =	wrdreg $0x0  }
0xaa: {  	s6 =	sshll.u32 s28, $0x1;
	[dreg:$0x2] =	wrdreg s5  }
0xab: {  	[dreg:$0x3] =	wrdreg s6  }
0xac: {  	[dreg:$0x4] =	wrdreg $0xC0  }
0xad: {  	_ =	task [dreg:s9], $0x5FFFF  }
0xae: {  	[dreg:$0x1] =	wrdreg $0xFFFFFFFF  }
0xaf: {  	[dreg:$0x0] =	wrdreg $0x60  }
0xb0: {  	[dreg:$0x2] =	wrdreg s19  }
0xb1: {  	[dreg:$0x3] =	wrdreg s2  }
0xb2: {  	[dreg:$0x4] =	wrdreg s4  }
0xb3: {  	[dreg:$0x5] =	wrdreg $0x9  }
0xb4: {  	_ =	task.clear_ibuf [dreg:s9], $0x6FFFF;
	_ =	strace $0x90000046  }
0xb5: {  	s29 =	simm.s32 $0x9;
	_ =	strace $0x80000048  }
0xb6: {  	_ =	swait.ge [sflag:s29], $0x1  }
0xb7: {  	[sflag:s29] =	ssyncadd.s32 $0xFFFFFFFF  }
0xb8: {  	_ =	strace $0x90000048  }
0xb9: {  	_ =	sfence  }
0xba: {  	s30 =	sld [smem:$0x0];
	_ =	sdelay $0x2  }
0xbb: {  	s31 =	sshll.u32 s1, $0xD;
	s1 =	sshrl.u32 s1, $0x2  }
0xbc: {  	s3 =	sand.u32 $0x4000, s31;
	s1 =	sadd.s32 s1, s30  }
0xbd: {  	s0 =	sor.u32 s3, s0;
	s1 =	sshll.u32 s1, $0x11  }
0xbe: {  	s0 =	sor.u32 s1, s0  }
0xbf: {  	s0 =	sadd.s32 $0x8F2B, s0  }
0xc0: {  	[sflag:s0] =	ssyncadd.remote.s32 $0x1  }
0xc1: {  	_ =	sfence.sel $0xFFFF  }
0xc2: {  	[dreg:$0x0] =	wrdreg $0xFFFFFFFF;
	(pc) =	sbr.abs _section_cstart, $3  }
0xc3: {  	[dreg:$0x1] =	wrdreg $0xFFFFFFFF  }
0xc4: {  	_ =	task.clear_ibuf [dreg:s9], $0x2FFFF;
	_ =	strace $0x9FFFFFFF  }
0xc5: {  	(tm) =	ssettm $0x7FFFFFFF  }
tec
execute0_lowered:
.L_overlay_start_1:
0x0: {  	(tag) =	ssettag $0x1  }
0x1: {  	s1 =	rddreg [dreg:$0x0]  }
0x2: {  	s0 =	rddreg [dreg:$0x1]  }
0x3: {  	s2 =	rddreg [dreg:$0x2];
	s4 =	simm.s32 $0x0;
	s3 =	srdreg.scid  }
0x4: {  	s8 =	stileid.u32;
	s11 =	simm.s32 $0x200;
	s24 =	simm.s32 $0x6200  }
0x5: {  	s15 =	simm.s32 $0x1;
	s16 =	simm.s32 $0xC200;
	s30 =	simm.s32 $0x2  }
0x6: {  	s31 =	simm.s32 $0x12200;
	s12 =	simm.s32 $0x16200;
	s17 =	simm.s32 $0x16A00  }
0x7: {  	s18 =	simm.s32 $0x17200;
	s19 =	simm.s32 $0x17A00;
	s20 =	simm.s32 $0x3  }
0x8: {  	s21 =	simm.s32 $0x5;
	s22 =	simm.s32 $0x4;
	s23 =	simm.s32 $0x6  }
0x9: {  	[smem:$0x7FF] =	sst s4;
	s3 =	sand.u32 $0x1, s3;
	s6 =	sshll.u32 s8, $0x1  }
0xa: {  	s25 =	sshll.u32 s8, $0x2;
	s5 =	ssub.s32 $0x2, s3;
	s3 =	sor.u32 s3, s6  }
0xb: {  	s8 =	sadd.s32 $0x200, s1;
	s6 =	sand.u32 $0x30, s25;
	s26 =	sshll.u32 s3, $0x8  }
0xc: {  	s7 =	sshrl.u32 s5, $0x1;
	s0 =	sadd.s32 s0, s6;
	s28 =	sand.u32 $0x700, s26  }
0xd: {  	v2 =	vlaneseq.u32;
	_ =	strace $0x80000047;
	s9 =	ssub.s32 s5, s7;
	s0 =	sadd.s32 s28, s0  }
0xe: {  	vm0 =	vmmov $0xffff;
	v1 =	vshrl.u32 v2, $0x3;
	s6 =	simm.s32 $0x0;
	s29 =	smax.u32 s9, $0x1;
	[dreg:$0x4] =	wrdreg s0  }
0xf: {  	v0 =	vand.u32 $0x7, v2;
	v2 =	vor.u32 $0x8, v2;
	v1 =	vmul.u32 $0x8, v1;
	s5 =	sshll.u32 s3, $0x9;
	s7 =	sadd.s32 $0x100, s1;
	[dreg:$0x5] =	wrdreg s29  }
.LBB2_1:
0x10: {  	[dreg:$0x6] =	wrdreg s6  }
0x11: {  	s0 =	rddreg [dreg:$0x4];
	s3 =	simm.s32 $0x80;
	s26 =	simm.s32 $0x9  }
0x12: {  	[tilespmem:s4], [sflag:$0x9] =	stream.strided.gather [hbm4b:s0+s3], $0x200, s11, s3, $0x38;
	[tilespmem:$0x18200] =	vst v63  }
0x13: {  	_ =	swait.ge [sflag:s26], $0x200  }
0x14: {  	[sflag:s26] =	ssyncset.done $0x0  }
0x15: {  	[sflag:s26] =	ssyncadd.s32 $0xFFFFFE00  }
0x16: {  	v3 =	vld [tilespmem:$0x0];
	_ =	sdelay $0x4  }
0x17: {  	v4 =	vshrl.u32 v3, $0x3  }
0x18: {  	v4 =	vmul.u32 $0x30, v4  }
0x19: {  	v3 =	vand.u32 $0x7, v3  }
0x1a: {  	v3 =	vor.u32 v3, v4  }
0x1b: {  	v4 =	vperm.xlane v3, v0;
	_ =	sdelay $0x1  }
0x1c: {  	v4 =	vadd.s32 v1, v4;
	_ =	sdelay $0x3  }
0x1d: {  	v3 =	vperm.xlane v3, v2  }
0x1e: {  	[tilespmem:s11], [sflag:$0x1] =	stream.indirect_vreg.gather [hbm4b:s1+s4], $0x80, v4, vm0, $0xb8;
	[tilespmem:$0x18200] =	vst v63  }
0x1f: {  	s28 =	simm.s32 $0xA00;
	v3 =	vadd.s32 v1, v3  }
0x20: {  	[tilespmem:s28], [sflag:$0x1] =	stream.indirect_vreg.gather [hbm4b:s7+s4], $0x80, v4, vm0, $0xb8;
	[tilespmem:$0x18200] =	vst v63  }
0x21: {  	s29 =	simm.s32 $0x1200  }
0x22: {  	[tilespmem:s29], [sflag:$0x1] =	stream.indirect_vreg.gather [hbm4b:s8+s4], $0x80, v4, vm0, $0xb8;
	[tilespmem:$0x18200] =	vst v63  }
0x23: {  	s3 =	simm.s32 $0x1A00  }
0x24: {  	[tilespmem:s3], [sflag:$0x1] =	stream.indirect_vreg.gather [hbm4b:s1+s4], $0x80, v3, vm0, $0xb8;
	[tilespmem:$0x18200] =	vst v63  }
0x25: {  	s6 =	simm.s32 $0x2200  }
0x26: {  	[tilespmem:s6], [sflag:$0x1] =	stream.indirect_vreg.gather [hbm4b:s7+s4], $0x80, v3, vm0, $0xb8;
	[tilespmem:$0x18200] =	vst v63  }
0x27: {  	s9 =	simm.s32 $0x2A00  }
0x28: {  	[tilespmem:s9], [sflag:$0x1] =	stream.indirect_vreg.gather [hbm4b:s8+s4], $0x80, v3, vm0, $0xb8;
	[tilespmem:$0x18200] =	vst v63  }
0x29: {  	v3 =	vld [tilespmem:$0x10];
	_ =	sdelay $0x4  }
0x2a: {  	v61 =	vshrl.u32 v3, $0x3  }
0x2b: {  	v4 =	vmul.u32 $0x30, v61  }
0x2c: {  	v3 =	vand.u32 $0x7, v3  }
0x2d: {  	v3 =	vor.u32 v3, v4  }
0x2e: {  	v4 =	vperm.xlane v3, v0;
	_ =	sdelay $0x1  }
0x2f: {  	v4 =	vadd.s32 v1, v4;
	_ =	sdelay $0x3  }
0x30: {  	s10 =	simm.s32 $0x3200;
	v3 =	vperm.xlane v3, v2  }
0x31: {  	[tilespmem:s10], [sflag:$0x1] =	stream.indirect_vreg.gather [hbm4b:s1+s4], $0x80, v4, vm0, $0xb8;
	[tilespmem:$0x18200] =	vst v63  }
0x32: {  	s13 =	simm.s32 $0x3A00;
	v3 =	vadd.s32 v1, v3  }
0x33: {  	[tilespmem:s13], [sflag:$0x1] =	stream.indirect_vreg.gather [hbm4b:s7+s4], $0x80, v4, vm0, $0xb8;
	[tilespmem:$0x18200] =	vst v63  }
0x34: {  	s14 =	simm.s32 $0x4200  }
0x35: {  	[tilespmem:s14], [sflag:$0x1] =	stream.indirect_vreg.gather [hbm4b:s8+s4], $0x80, v4, vm0, $0xb8;
	[tilespmem:$0x18200] =	vst v63  }
0x36: {  	s25 =	simm.s32 $0x4A00  }
0x37: {  	[tilespmem:s25], [sflag:$0x1] =	stream.indirect_vreg.gather [hbm4b:s1+s4], $0x80, v3, vm0, $0xb8;
	[tilespmem:$0x18200] =	vst v63  }
0x38: {  	s26 =	simm.s32 $0x5200  }
0x39: {  	[tilespmem:s26], [sflag:$0x1] =	stream.indirect_vreg.gather [hbm4b:s7+s4], $0x80, v3, vm0, $0xb8;
	[tilespmem:$0x18200] =	vst v63  }
0x3a: {  	s28 =	simm.s32 $0x5A00  }
0x3b: {  	[tilespmem:s28], [sflag:$0x1] =	stream.indirect_vreg.gather [hbm4b:s8+s4], $0x80, v3, vm0, $0xb8;
	[tilespmem:$0x18200] =	vst v63  }
0x3c: {  	v3 =	vld [tilespmem:$0x20];
	_ =	sdelay $0x4  }
0x3d: {  	v62 =	vshrl.u32 v3, $0x3  }
0x3e: {  	v4 =	vmul.u32 $0x30, v62  }
0x3f: {  	v3 =	vand.u32 $0x7, v3  }
0x40: {  	v3 =	vor.u32 v3, v4  }
0x41: {  	v4 =	vperm.xlane v3, v0;
	_ =	sdelay $0x1  }
0x42: {  	v4 =	vadd.s32 v1, v4;
	_ =	sdelay $0x3  }
0x43: {  	v3 =	vperm.xlane v3, v2  }
0x44: {  	[tilespmem:s24], [sflag:$0x2] =	stream.indirect_vreg.gather [hbm4b:s1+s4], $0x80, v4, vm0, $0xb8;
	[tilespmem:$0x18200] =	vst v63  }
0x45: {  	s29 =	simm.s32 $0x6A00;
	v3 =	vadd.s32 v1, v3  }
0x46: {  	[tilespmem:s29], [sflag:$0x2] =	stream.indirect_vreg.gather [hbm4b:s7+s4], $0x80, v4, vm0, $0xb8;
	[tilespmem:$0x18200] =	vst v63  }
0x47: {  	s3 =	simm.s32 $0x7200  }
0x48: {  	[tilespmem:s3], [sflag:$0x2] =	stream.indirect_vreg.gather [hbm4b:s8+s4], $0x80, v4, vm0, $0xb8;
	[tilespmem:$0x18200] =	vst v63  }
0x49: {  	s6 =	simm.s32 $0x7A00  }
0x4a: {  	[tilespmem:s6], [sflag:$0x2] =	stream.indirect_vreg.gather [hbm4b:s1+s4], $0x80, v3, vm0, $0xb8;
	[tilespmem:$0x18200] =	vst v63  }
0x4b: {  	s9 =	simm.s32 $0x8200  }
0x4c: {  	[tilespmem:s9], [sflag:$0x2] =	stream.indirect_vreg.gather [hbm4b:s7+s4], $0x80, v3, vm0, $0xb8;
	[tilespmem:$0x18200] =	vst v63  }
0x4d: {  	s10 =	simm.s32 $0x8A00  }
0x4e: {  	[tilespmem:s10], [sflag:$0x2] =	stream.indirect_vreg.gather [hbm4b:s8+s4], $0x80, v3, vm0, $0xb8;
	[tilespmem:$0x18200] =	vst v63  }
0x4f: {  	v3 =	vld [tilespmem:$0x30];
	_ =	sdelay $0x4  }
0x50: {  	v63 =	vshrl.u32 v3, $0x3  }
0x51: {  	v4 =	vmul.u32 $0x30, v63  }
0x52: {  	v3 =	vand.u32 $0x7, v3  }
0x53: {  	v3 =	vor.u32 v3, v4  }
0x54: {  	v4 =	vperm.xlane v3, v0;
	_ =	sdelay $0x1  }
0x55: {  	v4 =	vadd.s32 v1, v4;
	_ =	sdelay $0x3  }
0x56: {  	s13 =	simm.s32 $0x9200;
	v3 =	vperm.xlane v3, v2  }
0x57: {  	[tilespmem:s13], [sflag:$0x2] =	stream.indirect_vreg.gather [hbm4b:s1+s4], $0x80, v4, vm0, $0xb8;
	[tilespmem:$0x18200] =	vst v63  }
0x58: {  	s14 =	simm.s32 $0x9A00;
	v3 =	vadd.s32 v1, v3  }
0x59: {  	[tilespmem:s14], [sflag:$0x2] =	stream.indirect_vreg.gather [hbm4b:s7+s4], $0x80, v4, vm0, $0xb8;
	[tilespmem:$0x18200] =	vst v63  }
0x5a: {  	s25 =	simm.s32 $0xA200  }
0x5b: {  	[tilespmem:s25], [sflag:$0x2] =	stream.indirect_vreg.gather [hbm4b:s8+s4], $0x80, v4, vm0, $0xb8;
	[tilespmem:$0x18200] =	vst v63  }
0x5c: {  	s26 =	simm.s32 $0xAA00  }
0x5d: {  	[tilespmem:s26], [sflag:$0x2] =	stream.indirect_vreg.gather [hbm4b:s1+s4], $0x80, v3, vm0, $0xb8;
	[tilespmem:$0x18200] =	vst v63  }
0x5e: {  	s28 =	simm.s32 $0xB200  }
0x5f: {  	[tilespmem:s28], [sflag:$0x2] =	stream.indirect_vreg.gather [hbm4b:s7+s4], $0x80, v3, vm0, $0xb8;
	[tilespmem:$0x18200] =	vst v63  }
0x60: {  	s29 =	simm.s32 $0xBA00;
	s25 =	simm.s32 $0x0  }
0x61: {  	[tilespmem:s29], [sflag:$0x2] =	stream.indirect_vreg.gather [hbm4b:s8+s4], $0x80, v3, vm0, $0xb8;
	[tilespmem:$0x18200] =	vst v63  }
.LBB2_2:
0x62: {  	_ =	swait.ge [sflag:s15], $0x6000  }
0x63: {  	p0 =	seq.s32 s25, $0x0;
	[sflag:s15] =	ssyncset.done $0x0  }
0x64: {  	s0 =	simm.s32 @!p0 $0x7;
	[sflag:s15] =	ssyncadd.s32 $0xFFFFA000  }
0x65: {  	_ =	swait.ge @!p0 [sflag:s0], $0x6000  }
0x66: {  	[sflag:s0] =	ssyncset.done @!p0 $0x0  }
0x67: {  	s29 =	sshll.u32 s25, $0x7;
	[sflag:s0] =	ssyncadd.s32 @!p0 $0xFFFFA000  }
0x68: {  	v3 =	vld [tilespmem:s29+$0x40];
	_ =	sdelay $0x4  }
0x69: {  	v4 =	vshrl.u32 v3, $0x3  }
0x6a: {  	v4 =	vmul.u32 $0x30, v4  }
0x6b: {  	v3 =	vand.u32 $0x7, v3  }
0x6c: {  	v3 =	vor.u32 v3, v4  }
0x6d: {  	v4 =	vperm.xlane v3, v0;
	_ =	sdelay $0x1  }
0x6e: {  	v4 =	vadd.s32 v1, v4;
	_ =	sdelay $0x3  }
0x6f: {  	s26 =	simm.s32 $0x0;
	v3 =	vperm.xlane v3, v2  }
0x70: {  	[tilespmem:s16], [sflag:$0x3] =	stream.indirect_vreg.gather [hbm4b:s1+s26], $0x80, v4, vm0, $0xb8;
	[tilespmem:$0x18200] =	vst v63  }
0x71: {  	s3 =	simm.s32 $0xCA00;
	v3 =	vadd.s32 v1, v3  }
0x72: {  	[tilespmem:s3], [sflag:$0x3] =	stream.indirect_vreg.gather [hbm4b:s7+s26], $0x80, v4, vm0, $0xb8;
	[tilespmem:$0x18200] =	vst v63  }
0x73: {  	s6 =	simm.s32 $0xD200  }
0x74: {  	[tilespmem:s6], [sflag:$0x3] =	stream.indirect_vreg.gather [hbm4b:s8+s26], $0x80, v4, vm0, $0xb8;
	[tilespmem:$0x18200] =	vst v63  }
0x75: {  	s9 =	simm.s32 $0xDA00  }
0x76: {  	[tilespmem:s9], [sflag:$0x3] =	stream.indirect_vreg.gather [hbm4b:s1+s26], $0x80, v3, vm0, $0xb8;
	[tilespmem:$0x18200] =	vst v63  }
0x77: {  	s10 =	simm.s32 $0xE200  }
0x78: {  	[tilespmem:s10], [sflag:$0x3] =	stream.indirect_vreg.gather [hbm4b:s7+s26], $0x80, v3, vm0, $0xb8;
	[tilespmem:$0x18200] =	vst v63  }
0x79: {  	s13 =	simm.s32 $0xEA00  }
0x7a: {  	[tilespmem:s13], [sflag:$0x3] =	stream.indirect_vreg.gather [hbm4b:s8+s26], $0x80, v3, vm0, $0xb8;
	[tilespmem:$0x18200] =	vst v63  }
0x7b: {  	v3 =	vld [tilespmem:s29+$0x50];
	_ =	sdelay $0x4  }
0x7c: {  	v4 =	vshrl.u32 v3, $0x3  }
0x7d: {  	v4 =	vmul.u32 $0x30, v4  }
0x7e: {  	v3 =	vand.u32 $0x7, v3  }
0x7f: {  	v3 =	vor.u32 v3, v4  }
0x80: {  	v4 =	vperm.xlane v3, v0;
	_ =	sdelay $0x1  }
0x81: {  	v4 =	vadd.s32 v1, v4;
	_ =	sdelay $0x3  }
0x82: {  	s14 =	simm.s32 $0xF200;
	v3 =	vperm.xlane v3, v2  }
0x83: {  	[tilespmem:s14], [sflag:$0x3] =	stream.indirect_vreg.gather [hbm4b:s1+s26], $0x80, v4, vm0, $0xb8;
	[tilespmem:$0x18200] =	vst v63  }
0x84: {  	s3 =	simm.s32 $0xFA00;
	v3 =	vadd.s32 v1, v3  }
0x85: {  	[tilespmem:s3], [sflag:$0x3] =	stream.indirect_vreg.gather [hbm4b:s7+s26], $0x80, v4, vm0, $0xb8;
	[tilespmem:$0x18200] =	vst v63  }
0x86: {  	s6 =	simm.s32 $0x10200;
	s13 =	simm.s32 $0x0  }
0x87: {  	[tilespmem:s6], [sflag:$0x3] =	stream.indirect_vreg.gather [hbm4b:s8+s26], $0x80, v4, vm0, $0xb8;
	[tilespmem:$0x18200] =	vst v63  }
0x88: {  	s9 =	simm.s32 $0x10A00;
	s0 =	smul.u32 $0x6000, s13  }
0x89: {  	[tilespmem:s9], [sflag:$0x3] =	stream.indirect_vreg.gather [hbm4b:s1+s26], $0x80, v3, vm0, $0xb8;
	[tilespmem:$0x18200] =	vst v63  }
0x8a: {  	s10 =	simm.s32 $0x11200;
	s0 =	sshra.s32 s0, $0x2;
	s14 =	sand.u32 $0x380, s26  }
0x8b: {  	[tilespmem:s10], [sflag:$0x3] =	stream.indirect_vreg.gather [hbm4b:s7+s26], $0x80, v3, vm0, $0xb8;
	[tilespmem:$0x18200] =	vst v63  }
0x8c: {  	s0 =	sor.u32 s14, s0;
	s3 =	simm.s32 $0x11A00  }
0x8d: {  	[tilespmem:s3], [sflag:$0x3] =	stream.indirect_vreg.gather [hbm4b:s8+s26], $0x80, v3, vm0, $0xb8;
	[tilespmem:$0x18200] =	vst v63  }
0x8e: {  	v3 =	vld [tilespmem:s0+$0x1670]  }
0x8f: {  	v4 =	vld [tilespmem:s0+$0x200]  }
0x90: {  	v5 =	vld [tilespmem:s0+$0x210]  }
0x91: {  	v6 =	vld [tilespmem:s0+$0x220]  }
0x92: {  	v7 =	vld [tilespmem:s0+$0x230]  }
0x93: {  	v8 =	vld [tilespmem:s0+$0x240];
	v3 =	vmul.f32 $2.771281240e+01, v3  }
0x94: {  	v9 =	vld [tilespmem:s0+$0x250];
	v4 =	vmul.f32 $2.771281240e+01, v4  }
0x95: {  	v10 =	vld [tilespmem:s0+$0x260];
	[tilespmem:s0+$0x1670] =	vst v3;
	v3 =	vmul.f32 $2.771281240e+01, v5  }
0x96: {  	[tilespmem:s0+$0x200] =	vst v4;
	v4 =	vld [tilespmem:s0+$0x270];
	v5 =	vmul.f32 $2.771281240e+01, v6  }
0x97: {  	v6 =	vmul.f32 $2.771281240e+01, v7;
	[tilespmem:s0+$0x210] =	vst v3;
	v3 =	vld [tilespmem:s0+$0x600]  }
0x98: {  	v7 =	vmul.f32 $2.771281240e+01, v8;
	[tilespmem:s0+$0x220] =	vst v5;
	v5 =	vld [tilespmem:s0+$0x610]  }
0x99: {  	v8 =	vmul.f32 $2.771281240e+01, v9;
	[tilespmem:s0+$0x230] =	vst v6;
	v6 =	vld [tilespmem:s0+$0x620]  }
0x9a: {  	v9 =	vmul.f32 $2.771281240e+01, v10;
	[tilespmem:s0+$0x240] =	vst v7;
	v7 =	vld [tilespmem:s0+$0x630]  }
0x9b: {  	[tilespmem:s0+$0x250] =	vst v8;
	v8 =	vld [tilespmem:s0+$0x640];
	v4 =	vmul.f32 $2.771281240e+01, v4  }
0x9c: {  	[tilespmem:s0+$0x260] =	vst v9;
	v9 =	vld [tilespmem:s0+$0x650];
	v3 =	vmul.f32 $2.771281240e+01, v3  }
0x9d: {  	[tilespmem:s0+$0x270] =	vst v4;
	v4 =	vld [tilespmem:s0+$0x660];
	v5 =	vmul.f32 $2.771281240e+01, v5  }
0x9e: {  	v6 =	vmul.f32 $2.771281240e+01, v6;
	[tilespmem:s0+$0x600] =	vst v3;
	v3 =	vld [tilespmem:s0+$0x670]  }
0x9f: {  	v7 =	vmul.f32 $2.771281240e+01, v7;
	[tilespmem:s0+$0x610] =	vst v5;
	v5 =	vld [tilespmem:s0+$0xA00]  }
0xa0: {  	v8 =	vmul.f32 $2.771281240e+01, v8;
	[tilespmem:s0+$0x620] =	vst v6;
	v6 =	vld [tilespmem:s0+$0xA10]  }
0xa1: {  	v9 =	vmul.f32 $2.771281240e+01, v9;
	[tilespmem:s0+$0x630] =	vst v7;
	v7 =	vld [tilespmem:s0+$0xA20]  }
0xa2: {  	[tilespmem:s0+$0x640] =	vst v8;
	v8 =	vld [tilespmem:s0+$0xA30];
	v4 =	vmul.f32 $2.771281240e+01, v4  }
0xa3: {  	[tilespmem:s0+$0x650] =	vst v9;
	v9 =	vld [tilespmem:s0+$0xA40];
	v3 =	vmul.f32 $2.771281240e+01, v3  }
0xa4: {  	[tilespmem:s0+$0x660] =	vst v4;
	v4 =	vld [tilespmem:s0+$0xA50];
	v5 =	vmul.f32 $2.771281240e+01, v5  }
0xa5: {  	v6 =	vmul.f32 $2.771281240e+01, v6;
	[tilespmem:s0+$0x670] =	vst v3;
	v3 =	vld [tilespmem:s0+$0xA60]  }
0xa6: {  	v7 =	vmul.f32 $2.771281240e+01, v7;
	[tilespmem:s0+$0xA00] =	vst v5;
	v5 =	vld [tilespmem:s0+$0xA70]  }
0xa7: {  	v8 =	vmul.f32 $2.771281240e+01, v8;
	[tilespmem:s0+$0xA10] =	vst v6;
	v6 =	vld [tilespmem:s0+$0xE00]  }
0xa8: {  	v9 =	vmul.f32 $2.771281240e+01, v9;
	[tilespmem:s0+$0xA20] =	vst v7;
	v7 =	vld [tilespmem:s0+$0xE10]  }
0xa9: {  	[tilespmem:s0+$0xA30] =	vst v8;
	v8 =	vld [tilespmem:s0+$0xE20];
	v4 =	vmul.f32 $2.771281240e+01, v4  }
0xaa: {  	[tilespmem:s0+$0xA40] =	vst v9;
	v9 =	vld [tilespmem:s0+$0xE30];
	v3 =	vmul.f32 $2.771281240e+01, v3  }
0xab: {  	[tilespmem:s0+$0xA50] =	vst v4;
	v4 =	vld [tilespmem:s0+$0xE40];
	v5 =	vmul.f32 $2.771281240e+01, v5  }
0xac: {  	v6 =	vmul.f32 $2.771281240e+01, v6;
	[tilespmem:s0+$0xA60] =	vst v3;
	v3 =	vld [tilespmem:s0+$0xE50]  }
0xad: {  	v7 =	vmul.f32 $2.771281240e+01, v7;
	[tilespmem:s0+$0xA70] =	vst v5;
	v5 =	vld [tilespmem:s0+$0xE60]  }
0xae: {  	v8 =	vmul.f32 $2.771281240e+01, v8;
	[tilespmem:s0+$0xE00] =	vst v6;
	v6 =	vld [tilespmem:s0+$0xE70]  }
0xaf: {  	v9 =	vmul.f32 $2.771281240e+01, v9;
	[tilespmem:s0+$0xE10] =	vst v7;
	v7 =	vld [tilespmem:s0+$0x1200]  }
0xb0: {  	[tilespmem:s0+$0xE20] =	vst v8;
	v8 =	vld [tilespmem:s0+$0x1210];
	v4 =	vmul.f32 $2.771281240e+01, v4  }
0xb1: {  	[tilespmem:s0+$0xE30] =	vst v9;
	v9 =	vld [tilespmem:s0+$0x1220];
	v3 =	vmul.f32 $2.771281240e+01, v3  }
0xb2: {  	v10 =	vld [tilespmem:s0+$0x1230];
	[tilespmem:s0+$0xE40] =	vst v4;
	v4 =	vmul.f32 $2.771281240e+01, v5  }
0xb3: {  	v5 =	vld [tilespmem:s0+$0x1240];
	[tilespmem:s0+$0xE50] =	vst v3;
	v3 =	vmul.f32 $2.771281240e+01, v6  }
0xb4: {  	v11 =	vld [tilespmem:s0+$0x1250];
	[tilespmem:s0+$0xE60] =	vst v4;
	v4 =	vmul.f32 $2.771281240e+01, v7  }
0xb5: {  	v7 =	vld [tilespmem:s0+$0x1260];
	[tilespmem:s0+$0xE70] =	vst v3;
	v3 =	vmul.f32 $2.771281240e+01, v8  }
0xb6: {  	v6 =	vld [tilespmem:s0+$0x1270];
	[tilespmem:s0+$0x1200] =	vst v4;
	v8 =	vmul.f32 $2.771281240e+01, v9  }
0xb7: {  	v4 =	vld [tilespmem:s0+$0x1600];
	v9 =	vmul.f32 $2.771281240e+01, v10;
	[tilespmem:s0+$0x1210] =	vst v3  }
0xb8: {  	[tilespmem:s0+$0x1220] =	vst v8;
	v3 =	vld [tilespmem:s0+$0x1610];
	v8 =	vmul.f32 $2.771281240e+01, v5  }
0xb9: {  	s28 =	sor.u32 $0x40, s29;
	s6 =	simm.s32 $0x0;
	s3 =	simm.s32 $0x2;
	[tilespmem:s0+$0x1230] =	vst v9;
	v9 =	vmul.f32 $2.771281240e+01, v11;
	v5 =	vld [tilespmem:s0+$0x1620]  }
.LBB2_3:
0xba: {  	p1 =	sne.s32 s3, $0x1F;
	s6 =	smul.u32 $0x6000, s6;
	[tilespmem:s0+$0x1240] =	vst v8;
	v7 =	vmul.f32 $2.771281240e+01, v7;
	v8 =	vld [tilespmem:s0+$0x1630]  }
0xbb: {  	s26 =	sadd.s32 $0x80, s26;
	[tilespmem:s0+$0x1250] =	vst v9;
	v6 =	vmul.f32 $2.771281240e+01, v6;
	v9 =	vld [tilespmem:s0+$0x1640]  }
0xbc: {  	s10 =	sand.u32 $0x380, s26;
	s6 =	sshra.s32 s6, $0x2;
	[tilespmem:s0+$0x1260] =	vst v7;
	v4 =	vmul.f32 $2.771281240e+01, v4;
	v7 =	vld [tilespmem:s0+$0x1650]  }
0xbd: {  	s6 =	sor.u32 s10, s6;
	[tilespmem:s0+$0x1270] =	vst v6;
	v3 =	vmul.f32 $2.771281240e+01, v3;
	v6 =	vld [tilespmem:s0+$0x1660]  }
0xbe: {  	v10 =	vld [tilespmem:s6+$0x1670];
	[tilespmem:s0+$0x1600] =	vst v4;
	v4 =	vmul.f32 $2.771281240e+01, v5  }
0xbf: {  	v5 =	vld [tilespmem:s6+$0x200];
	[tilespmem:s0+$0x1610] =	vst v3;
	v3 =	vmul.f32 $2.771281240e+01, v8  }
0xc0: {  	v8 =	vld [tilespmem:s6+$0x210];
	[tilespmem:s0+$0x1620] =	vst v4;
	v4 =	vmul.f32 $2.771281240e+01, v9  }
0xc1: {  	v9 =	vld [tilespmem:s6+$0x220];
	[tilespmem:s0+$0x1630] =	vst v3;
	v3 =	vmul.f32 $2.771281240e+01, v7  }
0xc2: {  	v7 =	vld [tilespmem:s6+$0x230];
	[tilespmem:s0+$0x1640] =	vst v4;
	v4 =	vmul.f32 $2.771281240e+01, v6  }
0xc3: {  	v6 =	vld [tilespmem:s6+$0x240];
	v10 =	vmul.f32 $2.771281240e+01, v10;
	[tilespmem:s0+$0x1650] =	vst v3  }
0xc4: {  	v3 =	vmul.f32 $2.771281240e+01, v5;
	v5 =	vld [tilespmem:s6+$0x250];
	[tilespmem:s0+$0x1660] =	vst v4;
	s0 =	smov.u32 s6  }
0xc5: {  	v4 =	vmul.f32 $2.771281240e+01, v8;
	v8 =	vld [tilespmem:s0+$0x260];
	[tilespmem:s0+$0x1670] =	vst v10  }
0xc6: {  	[tilespmem:s0+$0x200] =	vst v3;
	v3 =	vmul.f32 $2.771281240e+01, v9;
	v9 =	vld [tilespmem:s0+$0x270]  }
0xc7: {  	[tilespmem:s0+$0x210] =	vst v4;
	v4 =	vmul.f32 $2.771281240e+01, v7;
	v7 =	vld [tilespmem:s0+$0x600]  }
0xc8: {  	[tilespmem:s0+$0x220] =	vst v3;
	v3 =	vmul.f32 $2.771281240e+01, v6;
	v6 =	vld [tilespmem:s0+$0x610]  }
0xc9: {  	[tilespmem:s0+$0x230] =	vst v4;
	v4 =	vmul.f32 $2.771281240e+01, v5;
	v5 =	vld [tilespmem:s0+$0x620]  }
0xca: {  	[tilespmem:s0+$0x240] =	vst v3;
	v3 =	vmul.f32 $2.771281240e+01, v8;
	v8 =	vld [tilespmem:s0+$0x630]  }
0xcb: {  	[tilespmem:s0+$0x250] =	vst v4;
	v4 =	vmul.f32 $2.771281240e+01, v9;
	v9 =	vld [tilespmem:s0+$0x640]  }
0xcc: {  	[tilespmem:s0+$0x260] =	vst v3;
	v3 =	vmul.f32 $2.771281240e+01, v7;
	v7 =	vld [tilespmem:s0+$0x650]  }
0xcd: {  	[tilespmem:s0+$0x270] =	vst v4;
	v4 =	vmul.f32 $2.771281240e+01, v6;
	v6 =	vld [tilespmem:s0+$0x660]  }
0xce: {  	[tilespmem:s0+$0x600] =	vst v3;
	v3 =	vmul.f32 $2.771281240e+01, v5;
	v5 =	vld [tilespmem:s0+$0x670]  }
0xcf: {  	[tilespmem:s0+$0x610] =	vst v4;
	v4 =	vmul.f32 $2.771281240e+01, v8;
	v8 =	vld [tilespmem:s0+$0xA00]  }
0xd0: {  	[tilespmem:s0+$0x620] =	vst v3;
	v3 =	vmul.f32 $2.771281240e+01, v9;
	v9 =	vld [tilespmem:s0+$0xA10]  }
0xd1: {  	[tilespmem:s0+$0x630] =	vst v4;
	v4 =	vmul.f32 $2.771281240e+01, v7;
	v7 =	vld [tilespmem:s0+$0xA20]  }
0xd2: {  	[tilespmem:s0+$0x640] =	vst v3;
	v3 =	vmul.f32 $2.771281240e+01, v6;
	v6 =	vld [tilespmem:s0+$0xA30]  }
0xd3: {  	[tilespmem:s0+$0x650] =	vst v4;
	v4 =	vmul.f32 $2.771281240e+01, v5;
	v5 =	vld [tilespmem:s0+$0xA40]  }
0xd4: {  	[tilespmem:s0+$0x660] =	vst v3;
	v3 =	vmul.f32 $2.771281240e+01, v8;
	v8 =	vld [tilespmem:s0+$0xA50]  }
0xd5: {  	[tilespmem:s0+$0x670] =	vst v4;
	v4 =	vmul.f32 $2.771281240e+01, v9;
	v9 =	vld [tilespmem:s0+$0xA60]  }
0xd6: {  	[tilespmem:s0+$0xA00] =	vst v3;
	v3 =	vmul.f32 $2.771281240e+01, v7;
	v7 =	vld [tilespmem:s0+$0xA70]  }
0xd7: {  	[tilespmem:s0+$0xA10] =	vst v4;
	v4 =	vmul.f32 $2.771281240e+01, v6;
	v6 =	vld [tilespmem:s0+$0xE00]  }
0xd8: {  	[tilespmem:s0+$0xA20] =	vst v3;
	v3 =	vmul.f32 $2.771281240e+01, v5;
	v5 =	vld [tilespmem:s0+$0xE10]  }
0xd9: {  	[tilespmem:s0+$0xA30] =	vst v4;
	v4 =	vmul.f32 $2.771281240e+01, v8;
	v8 =	vld [tilespmem:s0+$0xE20]  }
0xda: {  	[tilespmem:s0+$0xA40] =	vst v3;
	v3 =	vmul.f32 $2.771281240e+01, v9;
	v9 =	vld [tilespmem:s0+$0xE30]  }
0xdb: {  	[tilespmem:s0+$0xA50] =	vst v4;
	v4 =	vmul.f32 $2.771281240e+01, v7;
	v7 =	vld [tilespmem:s0+$0xE40]  }
0xdc: {  	[tilespmem:s0+$0xA60] =	vst v3;
	v3 =	vmul.f32 $2.771281240e+01, v6;
	v6 =	vld [tilespmem:s0+$0xE50]  }
0xdd: {  	[tilespmem:s0+$0xA70] =	vst v4;
	v4 =	vmul.f32 $2.771281240e+01, v5;
	v5 =	vld [tilespmem:s0+$0xE60]  }
0xde: {  	[tilespmem:s0+$0xE00] =	vst v3;
	v3 =	vmul.f32 $2.771281240e+01, v8;
	v8 =	vld [tilespmem:s0+$0xE70]  }
0xdf: {  	[tilespmem:s0+$0xE10] =	vst v4;
	v4 =	vmul.f32 $2.771281240e+01, v9;
	v9 =	vld [tilespmem:s0+$0x1200]  }
0xe0: {  	[tilespmem:s0+$0xE20] =	vst v3;
	v3 =	vmul.f32 $2.771281240e+01, v7;
	v7 =	vld [tilespmem:s0+$0x1210]  }
0xe1: {  	[tilespmem:s0+$0xE30] =	vst v4;
	v4 =	vmul.f32 $2.771281240e+01, v6;
	v6 =	vld [tilespmem:s0+$0x1220]  }
0xe2: {  	[tilespmem:s0+$0xE40] =	vst v3;
	v3 =	vmul.f32 $2.771281240e+01, v5;
	v5 =	vld [tilespmem:s0+$0x1230]  }
0xe3: {  	[tilespmem:s0+$0xE50] =	vst v4;
	v4 =	vmul.f32 $2.771281240e+01, v8;
	v8 =	vld [tilespmem:s0+$0x1240]  }
0xe4: {  	[tilespmem:s0+$0xE60] =	vst v3;
	v3 =	vmul.f32 $2.771281240e+01, v9;
	v9 =	vld [tilespmem:s0+$0x1250]  }
.Ltmp0:
0xe5: {  	[tilespmem:s0+$0xE70] =	vst v4;
	v4 =	vmul.f32 $2.771281240e+01, v7;
	v7 =	vld [tilespmem:s0+$0x1260];
	(pc) =	sbr.rel @p1 .LBB2_3-.Ltmp0, $4  }
0xe6: {  	[tilespmem:s0+$0x1200] =	vst v3;
	v3 =	vmul.f32 $2.771281240e+01, v6;
	v6 =	vld [tilespmem:s0+$0x1270]  }
0xe7: {  	[tilespmem:s0+$0x1210] =	vst v4;
	v5 =	vmul.f32 $2.771281240e+01, v5;
	v4 =	vld [tilespmem:s0+$0x1600]  }
0xe8: {  	[tilespmem:s0+$0x1220] =	vst v3;
	v8 =	vmul.f32 $2.771281240e+01, v8;
	v3 =	vld [tilespmem:s0+$0x1610]  }
0xe9: {  	s6 =	sshrl.u32 s3, $0x3;
	s3 =	sadd.s32 $0x1, s3;
	[tilespmem:s0+$0x1230] =	vst v5;
	v9 =	vmul.f32 $2.771281240e+01, v9;
	v5 =	vld [tilespmem:s0+$0x1620]  }
0xea: {  	[tilespmem:s0+$0x1240] =	vst v8;
	v8 =	vld [tilespmem:s0+$0x1630];
	v7 =	vmul.f32 $2.771281240e+01, v7;
	s3 =	smul.u32 $0x6000, s6  }
0xeb: {  	s14 =	sadd.s32 $0x80, s26;
	[tilespmem:s0+$0x1250] =	vst v9;
	v9 =	vld [tilespmem:s0+$0x1640];
	v6 =	vmul.f32 $2.771281240e+01, v6  }
0xec: {  	s6 =	sand.u32 $0x380, s14;
	[tilespmem:s0+$0x1260] =	vst v7;
	v7 =	vld [tilespmem:s0+$0x1650];
	s3 =	sshra.s32 s3, $0x2;
	v4 =	vmul.f32 $2.771281240e+01, v4  }
0xed: {  	[tilespmem:s0+$0x1270] =	vst v6;
	s3 =	sor.u32 s6, s3;
	v3 =	vmul.f32 $2.771281240e+01, v3;
	v6 =	vld [tilespmem:s0+$0x1660]  }
0xee: {  	v10 =	vld [tilespmem:s3+$0x1670];
	[tilespmem:s0+$0x1600] =	vst v4;
	v4 =	vmul.f32 $2.771281240e+01, v5  }
0xef: {  	v5 =	vld [tilespmem:s3+$0x200];
	[tilespmem:s0+$0x1610] =	vst v3;
	v3 =	vmul.f32 $2.771281240e+01, v8  }
0xf0: {  	v8 =	vld [tilespmem:s3+$0x210];
	[tilespmem:s0+$0x1620] =	vst v4;
	v4 =	vmul.f32 $2.771281240e+01, v9  }
0xf1: {  	v9 =	vld [tilespmem:s3+$0x220];
	[tilespmem:s0+$0x1630] =	vst v3;
	v3 =	vmul.f32 $2.771281240e+01, v7  }
0xf2: {  	v7 =	vld [tilespmem:s3+$0x230];
	[tilespmem:s0+$0x1640] =	vst v4;
	v4 =	vmul.f32 $2.771281240e+01, v6  }
0xf3: {  	v6 =	vld [tilespmem:s3+$0x240];
	v10 =	vmul.f32 $2.771281240e+01, v10;
	[tilespmem:s0+$0x1650] =	vst v3  }
0xf4: {  	v3 =	vmul.f32 $2.771281240e+01, v5;
	v5 =	vld [tilespmem:s3+$0x250];
	[tilespmem:s0+$0x1660] =	vst v4  }
0xf5: {  	v4 =	vmul.f32 $2.771281240e+01, v8;
	v8 =	vld [tilespmem:s3+$0x260];
	[tilespmem:s3+$0x1670] =	vst v10  }
0xf6: {  	[tilespmem:s3+$0x200] =	vst v3;
	v3 =	vmul.f32 $2.771281240e+01, v9;
	v9 =	vld [tilespmem:s3+$0x270]  }
0xf7: {  	[tilespmem:s3+$0x210] =	vst v4;
	v4 =	vmul.f32 $2.771281240e+01, v7;
	v7 =	vld [tilespmem:s3+$0x600]  }
0xf8: {  	[tilespmem:s3+$0x220] =	vst v3;
	v3 =	vmul.f32 $2.771281240e+01, v6;
	v6 =	vld [tilespmem:s3+$0x610]  }
0xf9: {  	[tilespmem:s3+$0x230] =	vst v4;
	v4 =	vmul.f32 $2.771281240e+01, v5;
	v5 =	vld [tilespmem:s3+$0x620]  }
0xfa: {  	[tilespmem:s3+$0x240] =	vst v3;
	v3 =	vmul.f32 $2.771281240e+01, v8;
	v8 =	vld [tilespmem:s3+$0x630]  }
0xfb: {  	[tilespmem:s3+$0x250] =	vst v4;
	v4 =	vmul.f32 $2.771281240e+01, v9;
	v9 =	vld [tilespmem:s3+$0x640]  }
0xfc: {  	[tilespmem:s3+$0x260] =	vst v3;
	v3 =	vmul.f32 $2.771281240e+01, v7;
	v7 =	vld [tilespmem:s3+$0x650]  }
0xfd: {  	[tilespmem:s3+$0x270] =	vst v4;
	v4 =	vmul.f32 $2.771281240e+01, v6;
	v6 =	vld [tilespmem:s3+$0x660]  }
0xfe: {  	[tilespmem:s3+$0x600] =	vst v3;
	v3 =	vmul.f32 $2.771281240e+01, v5;
	v5 =	vld [tilespmem:s3+$0x670]  }
0xff: {  	[tilespmem:s3+$0x610] =	vst v4;
	v4 =	vmul.f32 $2.771281240e+01, v8;
	v8 =	vld [tilespmem:s3+$0xA00]  }
0x100: {  	[tilespmem:s3+$0x620] =	vst v3;
	v3 =	vmul.f32 $2.771281240e+01, v9;
	v9 =	vld [tilespmem:s3+$0xA10]  }
0x101: {  	[tilespmem:s3+$0x630] =	vst v4;
	v4 =	vmul.f32 $2.771281240e+01, v7;
	v7 =	vld [tilespmem:s3+$0xA20]  }
0x102: {  	[tilespmem:s3+$0x640] =	vst v3;
	v3 =	vmul.f32 $2.771281240e+01, v6;
	v6 =	vld [tilespmem:s3+$0xA30]  }
0x103: {  	[tilespmem:s3+$0x650] =	vst v4;
	v4 =	vmul.f32 $2.771281240e+01, v5;
	v5 =	vld [tilespmem:s3+$0xA40]  }
0x104: {  	[tilespmem:s3+$0x660] =	vst v3;
	v3 =	vmul.f32 $2.771281240e+01, v8;
	v8 =	vld [tilespmem:s3+$0xA50]  }
0x105: {  	[tilespmem:s3+$0x670] =	vst v4;
	v4 =	vmul.f32 $2.771281240e+01, v9;
	v9 =	vld [tilespmem:s3+$0xA60]  }
0x106: {  	[tilespmem:s3+$0xA00] =	vst v3;
	v3 =	vmul.f32 $2.771281240e+01, v7;
	v7 =	vld [tilespmem:s3+$0xA70]  }
0x107: {  	[tilespmem:s3+$0xA10] =	vst v4;
	v4 =	vmul.f32 $2.771281240e+01, v6;
	v6 =	vld [tilespmem:s3+$0xE00]  }
0x108: {  	[tilespmem:s3+$0xA20] =	vst v3;
	v3 =	vmul.f32 $2.771281240e+01, v5;
	v5 =	vld [tilespmem:s3+$0xE10]  }
0x109: {  	[tilespmem:s3+$0xA30] =	vst v4;
	v4 =	vmul.f32 $2.771281240e+01, v8;
	v8 =	vld [tilespmem:s3+$0xE20]  }
0x10a: {  	[tilespmem:s3+$0xA40] =	vst v3;
	v3 =	vmul.f32 $2.771281240e+01, v9;
	v9 =	vld [tilespmem:s3+$0xE30]  }
0x10b: {  	[tilespmem:s3+$0xA50] =	vst v4;
	v4 =	vmul.f32 $2.771281240e+01, v7;
	v7 =	vld [tilespmem:s3+$0xE40]  }
0x10c: {  	[tilespmem:s3+$0xA60] =	vst v3;
	v3 =	vmul.f32 $2.771281240e+01, v6;
	v6 =	vld [tilespmem:s3+$0xE50]  }
0x10d: {  	[tilespmem:s3+$0xA70] =	vst v4;
	v4 =	vmul.f32 $2.771281240e+01, v5;
	v5 =	vld [tilespmem:s3+$0xE60]  }
0x10e: {  	[tilespmem:s3+$0xE00] =	vst v3;
	v3 =	vmul.f32 $2.771281240e+01, v8;
	v8 =	vld [tilespmem:s3+$0xE70]  }
0x10f: {  	[tilespmem:s3+$0xE10] =	vst v4;
	v4 =	vmul.f32 $2.771281240e+01, v9;
	v9 =	vld [tilespmem:s3+$0x1200]  }
0x110: {  	[tilespmem:s3+$0xE20] =	vst v3;
	v3 =	vmul.f32 $2.771281240e+01, v7;
	v7 =	vld [tilespmem:s3+$0x1210]  }
0x111: {  	[tilespmem:s3+$0xE30] =	vst v4;
	v4 =	vmul.f32 $2.771281240e+01, v6;
	v6 =	vld [tilespmem:s3+$0x1220]  }
0x112: {  	[tilespmem:s3+$0xE40] =	vst v3;
	v3 =	vmul.f32 $2.771281240e+01, v5;
	v5 =	vld [tilespmem:s3+$0x1230]  }
0x113: {  	[tilespmem:s3+$0xE50] =	vst v4;
	v4 =	vmul.f32 $2.771281240e+01, v8;
	v8 =	vld [tilespmem:s3+$0x1240]  }
0x114: {  	[tilespmem:s3+$0xE60] =	vst v3;
	v3 =	vmul.f32 $2.771281240e+01, v9;
	v9 =	vld [tilespmem:s3+$0x1250]  }
0x115: {  	[tilespmem:s3+$0xE70] =	vst v4;
	v4 =	vmul.f32 $2.771281240e+01, v7;
	v7 =	vld [tilespmem:s3+$0x1260]  }
0x116: {  	[tilespmem:s3+$0x1200] =	vst v3;
	v3 =	vmul.f32 $2.771281240e+01, v6;
	v6 =	vld [tilespmem:s3+$0x1270]  }
0x117: {  	[tilespmem:s3+$0x1210] =	vst v4;
	v4 =	vmul.f32 $2.771281240e+01, v5;
	v5 =	vld [tilespmem:s3+$0x1600]  }
0x118: {  	[tilespmem:s3+$0x1220] =	vst v3;
	v3 =	vmul.f32 $2.771281240e+01, v8;
	v8 =	vld [tilespmem:s3+$0x1610]  }
0x119: {  	[tilespmem:s3+$0x1230] =	vst v4;
	v4 =	vmul.f32 $2.771281240e+01, v9;
	v9 =	vld [tilespmem:s3+$0x1620]  }
0x11a: {  	[tilespmem:s3+$0x1240] =	vst v3;
	v3 =	vmul.f32 $2.771281240e+01, v7;
	v7 =	vld [tilespmem:s3+$0x1630]  }
0x11b: {  	[tilespmem:s3+$0x1250] =	vst v4;
	v4 =	vmul.f32 $2.771281240e+01, v6;
	v6 =	vld [tilespmem:s3+$0x1640]  }
0x11c: {  	[tilespmem:s3+$0x1260] =	vst v3;
	v3 =	vmul.f32 $2.771281240e+01, v5;
	v5 =	vld [tilespmem:s3+$0x1650]  }
0x11d: {  	[tilespmem:s3+$0x1270] =	vst v4;
	v4 =	vmul.f32 $2.771281240e+01, v8;
	v8 =	vld [tilespmem:s3+$0x1660]  }
0x11e: {  	[tilespmem:s3+$0x1600] =	vst v3;
	v3 =	vmul.f32 $2.771281240e+01, v9  }
0x11f: {  	[tilespmem:s3+$0x1610] =	vst v4;
	v4 =	vmul.f32 $2.771281240e+01, v7  }
0x120: {  	s26 =	sor.u32 s5, s29;
	[tilespmem:s3+$0x1620] =	vst v3;
	v3 =	vmul.f32 $2.771281240e+01, v6  }
0x121: {  	s0 =	sshrl.u32 s26, $0x3;
	[tilespmem:s3+$0x1630] =	vst v4;
	v4 =	vmul.f32 $2.771281240e+01, v5  }
0x122: {  	s0 =	smul.u32 $0x300, s0;
	[tilespmem:s3+$0x1640] =	vst v3;
	v3 =	vmul.f32 $2.771281240e+01, v8  }
0x123: {  	[tilespmem:s3+$0x1650] =	vst v4  }
0x124: {  	s6 =	sadd.s32 s2, s0;
	[tilespmem:s3+$0x1660] =	vst v3  }
0x125: {  	[hbm4b:s6+s4] =	stream.linear.scatter [tilespmem:s11], [sflag:$0x5], $0x6000, $0x38;
	[tilespmem:$0x18200] =	vst v63  }
0x126: {  	_ =	swait.ge [sflag:s30], $0x6000  }
0x127: {  	[sflag:s30] =	ssyncset.done $0x0  }
0x128: {  	s3 =	simm.s32 @!p0 $0x8;
	[sflag:s30] =	ssyncadd.s32 $0xFFFFA000  }
0x129: {  	_ =	swait.ge @!p0 [sflag:s3], $0x6000  }
0x12a: {  	[sflag:s3] =	ssyncset.done @!p0 $0x0  }
0x12b: {  	s26 =	sor.u32 $0x60, s29;
	[sflag:s3] =	ssyncadd.s32 @!p0 $0xFFFFA000  }
0x12c: {  	v3 =	vld [tilespmem:s26+$0x0];
	_ =	sdelay $0x4  }
0x12d: {  	v4 =	vshrl.u32 v3, $0x3  }
0x12e: {  	v4 =	vmul.u32 $0x30, v4  }
0x12f: {  	v3 =	vand.u32 $0x7, v3  }
0x130: {  	v3 =	vor.u32 v3, v4  }
0x131: {  	v4 =	vperm.xlane v3, v0;
	_ =	sdelay $0x1  }
0x132: {  	v4 =	vadd.s32 v1, v4;
	_ =	sdelay $0x3  }
0x133: {  	s3 =	simm.s32 $0x0;
	v3 =	vperm.xlane v3, v2  }
0x134: {  	[tilespmem:s31], [sflag:$0x4] =	stream.indirect_vreg.gather [hbm4b:s1+s3], $0x80, v4, vm0, $0xb8;
	[tilespmem:$0x18200] =	vst v63  }
0x135: {  	s9 =	simm.s32 $0x12A00;
	v3 =	vadd.s32 v1, v3  }
0x136: {  	[tilespmem:s9], [sflag:$0x4] =	stream.indirect_vreg.gather [hbm4b:s7+s3], $0x80, v4, vm0, $0xb8;
	[tilespmem:$0x18200] =	vst v63  }
0x137: {  	s10 =	simm.s32 $0x13200  }
0x138: {  	[tilespmem:s10], [sflag:$0x4] =	stream.indirect_vreg.gather [hbm4b:s8+s3], $0x80, v4, vm0, $0xb8;
	[tilespmem:$0x18200] =	vst v63  }
0x139: {  	s13 =	simm.s32 $0x13A00  }
0x13a: {  	[tilespmem:s13], [sflag:$0x4] =	stream.indirect_vreg.gather [hbm4b:s1+s3], $0x80, v3, vm0, $0xb8;
	[tilespmem:$0x18200] =	vst v63  }
0x13b: {  	s14 =	simm.s32 $0x14200  }
0x13c: {  	[tilespmem:s14], [sflag:$0x4] =	stream.indirect_vreg.gather [hbm4b:s7+s3], $0x80, v3, vm0, $0xb8;
	[tilespmem:$0x18200] =	vst v63  }
0x13d: {  	s9 =	simm.s32 $0x14A00  }
0x13e: {  	[tilespmem:s9], [sflag:$0x4] =	stream.indirect_vreg.gather [hbm4b:s8+s3], $0x80, v3, vm0, $0xb8;
	[tilespmem:$0x18200] =	vst v63  }
0x13f: {  	v3 =	vld [tilespmem:s29+$0x70];
	_ =	sdelay $0x4  }
0x140: {  	v4 =	vshrl.u32 v3, $0x3  }
0x141: {  	v4 =	vmul.u32 $0x30, v4  }
0x142: {  	v3 =	vand.u32 $0x7, v3  }
0x143: {  	v3 =	vor.u32 v3, v4  }
0x144: {  	v4 =	vperm.xlane v3, v0;
	_ =	sdelay $0x1  }
0x145: {  	v4 =	vadd.s32 v1, v4;
	_ =	sdelay $0x3  }
0x146: {  	s10 =	simm.s32 $0x15200;
	v3 =	vperm.xlane v3, v2  }
0x147: {  	[tilespmem:s10], [sflag:$0x4] =	stream.indirect_vreg.gather [hbm4b:s1+s3], $0x80, v4, vm0, $0xb8;
	[tilespmem:$0x18200] =	vst v63  }
0x148: {  	s13 =	simm.s32 $0x15A00;
	v3 =	vadd.s32 v1, v3  }
0x149: {  	[tilespmem:s13], [sflag:$0x4] =	stream.indirect_vreg.gather [hbm4b:s7+s3], $0x80, v4, vm0, $0xb8;
	[tilespmem:$0x18200] =	vst v63  }
0x14a: {  	s14 =	simm.s32 $0x0  }
0x14b: {  	[tilespmem:s12], [sflag:$0x4] =	stream.indirect_vreg.gather [hbm4b:s8+s3], $0x80, v4, vm0, $0xb8;
	[tilespmem:$0x18200] =	vst v63  }
0x14c: {  	s6 =	smul.u32 $0x6000, s14  }
0x14d: {  	[tilespmem:s17], [sflag:$0x4] =	stream.indirect_vreg.gather [hbm4b:s1+s3], $0x80, v3, vm0, $0xb8;
	[tilespmem:$0x18200] =	vst v63  }
0x14e: {  	s6 =	sshra.s32 s6, $0x2;
	s10 =	sand.u32 $0x380, s3  }
0x14f: {  	[tilespmem:s18], [sflag:$0x4] =	stream.indirect_vreg.gather [hbm4b:s7+s3], $0x80, v3, vm0, $0xb8;
	[tilespmem:$0x18200] =	vst v63  }
0x150: {  	s29 =	sor.u32 s10, s6  }
0x151: {  	[tilespmem:s19], [sflag:$0x4] =	stream.indirect_vreg.gather [hbm4b:s8+s3], $0x80, v3, vm0, $0xb8;
	[tilespmem:$0x18200] =	vst v63  }
0x152: {  	v3 =	vld [tilespmem:s29+$0x7670]  }
0x153: {  	v4 =	vld [tilespmem:s29+$0x6200]  }
0x154: {  	v5 =	vld [tilespmem:s29+$0x6210]  }
0x155: {  	v6 =	vld [tilespmem:s29+$0x6220]  }
0x156: {  	v7 =	vld [tilespmem:s29+$0x6230]  }
0x157: {  	v8 =	vld [tilespmem:s29+$0x6240];
	v3 =	vmul.f32 $2.771281240e+01, v3  }
0x158: {  	v9 =	vld [tilespmem:s29+$0x6250];
	v4 =	vmul.f32 $2.771281240e+01, v4  }
0x159: {  	v10 =	vld [tilespmem:s29+$0x6260];
	[tilespmem:s29+$0x7670] =	vst v3;
	v3 =	vmul.f32 $2.771281240e+01, v5  }
0x15a: {  	[tilespmem:s29+$0x6200] =	vst v4;
	v4 =	vld [tilespmem:s29+$0x6270];
	v5 =	vmul.f32 $2.771281240e+01, v6  }
0x15b: {  	v6 =	vmul.f32 $2.771281240e+01, v7;
	[tilespmem:s29+$0x6210] =	vst v3;
	v3 =	vld [tilespmem:s29+$0x6600]  }
0x15c: {  	v7 =	vmul.f32 $2.771281240e+01, v8;
	[tilespmem:s29+$0x6220] =	vst v5;
	v5 =	vld [tilespmem:s29+$0x6610]  }
0x15d: {  	v8 =	vmul.f32 $2.771281240e+01, v9;
	[tilespmem:s29+$0x6230] =	vst v6;
	v6 =	vld [tilespmem:s29+$0x6620]  }
0x15e: {  	v9 =	vmul.f32 $2.771281240e+01, v10;
	[tilespmem:s29+$0x6240] =	vst v7;
	v7 =	vld [tilespmem:s29+$0x6630]  }
0x15f: {  	[tilespmem:s29+$0x6250] =	vst v8;
	v8 =	vld [tilespmem:s29+$0x6640];
	v4 =	vmul.f32 $2.771281240e+01, v4  }
0x160: {  	[tilespmem:s29+$0x6260] =	vst v9;
	v9 =	vld [tilespmem:s29+$0x6650];
	v3 =	vmul.f32 $2.771281240e+01, v3  }
0x161: {  	[tilespmem:s29+$0x6270] =	vst v4;
	v4 =	vld [tilespmem:s29+$0x6660];
	v5 =	vmul.f32 $2.771281240e+01, v5  }
0x162: {  	v6 =	vmul.f32 $2.771281240e+01, v6;
	[tilespmem:s29+$0x6600] =	vst v3;
	v3 =	vld [tilespmem:s29+$0x6670]  }
0x163: {  	v7 =	vmul.f32 $2.771281240e+01, v7;
	[tilespmem:s29+$0x6610] =	vst v5;
	v5 =	vld [tilespmem:s29+$0x6A00]  }
0x164: {  	v8 =	vmul.f32 $2.771281240e+01, v8;
	[tilespmem:s29+$0x6620] =	vst v6;
	v6 =	vld [tilespmem:s29+$0x6A10]  }
0x165: {  	v9 =	vmul.f32 $2.771281240e+01, v9;
	[tilespmem:s29+$0x6630] =	vst v7;
	v7 =	vld [tilespmem:s29+$0x6A20]  }
0x166: {  	[tilespmem:s29+$0x6640] =	vst v8;
	v8 =	vld [tilespmem:s29+$0x6A30];
	v4 =	vmul.f32 $2.771281240e+01, v4  }
0x167: {  	[tilespmem:s29+$0x6650] =	vst v9;
	v9 =	vld [tilespmem:s29+$0x6A40];
	v3 =	vmul.f32 $2.771281240e+01, v3  }
0x168: {  	[tilespmem:s29+$0x6660] =	vst v4;
	v4 =	vld [tilespmem:s29+$0x6A50];
	v5 =	vmul.f32 $2.771281240e+01, v5  }
0x169: {  	v6 =	vmul.f32 $2.771281240e+01, v6;
	[tilespmem:s29+$0x6670] =	vst v3;
	v3 =	vld [tilespmem:s29+$0x6A60]  }
0x16a: {  	v7 =	vmul.f32 $2.771281240e+01, v7;
	[tilespmem:s29+$0x6A00] =	vst v5;
	v5 =	vld [tilespmem:s29+$0x6A70]  }
0x16b: {  	v8 =	vmul.f32 $2.771281240e+01, v8;
	[tilespmem:s29+$0x6A10] =	vst v6;
	v6 =	vld [tilespmem:s29+$0x6E00]  }
0x16c: {  	v9 =	vmul.f32 $2.771281240e+01, v9;
	[tilespmem:s29+$0x6A20] =	vst v7;
	v7 =	vld [tilespmem:s29+$0x6E10]  }
0x16d: {  	[tilespmem:s29+$0x6A30] =	vst v8;
	v8 =	vld [tilespmem:s29+$0x6E20];
	v4 =	vmul.f32 $2.771281240e+01, v4  }
0x16e: {  	[tilespmem:s29+$0x6A40] =	vst v9;
	v9 =	vld [tilespmem:s29+$0x6E30];
	v3 =	vmul.f32 $2.771281240e+01, v3  }
0x16f: {  	[tilespmem:s29+$0x6A50] =	vst v4;
	v4 =	vld [tilespmem:s29+$0x6E40];
	v5 =	vmul.f32 $2.771281240e+01, v5  }
0x170: {  	v6 =	vmul.f32 $2.771281240e+01, v6;
	[tilespmem:s29+$0x6A60] =	vst v3;
	v3 =	vld [tilespmem:s29+$0x6E50]  }
0x171: {  	v7 =	vmul.f32 $2.771281240e+01, v7;
	[tilespmem:s29+$0x6A70] =	vst v5;
	v5 =	vld [tilespmem:s29+$0x6E60]  }
0x172: {  	v8 =	vmul.f32 $2.771281240e+01, v8;
	[tilespmem:s29+$0x6E00] =	vst v6;
	v6 =	vld [tilespmem:s29+$0x6E70]  }
0x173: {  	v9 =	vmul.f32 $2.771281240e+01, v9;
	[tilespmem:s29+$0x6E10] =	vst v7;
	v7 =	vld [tilespmem:s29+$0x7200]  }
0x174: {  	[tilespmem:s29+$0x6E20] =	vst v8;
	v8 =	vld [tilespmem:s29+$0x7210];
	v4 =	vmul.f32 $2.771281240e+01, v4  }
0x175: {  	[tilespmem:s29+$0x6E30] =	vst v9;
	v9 =	vld [tilespmem:s29+$0x7220];
	v3 =	vmul.f32 $2.771281240e+01, v3  }
0x176: {  	v10 =	vld [tilespmem:s29+$0x7230];
	[tilespmem:s29+$0x6E40] =	vst v4;
	v4 =	vmul.f32 $2.771281240e+01, v5  }
0x177: {  	v5 =	vld [tilespmem:s29+$0x7240];
	[tilespmem:s29+$0x6E50] =	vst v3;
	v3 =	vmul.f32 $2.771281240e+01, v6  }
0x178: {  	v11 =	vld [tilespmem:s29+$0x7250];
	[tilespmem:s29+$0x6E60] =	vst v4;
	v4 =	vmul.f32 $2.771281240e+01, v7  }
0x179: {  	v7 =	vld [tilespmem:s29+$0x7260];
	[tilespmem:s29+$0x6E70] =	vst v3;
	v3 =	vmul.f32 $2.771281240e+01, v8  }
0x17a: {  	v6 =	vld [tilespmem:s29+$0x7270];
	[tilespmem:s29+$0x7200] =	vst v4;
	v8 =	vmul.f32 $2.771281240e+01, v9  }
0x17b: {  	v4 =	vld [tilespmem:s29+$0x7600];
	v9 =	vmul.f32 $2.771281240e+01, v10;
	[tilespmem:s29+$0x7210] =	vst v3  }
0x17c: {  	[tilespmem:s29+$0x7220] =	vst v8;
	v3 =	vld [tilespmem:s29+$0x7610];
	v8 =	vmul.f32 $2.771281240e+01, v5  }
0x17d: {  	s6 =	simm.s32 $0x0;
	s10 =	simm.s32 $0x2;
	[tilespmem:s29+$0x7230] =	vst v9;
	v9 =	vmul.f32 $2.771281240e+01, v11;
	v5 =	vld [tilespmem:s29+$0x7620]  }
.LBB2_5:
0x17e: {  	p0 =	sne.s32 s10, $0x1F;
	s6 =	smul.u32 $0x6000, s6;
	[tilespmem:s29+$0x7240] =	vst v8;
	v7 =	vmul.f32 $2.771281240e+01, v7;
	v8 =	vld [tilespmem:s29+$0x7630]  }
0x17f: {  	s3 =	sadd.s32 $0x80, s3;
	[tilespmem:s29+$0x7250] =	vst v9;
	v6 =	vmul.f32 $2.771281240e+01, v6;
	v9 =	vld [tilespmem:s29+$0x7640]  }
0x180: {  	s13 =	sand.u32 $0x380, s3;
	s6 =	sshra.s32 s6, $0x2;
	[tilespmem:s29+$0x7260] =	vst v7;
	v4 =	vmul.f32 $2.771281240e+01, v4;
	v7 =	vld [tilespmem:s29+$0x7650]  }
0x181: {  	s6 =	sor.u32 s13, s6;
	[tilespmem:s29+$0x7270] =	vst v6;
	v3 =	vmul.f32 $2.771281240e+01, v3;
	v6 =	vld [tilespmem:s29+$0x7660]  }
0x182: {  	v10 =	vld [tilespmem:s6+$0x7670];
	[tilespmem:s29+$0x7600] =	vst v4;
	v4 =	vmul.f32 $2.771281240e+01, v5  }
0x183: {  	v5 =	vld [tilespmem:s6+$0x6200];
	[tilespmem:s29+$0x7610] =	vst v3;
	v3 =	vmul.f32 $2.771281240e+01, v8  }
0x184: {  	v8 =	vld [tilespmem:s6+$0x6210];
	[tilespmem:s29+$0x7620] =	vst v4;
	v4 =	vmul.f32 $2.771281240e+01, v9  }
0x185: {  	v9 =	vld [tilespmem:s6+$0x6220];
	[tilespmem:s29+$0x7630] =	vst v3;
	v3 =	vmul.f32 $2.771281240e+01, v7  }
0x186: {  	v7 =	vld [tilespmem:s6+$0x6230];
	[tilespmem:s29+$0x7640] =	vst v4;
	v4 =	vmul.f32 $2.771281240e+01, v6  }
0x187: {  	v6 =	vld [tilespmem:s6+$0x6240];
	v10 =	vmul.f32 $2.771281240e+01, v10;
	[tilespmem:s29+$0x7650] =	vst v3  }
0x188: {  	v3 =	vmul.f32 $2.771281240e+01, v5;
	v5 =	vld [tilespmem:s6+$0x6250];
	[tilespmem:s29+$0x7660] =	vst v4;
	s29 =	smov.u32 s6  }
0x189: {  	v4 =	vmul.f32 $2.771281240e+01, v8;
	v8 =	vld [tilespmem:s29+$0x6260];
	[tilespmem:s29+$0x7670] =	vst v10  }
0x18a: {  	[tilespmem:s29+$0x6200] =	vst v3;
	v3 =	vmul.f32 $2.771281240e+01, v9;
	v9 =	vld [tilespmem:s29+$0x6270]  }
0x18b: {  	[tilespmem:s29+$0x6210] =	vst v4;
	v4 =	vmul.f32 $2.771281240e+01, v7;
	v7 =	vld [tilespmem:s29+$0x6600]  }
0x18c: {  	[tilespmem:s29+$0x6220] =	vst v3;
	v3 =	vmul.f32 $2.771281240e+01, v6;
	v6 =	vld [tilespmem:s29+$0x6610]  }
0x18d: {  	[tilespmem:s29+$0x6230] =	vst v4;
	v4 =	vmul.f32 $2.771281240e+01, v5;
	v5 =	vld [tilespmem:s29+$0x6620]  }
0x18e: {  	[tilespmem:s29+$0x6240] =	vst v3;
	v3 =	vmul.f32 $2.771281240e+01, v8;
	v8 =	vld [tilespmem:s29+$0x6630]  }
0x18f: {  	[tilespmem:s29+$0x6250] =	vst v4;
	v4 =	vmul.f32 $2.771281240e+01, v9;
	v9 =	vld [tilespmem:s29+$0x6640]  }
0x190: {  	[tilespmem:s29+$0x6260] =	vst v3;
	v3 =	vmul.f32 $2.771281240e+01, v7;
	v7 =	vld [tilespmem:s29+$0x6650]  }
0x191: {  	[tilespmem:s29+$0x6270] =	vst v4;
	v4 =	vmul.f32 $2.771281240e+01, v6;
	v6 =	vld [tilespmem:s29+$0x6660]  }
0x192: {  	[tilespmem:s29+$0x6600] =	vst v3;
	v3 =	vmul.f32 $2.771281240e+01, v5;
	v5 =	vld [tilespmem:s29+$0x6670]  }
0x193: {  	[tilespmem:s29+$0x6610] =	vst v4;
	v4 =	vmul.f32 $2.771281240e+01, v8;
	v8 =	vld [tilespmem:s29+$0x6A00]  }
0x194: {  	[tilespmem:s29+$0x6620] =	vst v3;
	v3 =	vmul.f32 $2.771281240e+01, v9;
	v9 =	vld [tilespmem:s29+$0x6A10]  }
0x195: {  	[tilespmem:s29+$0x6630] =	vst v4;
	v4 =	vmul.f32 $2.771281240e+01, v7;
	v7 =	vld [tilespmem:s29+$0x6A20]  }
0x196: {  	[tilespmem:s29+$0x6640] =	vst v3;
	v3 =	vmul.f32 $2.771281240e+01, v6;
	v6 =	vld [tilespmem:s29+$0x6A30]  }
0x197: {  	[tilespmem:s29+$0x6650] =	vst v4;
	v4 =	vmul.f32 $2.771281240e+01, v5;
	v5 =	vld [tilespmem:s29+$0x6A40]  }
0x198: {  	[tilespmem:s29+$0x6660] =	vst v3;
	v3 =	vmul.f32 $2.771281240e+01, v8;
	v8 =	vld [tilespmem:s29+$0x6A50]  }
0x199: {  	[tilespmem:s29+$0x6670] =	vst v4;
	v4 =	vmul.f32 $2.771281240e+01, v9;
	v9 =	vld [tilespmem:s29+$0x6A60]  }
0x19a: {  	[tilespmem:s29+$0x6A00] =	vst v3;
	v3 =	vmul.f32 $2.771281240e+01, v7;
	v7 =	vld [tilespmem:s29+$0x6A70]  }
0x19b: {  	[tilespmem:s29+$0x6A10] =	vst v4;
	v4 =	vmul.f32 $2.771281240e+01, v6;
	v6 =	vld [tilespmem:s29+$0x6E00]  }
0x19c: {  	[tilespmem:s29+$0x6A20] =	vst v3;
	v3 =	vmul.f32 $2.771281240e+01, v5;
	v5 =	vld [tilespmem:s29+$0x6E10]  }
0x19d: {  	[tilespmem:s29+$0x6A30] =	vst v4;
	v4 =	vmul.f32 $2.771281240e+01, v8;
	v8 =	vld [tilespmem:s29+$0x6E20]  }
0x19e: {  	[tilespmem:s29+$0x6A40] =	vst v3;
	v3 =	vmul.f32 $2.771281240e+01, v9;
	v9 =	vld [tilespmem:s29+$0x6E30]  }
0x19f: {  	[tilespmem:s29+$0x6A50] =	vst v4;
	v4 =	vmul.f32 $2.771281240e+01, v7;
	v7 =	vld [tilespmem:s29+$0x6E40]  }
0x1a0: {  	[tilespmem:s29+$0x6A60] =	vst v3;
	v3 =	vmul.f32 $2.771281240e+01, v6;
	v6 =	vld [tilespmem:s29+$0x6E50]  }
0x1a1: {  	[tilespmem:s29+$0x6A70] =	vst v4;
	v4 =	vmul.f32 $2.771281240e+01, v5;
	v5 =	vld [tilespmem:s29+$0x6E60]  }
0x1a2: {  	[tilespmem:s29+$0x6E00] =	vst v3;
	v3 =	vmul.f32 $2.771281240e+01, v8;
	v8 =	vld [tilespmem:s29+$0x6E70]  }
0x1a3: {  	[tilespmem:s29+$0x6E10] =	vst v4;
	v4 =	vmul.f32 $2.771281240e+01, v9;
	v9 =	vld [tilespmem:s29+$0x7200]  }
0x1a4: {  	[tilespmem:s29+$0x6E20] =	vst v3;
	v3 =	vmul.f32 $2.771281240e+01, v7;
	v7 =	vld [tilespmem:s29+$0x7210]  }
0x1a5: {  	[tilespmem:s29+$0x6E30] =	vst v4;
	v4 =	vmul.f32 $2.771281240e+01, v6;
	v6 =	vld [tilespmem:s29+$0x7220]  }
0x1a6: {  	[tilespmem:s29+$0x6E40] =	vst v3;
	v3 =	vmul.f32 $2.771281240e+01, v5;
	v5 =	vld [tilespmem:s29+$0x7230]  }
0x1a7: {  	[tilespmem:s29+$0x6E50] =	vst v4;
	v4 =	vmul.f32 $2.771281240e+01, v8;
	v8 =	vld [tilespmem:s29+$0x7240]  }
0x1a8: {  	[tilespmem:s29+$0x6E60] =	vst v3;
	v3 =	vmul.f32 $2.771281240e+01, v9;
	v9 =	vld [tilespmem:s29+$0x7250]  }
.Ltmp1:
0x1a9: {  	[tilespmem:s29+$0x6E70] =	vst v4;
	v4 =	vmul.f32 $2.771281240e+01, v7;
	v7 =	vld [tilespmem:s29+$0x7260];
	(pc) =	sbr.rel @p0 .LBB2_5-.Ltmp1, $4  }
0x1aa: {  	[tilespmem:s29+$0x7200] =	vst v3;
	v3 =	vmul.f32 $2.771281240e+01, v6;
	v6 =	vld [tilespmem:s29+$0x7270]  }
0x1ab: {  	[tilespmem:s29+$0x7210] =	vst v4;
	v5 =	vmul.f32 $2.771281240e+01, v5;
	v4 =	vld [tilespmem:s29+$0x7600]  }
0x1ac: {  	[tilespmem:s29+$0x7220] =	vst v3;
	v8 =	vmul.f32 $2.771281240e+01, v8;
	v3 =	vld [tilespmem:s29+$0x7610]  }
0x1ad: {  	s6 =	sshrl.u32 s10, $0x3;
	s10 =	sadd.s32 $0x1, s10;
	[tilespmem:s29+$0x7230] =	vst v5;
	v9 =	vmul.f32 $2.771281240e+01, v9;
	v5 =	vld [tilespmem:s29+$0x7620]  }
0x1ae: {  	[tilespmem:s29+$0x7240] =	vst v8;
	v8 =	vld [tilespmem:s29+$0x7630];
	v7 =	vmul.f32 $2.771281240e+01, v7;
	s6 =	smul.u32 $0x6000, s6  }
0x1af: {  	s3 =	sadd.s32 $0x80, s3;
	[tilespmem:s29+$0x7250] =	vst v9;
	v9 =	vld [tilespmem:s29+$0x7640];
	v6 =	vmul.f32 $2.771281240e+01, v6  }
0x1b0: {  	s3 =	sand.u32 $0x380, s3;
	[tilespmem:s29+$0x7260] =	vst v7;
	v7 =	vld [tilespmem:s29+$0x7650];
	s6 =	sshra.s32 s6, $0x2;
	v4 =	vmul.f32 $2.771281240e+01, v4  }
0x1b1: {  	[tilespmem:s29+$0x7270] =	vst v6;
	s3 =	sor.u32 s3, s6;
	v3 =	vmul.f32 $2.771281240e+01, v3;
	v6 =	vld [tilespmem:s29+$0x7660]  }
0x1b2: {  	v10 =	vld [tilespmem:s3+$0x7670];
	[tilespmem:s29+$0x7600] =	vst v4;
	v4 =	vmul.f32 $2.771281240e+01, v5  }
0x1b3: {  	v5 =	vld [tilespmem:s3+$0x6200];
	[tilespmem:s29+$0x7610] =	vst v3;
	v3 =	vmul.f32 $2.771281240e+01, v8  }
0x1b4: {  	v8 =	vld [tilespmem:s3+$0x6210];
	[tilespmem:s29+$0x7620] =	vst v4;
	v4 =	vmul.f32 $2.771281240e+01, v9  }
0x1b5: {  	v9 =	vld [tilespmem:s3+$0x6220];
	[tilespmem:s29+$0x7630] =	vst v3;
	v3 =	vmul.f32 $2.771281240e+01, v7  }
0x1b6: {  	v7 =	vld [tilespmem:s3+$0x6230];
	[tilespmem:s29+$0x7640] =	vst v4;
	v4 =	vmul.f32 $2.771281240e+01, v6  }
0x1b7: {  	v6 =	vld [tilespmem:s3+$0x6240];
	v10 =	vmul.f32 $2.771281240e+01, v10;
	[tilespmem:s29+$0x7650] =	vst v3  }
0x1b8: {  	v3 =	vmul.f32 $2.771281240e+01, v5;
	v5 =	vld [tilespmem:s3+$0x6250];
	[tilespmem:s29+$0x7660] =	vst v4  }
0x1b9: {  	v4 =	vmul.f32 $2.771281240e+01, v8;
	v8 =	vld [tilespmem:s3+$0x6260];
	[tilespmem:s3+$0x7670] =	vst v10  }
0x1ba: {  	[tilespmem:s3+$0x6200] =	vst v3;
	v3 =	vmul.f32 $2.771281240e+01, v9;
	v9 =	vld [tilespmem:s3+$0x6270]  }
0x1bb: {  	[tilespmem:s3+$0x6210] =	vst v4;
	v4 =	vmul.f32 $2.771281240e+01, v7;
	v7 =	vld [tilespmem:s3+$0x6600]  }
0x1bc: {  	[tilespmem:s3+$0x6220] =	vst v3;
	v3 =	vmul.f32 $2.771281240e+01, v6;
	v6 =	vld [tilespmem:s3+$0x6610]  }
0x1bd: {  	[tilespmem:s3+$0x6230] =	vst v4;
	v4 =	vmul.f32 $2.771281240e+01, v5;
	v5 =	vld [tilespmem:s3+$0x6620]  }
0x1be: {  	[tilespmem:s3+$0x6240] =	vst v3;
	v3 =	vmul.f32 $2.771281240e+01, v8;
	v8 =	vld [tilespmem:s3+$0x6630]  }
0x1bf: {  	[tilespmem:s3+$0x6250] =	vst v4;
	v4 =	vmul.f32 $2.771281240e+01, v9;
	v9 =	vld [tilespmem:s3+$0x6640]  }
0x1c0: {  	[tilespmem:s3+$0x6260] =	vst v3;
	v3 =	vmul.f32 $2.771281240e+01, v7;
	v7 =	vld [tilespmem:s3+$0x6650]  }
0x1c1: {  	[tilespmem:s3+$0x6270] =	vst v4;
	v4 =	vmul.f32 $2.771281240e+01, v6;
	v6 =	vld [tilespmem:s3+$0x6660]  }
0x1c2: {  	[tilespmem:s3+$0x6600] =	vst v3;
	v3 =	vmul.f32 $2.771281240e+01, v5;
	v5 =	vld [tilespmem:s3+$0x6670]  }
0x1c3: {  	[tilespmem:s3+$0x6610] =	vst v4;
	v4 =	vmul.f32 $2.771281240e+01, v8;
	v8 =	vld [tilespmem:s3+$0x6A00]  }
0x1c4: {  	[tilespmem:s3+$0x6620] =	vst v3;
	v3 =	vmul.f32 $2.771281240e+01, v9;
	v9 =	vld [tilespmem:s3+$0x6A10]  }
0x1c5: {  	[tilespmem:s3+$0x6630] =	vst v4;
	v4 =	vmul.f32 $2.771281240e+01, v7;
	v7 =	vld [tilespmem:s3+$0x6A20]  }
0x1c6: {  	[tilespmem:s3+$0x6640] =	vst v3;
	v3 =	vmul.f32 $2.771281240e+01, v6;
	v6 =	vld [tilespmem:s3+$0x6A30]  }
0x1c7: {  	[tilespmem:s3+$0x6650] =	vst v4;
	v4 =	vmul.f32 $2.771281240e+01, v5;
	v5 =	vld [tilespmem:s3+$0x6A40]  }
0x1c8: {  	[tilespmem:s3+$0x6660] =	vst v3;
	v3 =	vmul.f32 $2.771281240e+01, v8;
	v8 =	vld [tilespmem:s3+$0x6A50]  }
0x1c9: {  	[tilespmem:s3+$0x6670] =	vst v4;
	v4 =	vmul.f32 $2.771281240e+01, v9;
	v9 =	vld [tilespmem:s3+$0x6A60]  }
0x1ca: {  	[tilespmem:s3+$0x6A00] =	vst v3;
	v3 =	vmul.f32 $2.771281240e+01, v7;
	v7 =	vld [tilespmem:s3+$0x6A70]  }
0x1cb: {  	[tilespmem:s3+$0x6A10] =	vst v4;
	v4 =	vmul.f32 $2.771281240e+01, v6;
	v6 =	vld [tilespmem:s3+$0x6E00]  }
0x1cc: {  	[tilespmem:s3+$0x6A20] =	vst v3;
	v3 =	vmul.f32 $2.771281240e+01, v5;
	v5 =	vld [tilespmem:s3+$0x6E10]  }
0x1cd: {  	[tilespmem:s3+$0x6A30] =	vst v4;
	v4 =	vmul.f32 $2.771281240e+01, v8;
	v8 =	vld [tilespmem:s3+$0x6E20]  }
0x1ce: {  	[tilespmem:s3+$0x6A40] =	vst v3;
	v3 =	vmul.f32 $2.771281240e+01, v9;
	v9 =	vld [tilespmem:s3+$0x6E30]  }
0x1cf: {  	[tilespmem:s3+$0x6A50] =	vst v4;
	v4 =	vmul.f32 $2.771281240e+01, v7;
	v7 =	vld [tilespmem:s3+$0x6E40]  }
0x1d0: {  	[tilespmem:s3+$0x6A60] =	vst v3;
	v3 =	vmul.f32 $2.771281240e+01, v6;
	v6 =	vld [tilespmem:s3+$0x6E50]  }
0x1d1: {  	[tilespmem:s3+$0x6A70] =	vst v4;
	v4 =	vmul.f32 $2.771281240e+01, v5;
	v5 =	vld [tilespmem:s3+$0x6E60]  }
0x1d2: {  	[tilespmem:s3+$0x6E00] =	vst v3;
	v3 =	vmul.f32 $2.771281240e+01, v8;
	v8 =	vld [tilespmem:s3+$0x6E70]  }
0x1d3: {  	[tilespmem:s3+$0x6E10] =	vst v4;
	v4 =	vmul.f32 $2.771281240e+01, v9;
	v9 =	vld [tilespmem:s3+$0x7200]  }
0x1d4: {  	[tilespmem:s3+$0x6E20] =	vst v3;
	v3 =	vmul.f32 $2.771281240e+01, v7;
	v7 =	vld [tilespmem:s3+$0x7210]  }
0x1d5: {  	[tilespmem:s3+$0x6E30] =	vst v4;
	v4 =	vmul.f32 $2.771281240e+01, v6;
	v6 =	vld [tilespmem:s3+$0x7220]  }
0x1d6: {  	[tilespmem:s3+$0x6E40] =	vst v3;
	v3 =	vmul.f32 $2.771281240e+01, v5;
	v5 =	vld [tilespmem:s3+$0x7230]  }
0x1d7: {  	[tilespmem:s3+$0x6E50] =	vst v4;
	v4 =	vmul.f32 $2.771281240e+01, v8;
	v8 =	vld [tilespmem:s3+$0x7240]  }
0x1d8: {  	[tilespmem:s3+$0x6E60] =	vst v3;
	v3 =	vmul.f32 $2.771281240e+01, v9;
	v9 =	vld [tilespmem:s3+$0x7250]  }
0x1d9: {  	[tilespmem:s3+$0x6E70] =	vst v4;
	v4 =	vmul.f32 $2.771281240e+01, v7;
	v7 =	vld [tilespmem:s3+$0x7260]  }
0x1da: {  	[tilespmem:s3+$0x7200] =	vst v3;
	v3 =	vmul.f32 $2.771281240e+01, v6;
	v6 =	vld [tilespmem:s3+$0x7270]  }
0x1db: {  	[tilespmem:s3+$0x7210] =	vst v4;
	v4 =	vmul.f32 $2.771281240e+01, v5;
	v5 =	vld [tilespmem:s3+$0x7600]  }
0x1dc: {  	[tilespmem:s3+$0x7220] =	vst v3;
	v3 =	vmul.f32 $2.771281240e+01, v8;
	v8 =	vld [tilespmem:s3+$0x7610]  }
0x1dd: {  	[tilespmem:s3+$0x7230] =	vst v4;
	v4 =	vmul.f32 $2.771281240e+01, v9;
	v9 =	vld [tilespmem:s3+$0x7620]  }
0x1de: {  	[tilespmem:s3+$0x7240] =	vst v3;
	v3 =	vmul.f32 $2.771281240e+01, v7;
	v7 =	vld [tilespmem:s3+$0x7630]  }
0x1df: {  	[tilespmem:s3+$0x7250] =	vst v4;
	v4 =	vmul.f32 $2.771281240e+01, v6;
	v6 =	vld [tilespmem:s3+$0x7640]  }
0x1e0: {  	[tilespmem:s3+$0x7260] =	vst v3;
	v3 =	vmul.f32 $2.771281240e+01, v5;
	v5 =	vld [tilespmem:s3+$0x7650]  }
0x1e1: {  	[tilespmem:s3+$0x7270] =	vst v4;
	v4 =	vmul.f32 $2.771281240e+01, v8;
	v8 =	vld [tilespmem:s3+$0x7660]  }
0x1e2: {  	[tilespmem:s3+$0x7600] =	vst v3;
	v3 =	vmul.f32 $2.771281240e+01, v9  }
0x1e3: {  	[tilespmem:s3+$0x7610] =	vst v4;
	v4 =	vmul.f32 $2.771281240e+01, v7  }
0x1e4: {  	[tilespmem:s3+$0x7620] =	vst v3;
	v3 =	vmul.f32 $2.771281240e+01, v6  }
0x1e5: {  	[tilespmem:s3+$0x7630] =	vst v4;
	v4 =	vmul.f32 $2.771281240e+01, v5  }
0x1e6: {  	[tilespmem:s3+$0x7640] =	vst v3;
	v3 =	vmul.f32 $2.771281240e+01, v8  }
0x1e7: {  	s0 =	sadd.s32 s0, s2;
	[tilespmem:s3+$0x7650] =	vst v4  }
0x1e8: {  	s0 =	sadd.s32 $0xC00, s0;
	[tilespmem:s3+$0x7660] =	vst v3  }
0x1e9: {  	[hbm4b:s0+s4] =	stream.linear.scatter [tilespmem:s24], [sflag:$0x6], $0x6000, $0x38;
	[tilespmem:$0x18200] =	vst v63  }
0x1ea: {  	_ =	swait.ge [sflag:s20], $0x6000  }
0x1eb: {  	[sflag:s20] =	ssyncset.done $0x0  }
0x1ec: {  	[sflag:s20] =	ssyncadd.s32 $0xFFFFA000  }
0x1ed: {  	p0 =	seq.s32 s25, $0x3;
	_ =	swait.ge [sflag:s21], $0x6000  }
0x1ee: {  	s0 =	sshll.u32 @!p0 s25, $0x7;
	[sflag:s21] =	ssyncset.done $0x0  }
0x1ef: {  	s29 =	sand.u32 @!p0 $0x3FFFFF80, s0;
	[sflag:s21] =	ssyncadd.s32 $0xFFFFA000  }
0x1f0: {  	v3 =	vld @!p0 [tilespmem:s29+$0x80];
	_ =	sdelay $0x4  }
0x1f1: {  	v4 =	vshrl.u32 @!p0 v3, $0x3  }
0x1f2: {  	v4 =	vmul.u32 @!p0 $0x30, v4  }
0x1f3: {  	v5 =	vlaneseq.u32 @!p0;
	v3 =	vand.u32 @!p0 $0x7, v3  }
0x1f4: {  	v6 =	vshrl.u32 @!p0 v5, $0x3;
	v3 =	vor.u32 @!p0 v3, v4;
	v4 =	vand.u32 @!p0 $0x7, v5  }
0x1f5: {  	v6 =	vmul.u32 @!p0 $0x8, v6;
	v7 =	vperm.xlane @!p0 v3, v4;
	_ =	sdelay $0x1  }
0x1f6: {  	v7 =	vadd.s32 @!p0 v6, v7;
	_ =	sdelay $0x2  }
0x1f7: {  	v5 =	vor.u32 @!p0 $0x8, v5  }
0x1f8: {  	vm1 =	vmmov @!p0 $0xffff;
	s3 =	simm.s32 @!p0 $0x200;
	s0 =	simm.s32 @!p0 $0x0;
	v3 =	vperm.xlane @!p0 v3, v5  }
0x1f9: {  	[tilespmem:s3], [sflag:$0x1] =	stream.indirect_vreg.gather @!p0 [hbm4b:s1+s0], $0x80, v7, vm1, $0xb8;
	[tilespmem:$0x18200] =	vst v63  }
0x1fa: {  	v3 =	vadd.s32 @!p0 v6, v3;
	s3 =	simm.s32 @!p0 $0xA00  }
0x1fb: {  	[tilespmem:s3], [sflag:$0x1] =	stream.indirect_vreg.gather @!p0 [hbm4b:s7+s0], $0x80, v7, vm1, $0xb8;
	[tilespmem:$0x18200] =	vst v63  }
0x1fc: {  	s3 =	simm.s32 @!p0 $0x1200  }
0x1fd: {  	[tilespmem:s3], [sflag:$0x1] =	stream.indirect_vreg.gather @!p0 [hbm4b:s8+s0], $0x80, v7, vm1, $0xb8;
	[tilespmem:$0x18200] =	vst v63  }
0x1fe: {  	s3 =	simm.s32 @!p0 $0x1A00  }
0x1ff: {  	[tilespmem:s3], [sflag:$0x1] =	stream.indirect_vreg.gather @!p0 [hbm4b:s1+s0], $0x80, v3, vm1, $0xb8;
	[tilespmem:$0x18200] =	vst v63  }
0x200: {  	s3 =	simm.s32 @!p0 $0x2200  }
0x201: {  	[tilespmem:s3], [sflag:$0x1] =	stream.indirect_vreg.gather @!p0 [hbm4b:s7+s0], $0x80, v3, vm1, $0xb8;
	[tilespmem:$0x18200] =	vst v63  }
0x202: {  	s3 =	simm.s32 @!p0 $0x2A00  }
0x203: {  	[tilespmem:s3], [sflag:$0x1] =	stream.indirect_vreg.gather @!p0 [hbm4b:s8+s0], $0x80, v3, vm1, $0xb8;
	[tilespmem:$0x18200] =	vst v63  }
0x204: {  	v3 =	vld @!p0 [tilespmem:s29+$0x90];
	_ =	sdelay $0x4  }
0x205: {  	v7 =	vshrl.u32 @!p0 v3, $0x3  }
0x206: {  	v7 =	vmul.u32 @!p0 $0x30, v7  }
0x207: {  	v3 =	vand.u32 @!p0 $0x7, v3  }
0x208: {  	v3 =	vor.u32 @!p0 v3, v7  }
0x209: {  	v4 =	vperm.xlane @!p0 v3, v4;
	_ =	sdelay $0x1  }
0x20a: {  	v4 =	vadd.s32 @!p0 v6, v4;
	_ =	sdelay $0x3  }
0x20b: {  	s3 =	simm.s32 @!p0 $0x3200;
	v3 =	vperm.xlane @!p0 v3, v5  }
0x20c: {  	[tilespmem:s3], [sflag:$0x1] =	stream.indirect_vreg.gather @!p0 [hbm4b:s1+s0], $0x80, v4, vm1, $0xb8;
	[tilespmem:$0x18200] =	vst v63  }
0x20d: {  	v3 =	vadd.s32 @!p0 v6, v3;
	s3 =	simm.s32 @!p0 $0x3A00  }
0x20e: {  	[tilespmem:s3], [sflag:$0x1] =	stream.indirect_vreg.gather @!p0 [hbm4b:s7+s0], $0x80, v4, vm1, $0xb8;
	[tilespmem:$0x18200] =	vst v63  }
0x20f: {  	s3 =	simm.s32 @!p0 $0x4200  }
0x210: {  	[tilespmem:s3], [sflag:$0x1] =	stream.indirect_vreg.gather @!p0 [hbm4b:s8+s0], $0x80, v4, vm1, $0xb8;
	[tilespmem:$0x18200] =	vst v63  }
0x211: {  	s3 =	simm.s32 @!p0 $0x4A00  }
0x212: {  	[tilespmem:s3], [sflag:$0x1] =	stream.indirect_vreg.gather @!p0 [hbm4b:s1+s0], $0x80, v3, vm1, $0xb8;
	[tilespmem:$0x18200] =	vst v63  }
0x213: {  	s3 =	simm.s32 @!p0 $0x5200  }
0x214: {  	[tilespmem:s3], [sflag:$0x1] =	stream.indirect_vreg.gather @!p0 [hbm4b:s7+s0], $0x80, v3, vm1, $0xb8;
	[tilespmem:$0x18200] =	vst v63  }
0x215: {  	s13 =	simm.s32 $0x0;
	s3 =	simm.s32 @!p0 $0x5A00  }
0x216: {  	[tilespmem:s3], [sflag:$0x1] =	stream.indirect_vreg.gather @!p0 [hbm4b:s8+s0], $0x80, v3, vm1, $0xb8;
	[tilespmem:$0x18200] =	vst v63  }
0x217: {  	s0 =	smul.u32 $0x6000, s13  }
0x218: {  	s3 =	simm.s32 $0x0  }
0x219: {  	s14 =	sand.u32 $0x380, s3;
	s0 =	sshra.s32 s0, $0x2  }
0x21a: {  	s0 =	sor.u32 s14, s0  }
0x21b: {  	v3 =	vld [tilespmem:s0+$0xD670]  }
0x21c: {  	v4 =	vld [tilespmem:s0+$0xC200]  }
0x21d: {  	v5 =	vld [tilespmem:s0+$0xC210]  }
0x21e: {  	v6 =	vld [tilespmem:s0+$0xC220]  }
0x21f: {  	v7 =	vld [tilespmem:s0+$0xC230]  }
0x220: {  	v8 =	vld [tilespmem:s0+$0xC240];
	v3 =	vmul.f32 $2.771281240e+01, v3  }
0x221: {  	v9 =	vld [tilespmem:s0+$0xC250];
	v4 =	vmul.f32 $2.771281240e+01, v4  }
0x222: {  	v10 =	vld [tilespmem:s0+$0xC260];
	[tilespmem:s0+$0xD670] =	vst v3;
	v3 =	vmul.f32 $2.771281240e+01, v5  }
0x223: {  	[tilespmem:s0+$0xC200] =	vst v4;
	v4 =	vld [tilespmem:s0+$0xC270];
	v5 =	vmul.f32 $2.771281240e+01, v6  }
0x224: {  	v6 =	vmul.f32 $2.771281240e+01, v7;
	[tilespmem:s0+$0xC210] =	vst v3;
	v3 =	vld [tilespmem:s0+$0xC600]  }
0x225: {  	v7 =	vmul.f32 $2.771281240e+01, v8;
	[tilespmem:s0+$0xC220] =	vst v5;
	v5 =	vld [tilespmem:s0+$0xC610]  }
0x226: {  	v8 =	vmul.f32 $2.771281240e+01, v9;
	[tilespmem:s0+$0xC230] =	vst v6;
	v6 =	vld [tilespmem:s0+$0xC620]  }
0x227: {  	v9 =	vmul.f32 $2.771281240e+01, v10;
	[tilespmem:s0+$0xC240] =	vst v7;
	v7 =	vld [tilespmem:s0+$0xC630]  }
0x228: {  	[tilespmem:s0+$0xC250] =	vst v8;
	v8 =	vld [tilespmem:s0+$0xC640];
	v4 =	vmul.f32 $2.771281240e+01, v4  }
0x229: {  	[tilespmem:s0+$0xC260] =	vst v9;
	v9 =	vld [tilespmem:s0+$0xC650];
	v3 =	vmul.f32 $2.771281240e+01, v3  }
0x22a: {  	[tilespmem:s0+$0xC270] =	vst v4;
	v4 =	vld [tilespmem:s0+$0xC660];
	v5 =	vmul.f32 $2.771281240e+01, v5  }
0x22b: {  	v6 =	vmul.f32 $2.771281240e+01, v6;
	[tilespmem:s0+$0xC600] =	vst v3;
	v3 =	vld [tilespmem:s0+$0xC670]  }
0x22c: {  	v7 =	vmul.f32 $2.771281240e+01, v7;
	[tilespmem:s0+$0xC610] =	vst v5;
	v5 =	vld [tilespmem:s0+$0xCA00]  }
0x22d: {  	v8 =	vmul.f32 $2.771281240e+01, v8;
	[tilespmem:s0+$0xC620] =	vst v6;
	v6 =	vld [tilespmem:s0+$0xCA10]  }
0x22e: {  	v9 =	vmul.f32 $2.771281240e+01, v9;
	[tilespmem:s0+$0xC630] =	vst v7;
	v7 =	vld [tilespmem:s0+$0xCA20]  }
0x22f: {  	[tilespmem:s0+$0xC640] =	vst v8;
	v8 =	vld [tilespmem:s0+$0xCA30];
	v4 =	vmul.f32 $2.771281240e+01, v4  }
0x230: {  	[tilespmem:s0+$0xC650] =	vst v9;
	v9 =	vld [tilespmem:s0+$0xCA40];
	v3 =	vmul.f32 $2.771281240e+01, v3  }
0x231: {  	[tilespmem:s0+$0xC660] =	vst v4;
	v4 =	vld [tilespmem:s0+$0xCA50];
	v5 =	vmul.f32 $2.771281240e+01, v5  }
0x232: {  	v6 =	vmul.f32 $2.771281240e+01, v6;
	[tilespmem:s0+$0xC670] =	vst v3;
	v3 =	vld [tilespmem:s0+$0xCA60]  }
0x233: {  	v7 =	vmul.f32 $2.771281240e+01, v7;
	[tilespmem:s0+$0xCA00] =	vst v5;
	v5 =	vld [tilespmem:s0+$0xCA70]  }
0x234: {  	v8 =	vmul.f32 $2.771281240e+01, v8;
	[tilespmem:s0+$0xCA10] =	vst v6;
	v6 =	vld [tilespmem:s0+$0xCE00]  }
0x235: {  	v9 =	vmul.f32 $2.771281240e+01, v9;
	[tilespmem:s0+$0xCA20] =	vst v7;
	v7 =	vld [tilespmem:s0+$0xCE10]  }
0x236: {  	[tilespmem:s0+$0xCA30] =	vst v8;
	v8 =	vld [tilespmem:s0+$0xCE20];
	v4 =	vmul.f32 $2.771281240e+01, v4  }
0x237: {  	[tilespmem:s0+$0xCA40] =	vst v9;
	v9 =	vld [tilespmem:s0+$0xCE30];
	v3 =	vmul.f32 $2.771281240e+01, v3  }
0x238: {  	[tilespmem:s0+$0xCA50] =	vst v4;
	v4 =	vld [tilespmem:s0+$0xCE40];
	v5 =	vmul.f32 $2.771281240e+01, v5  }
0x239: {  	v6 =	vmul.f32 $2.771281240e+01, v6;
	[tilespmem:s0+$0xCA60] =	vst v3;
	v3 =	vld [tilespmem:s0+$0xCE50]  }
0x23a: {  	v7 =	vmul.f32 $2.771281240e+01, v7;
	[tilespmem:s0+$0xCA70] =	vst v5;
	v5 =	vld [tilespmem:s0+$0xCE60]  }
0x23b: {  	v8 =	vmul.f32 $2.771281240e+01, v8;
	[tilespmem:s0+$0xCE00] =	vst v6;
	v6 =	vld [tilespmem:s0+$0xCE70]  }
0x23c: {  	v9 =	vmul.f32 $2.771281240e+01, v9;
	[tilespmem:s0+$0xCE10] =	vst v7;
	v7 =	vld [tilespmem:s0+$0xD200]  }
0x23d: {  	[tilespmem:s0+$0xCE20] =	vst v8;
	v8 =	vld [tilespmem:s0+$0xD210];
	v4 =	vmul.f32 $2.771281240e+01, v4  }
0x23e: {  	[tilespmem:s0+$0xCE30] =	vst v9;
	v9 =	vld [tilespmem:s0+$0xD220];
	v3 =	vmul.f32 $2.771281240e+01, v3  }
0x23f: {  	v10 =	vld [tilespmem:s0+$0xD230];
	[tilespmem:s0+$0xCE40] =	vst v4;
	v4 =	vmul.f32 $2.771281240e+01, v5  }
0x240: {  	v5 =	vld [tilespmem:s0+$0xD240];
	[tilespmem:s0+$0xCE50] =	vst v3;
	v3 =	vmul.f32 $2.771281240e+01, v6  }
0x241: {  	v11 =	vld [tilespmem:s0+$0xD250];
	[tilespmem:s0+$0xCE60] =	vst v4;
	v4 =	vmul.f32 $2.771281240e+01, v7  }
0x242: {  	v7 =	vld [tilespmem:s0+$0xD260];
	[tilespmem:s0+$0xCE70] =	vst v3;
	v3 =	vmul.f32 $2.771281240e+01, v8  }
0x243: {  	v6 =	vld [tilespmem:s0+$0xD270];
	[tilespmem:s0+$0xD200] =	vst v4;
	v8 =	vmul.f32 $2.771281240e+01, v9  }
0x244: {  	v4 =	vld [tilespmem:s0+$0xD600];
	v9 =	vmul.f32 $2.771281240e+01, v10;
	[tilespmem:s0+$0xD210] =	vst v3  }
0x245: {  	[tilespmem:s0+$0xD220] =	vst v8;
	v3 =	vld [tilespmem:s0+$0xD610];
	v8 =	vmul.f32 $2.771281240e+01, v5  }
0x246: {  	s10 =	simm.s32 $0x2;
	s6 =	simm.s32 $0x0;
	[tilespmem:s0+$0xD230] =	vst v9;
	v9 =	vmul.f32 $2.771281240e+01, v11;
	v5 =	vld [tilespmem:s0+$0xD620]  }
.LBB2_7:
0x247: {  	p1 =	sne.s32 s10, $0x1F;
	s6 =	smul.u32 $0x6000, s6;
	[tilespmem:s0+$0xD240] =	vst v8;
	v7 =	vmul.f32 $2.771281240e+01, v7;
	v8 =	vld [tilespmem:s0+$0xD630]  }
0x248: {  	s3 =	sadd.s32 $0x80, s3;
	[tilespmem:s0+$0xD250] =	vst v9;
	v6 =	vmul.f32 $2.771281240e+01, v6;
	v9 =	vld [tilespmem:s0+$0xD640]  }
0x249: {  	s13 =	sand.u32 $0x380, s3;
	s6 =	sshra.s32 s6, $0x2;
	[tilespmem:s0+$0xD260] =	vst v7;
	v4 =	vmul.f32 $2.771281240e+01, v4;
	v7 =	vld [tilespmem:s0+$0xD650]  }
0x24a: {  	s6 =	sor.u32 s13, s6;
	[tilespmem:s0+$0xD270] =	vst v6;
	v3 =	vmul.f32 $2.771281240e+01, v3;
	v6 =	vld [tilespmem:s0+$0xD660]  }
0x24b: {  	v10 =	vld [tilespmem:s6+$0xD670];
	[tilespmem:s0+$0xD600] =	vst v4;
	v4 =	vmul.f32 $2.771281240e+01, v5  }
0x24c: {  	v5 =	vld [tilespmem:s6+$0xC200];
	[tilespmem:s0+$0xD610] =	vst v3;
	v3 =	vmul.f32 $2.771281240e+01, v8  }
0x24d: {  	v8 =	vld [tilespmem:s6+$0xC210];
	[tilespmem:s0+$0xD620] =	vst v4;
	v4 =	vmul.f32 $2.771281240e+01, v9  }
0x24e: {  	v9 =	vld [tilespmem:s6+$0xC220];
	[tilespmem:s0+$0xD630] =	vst v3;
	v3 =	vmul.f32 $2.771281240e+01, v7  }
0x24f: {  	v7 =	vld [tilespmem:s6+$0xC230];
	[tilespmem:s0+$0xD640] =	vst v4;
	v4 =	vmul.f32 $2.771281240e+01, v6  }
0x250: {  	v6 =	vld [tilespmem:s6+$0xC240];
	v10 =	vmul.f32 $2.771281240e+01, v10;
	[tilespmem:s0+$0xD650] =	vst v3  }
0x251: {  	v3 =	vmul.f32 $2.771281240e+01, v5;
	v5 =	vld [tilespmem:s6+$0xC250];
	[tilespmem:s0+$0xD660] =	vst v4;
	s0 =	smov.u32 s6  }
0x252: {  	v4 =	vmul.f32 $2.771281240e+01, v8;
	v8 =	vld [tilespmem:s0+$0xC260];
	[tilespmem:s0+$0xD670] =	vst v10  }
0x253: {  	[tilespmem:s0+$0xC200] =	vst v3;
	v3 =	vmul.f32 $2.771281240e+01, v9;
	v9 =	vld [tilespmem:s0+$0xC270]  }
0x254: {  	[tilespmem:s0+$0xC210] =	vst v4;
	v4 =	vmul.f32 $2.771281240e+01, v7;
	v7 =	vld [tilespmem:s0+$0xC600]  }
0x255: {  	[tilespmem:s0+$0xC220] =	vst v3;
	v3 =	vmul.f32 $2.771281240e+01, v6;
	v6 =	vld [tilespmem:s0+$0xC610]  }
0x256: {  	[tilespmem:s0+$0xC230] =	vst v4;
	v4 =	vmul.f32 $2.771281240e+01, v5;
	v5 =	vld [tilespmem:s0+$0xC620]  }
0x257: {  	[tilespmem:s0+$0xC240] =	vst v3;
	v3 =	vmul.f32 $2.771281240e+01, v8;
	v8 =	vld [tilespmem:s0+$0xC630]  }
0x258: {  	[tilespmem:s0+$0xC250] =	vst v4;
	v4 =	vmul.f32 $2.771281240e+01, v9;
	v9 =	vld [tilespmem:s0+$0xC640]  }
0x259: {  	[tilespmem:s0+$0xC260] =	vst v3;
	v3 =	vmul.f32 $2.771281240e+01, v7;
	v7 =	vld [tilespmem:s0+$0xC650]  }
0x25a: {  	[tilespmem:s0+$0xC270] =	vst v4;
	v4 =	vmul.f32 $2.771281240e+01, v6;
	v6 =	vld [tilespmem:s0+$0xC660]  }
0x25b: {  	[tilespmem:s0+$0xC600] =	vst v3;
	v3 =	vmul.f32 $2.771281240e+01, v5;
	v5 =	vld [tilespmem:s0+$0xC670]  }
0x25c: {  	[tilespmem:s0+$0xC610] =	vst v4;
	v4 =	vmul.f32 $2.771281240e+01, v8;
	v8 =	vld [tilespmem:s0+$0xCA00]  }
0x25d: {  	[tilespmem:s0+$0xC620] =	vst v3;
	v3 =	vmul.f32 $2.771281240e+01, v9;
	v9 =	vld [tilespmem:s0+$0xCA10]  }
0x25e: {  	[tilespmem:s0+$0xC630] =	vst v4;
	v4 =	vmul.f32 $2.771281240e+01, v7;
	v7 =	vld [tilespmem:s0+$0xCA20]  }
0x25f: {  	[tilespmem:s0+$0xC640] =	vst v3;
	v3 =	vmul.f32 $2.771281240e+01, v6;
	v6 =	vld [tilespmem:s0+$0xCA30]  }
0x260: {  	[tilespmem:s0+$0xC650] =	vst v4;
	v4 =	vmul.f32 $2.771281240e+01, v5;
	v5 =	vld [tilespmem:s0+$0xCA40]  }
0x261: {  	[tilespmem:s0+$0xC660] =	vst v3;
	v3 =	vmul.f32 $2.771281240e+01, v8;
	v8 =	vld [tilespmem:s0+$0xCA50]  }
0x262: {  	[tilespmem:s0+$0xC670] =	vst v4;
	v4 =	vmul.f32 $2.771281240e+01, v9;
	v9 =	vld [tilespmem:s0+$0xCA60]  }
0x263: {  	[tilespmem:s0+$0xCA00] =	vst v3;
	v3 =	vmul.f32 $2.771281240e+01, v7;
	v7 =	vld [tilespmem:s0+$0xCA70]  }
0x264: {  	[tilespmem:s0+$0xCA10] =	vst v4;
	v4 =	vmul.f32 $2.771281240e+01, v6;
	v6 =	vld [tilespmem:s0+$0xCE00]  }
0x265: {  	[tilespmem:s0+$0xCA20] =	vst v3;
	v3 =	vmul.f32 $2.771281240e+01, v5;
	v5 =	vld [tilespmem:s0+$0xCE10]  }
0x266: {  	[tilespmem:s0+$0xCA30] =	vst v4;
	v4 =	vmul.f32 $2.771281240e+01, v8;
	v8 =	vld [tilespmem:s0+$0xCE20]  }
0x267: {  	[tilespmem:s0+$0xCA40] =	vst v3;
	v3 =	vmul.f32 $2.771281240e+01, v9;
	v9 =	vld [tilespmem:s0+$0xCE30]  }
0x268: {  	[tilespmem:s0+$0xCA50] =	vst v4;
	v4 =	vmul.f32 $2.771281240e+01, v7;
	v7 =	vld [tilespmem:s0+$0xCE40]  }
0x269: {  	[tilespmem:s0+$0xCA60] =	vst v3;
	v3 =	vmul.f32 $2.771281240e+01, v6;
	v6 =	vld [tilespmem:s0+$0xCE50]  }
0x26a: {  	[tilespmem:s0+$0xCA70] =	vst v4;
	v4 =	vmul.f32 $2.771281240e+01, v5;
	v5 =	vld [tilespmem:s0+$0xCE60]  }
0x26b: {  	[tilespmem:s0+$0xCE00] =	vst v3;
	v3 =	vmul.f32 $2.771281240e+01, v8;
	v8 =	vld [tilespmem:s0+$0xCE70]  }
0x26c: {  	[tilespmem:s0+$0xCE10] =	vst v4;
	v4 =	vmul.f32 $2.771281240e+01, v9;
	v9 =	vld [tilespmem:s0+$0xD200]  }
0x26d: {  	[tilespmem:s0+$0xCE20] =	vst v3;
	v3 =	vmul.f32 $2.771281240e+01, v7;
	v7 =	vld [tilespmem:s0+$0xD210]  }
0x26e: {  	[tilespmem:s0+$0xCE30] =	vst v4;
	v4 =	vmul.f32 $2.771281240e+01, v6;
	v6 =	vld [tilespmem:s0+$0xD220]  }
0x26f: {  	[tilespmem:s0+$0xCE40] =	vst v3;
	v3 =	vmul.f32 $2.771281240e+01, v5;
	v5 =	vld [tilespmem:s0+$0xD230]  }
0x270: {  	[tilespmem:s0+$0xCE50] =	vst v4;
	v4 =	vmul.f32 $2.771281240e+01, v8;
	v8 =	vld [tilespmem:s0+$0xD240]  }
0x271: {  	[tilespmem:s0+$0xCE60] =	vst v3;
	v3 =	vmul.f32 $2.771281240e+01, v9;
	v9 =	vld [tilespmem:s0+$0xD250]  }
.Ltmp2:
0x272: {  	[tilespmem:s0+$0xCE70] =	vst v4;
	v4 =	vmul.f32 $2.771281240e+01, v7;
	v7 =	vld [tilespmem:s0+$0xD260];
	(pc) =	sbr.rel @p1 .LBB2_7-.Ltmp2, $4  }
0x273: {  	[tilespmem:s0+$0xD200] =	vst v3;
	v3 =	vmul.f32 $2.771281240e+01, v6;
	v6 =	vld [tilespmem:s0+$0xD270]  }
0x274: {  	[tilespmem:s0+$0xD210] =	vst v4;
	v5 =	vmul.f32 $2.771281240e+01, v5;
	v4 =	vld [tilespmem:s0+$0xD600]  }
0x275: {  	[tilespmem:s0+$0xD220] =	vst v3;
	v8 =	vmul.f32 $2.771281240e+01, v8;
	v3 =	vld [tilespmem:s0+$0xD610]  }
0x276: {  	s6 =	sshrl.u32 s10, $0x3;
	s10 =	sadd.s32 $0x1, s10;
	[tilespmem:s0+$0xD230] =	vst v5;
	v9 =	vmul.f32 $2.771281240e+01, v9;
	v5 =	vld [tilespmem:s0+$0xD620]  }
0x277: {  	[tilespmem:s0+$0xD240] =	vst v8;
	v8 =	vld [tilespmem:s0+$0xD630];
	v7 =	vmul.f32 $2.771281240e+01, v7;
	s6 =	smul.u32 $0x6000, s6  }
0x278: {  	s3 =	sadd.s32 $0x80, s3;
	[tilespmem:s0+$0xD250] =	vst v9;
	v9 =	vld [tilespmem:s0+$0xD640];
	v6 =	vmul.f32 $2.771281240e+01, v6  }
0x279: {  	s3 =	sand.u32 $0x380, s3;
	[tilespmem:s0+$0xD260] =	vst v7;
	v7 =	vld [tilespmem:s0+$0xD650];
	s6 =	sshra.s32 s6, $0x2;
	v4 =	vmul.f32 $2.771281240e+01, v4  }
0x27a: {  	[tilespmem:s0+$0xD270] =	vst v6;
	s3 =	sor.u32 s3, s6;
	v3 =	vmul.f32 $2.771281240e+01, v3;
	v6 =	vld [tilespmem:s0+$0xD660]  }
0x27b: {  	v10 =	vld [tilespmem:s3+$0xD670];
	[tilespmem:s0+$0xD600] =	vst v4;
	v4 =	vmul.f32 $2.771281240e+01, v5  }
0x27c: {  	v5 =	vld [tilespmem:s3+$0xC200];
	[tilespmem:s0+$0xD610] =	vst v3;
	v3 =	vmul.f32 $2.771281240e+01, v8  }
0x27d: {  	v8 =	vld [tilespmem:s3+$0xC210];
	[tilespmem:s0+$0xD620] =	vst v4;
	v4 =	vmul.f32 $2.771281240e+01, v9  }
0x27e: {  	v9 =	vld [tilespmem:s3+$0xC220];
	[tilespmem:s0+$0xD630] =	vst v3;
	v3 =	vmul.f32 $2.771281240e+01, v7  }
0x27f: {  	v7 =	vld [tilespmem:s3+$0xC230];
	[tilespmem:s0+$0xD640] =	vst v4;
	v4 =	vmul.f32 $2.771281240e+01, v6  }
0x280: {  	v6 =	vld [tilespmem:s3+$0xC240];
	v10 =	vmul.f32 $2.771281240e+01, v10;
	[tilespmem:s0+$0xD650] =	vst v3  }
0x281: {  	v3 =	vmul.f32 $2.771281240e+01, v5;
	v5 =	vld [tilespmem:s3+$0xC250];
	[tilespmem:s0+$0xD660] =	vst v4  }
0x282: {  	v4 =	vmul.f32 $2.771281240e+01, v8;
	v8 =	vld [tilespmem:s3+$0xC260];
	[tilespmem:s3+$0xD670] =	vst v10  }
0x283: {  	[tilespmem:s3+$0xC200] =	vst v3;
	v3 =	vmul.f32 $2.771281240e+01, v9;
	v9 =	vld [tilespmem:s3+$0xC270]  }
0x284: {  	[tilespmem:s3+$0xC210] =	vst v4;
	v4 =	vmul.f32 $2.771281240e+01, v7;
	v7 =	vld [tilespmem:s3+$0xC600]  }
0x285: {  	[tilespmem:s3+$0xC220] =	vst v3;
	v3 =	vmul.f32 $2.771281240e+01, v6;
	v6 =	vld [tilespmem:s3+$0xC610]  }
0x286: {  	[tilespmem:s3+$0xC230] =	vst v4;
	v4 =	vmul.f32 $2.771281240e+01, v5;
	v5 =	vld [tilespmem:s3+$0xC620]  }
0x287: {  	[tilespmem:s3+$0xC240] =	vst v3;
	v3 =	vmul.f32 $2.771281240e+01, v8;
	v8 =	vld [tilespmem:s3+$0xC630]  }
0x288: {  	[tilespmem:s3+$0xC250] =	vst v4;
	v4 =	vmul.f32 $2.771281240e+01, v9;
	v9 =	vld [tilespmem:s3+$0xC640]  }
0x289: {  	[tilespmem:s3+$0xC260] =	vst v3;
	v3 =	vmul.f32 $2.771281240e+01, v7;
	v7 =	vld [tilespmem:s3+$0xC650]  }
0x28a: {  	[tilespmem:s3+$0xC270] =	vst v4;
	v4 =	vmul.f32 $2.771281240e+01, v6;
	v6 =	vld [tilespmem:s3+$0xC660]  }
0x28b: {  	[tilespmem:s3+$0xC600] =	vst v3;
	v3 =	vmul.f32 $2.771281240e+01, v5;
	v5 =	vld [tilespmem:s3+$0xC670]  }
0x28c: {  	[tilespmem:s3+$0xC610] =	vst v4;
	v4 =	vmul.f32 $2.771281240e+01, v8;
	v8 =	vld [tilespmem:s3+$0xCA00]  }
0x28d: {  	[tilespmem:s3+$0xC620] =	vst v3;
	v3 =	vmul.f32 $2.771281240e+01, v9;
	v9 =	vld [tilespmem:s3+$0xCA10]  }
0x28e: {  	[tilespmem:s3+$0xC630] =	vst v4;
	v4 =	vmul.f32 $2.771281240e+01, v7;
	v7 =	vld [tilespmem:s3+$0xCA20]  }
0x28f: {  	[tilespmem:s3+$0xC640] =	vst v3;
	v3 =	vmul.f32 $2.771281240e+01, v6;
	v6 =	vld [tilespmem:s3+$0xCA30]  }
0x290: {  	[tilespmem:s3+$0xC650] =	vst v4;
	v4 =	vmul.f32 $2.771281240e+01, v5;
	v5 =	vld [tilespmem:s3+$0xCA40]  }
0x291: {  	[tilespmem:s3+$0xC660] =	vst v3;
	v3 =	vmul.f32 $2.771281240e+01, v8;
	v8 =	vld [tilespmem:s3+$0xCA50]  }
0x292: {  	[tilespmem:s3+$0xC670] =	vst v4;
	v4 =	vmul.f32 $2.771281240e+01, v9;
	v9 =	vld [tilespmem:s3+$0xCA60]  }
0x293: {  	[tilespmem:s3+$0xCA00] =	vst v3;
	v3 =	vmul.f32 $2.771281240e+01, v7;
	v7 =	vld [tilespmem:s3+$0xCA70]  }
0x294: {  	[tilespmem:s3+$0xCA10] =	vst v4;
	v4 =	vmul.f32 $2.771281240e+01, v6;
	v6 =	vld [tilespmem:s3+$0xCE00]  }
0x295: {  	[tilespmem:s3+$0xCA20] =	vst v3;
	v3 =	vmul.f32 $2.771281240e+01, v5;
	v5 =	vld [tilespmem:s3+$0xCE10]  }
0x296: {  	[tilespmem:s3+$0xCA30] =	vst v4;
	v4 =	vmul.f32 $2.771281240e+01, v8;
	v8 =	vld [tilespmem:s3+$0xCE20]  }
0x297: {  	[tilespmem:s3+$0xCA40] =	vst v3;
	v3 =	vmul.f32 $2.771281240e+01, v9;
	v9 =	vld [tilespmem:s3+$0xCE30]  }
0x298: {  	[tilespmem:s3+$0xCA50] =	vst v4;
	v4 =	vmul.f32 $2.771281240e+01, v7;
	v7 =	vld [tilespmem:s3+$0xCE40]  }
0x299: {  	[tilespmem:s3+$0xCA60] =	vst v3;
	v3 =	vmul.f32 $2.771281240e+01, v6;
	v6 =	vld [tilespmem:s3+$0xCE50]  }
0x29a: {  	[tilespmem:s3+$0xCA70] =	vst v4;
	v4 =	vmul.f32 $2.771281240e+01, v5;
	v5 =	vld [tilespmem:s3+$0xCE60]  }
0x29b: {  	[tilespmem:s3+$0xCE00] =	vst v3;
	v3 =	vmul.f32 $2.771281240e+01, v8;
	v8 =	vld [tilespmem:s3+$0xCE70]  }
0x29c: {  	[tilespmem:s3+$0xCE10] =	vst v4;
	v4 =	vmul.f32 $2.771281240e+01, v9;
	v9 =	vld [tilespmem:s3+$0xD200]  }
0x29d: {  	[tilespmem:s3+$0xCE20] =	vst v3;
	v3 =	vmul.f32 $2.771281240e+01, v7;
	v7 =	vld [tilespmem:s3+$0xD210]  }
0x29e: {  	[tilespmem:s3+$0xCE30] =	vst v4;
	v4 =	vmul.f32 $2.771281240e+01, v6;
	v6 =	vld [tilespmem:s3+$0xD220]  }
0x29f: {  	[tilespmem:s3+$0xCE40] =	vst v3;
	v3 =	vmul.f32 $2.771281240e+01, v5;
	v5 =	vld [tilespmem:s3+$0xD230]  }
0x2a0: {  	[tilespmem:s3+$0xCE50] =	vst v4;
	v4 =	vmul.f32 $2.771281240e+01, v8;
	v8 =	vld [tilespmem:s3+$0xD240]  }
0x2a1: {  	[tilespmem:s3+$0xCE60] =	vst v3;
	v3 =	vmul.f32 $2.771281240e+01, v9;
	v9 =	vld [tilespmem:s3+$0xD250]  }
0x2a2: {  	[tilespmem:s3+$0xCE70] =	vst v4;
	v4 =	vmul.f32 $2.771281240e+01, v7;
	v7 =	vld [tilespmem:s3+$0xD260]  }
0x2a3: {  	[tilespmem:s3+$0xD200] =	vst v3;
	v3 =	vmul.f32 $2.771281240e+01, v6;
	v6 =	vld [tilespmem:s3+$0xD270]  }
0x2a4: {  	[tilespmem:s3+$0xD210] =	vst v4;
	v4 =	vmul.f32 $2.771281240e+01, v5;
	v5 =	vld [tilespmem:s3+$0xD600]  }
0x2a5: {  	[tilespmem:s3+$0xD220] =	vst v3;
	v3 =	vmul.f32 $2.771281240e+01, v8;
	v8 =	vld [tilespmem:s3+$0xD610]  }
0x2a6: {  	[tilespmem:s3+$0xD230] =	vst v4;
	v4 =	vmul.f32 $2.771281240e+01, v9;
	v9 =	vld [tilespmem:s3+$0xD620]  }
0x2a7: {  	[tilespmem:s3+$0xD240] =	vst v3;
	v3 =	vmul.f32 $2.771281240e+01, v7;
	v7 =	vld [tilespmem:s3+$0xD630]  }
0x2a8: {  	[tilespmem:s3+$0xD250] =	vst v4;
	v4 =	vmul.f32 $2.771281240e+01, v6;
	v6 =	vld [tilespmem:s3+$0xD640]  }
0x2a9: {  	[tilespmem:s3+$0xD260] =	vst v3;
	v3 =	vmul.f32 $2.771281240e+01, v5;
	v5 =	vld [tilespmem:s3+$0xD650]  }
0x2aa: {  	[tilespmem:s3+$0xD270] =	vst v4;
	v4 =	vmul.f32 $2.771281240e+01, v8;
	v8 =	vld [tilespmem:s3+$0xD660]  }
0x2ab: {  	[tilespmem:s3+$0xD600] =	vst v3;
	v3 =	vmul.f32 $2.771281240e+01, v9  }
0x2ac: {  	[tilespmem:s3+$0xD610] =	vst v4;
	v4 =	vmul.f32 $2.771281240e+01, v7  }
0x2ad: {  	s10 =	sor.u32 s5, s28;
	[tilespmem:s3+$0xD620] =	vst v3;
	v3 =	vmul.f32 $2.771281240e+01, v6  }
0x2ae: {  	s0 =	sshrl.u32 s10, $0x3;
	[tilespmem:s3+$0xD630] =	vst v4;
	v4 =	vmul.f32 $2.771281240e+01, v5  }
0x2af: {  	s0 =	smul.u32 $0x300, s0;
	[tilespmem:s3+$0xD640] =	vst v3;
	v3 =	vmul.f32 $2.771281240e+01, v8  }
0x2b0: {  	[tilespmem:s3+$0xD650] =	vst v4  }
0x2b1: {  	s0 =	sadd.s32 s2, s0;
	[tilespmem:s3+$0xD660] =	vst v3  }
0x2b2: {  	[hbm4b:s0+s4] =	stream.linear.scatter [tilespmem:s16], [sflag:$0x7], $0x6000, $0x38;
	[tilespmem:$0x18200] =	vst v63  }
0x2b3: {  	_ =	swait.ge [sflag:s22], $0x6000  }
0x2b4: {  	[sflag:s22] =	ssyncset.done $0x0  }
0x2b5: {  	[sflag:s22] =	ssyncadd.s32 $0xFFFFA000  }
0x2b6: {  	_ =	swait.ge [sflag:s23], $0x6000  }
0x2b7: {  	[sflag:s23] =	ssyncset.done $0x0  }
0x2b8: {  	[sflag:s23] =	ssyncadd.s32 $0xFFFFA000  }
0x2b9: {  	v3 =	vld @!p0 [tilespmem:s29+$0xA0];
	_ =	sdelay $0x4  }
0x2ba: {  	v4 =	vshrl.u32 @!p0 v3, $0x3  }
0x2bb: {  	v4 =	vmul.u32 @!p0 $0x30, v4  }
0x2bc: {  	v5 =	vlaneseq.u32 @!p0;
	v3 =	vand.u32 @!p0 $0x7, v3  }
0x2bd: {  	v6 =	vshrl.u32 @!p0 v5, $0x3;
	v3 =	vor.u32 @!p0 v3, v4;
	v4 =	vand.u32 @!p0 $0x7, v5  }
0x2be: {  	v6 =	vmul.u32 @!p0 $0x8, v6;
	v7 =	vperm.xlane @!p0 v3, v4;
	_ =	sdelay $0x1  }
0x2bf: {  	v7 =	vadd.s32 @!p0 v6, v7;
	_ =	sdelay $0x2  }
0x2c0: {  	v5 =	vor.u32 @!p0 $0x8, v5  }
0x2c1: {  	s3 =	simm.s32 @!p0 $0x6200;
	s0 =	simm.s32 @!p0 $0x0;
	v3 =	vperm.xlane @!p0 v3, v5  }
0x2c2: {  	[tilespmem:s3], [sflag:$0x2] =	stream.indirect_vreg.gather @!p0 [hbm4b:s1+s0], $0x80, v7, vm1, $0xb8;
	[tilespmem:$0x18200] =	vst v63  }
0x2c3: {  	v3 =	vadd.s32 @!p0 v6, v3;
	s3 =	simm.s32 @!p0 $0x6A00  }
0x2c4: {  	[tilespmem:s3], [sflag:$0x2] =	stream.indirect_vreg.gather @!p0 [hbm4b:s7+s0], $0x80, v7, vm1, $0xb8;
	[tilespmem:$0x18200] =	vst v63  }
0x2c5: {  	s3 =	simm.s32 @!p0 $0x7200  }
0x2c6: {  	[tilespmem:s3], [sflag:$0x2] =	stream.indirect_vreg.gather @!p0 [hbm4b:s8+s0], $0x80, v7, vm1, $0xb8;
	[tilespmem:$0x18200] =	vst v63  }
0x2c7: {  	s3 =	simm.s32 @!p0 $0x7A00  }
0x2c8: {  	[tilespmem:s3], [sflag:$0x2] =	stream.indirect_vreg.gather @!p0 [hbm4b:s1+s0], $0x80, v3, vm1, $0xb8;
	[tilespmem:$0x18200] =	vst v63  }
0x2c9: {  	s3 =	simm.s32 @!p0 $0x8200  }
0x2ca: {  	[tilespmem:s3], [sflag:$0x2] =	stream.indirect_vreg.gather @!p0 [hbm4b:s7+s0], $0x80, v3, vm1, $0xb8;
	[tilespmem:$0x18200] =	vst v63  }
0x2cb: {  	s3 =	simm.s32 @!p0 $0x8A00  }
0x2cc: {  	[tilespmem:s3], [sflag:$0x2] =	stream.indirect_vreg.gather @!p0 [hbm4b:s8+s0], $0x80, v3, vm1, $0xb8;
	[tilespmem:$0x18200] =	vst v63  }
0x2cd: {  	v3 =	vld @!p0 [tilespmem:s29+$0xB0];
	_ =	sdelay $0x4  }
0x2ce: {  	v7 =	vshrl.u32 @!p0 v3, $0x3  }
0x2cf: {  	v7 =	vmul.u32 @!p0 $0x30, v7  }
0x2d0: {  	v3 =	vand.u32 @!p0 $0x7, v3  }
0x2d1: {  	v3 =	vor.u32 @!p0 v3, v7  }
0x2d2: {  	v4 =	vperm.xlane @!p0 v3, v4;
	_ =	sdelay $0x1  }
0x2d3: {  	v4 =	vadd.s32 @!p0 v6, v4;
	_ =	sdelay $0x3  }
0x2d4: {  	s3 =	simm.s32 @!p0 $0x9200;
	v3 =	vperm.xlane @!p0 v3, v5  }
0x2d5: {  	[tilespmem:s3], [sflag:$0x2] =	stream.indirect_vreg.gather @!p0 [hbm4b:s1+s0], $0x80, v4, vm1, $0xb8;
	[tilespmem:$0x18200] =	vst v63  }
0x2d6: {  	v3 =	vadd.s32 @!p0 v6, v3;
	s3 =	simm.s32 @!p0 $0x9A00  }
0x2d7: {  	[tilespmem:s3], [sflag:$0x2] =	stream.indirect_vreg.gather @!p0 [hbm4b:s7+s0], $0x80, v4, vm1, $0xb8;
	[tilespmem:$0x18200] =	vst v63  }
0x2d8: {  	s3 =	simm.s32 @!p0 $0xA200  }
0x2d9: {  	[tilespmem:s3], [sflag:$0x2] =	stream.indirect_vreg.gather @!p0 [hbm4b:s8+s0], $0x80, v4, vm1, $0xb8;
	[tilespmem:$0x18200] =	vst v63  }
0x2da: {  	s3 =	simm.s32 @!p0 $0xAA00  }
0x2db: {  	[tilespmem:s3], [sflag:$0x2] =	stream.indirect_vreg.gather @!p0 [hbm4b:s1+s0], $0x80, v3, vm1, $0xb8;
	[tilespmem:$0x18200] =	vst v63  }
0x2dc: {  	s3 =	simm.s32 @!p0 $0xB200  }
0x2dd: {  	[tilespmem:s3], [sflag:$0x2] =	stream.indirect_vreg.gather @!p0 [hbm4b:s7+s0], $0x80, v3, vm1, $0xb8;
	[tilespmem:$0x18200] =	vst v63  }
0x2de: {  	s13 =	simm.s32 $0x0;
	s3 =	simm.s32 @!p0 $0xBA00  }
0x2df: {  	[tilespmem:s3], [sflag:$0x2] =	stream.indirect_vreg.gather @!p0 [hbm4b:s8+s0], $0x80, v3, vm1, $0xb8;
	[tilespmem:$0x18200] =	vst v63  }
0x2e0: {  	s0 =	smul.u32 $0x6000, s13  }
0x2e1: {  	s14 =	simm.s32 $0x0  }
0x2e2: {  	s3 =	sand.u32 $0x380, s14;
	s0 =	sshra.s32 s0, $0x2  }
0x2e3: {  	s0 =	sor.u32 s3, s0  }
0x2e4: {  	v3 =	vld [tilespmem:s0+$0x12200];
	_ =	sdelay $0x2  }
0x2e5: {  	s3 =	sadd.s32 $0x12200, s0  }
0x2e6: {  	v4 =	vld [tilespmem:s3+$0x40]  }
0x2e7: {  	v5 =	vld [tilespmem:s3+$0x50];
	v3 =	vmul.f32 $2.771281240e+01, v3  }
0x2e8: {  	v6 =	vld [tilespmem:s3+$0x60]  }
0x2e9: {  	v7 =	vld [tilespmem:s3+$0x70];
	[tilespmem:s0+$0x12200] =	vst v3  }
0x2ea: {  	v3 =	vld [tilespmem:s3+$0x10]  }
0x2eb: {  	v4 =	vmul.f32 $2.771281240e+01, v4;
	v8 =	vld [tilespmem:s3+$0x20]  }
0x2ec: {  	v5 =	vmul.f32 $2.771281240e+01, v5;
	v9 =	vld [tilespmem:s3+$0x30]  }
0x2ed: {  	[tilespmem:s3+$0x40] =	vst v4;
	v4 =	vmul.f32 $2.771281240e+01, v6  }
0x2ee: {  	[tilespmem:s3+$0x50] =	vst v5;
	v5 =	vmul.f32 $2.771281240e+01, v7  }
0x2ef: {  	[tilespmem:s3+$0x60] =	vst v4;
	v3 =	vmul.f32 $2.771281240e+01, v3  }
0x2f0: {  	[tilespmem:s3+$0x70] =	vst v5;
	v4 =	vmul.f32 $2.771281240e+01, v8  }
0x2f1: {  	[tilespmem:s3+$0x10] =	vst v3;
	v3 =	vmul.f32 $2.771281240e+01, v9  }
0x2f2: {  	[tilespmem:s3+$0x20] =	vst v4  }
0x2f3: {  	[tilespmem:s3+$0x30] =	vst v3  }
0x2f4: {  	v3 =	vld [tilespmem:s0+$0x12600];
	_ =	sdelay $0x2  }
0x2f5: {  	s6 =	sadd.s32 $0x12600, s0  }
0x2f6: {  	v4 =	vld [tilespmem:s6+$0x40]  }
0x2f7: {  	v5 =	vld [tilespmem:s6+$0x50];
	v3 =	vmul.f32 $2.771281240e+01, v3  }
0x2f8: {  	v6 =	vld [tilespmem:s6+$0x60]  }
0x2f9: {  	v7 =	vld [tilespmem:s6+$0x70];
	[tilespmem:s0+$0x12600] =	vst v3  }
0x2fa: {  	v3 =	vld [tilespmem:s6+$0x10]  }
0x2fb: {  	v4 =	vmul.f32 $2.771281240e+01, v4;
	v8 =	vld [tilespmem:s6+$0x20]  }
0x2fc: {  	v5 =	vmul.f32 $2.771281240e+01, v5;
	v9 =	vld [tilespmem:s6+$0x30]  }
0x2fd: {  	[tilespmem:s6+$0x40] =	vst v4;
	v4 =	vmul.f32 $2.771281240e+01, v6  }
0x2fe: {  	[tilespmem:s6+$0x50] =	vst v5;
	v5 =	vmul.f32 $2.771281240e+01, v7  }
0x2ff: {  	[tilespmem:s6+$0x60] =	vst v4;
	v3 =	vmul.f32 $2.771281240e+01, v3  }
0x300: {  	[tilespmem:s6+$0x70] =	vst v5;
	v4 =	vmul.f32 $2.771281240e+01, v8  }
0x301: {  	[tilespmem:s6+$0x10] =	vst v3;
	v3 =	vmul.f32 $2.771281240e+01, v9  }
0x302: {  	[tilespmem:s6+$0x20] =	vst v4  }
0x303: {  	[tilespmem:s6+$0x30] =	vst v3  }
0x304: {  	v3 =	vld [tilespmem:s0+$0x12A00];
	_ =	sdelay $0x3  }
0x305: {  	s9 =	sadd.s32 $0x12A00, s0  }
0x306: {  	v4 =	vld [tilespmem:s9+$0x40];
	v3 =	vmul.f32 $2.771281240e+01, v3  }
0x307: {  	v5 =	vld [tilespmem:s9+$0x50]  }
0x308: {  	s13 =	simm.s32 $0x0;
	v6 =	vld [tilespmem:s9+$0x60];
	[tilespmem:s0+$0x12A00] =	vst v3  }
0x309: {  	s3 =	smul.u32 $0x6000, s13;
	v3 =	vld [tilespmem:s9+$0x70]  }
0x30a: {  	s10 =	simm.s32 $0x80;
	v7 =	vld [tilespmem:s9+$0x10]  }
0x30b: {  	s10 =	sand.u32 $0x380, s10;
	s3 =	sshra.s32 s3, $0x2;
	v4 =	vmul.f32 $2.771281240e+01, v4;
	v8 =	vld [tilespmem:s9+$0x20]  }
0x30c: {  	s3 =	sor.u32 s10, s3;
	v5 =	vmul.f32 $2.771281240e+01, v5;
	v9 =	vld [tilespmem:s9+$0x30]  }
0x30d: {  	[tilespmem:s9+$0x40] =	vst v4;
	v4 =	vmul.f32 $2.771281240e+01, v6;
	v6 =	vld [tilespmem:s3+$0x12200]  }
0x30e: {  	s10 =	sadd.s32 $0x12200, s3;
	[tilespmem:s9+$0x50] =	vst v5;
	v3 =	vmul.f32 $2.771281240e+01, v3  }
0x30f: {  	v5 =	vld [tilespmem:s10+$0x40];
	[tilespmem:s9+$0x60] =	vst v4;
	v4 =	vmul.f32 $2.771281240e+01, v7  }
0x310: {  	v7 =	vmul.f32 $2.771281240e+01, v8;
	[tilespmem:s9+$0x70] =	vst v3  }
0x311: {  	v8 =	vld [tilespmem:s10+$0x60];
	[tilespmem:s9+$0x10] =	vst v4;
	v4 =	vmul.f32 $2.771281240e+01, v9  }
0x312: {  	v6 =	vmul.f32 $2.771281240e+01, v6;
	v3 =	vld [tilespmem:s10+$0x50];
	[tilespmem:s9+$0x20] =	vst v7  }
0x313: {  	v7 =	vld [tilespmem:s10+$0x70];
	[tilespmem:s9+$0x30] =	vst v4  }
0x314: {  	v5 =	vmul.f32 $2.771281240e+01, v5;
	[tilespmem:s3+$0x12200] =	vst v6;
	v4 =	vld [tilespmem:s0+$0x12E00]  }
0x315: {  	v6 =	vld [tilespmem:s10+$0x10]  }
0x316: {  	[tilespmem:s10+$0x40] =	vst v5;
	v5 =	vmul.f32 $2.771281240e+01, v8  }
0x317: {  	v10 =	vld [tilespmem:s10+$0x30];
	v3 =	vmul.f32 $2.771281240e+01, v3  }
0x318: {  	s14 =	sadd.s32 $0x12E00, s0;
	v9 =	vld [tilespmem:s10+$0x20];
	v7 =	vmul.f32 $2.771281240e+01, v7;
	[tilespmem:s10+$0x60] =	vst v5  }
0x319: {  	v8 =	vld [tilespmem:s14+$0x40];
	[tilespmem:s10+$0x50] =	vst v3;
	v3 =	vmul.f32 $2.771281240e+01, v4  }
0x31a: {  	v6 =	vmul.f32 $2.771281240e+01, v6;
	[tilespmem:s10+$0x70] =	vst v7;
	v4 =	vld [tilespmem:s14+$0x50]  }
0x31b: {  	v5 =	vld [tilespmem:s14+$0x60];
	[tilespmem:s0+$0x12E00] =	vst v3  }
0x31c: {  	[tilespmem:s10+$0x10] =	vst v6;
	v6 =	vmul.f32 $2.771281240e+01, v10;
	v7 =	vld [tilespmem:s14+$0x70]  }
0x31d: {  	v3 =	vmul.f32 $2.771281240e+01, v9;
	v9 =	vld [tilespmem:s14+$0x10]  }
0x31e: {  	v8 =	vmul.f32 $2.771281240e+01, v8;
	[tilespmem:s10+$0x30] =	vst v6;
	v6 =	vld [tilespmem:s14+$0x30]  }
0x31f: {  	[tilespmem:s10+$0x20] =	vst v3;
	v3 =	vld [tilespmem:s14+$0x20];
	v4 =	vmul.f32 $2.771281240e+01, v4  }
0x320: {  	v5 =	vmul.f32 $2.771281240e+01, v5;
	[tilespmem:s14+$0x40] =	vst v8  }
0x321: {  	v10 =	vld [tilespmem:s3+$0x12600];
	[tilespmem:s14+$0x50] =	vst v4;
	v4 =	vmul.f32 $2.771281240e+01, v7  }
0x322: {  	[tilespmem:s14+$0x60] =	vst v5;
	v7 =	vmul.f32 $2.771281240e+01, v9  }
0x323: {  	s9 =	sadd.s32 $0x12600, s3;
	v6 =	vmul.f32 $2.771281240e+01, v6;
	[tilespmem:s14+$0x70] =	vst v4  }
0x324: {  	v5 =	vld [tilespmem:s9+$0x40];
	v3 =	vmul.f32 $2.771281240e+01, v3;
	[tilespmem:s14+$0x10] =	vst v7  }
0x325: {  	v4 =	vld [tilespmem:s9+$0x50];
	[tilespmem:s14+$0x30] =	vst v6  }
0x326: {  	v8 =	vld [tilespmem:s9+$0x60];
	v7 =	vmul.f32 $2.771281240e+01, v10;
	[tilespmem:s14+$0x20] =	vst v3  }
0x327: {  	v6 =	vld [tilespmem:s0+$0x13200]  }
0x328: {  	v3 =	vld [tilespmem:s9+$0x70];
	[tilespmem:s3+$0x12600] =	vst v7  }
0x329: {  	v5 =	vmul.f32 $2.771281240e+01, v5;
	v7 =	vld [tilespmem:s9+$0x10]  }
0x32a: {  	v9 =	vld [tilespmem:s9+$0x20];
	v4 =	vmul.f32 $2.771281240e+01, v4  }
0x32b: {  	s13 =	sadd.s32 $0x13200, s0;
	v10 =	vld [tilespmem:s9+$0x30];
	[tilespmem:s9+$0x40] =	vst v5;
	v5 =	vmul.f32 $2.771281240e+01, v8  }
0x32c: {  	v8 =	vld [tilespmem:s13+$0x40];
	[tilespmem:s9+$0x50] =	vst v4;
	v4 =	vmul.f32 $2.771281240e+01, v6  }
0x32d: {  	[tilespmem:s9+$0x60] =	vst v5;
	v5 =	vld [tilespmem:s13+$0x60];
	v3 =	vmul.f32 $2.771281240e+01, v3  }
0x32e: {  	v6 =	vld [tilespmem:s13+$0x50];
	v7 =	vmul.f32 $2.771281240e+01, v7;
	[tilespmem:s0+$0x13200] =	vst v4  }
0x32f: {  	[tilespmem:s9+$0x70] =	vst v3;
	v3 =	vmul.f32 $2.771281240e+01, v9;
	v4 =	vld [tilespmem:s13+$0x70]  }
0x330: {  	[tilespmem:s9+$0x10] =	vst v7;
	v7 =	vmul.f32 $2.771281240e+01, v10;
	v9 =	vld [tilespmem:s13+$0x10]  }
0x331: {  	v8 =	vmul.f32 $2.771281240e+01, v8;
	[tilespmem:s9+$0x20] =	vst v3;
	v3 =	vld [tilespmem:s13+$0x20]  }
0x332: {  	v5 =	vmul.f32 $2.771281240e+01, v5;
	[tilespmem:s9+$0x30] =	vst v7;
	v7 =	vld [tilespmem:s13+$0x30]  }
0x333: {  	[tilespmem:s13+$0x40] =	vst v8;
	v6 =	vmul.f32 $2.771281240e+01, v6;
	v8 =	vld [tilespmem:s3+$0x12A00]  }
0x334: {  	[tilespmem:s13+$0x60] =	vst v5;
	v4 =	vmul.f32 $2.771281240e+01, v4  }
0x335: {  	[tilespmem:s13+$0x50] =	vst v6;
	v6 =	vmul.f32 $2.771281240e+01, v9  }
0x336: {  	s14 =	sadd.s32 $0x12A00, s3;
	v3 =	vmul.f32 $2.771281240e+01, v3;
	[tilespmem:s13+$0x70] =	vst v4  }
0x337: {  	v4 =	vld [tilespmem:s14+$0x40];
	[tilespmem:s13+$0x10] =	vst v6;
	v5 =	vmul.f32 $2.771281240e+01, v7  }
0x338: {  	v6 =	vld [tilespmem:s14+$0x50];
	[tilespmem:s13+$0x20] =	vst v3;
	v3 =	vmul.f32 $2.771281240e+01, v8  }
0x339: {  	v7 =	vld [tilespmem:s14+$0x60];
	[tilespmem:s13+$0x30] =	vst v5  }
0x33a: {  	v5 =	vld [tilespmem:s0+$0x13600];
	[tilespmem:s3+$0x12A00] =	vst v3  }
0x33b: {  	s9 =	simm.s32 $0x0;
	v3 =	vld [tilespmem:s14+$0x70]  }
0x33c: {  	s6 =	smul.u32 $0x6000, s9;
	v8 =	vld [tilespmem:s14+$0x10];
	v4 =	vmul.f32 $2.771281240e+01, v4  }
0x33d: {  	s13 =	simm.s32 $0x100;
	v9 =	vld [tilespmem:s14+$0x20];
	v6 =	vmul.f32 $2.771281240e+01, v6  }
0x33e: {  	s6 =	sshra.s32 s6, $0x2;
	s13 =	sand.u32 $0x380, s13;
	v10 =	vld [tilespmem:s14+$0x30];
	[tilespmem:s14+$0x40] =	vst v4;
	v4 =	vmul.f32 $2.771281240e+01, v7  }
0x33f: {  	s28 =	sor.u32 s13, s6;
	[tilespmem:s14+$0x50] =	vst v6;
	v5 =	vmul.f32 $2.771281240e+01, v5  }
0x340: {  	v7 =	vld [tilespmem:s28+$0x12200];
	[tilespmem:s14+$0x60] =	vst v4;
	v3 =	vmul.f32 $2.771281240e+01, v3  }
0x341: {  	s6 =	sadd.s32 $0x12200, s28;
	v6 =	vmul.f32 $2.771281240e+01, v8;
	[tilespmem:s0+$0x13600] =	vst v5  }
0x342: {  	s29 =	sadd.s32 $0x13600, s0;
	v4 =	vld [tilespmem:s6+$0x40];
	v5 =	vmul.f32 $2.771281240e+01, v9;
	[tilespmem:s14+$0x70] =	vst v3  }
0x343: {  	v3 =	vld [tilespmem:s29+$0x30];
	[tilespmem:s14+$0x10] =	vst v6;
	v6 =	vmul.f32 $2.771281240e+01, v10  }
0x344: {  	v8 =	vld [tilespmem:s6+$0x50];
	[tilespmem:s14+$0x20] =	vst v5  }
0x345: {  	v9 =	vld [tilespmem:s6+$0x60];
	v7 =	vmul.f32 $2.771281240e+01, v7;
	[tilespmem:s14+$0x30] =	vst v6  }
0x346: {  	v6 =	vld [tilespmem:s3+$0x12E00]  }
0x347: {  	v5 =	vld [tilespmem:s6+$0x70];
	[tilespmem:s28+$0x12200] =	vst v7;
	v4 =	vmul.f32 $2.771281240e+01, v4  }
0x348: {  	v7 =	vld [tilespmem:s6+$0x10];
	v3 =	vmul.f32 $2.771281240e+01, v3  }
0x349: {  	v10 =	vld [tilespmem:s6+$0x20];
	[tilespmem:s6+$0x40] =	vst v4;
	v4 =	vmul.f32 $2.771281240e+01, v8  }
0x34a: {  	s10 =	sadd.s32 $0x12E00, s3;
	v9 =	vmul.f32 $2.771281240e+01, v9;
	v8 =	vld [tilespmem:s6+$0x30];
	[tilespmem:s29+$0x30] =	vst v3  }
0x34b: {  	v3 =	vld [tilespmem:s10+$0x40];
	[tilespmem:s6+$0x50] =	vst v4;
	v4 =	vmul.f32 $2.771281240e+01, v6  }
0x34c: {  	v5 =	vmul.f32 $2.771281240e+01, v5;
	[tilespmem:s6+$0x60] =	vst v9;
	v6 =	vld [tilespmem:s10+$0x50]  }
0x34d: {  	v9 =	vld [tilespmem:s10+$0x60];
	v7 =	vmul.f32 $2.771281240e+01, v7;
	[tilespmem:s3+$0x12E00] =	vst v4  }
0x34e: {  	[tilespmem:s6+$0x70] =	vst v5;
	v4 =	vmul.f32 $2.771281240e+01, v10;
	v5 =	vld [tilespmem:s10+$0x70]  }
0x34f: {  	[tilespmem:s6+$0x10] =	vst v7;
	v7 =	vmul.f32 $2.771281240e+01, v8;
	v8 =	vld [tilespmem:s10+$0x10]  }
0x350: {  	[tilespmem:s6+$0x20] =	vst v4;
	v4 =	vld [tilespmem:s10+$0x20];
	v3 =	vmul.f32 $2.771281240e+01, v3  }
0x351: {  	[tilespmem:s6+$0x30] =	vst v7;
	v7 =	vld [tilespmem:s10+$0x30];
	v6 =	vmul.f32 $2.771281240e+01, v6  }
0x352: {  	[tilespmem:s10+$0x40] =	vst v3;
	v3 =	vmul.f32 $2.771281240e+01, v9  }
0x353: {  	v10 =	vld [tilespmem:s28+$0x12600];
	[tilespmem:s10+$0x50] =	vst v6;
	v5 =	vmul.f32 $2.771281240e+01, v5  }
0x354: {  	s13 =	sadd.s32 $0x12600, s28;
	v6 =	vld [tilespmem:s29+$0x10];
	v8 =	vmul.f32 $2.771281240e+01, v8;
	[tilespmem:s10+$0x60] =	vst v3  }
0x355: {  	v9 =	vld [tilespmem:s13+$0x40];
	v4 =	vmul.f32 $2.771281240e+01, v4;
	[tilespmem:s10+$0x70] =	vst v5  }
0x356: {  	v3 =	vld [tilespmem:s29+$0x20];
	[tilespmem:s10+$0x10] =	vst v8;
	v7 =	vmul.f32 $2.771281240e+01, v7  }
0x357: {  	v5 =	vld [tilespmem:s13+$0x50];
	[tilespmem:s10+$0x20] =	vst v4  }
0x358: {  	v8 =	vmul.f32 $2.771281240e+01, v10;
	v10 =	vld [tilespmem:s13+$0x60];
	[tilespmem:s10+$0x30] =	vst v7  }
0x359: {  	v6 =	vmul.f32 $2.771281240e+01, v6;
	v7 =	vld [tilespmem:s3+$0x13200]  }
0x35a: {  	v4 =	vld [tilespmem:s13+$0x70];
	v9 =	vmul.f32 $2.771281240e+01, v9;
	[tilespmem:s28+$0x12600] =	vst v8  }
0x35b: {  	v3 =	vmul.f32 $2.771281240e+01, v3;
	v8 =	vld [tilespmem:s13+$0x10];
	[tilespmem:s29+$0x10] =	vst v6  }
0x35c: {  	v6 =	vld [tilespmem:s13+$0x20];
	[tilespmem:s13+$0x40] =	vst v9;
	v5 =	vmul.f32 $2.771281240e+01, v5  }
0x35d: {  	s14 =	sadd.s32 $0x13200, s3;
	[tilespmem:s29+$0x20] =	vst v3;
	v3 =	vld [tilespmem:s13+$0x30];
	v9 =	vmul.f32 $2.771281240e+01, v10  }
0x35e: {  	v10 =	vld [tilespmem:s14+$0x40];
	[tilespmem:s13+$0x50] =	vst v5;
	v5 =	vmul.f32 $2.771281240e+01, v7  }
0x35f: {  	v4 =	vmul.f32 $2.771281240e+01, v4;
	v7 =	vld [tilespmem:s14+$0x50];
	[tilespmem:s13+$0x60] =	vst v9  }
0x360: {  	v9 =	vld [tilespmem:s14+$0x60];
	v8 =	vmul.f32 $2.771281240e+01, v8;
	[tilespmem:s3+$0x13200] =	vst v5  }
0x361: {  	[tilespmem:s13+$0x70] =	vst v4;
	v4 =	vmul.f32 $2.771281240e+01, v6;
	v5 =	vld [tilespmem:s14+$0x70]  }
0x362: {  	v3 =	vmul.f32 $2.771281240e+01, v3;
	[tilespmem:s13+$0x10] =	vst v8;
	v6 =	vld [tilespmem:s14+$0x10]  }
0x363: {  	[tilespmem:s13+$0x20] =	vst v4;
	v4 =	vld [tilespmem:s14+$0x20];
	v8 =	vmul.f32 $2.771281240e+01, v10  }
0x364: {  	[tilespmem:s13+$0x30] =	vst v3;
	v3 =	vld [tilespmem:s14+$0x30];
	v7 =	vmul.f32 $2.771281240e+01, v7  }
0x365: {  	[tilespmem:s14+$0x40] =	vst v8;
	v8 =	vmul.f32 $2.771281240e+01, v9;
	v9 =	vld [tilespmem:s28+$0x12A00]  }
0x366: {  	v10 =	vld [tilespmem:s29+$0x40];
	[tilespmem:s14+$0x50] =	vst v7;
	v5 =	vmul.f32 $2.771281240e+01, v5  }
0x367: {  	s9 =	sadd.s32 $0x12A00, s28;
	[tilespmem:s14+$0x60] =	vst v8;
	v7 =	vld [tilespmem:s29+$0x50];
	v6 =	vmul.f32 $2.771281240e+01, v6  }
0x368: {  	v8 =	vld [tilespmem:s9+$0x40];
	v4 =	vmul.f32 $2.771281240e+01, v4;
	[tilespmem:s14+$0x70] =	vst v5  }
0x369: {  	v3 =	vmul.f32 $2.771281240e+01, v3;
	v5 =	vld [tilespmem:s29+$0x60];
	[tilespmem:s14+$0x10] =	vst v6  }
0x36a: {  	v6 =	vld [tilespmem:s9+$0x50];
	[tilespmem:s14+$0x20] =	vst v4;
	v4 =	vmul.f32 $2.771281240e+01, v9  }
0x36b: {  	v9 =	vmul.f32 $2.771281240e+01, v10;
	v10 =	vld [tilespmem:s9+$0x60];
	[tilespmem:s14+$0x30] =	vst v3  }
0x36c: {  	s13 =	simm.s32 $0x0;
	v3 =	vld [tilespmem:s3+$0x13600];
	v7 =	vmul.f32 $2.771281240e+01, v7;
	[tilespmem:s28+$0x12A00] =	vst v4  }
0x36d: {  	s0 =	smul.u32 $0x6000, s13;
	[tilespmem:s29+$0x40] =	vst v9;
	v8 =	vmul.f32 $2.771281240e+01, v8;
	v4 =	vld [tilespmem:s9+$0x70]  }
0x36e: {  	s13 =	simm.s32 $0x180;
	v9 =	vld [tilespmem:s9+$0x10];
	[tilespmem:s29+$0x50] =	vst v7;
	v5 =	vmul.f32 $2.771281240e+01, v5  }
0x36f: {  	s0 =	sshra.s32 s0, $0x2;
	s14 =	sand.u32 $0x380, s13;
	v11 =	vld [tilespmem:s9+$0x30];
	[tilespmem:s9+$0x40] =	vst v8;
	v6 =	vmul.f32 $2.771281240e+01, v6  }
0x370: {  	s0 =	sor.u32 s14, s0;
	v7 =	vld [tilespmem:s9+$0x20];
	[tilespmem:s29+$0x60] =	vst v5;
	v5 =	vmul.f32 $2.771281240e+01, v10  }
0x371: {  	v10 =	vld [tilespmem:s0+$0x12200];
	[tilespmem:s9+$0x50] =	vst v6;
	v3 =	vmul.f32 $2.771281240e+01, v3  }
0x372: {  	v12 =	vld [tilespmem:s29+$0x70];
	s14 =	sadd.s32 $0x12200, s0;
	v4 =	vmul.f32 $2.771281240e+01, v4;
	[tilespmem:s9+$0x60] =	vst v5  }
0x373: {  	s10 =	sadd.s32 $0x13600, s3;
	v8 =	vmul.f32 $2.771281240e+01, v9;
	v5 =	vld [tilespmem:s14+$0x40];
	[tilespmem:s3+$0x13600] =	vst v3  }
0x374: {  	v11 =	vmul.f32 $2.771281240e+01, v11;
	[tilespmem:s9+$0x70] =	vst v4;
	v4 =	vld [tilespmem:s10+$0x30]  }
0x375: {  	v6 =	vld [tilespmem:s14+$0x50];
	v3 =	vmul.f32 $2.771281240e+01, v7;
	[tilespmem:s9+$0x10] =	vst v8  }
0x376: {  	v8 =	vld [tilespmem:s14+$0x60];
	[tilespmem:s9+$0x30] =	vst v11;
	v9 =	vmul.f32 $2.771281240e+01, v10  }
0x377: {  	v7 =	vld [tilespmem:s14+$0x70];
	s3 =	simm.s32 $0x4;
	[tilespmem:s9+$0x20] =	vst v3;
	v3 =	vmul.f32 $2.771281240e+01, v12  }
.LBB2_9:
0x378: {  	p0 =	sne.s32 s3, $0x1F;
	[tilespmem:s0+$0x12200] =	vst v9;
	v5 =	vmul.f32 $2.771281240e+01, v5;
	v9 =	vld [tilespmem:s28+$0x12E00]  }
0x379: {  	v10 =	vld [tilespmem:s14+$0x10];
	v4 =	vmul.f32 $2.771281240e+01, v4;
	[tilespmem:s29+$0x70] =	vst v3;
	s29 =	smov.u32 s10  }
0x37a: {  	v3 =	vld [tilespmem:s14+$0x20];
	[tilespmem:s14+$0x40] =	vst v5;
	v5 =	vmul.f32 $2.771281240e+01, v6  }
0x37b: {  	s6 =	sadd.s32 $0x12E00, s28;
	v6 =	vld [tilespmem:s14+$0x30];
	v8 =	vmul.f32 $2.771281240e+01, v8;
	[tilespmem:s29+$0x30] =	vst v4  }
0x37c: {  	[tilespmem:s14+$0x50] =	vst v5;
	v4 =	vmul.f32 $2.771281240e+01, v7;
	v5 =	vld [tilespmem:s6+$0x40]  }
0x37d: {  	[tilespmem:s14+$0x60] =	vst v8;
	v7 =	vmul.f32 $2.771281240e+01, v9;
	v8 =	vld [tilespmem:s6+$0x50]  }
0x37e: {  	v9 =	vmul.f32 $2.771281240e+01, v10;
	[tilespmem:s14+$0x70] =	vst v4;
	v4 =	vld [tilespmem:s6+$0x60]  }
0x37f: {  	v3 =	vmul.f32 $2.771281240e+01, v3;
	[tilespmem:s28+$0x12E00] =	vst v7;
	v7 =	vld [tilespmem:s6+$0x70]  }
0x380: {  	[tilespmem:s14+$0x10] =	vst v9;
	v6 =	vmul.f32 $2.771281240e+01, v6;
	v9 =	vld [tilespmem:s6+$0x10]  }
0x381: {  	[tilespmem:s14+$0x20] =	vst v3;
	v3 =	vld [tilespmem:s6+$0x20];
	v5 =	vmul.f32 $2.771281240e+01, v5  }
0x382: {  	[tilespmem:s14+$0x30] =	vst v6;
	v6 =	vld [tilespmem:s6+$0x30];
	v8 =	vmul.f32 $2.771281240e+01, v8  }
0x383: {  	v10 =	vld [tilespmem:s0+$0x12600];
	[tilespmem:s6+$0x40] =	vst v5;
	v4 =	vmul.f32 $2.771281240e+01, v4  }
0x384: {  	[tilespmem:s6+$0x50] =	vst v8;
	v5 =	vmul.f32 $2.771281240e+01, v7;
	v7 =	vld [tilespmem:s29+$0x10]  }
0x385: {  	s10 =	sadd.s32 $0x12600, s0;
	v8 =	vmul.f32 $2.771281240e+01, v9;
	[tilespmem:s6+$0x60] =	vst v4;
	v4 =	vld [tilespmem:s29+$0x20]  }
0x386: {  	v9 =	vld [tilespmem:s10+$0x40];
	v3 =	vmul.f32 $2.771281240e+01, v3;
	[tilespmem:s6+$0x70] =	vst v5  }
0x387: {  	v5 =	vld [tilespmem:s10+$0x50];
	[tilespmem:s6+$0x10] =	vst v8;
	v6 =	vmul.f32 $2.771281240e+01, v6  }
0x388: {  	v8 =	vmul.f32 $2.771281240e+01, v10;
	v10 =	vld [tilespmem:s10+$0x60];
	[tilespmem:s6+$0x20] =	vst v3  }
0x389: {  	v3 =	vld [tilespmem:s10+$0x70];
	[tilespmem:s6+$0x30] =	vst v6;
	v6 =	vmul.f32 $2.771281240e+01, v7  }
0x38a: {  	[tilespmem:s0+$0x12600] =	vst v8;
	v7 =	vld [tilespmem:s28+$0x13200];
	v4 =	vmul.f32 $2.771281240e+01, v4  }
0x38b: {  	v8 =	vld [tilespmem:s10+$0x10];
	v9 =	vmul.f32 $2.771281240e+01, v9;
	[tilespmem:s29+$0x10] =	vst v6  }
0x38c: {  	v6 =	vld [tilespmem:s10+$0x20];
	v5 =	vmul.f32 $2.771281240e+01, v5;
	[tilespmem:s29+$0x20] =	vst v4  }
0x38d: {  	s14 =	sadd.s32 $0x13200, s28;
	v4 =	vld [tilespmem:s10+$0x30];
	[tilespmem:s10+$0x40] =	vst v9;
	v9 =	vmul.f32 $2.771281240e+01, v10  }
0x38e: {  	[tilespmem:s10+$0x50] =	vst v5;
	v3 =	vmul.f32 $2.771281240e+01, v3;
	v5 =	vld [tilespmem:s14+$0x40]  }
0x38f: {  	[tilespmem:s10+$0x60] =	vst v9;
	v7 =	vmul.f32 $2.771281240e+01, v7;
	v9 =	vld [tilespmem:s14+$0x50]  }
0x390: {  	v8 =	vmul.f32 $2.771281240e+01, v8;
	[tilespmem:s10+$0x70] =	vst v3;
	v3 =	vld [tilespmem:s14+$0x60]  }
0x391: {  	v6 =	vmul.f32 $2.771281240e+01, v6;
	[tilespmem:s28+$0x13200] =	vst v7;
	v7 =	vld [tilespmem:s14+$0x70]  }
0x392: {  	[tilespmem:s10+$0x10] =	vst v8;
	v4 =	vmul.f32 $2.771281240e+01, v4;
	v8 =	vld [tilespmem:s14+$0x10]  }
0x393: {  	[tilespmem:s10+$0x20] =	vst v6;
	v6 =	vld [tilespmem:s14+$0x20];
	v5 =	vmul.f32 $2.771281240e+01, v5  }
0x394: {  	[tilespmem:s10+$0x30] =	vst v4;
	v4 =	vld [tilespmem:s14+$0x30];
	v9 =	vmul.f32 $2.771281240e+01, v9  }
0x395: {  	[tilespmem:s14+$0x40] =	vst v5;
	v3 =	vmul.f32 $2.771281240e+01, v3;
	v5 =	vld [tilespmem:s29+$0x40]  }
0x396: {  	v10 =	vld [tilespmem:s0+$0x12A00];
	[tilespmem:s14+$0x50] =	vst v9;
	v7 =	vmul.f32 $2.771281240e+01, v7  }
0x397: {  	v8 =	vmul.f32 $2.771281240e+01, v8;
	[tilespmem:s14+$0x60] =	vst v3;
	v3 =	vld [tilespmem:s29+$0x50]  }
0x398: {  	s6 =	sadd.s32 $0x12A00, s0;
	v6 =	vmul.f32 $2.771281240e+01, v6;
	[tilespmem:s14+$0x70] =	vst v7;
	v7 =	vld [tilespmem:s29+$0x60]  }
0x399: {  	v9 =	vld [tilespmem:s6+$0x40];
	[tilespmem:s14+$0x10] =	vst v8;
	v4 =	vmul.f32 $2.771281240e+01, v4  }
0x39a: {  	v8 =	vld [tilespmem:s6+$0x50];
	[tilespmem:s14+$0x20] =	vst v6;
	v5 =	vmul.f32 $2.771281240e+01, v5  }
0x39b: {  	v6 =	vmul.f32 $2.771281240e+01, v10;
	v10 =	vld [tilespmem:s6+$0x60];
	[tilespmem:s14+$0x30] =	vst v4  }
0x39c: {  	s10 =	sshrl.u32 s3, $0x3;
	v4 =	vld [tilespmem:s28+$0x13600];
	[tilespmem:s29+$0x40] =	vst v5;
	v3 =	vmul.f32 $2.771281240e+01, v3  }
0x39d: {  	s10 =	smul.u32 $0x6000, s10;
	[tilespmem:s0+$0x12A00] =	vst v6;
	v5 =	vld [tilespmem:s6+$0x70];
	v6 =	vmul.f32 $2.771281240e+01, v7  }
0x39e: {  	s13 =	sadd.s32 $0x80, s13;
	v7 =	vld [tilespmem:s6+$0x10];
	v9 =	vmul.f32 $2.771281240e+01, v9;
	[tilespmem:s29+$0x50] =	vst v3  }
0x39f: {  	s10 =	sshra.s32 s10, $0x2;
	s14 =	sand.u32 $0x380, s13;
	v3 =	vld [tilespmem:s6+$0x20];
	v8 =	vmul.f32 $2.771281240e+01, v8;
	[tilespmem:s29+$0x60] =	vst v6  }
0x3a0: {  	s9 =	sor.u32 s14, s10;
	v11 =	vld [tilespmem:s6+$0x30];
	[tilespmem:s6+$0x40] =	vst v9;
	v6 =	vmul.f32 $2.771281240e+01, v10  }
0x3a1: {  	v9 =	vld [tilespmem:s9+$0x12200];
	[tilespmem:s6+$0x50] =	vst v8;
	v4 =	vmul.f32 $2.771281240e+01, v4  }
0x3a2: {  	s14 =	sadd.s32 $0x12200, s9;
	[tilespmem:s6+$0x60] =	vst v6;
	v6 =	vmul.f32 $2.771281240e+01, v5;
	v10 =	vld [tilespmem:s29+$0x70]  }
.Ltmp3:
0x3a3: {  	s10 =	sadd.s32 $0x13600, s28;
	v5 =	vld [tilespmem:s14+$0x40];
	v7 =	vmul.f32 $2.771281240e+01, v7;
	[tilespmem:s28+$0x13600] =	vst v4;
	s28 =	smov.u32 s0;
	(pc) =	sbr.rel @p0 .LBB2_9-.Ltmp3, $4  }
0x3a4: {  	s0 =	smov.u32 s9;
	v3 =	vmul.f32 $2.771281240e+01, v3;
	[tilespmem:s6+$0x70] =	vst v6;
	v4 =	vld [tilespmem:s10+$0x30]  }
0x3a5: {  	v6 =	vld [tilespmem:s14+$0x50];
	[tilespmem:s6+$0x10] =	vst v7;
	v11 =	vmul.f32 $2.771281240e+01, v11  }
0x3a6: {  	v9 =	vmul.f32 $2.771281240e+01, v9;
	v8 =	vld [tilespmem:s14+$0x60];
	[tilespmem:s6+$0x20] =	vst v3  }
0x3a7: {  	s3 =	sadd.s32 $0x1, s3;
	v7 =	vld [tilespmem:s14+$0x70];
	[tilespmem:s6+$0x30] =	vst v11;
	v3 =	vmul.f32 $2.771281240e+01, v10  }
0x3a8: {  	[tilespmem:s0+$0x12200] =	vst v9  }
0x3a9: {  	v9 =	vld [tilespmem:s14+$0x10]  }
0x3aa: {  	v5 =	vmul.f32 $2.771281240e+01, v5;
	v10 =	vld [tilespmem:s14+$0x20]  }
0x3ab: {  	v24 =	vld [tilespmem:s14+$0x30];
	v23 =	vmul.f32 $2.771281240e+01, v6  }
0x3ac: {  	[tilespmem:s14+$0x40] =	vst v5;
	v8 =	vmul.f32 $2.771281240e+01, v8  }
0x3ad: {  	[tilespmem:s14+$0x50] =	vst v23;
	v25 =	vmul.f32 $2.771281240e+01, v7  }
0x3ae: {  	[tilespmem:s14+$0x60] =	vst v8;
	v26 =	vmul.f32 $2.771281240e+01, v9  }
0x3af: {  	[tilespmem:s14+$0x70] =	vst v25;
	v27 =	vmul.f32 $2.771281240e+01, v10  }
0x3b0: {  	v6 =	vmul.f32 $2.771281240e+01, v24;
	[tilespmem:s14+$0x10] =	vst v26  }
0x3b1: {  	[tilespmem:s14+$0x20] =	vst v27  }
0x3b2: {  	v12 =	vld [tilespmem:s28+$0x12E00];
	[tilespmem:s14+$0x30] =	vst v6  }
0x3b3: {  	s6 =	sadd.s32 $0x12E00, s28;
	v5 =	vld [tilespmem:s0+$0x12600]  }
0x3b4: {  	v33 =	vld [tilespmem:s6+$0x40]  }
0x3b5: {  	v36 =	vld [tilespmem:s6+$0x50]  }
0x3b6: {  	s3 =	sadd.s32 $0x12600, s0;
	v37 =	vld [tilespmem:s6+$0x60]  }
0x3b7: {  	v6 =	vld [tilespmem:s3+$0x40]  }
0x3b8: {  	v7 =	vld [tilespmem:s3+$0x50];
	v5 =	vmul.f32 $2.771281240e+01, v5  }
0x3b9: {  	v8 =	vld [tilespmem:s3+$0x60]  }
0x3ba: {  	v28 =	vld [tilespmem:s3+$0x70];
	[tilespmem:s0+$0x12600] =	vst v5  }
0x3bb: {  	v35 =	vmul.f32 $2.771281240e+01, v12;
	v5 =	vld [tilespmem:s3+$0x10]  }
0x3bc: {  	v6 =	vmul.f32 $2.771281240e+01, v6;
	v29 =	vld [tilespmem:s3+$0x20]  }
0x3bd: {  	[tilespmem:s28+$0x12E00] =	vst v35;
	v7 =	vmul.f32 $2.771281240e+01, v7;
	v11 =	vld [tilespmem:s3+$0x30]  }
0x3be: {  	v30 =	vmul.f32 $2.771281240e+01, v8;
	[tilespmem:s3+$0x40] =	vst v6  }
0x3bf: {  	v31 =	vmul.f32 $2.771281240e+01, v28;
	[tilespmem:s3+$0x50] =	vst v7  }
0x3c0: {  	[tilespmem:s3+$0x60] =	vst v30;
	v5 =	vmul.f32 $2.771281240e+01, v5  }
0x3c1: {  	[tilespmem:s3+$0x70] =	vst v31;
	v32 =	vmul.f32 $2.771281240e+01, v29  }
0x3c2: {  	v34 =	vmul.f32 $2.771281240e+01, v11;
	[tilespmem:s3+$0x10] =	vst v5  }
0x3c3: {  	[tilespmem:s3+$0x20] =	vst v32  }
0x3c4: {  	v38 =	vld [tilespmem:s6+$0x10];
	[tilespmem:s3+$0x30] =	vst v34  }
0x3c5: {  	v5 =	vld [tilespmem:s0+$0x12A00]  }
0x3c6: {  	v39 =	vld [tilespmem:s6+$0x20]  }
0x3c7: {  	v4 =	vmul.f32 $2.771281240e+01, v4;
	v51 =	vld [tilespmem:s6+$0x30]  }
0x3c8: {  	v40 =	vmul.f32 $2.771281240e+01, v36  }
0x3c9: {  	s13 =	sadd.s32 $0x12A00, s0;
	[tilespmem:s10+$0x30] =	vst v4;
	v44 =	vmul.f32 $2.771281240e+01, v38  }
0x3ca: {  	[tilespmem:s6+$0x50] =	vst v40;
	v41 =	vld [tilespmem:s13+$0x40];
	v5 =	vmul.f32 $2.771281240e+01, v5  }
0x3cb: {  	v46 =	vmul.f32 $2.771281240e+01, v39;
	[tilespmem:s6+$0x10] =	vst v44;
	v42 =	vld [tilespmem:s13+$0x50]  }
0x3cc: {  	v57 =	vmul.f32 $2.771281240e+01, v51;
	v43 =	vld [tilespmem:s13+$0x60];
	[tilespmem:s0+$0x12A00] =	vst v5  }
0x3cd: {  	[tilespmem:s6+$0x20] =	vst v46;
	v7 =	vmul.f32 $2.771281240e+01, v33;
	v45 =	vld [tilespmem:s13+$0x70]  }
0x3ce: {  	[tilespmem:s6+$0x30] =	vst v57;
	v6 =	vmul.f32 $2.771281240e+01, v37;
	v47 =	vld [tilespmem:s13+$0x10]  }
0x3cf: {  	[tilespmem:s6+$0x40] =	vst v7;
	v48 =	vmul.f32 $2.771281240e+01, v41;
	v49 =	vld [tilespmem:s13+$0x20]  }
0x3d0: {  	[tilespmem:s6+$0x60] =	vst v6;
	v7 =	vmul.f32 $2.771281240e+01, v42;
	v50 =	vld [tilespmem:s13+$0x30]  }
0x3d1: {  	v8 =	vld [tilespmem:s6+$0x70];
	v4 =	vmul.f32 $2.771281240e+01, v43;
	[tilespmem:s13+$0x40] =	vst v48  }
0x3d2: {  	[tilespmem:s13+$0x50] =	vst v7;
	v52 =	vmul.f32 $2.771281240e+01, v45  }
0x3d3: {  	[tilespmem:s13+$0x60] =	vst v4;
	v53 =	vmul.f32 $2.771281240e+01, v47  }
0x3d4: {  	v54 =	vmul.f32 $2.771281240e+01, v49;
	[tilespmem:s13+$0x70] =	vst v52  }
0x3d5: {  	v55 =	vmul.f32 $2.771281240e+01, v50;
	[tilespmem:s13+$0x10] =	vst v53  }
0x3d6: {  	v8 =	vmul.f32 $2.771281240e+01, v8;
	[tilespmem:s13+$0x20] =	vst v54  }
0x3d7: {  	[tilespmem:s13+$0x30] =	vst v55  }
0x3d8: {  	s14 =	sadd.s32 $0x13200, s28;
	[tilespmem:s6+$0x70] =	vst v8;
	v4 =	vld [tilespmem:s0+$0x12E00]  }
0x3d9: {  	v59 =	vld [tilespmem:s14+$0x40]  }
0x3da: {  	v60 =	vld [tilespmem:s14+$0x50]  }
0x3db: {  	v13 =	vld [tilespmem:s14+$0x60]  }
0x3dc: {  	s9 =	sadd.s32 $0x12E00, s0;
	v7 =	vld [tilespmem:s28+$0x13200]  }
0x3dd: {  	v61 =	vld [tilespmem:s9+$0x40];
	v4 =	vmul.f32 $2.771281240e+01, v4  }
0x3de: {  	v62 =	vld [tilespmem:s9+$0x50]  }
0x3df: {  	v63 =	vld [tilespmem:s9+$0x60];
	[tilespmem:s0+$0x12E00] =	vst v4  }
0x3e0: {  	v17 =	vld [tilespmem:s9+$0x70]  }
0x3e1: {  	v7 =	vmul.f32 $2.771281240e+01, v7;
	v14 =	vld [tilespmem:s9+$0x10]  }
0x3e2: {  	v10 =	vmul.f32 $2.771281240e+01, v61;
	v18 =	vld [tilespmem:s9+$0x20]  }
0x3e3: {  	[tilespmem:s28+$0x13200] =	vst v7;
	v11 =	vmul.f32 $2.771281240e+01, v62;
	v19 =	vld [tilespmem:s9+$0x30]  }
0x3e4: {  	v20 =	vmul.f32 $2.771281240e+01, v63;
	[tilespmem:s9+$0x40] =	vst v10  }
0x3e5: {  	[tilespmem:s9+$0x50] =	vst v11;
	v5 =	vmul.f32 $2.771281240e+01, v17  }
0x3e6: {  	[tilespmem:s9+$0x60] =	vst v20;
	v21 =	vmul.f32 $2.771281240e+01, v14  }
0x3e7: {  	v4 =	vmul.f32 $2.771281240e+01, v18;
	[tilespmem:s9+$0x70] =	vst v5  }
0x3e8: {  	v7 =	vmul.f32 $2.771281240e+01, v19;
	[tilespmem:s9+$0x10] =	vst v21  }
0x3e9: {  	[tilespmem:s9+$0x20] =	vst v4  }
0x3ea: {  	[tilespmem:s9+$0x30] =	vst v7  }
0x3eb: {  	v27 =	vld [tilespmem:s0+$0x13200]  }
0x3ec: {  	v23 =	vld [tilespmem:s14+$0x10]  }
0x3ed: {  	v8 =	vmul.f32 $2.771281240e+01, v59;
	v22 =	vld [tilespmem:s14+$0x70]  }
0x3ee: {  	[tilespmem:s29+$0x70] =	vst v3;
	v26 =	vmul.f32 $2.771281240e+01, v60;
	v24 =	vld [tilespmem:s14+$0x20]  }
0x3ef: {  	v28 =	vmul.f32 $2.771281240e+01, v13;
	s13 =	sadd.s32 $0x13200, s0;
	v25 =	vld [tilespmem:s14+$0x30];
	[tilespmem:s14+$0x40] =	vst v8  }
0x3f0: {  	[tilespmem:s14+$0x50] =	vst v26;
	v32 =	vld [tilespmem:s13+$0x40];
	v9 =	vmul.f32 $2.771281240e+01, v27  }
0x3f1: {  	[tilespmem:s14+$0x60] =	vst v28;
	v10 =	vmul.f32 $2.771281240e+01, v23;
	v33 =	vld [tilespmem:s13+$0x50]  }
0x3f2: {  	v5 =	vmul.f32 $2.771281240e+01, v22;
	v34 =	vld [tilespmem:s13+$0x60];
	[tilespmem:s0+$0x13200] =	vst v9  }
0x3f3: {  	[tilespmem:s14+$0x10] =	vst v10;
	v4 =	vmul.f32 $2.771281240e+01, v24;
	v36 =	vld [tilespmem:s13+$0x70]  }
0x3f4: {  	v7 =	vmul.f32 $2.771281240e+01, v25;
	[tilespmem:s14+$0x70] =	vst v5;
	v37 =	vld [tilespmem:s13+$0x10]  }
0x3f5: {  	[tilespmem:s14+$0x20] =	vst v4;
	v5 =	vmul.f32 $2.771281240e+01, v32;
	v38 =	vld [tilespmem:s13+$0x20]  }
0x3f6: {  	[tilespmem:s14+$0x30] =	vst v7;
	v10 =	vmul.f32 $2.771281240e+01, v33;
	v39 =	vld [tilespmem:s13+$0x30]  }
0x3f7: {  	v40 =	vld [tilespmem:s28+$0x13600];
	v4 =	vmul.f32 $2.771281240e+01, v34;
	[tilespmem:s13+$0x40] =	vst v5  }
0x3f8: {  	v58 =	vld [tilespmem:s10+$0x20];
	[tilespmem:s13+$0x50] =	vst v10;
	v7 =	vmul.f32 $2.771281240e+01, v36  }
0x3f9: {  	v56 =	vld [tilespmem:s10+$0x10];
	[tilespmem:s13+$0x60] =	vst v4;
	v9 =	vmul.f32 $2.771281240e+01, v37  }
0x3fa: {  	v30 =	vld [tilespmem:s10+$0x50];
	v41 =	vmul.f32 $2.771281240e+01, v38;
	[tilespmem:s13+$0x70] =	vst v7  }
0x3fb: {  	v29 =	vld [tilespmem:s10+$0x40];
	v42 =	vmul.f32 $2.771281240e+01, v39;
	[tilespmem:s13+$0x10] =	vst v9  }
0x3fc: {  	v31 =	vld [tilespmem:s10+$0x60];
	v5 =	vmul.f32 $2.771281240e+01, v40;
	[tilespmem:s13+$0x20] =	vst v41  }
0x3fd: {  	v6 =	vmul.f32 $2.771281240e+01, v58;
	v43 =	vld [tilespmem:s10+$0x70];
	[tilespmem:s13+$0x30] =	vst v42  }
0x3fe: {  	v16 =	vmul.f32 $2.771281240e+01, v56;
	s14 =	sadd.s32 $0x13600, s28;
	[tilespmem:s28+$0x13600] =	vst v5;
	v44 =	vld [tilespmem:s0+$0x13600]  }
0x3ff: {  	[tilespmem:s10+$0x20] =	vst v6;
	v6 =	vmul.f32 $2.771281240e+01, v30;
	v45 =	vld [tilespmem:s14+$0x30]  }
0x400: {  	[tilespmem:s10+$0x10] =	vst v16;
	v35 =	vmul.f32 $2.771281240e+01, v29;
	v46 =	vld [tilespmem:s14+$0x10]  }
0x401: {  	[tilespmem:s10+$0x50] =	vst v6;
	v8 =	vmul.f32 $2.771281240e+01, v31;
	v47 =	vld [tilespmem:s14+$0x20]  }
0x402: {  	[tilespmem:s10+$0x40] =	vst v35;
	v4 =	vmul.f32 $2.771281240e+01, v43;
	v48 =	vld [tilespmem:s14+$0x40]  }
0x403: {  	[tilespmem:s10+$0x60] =	vst v8;
	v3 =	vld [tilespmem:s14+$0x50];
	v5 =	vmul.f32 $2.771281240e+01, v44  }
0x404: {  	[tilespmem:s10+$0x70] =	vst v4;
	v49 =	vld [tilespmem:s14+$0x60];
	v6 =	vmul.f32 $2.771281240e+01, v45  }
0x405: {  	s28 =	sadd.s32 $0x13600, s0;
	v50 =	vld [tilespmem:s14+$0x70];
	v7 =	vmul.f32 $2.771281240e+01, v46;
	[tilespmem:s0+$0x13600] =	vst v5  }
0x406: {  	v51 =	vmul.f32 $2.771281240e+01, v47;
	[tilespmem:s14+$0x30] =	vst v6;
	v52 =	vld [tilespmem:s28+$0x30]  }
0x407: {  	v53 =	vmul.f32 $2.771281240e+01, v48;
	[tilespmem:s14+$0x10] =	vst v7;
	v54 =	vld [tilespmem:s28+$0x10]  }
0x408: {  	v3 =	vmul.f32 $2.771281240e+01, v3;
	[tilespmem:s14+$0x20] =	vst v51;
	v55 =	vld [tilespmem:s28+$0x20]  }
0x409: {  	v4 =	vmul.f32 $2.771281240e+01, v49;
	[tilespmem:s14+$0x40] =	vst v53;
	v57 =	vld [tilespmem:s28+$0x50]  }
0x40a: {  	[tilespmem:s14+$0x50] =	vst v3;
	v3 =	vmul.f32 $2.771281240e+01, v50;
	v56 =	vld [tilespmem:s28+$0x40]  }
0x40b: {  	[tilespmem:s14+$0x60] =	vst v4;
	v60 =	vld [tilespmem:s28+$0x70];
	v58 =	vmul.f32 $2.771281240e+01, v52  }
0x40c: {  	[tilespmem:s14+$0x70] =	vst v3;
	v59 =	vld [tilespmem:s28+$0x60];
	v3 =	vmul.f32 $2.771281240e+01, v54  }
0x40d: {  	v61 =	vmul.f32 $2.771281240e+01, v55;
	[tilespmem:s28+$0x30] =	vst v58  }
0x40e: {  	s25 =	sadd.s32 $0x1, s25;
	v62 =	vmul.f32 $2.771281240e+01, v57;
	[tilespmem:s28+$0x10] =	vst v3  }
0x40f: {  	s29 =	sor.u32 s5, s26;
	p0 =	sne.s32 s25, $0x4;
	v3 =	vmul.f32 $2.771281240e+01, v56;
	[tilespmem:s28+$0x20] =	vst v61  }
.Ltmp4:
0x410: {  	s0 =	sshrl.u32 s29, $0x3;
	v63 =	vmul.f32 $2.771281240e+01, v60;
	[tilespmem:s28+$0x50] =	vst v62;
	(pc) =	sbr.rel @p0 .LBB2_2-.Ltmp4, $4  }
0x411: {  	s0 =	smul.u32 $0x300, s0;
	[tilespmem:s28+$0x40] =	vst v3;
	v3 =	vmul.f32 $2.771281240e+01, v59  }
0x412: {  	[tilespmem:s28+$0x70] =	vst v63  }
0x413: {  	s0 =	sadd.s32 s2, s0;
	[tilespmem:s28+$0x60] =	vst v3  }
0x414: {  	[hbm4b:s0+s4] =	stream.linear.scatter [tilespmem:s31], [sflag:$0x8], $0x6000, $0x38;
	[tilespmem:$0x18200] =	vst v63  }
0x415: {  	s0 =	simm.s32 $0x7  }
0x416: {  	_ =	swait.ge [sflag:s0], $0x6000  }
0x417: {  	[sflag:s0] =	ssyncset.done $0x0  }
0x418: {  	s3 =	simm.s32 $0x8;
	[sflag:s0] =	ssyncadd.s32 $0xFFFFA000  }
0x419: {  	_ =	swait.ge [sflag:s3], $0x6000  }
0x41a: {  	s6 =	rddreg [dreg:$0x6]  }
0x41b: {  	s29 =	rddreg [dreg:$0x5];
	s6 =	sadd.s32 $0x1, s6  }
0x41c: {  	p0 =	sne.s32 s6, s29  }
.Ltmp5:
0x41d: {  	_ = 	snop;
	(pc) =	sbr.rel @p0 .LBB2_1-.Ltmp5, $3  }
0x41e: {  	_ =	sdelay $0x1  }
0x41f: {  	[sflag:s3] =	ssyncset.done $0x0  }
0x420: {  	[sflag:s3] =	ssyncadd.s32 $0xFFFFA000  }
0x421: {  	_ =	sfence.sel $0x180000  }
0x422: {  	[bflag:$0x0] =	sbarrier.arrive $0xFFFF  }
0x423: {  	_ =	strace $0x90000047  }
0x424: {  	s0 =	stileid.u32;
	[bflag:$0x2] =	sbarrier.arrive $0xFFFF  }
0x425: {  	p0 =	sne.s32 s0, $0x0;
	s0 =	rddreg [dreg:$0x3]  }
0x426: {  	s0 =	sadd.s32 @!p0 $0x100000, s0  }
0x427: {  	[sflag:s0] =	ssyncadd.tile.s32 @!p0 $0x1;
	_ =	shalt  }
.Lfunc_end2:
_tile_overlayer_lowered:
.L_overlay_start_2:
0x428: {  	(tag) =	ssettag $0x2  }
0x429: {  	s0 =	rddreg [dreg:$0x0];
	s2 =	stileid.u32  }
0x42a: {  	s1 =	rddreg [dreg:$0x1];
	p0 =	sne.s32 s2, $0x0  }
0x42b: {  	s3 =	rddreg [dreg:$0x2];
	[bflag:$0x3] =	sbarrier.arrive $0xFFFF;
	s2 =	simm.s32 @!p0 $0x1C09  }
0x42c: {  	[timem:s3], [sflag:s2] =	dma.local @!p0 [hbm:s0], s1  }
0x42d: {  	s0 =	simm.s32 @!p0 $0x9  }
0x42e: {  	_ =	swait.ge @!p0 [sflag:s0], s1  }
0x42f: {  	s1 =	ssub.s32 @!p0 $0x0, s1;
	[sflag:s0] =	ssyncset.done @!p0 $0x0  }
0x430: {  	[sflag:s0] =	ssyncadd.s32 @!p0 s1  }
0x431: {  	[bflag:$0x3] =	sbarrier.arrive $0xFFFF  }
0x432: {  	_ =	shalt  }

</sc_bundles>
